<compile_context>
chip_gen: v7x
topology: tpu7x:2x2x1
jax: 0.10.2.dev20260603
libtpu: 0.0.44.dev20260713+nightly
codegen_flags: <defaults>
</compile_context>

<pallas_src>
import functools

import jax
import jax.numpy as jnp
from jax import lax
from jax.experimental import pallas as pl
from jax.experimental.pallas import tpu as pltpu
from jax.experimental.pallas import tpu_sc as plsc

N_ROWS = 163842
D = 256
B = (N_ROWS + 6) // 4
NC, NS = 2, 16
NW = NC * NS
RG = 16
SL = 7 * RG
NSTR = 80
RPW = NSTR * RG
B_MAIN = NW * RPW
SCALE = 1.0 / 7.0
L = 16
NBUF = 3


def _pack_indices(neigh_orders):
    idx = neigh_orders[: B_MAIN * 7].astype(jnp.int32)
    tail = neigh_orders[B_MAIN * 7 : B * 7]
    tail = jnp.concatenate([tail, tail[:2]]).astype(jnp.int32)
    return idx, tail


@functools.partial(
    pl.kernel,
    out_type=jax.ShapeDtypeStruct((B, D), jnp.float32),
    mesh=plsc.VectorSubcoreMesh(core_axis_name="c", subcore_axis_name="s"),
    scratch_types=[
        pltpu.VMEM((NSTR * SL,), jnp.int32),
        pltpu.VMEM((16,), jnp.int32),
        pltpu.VMEM((NBUF * SL, D), jnp.float32),
        pltpu.VMEM((2 * RG, D), jnp.float32),
        pltpu.VMEM((16, D), jnp.float32),
        pltpu.SemaphoreType.DMA((NBUF,)),
        pltpu.SemaphoreType.DMA((2,)),
        pltpu.SemaphoreType.DMA,
    ],
)
def _pool_kernel(x_hbm, idx_hbm, tail_hbm, out_hbm, idx_v, tail_v, gbuf, obuf,
                 tbuf, sem, osem, tsem):
    wid = lax.axis_index("s") * NC + lax.axis_index("c")
    base = wid * RPW

    def fire(s, slot):
        return pltpu.async_copy(
            x_hbm.at[idx_v.at[pl.ds(s * SL, SL)]],
            gbuf.at[pl.ds(slot * SL, SL)], sem.at[slot]
        )

    def wait(s, slot):
        pltpu.make_async_copy(
            x_hbm.at[idx_v.at[pl.ds(s * SL, SL)]],
            gbuf.at[pl.ds(slot * SL, SL)], sem.at[slot]
        ).wait()

    def owait(oslot):
        pltpu.make_async_copy(
            obuf.at[pl.ds(0, RG)], out_hbm.at[pl.ds(base, RG)], osem.at[oslot]
        ).wait()

    @pl.when(wid == 0)
    def _tail_fire():
        pltpu.sync_copy(tail_hbm, tail_v)
        pltpu.async_copy(x_hbm.at[tail_v], tbuf, tsem)

    PRE = 8 * SL
    ib = wid * (NSTR * SL)
    pltpu.sync_copy(idx_hbm.at[pl.ds(ib, PRE)], idx_v.at[pl.ds(0, PRE)])
    for i in range(NBUF - 1):
        fire(i, i)
    pltpu.sync_copy(
        idx_hbm.at[pl.ds(ib + PRE, NSTR * SL - PRE)],
        idx_v.at[pl.ds(PRE, NSTR * SL - PRE)],
    )

    def step(s, carry):
        slot = lax.rem(s, NBUF)
        wait(s, slot)

        @pl.when(s < NSTR - (NBUF - 1))
        def _prefetch():
            fire(s + NBUF - 1, lax.rem(s + NBUF - 1, NBUF))

        o0s = lax.rem(s, 2)

        @pl.when(s >= 2)
        def _drain_store():
            owait(o0s)

        g0 = slot * SL
        o0 = o0s * RG

        @plsc.parallel_loop(0, RG, unroll=2)
        def _reduce(r):
            rb = g0 + 7 * r
            for l in range(D // L):
                sl = pl.ds(l * L, L)
                acc = gbuf[rb, sl]
                for j in range(1, 7):
                    acc = acc + gbuf[rb + j, sl]
                obuf[o0 + r, sl] = acc * jnp.float32(SCALE)

        pltpu.async_copy(
            obuf.at[pl.ds(o0, RG)],
            out_hbm.at[pl.ds(base + s * RG, RG)],
            osem.at[o0s],
        )
        return carry

    lax.fori_loop(0, NSTR, step, 0, unroll=False)
    owait(0)
    owait(1)

    @pl.when(wid == 0)
    def _tail():
        pltpu.make_async_copy(x_hbm.at[tail_v], tbuf, tsem).wait()
        for r in range(2):
            for l in range(D // L):
                sl = pl.ds(l * L, L)
                acc = tbuf[7 * r, sl]
                for j in range(1, 7):
                    acc = acc + tbuf[7 * r + j, sl]
                obuf[r, sl] = acc * jnp.float32(SCALE)
        pltpu.sync_copy(obuf.at[pl.ds(0, 2)], out_hbm.at[pl.ds(B_MAIN, 2)])


def kernel(x, neigh_orders):
    idx, tail = _pack_indices(neigh_orders)
    return _pool_kernel(x, idx, tail)

# --- scband reference (transcript-rebuilt; emitter-appended) ---
"""Pipeline reference for scband-pool-layer-17557826306184 (READ-ONLY COPY).

The authoritative reference and input builder live on the scoring server;
editing this copy changes nothing except your own understanding.
"""

import jax, jax.numpy as jnp
import numpy as np

N_NODES = 163842  # icosphere level 7: 10*4^7 + 2
D_FEAT = 256


def setup_inputs(seed: int = 0) -> dict:
    key = jax.random.key(seed)
    k1, k2 = jax.random.split(key)
    x = jax.random.normal(k1, (N_NODES, D_FEAT), dtype=jnp.float32)
    number_nodes = (N_NODES + 6) // 4  # 40962 pooled nodes
    neigh_orders = jax.random.randint(k2, (number_nodes * 7,), 0, N_NODES, dtype=jnp.int32)
    return {"x": x, "neigh_orders": neigh_orders}


def reference(x, neigh_orders):
    # Faithful translation of pool_layer.forward with pool_type='mean'
    number_nodes = (x.shape[0] + 6) // 4
    features_num = x.shape[1]
    gathered = jnp.take(x, neigh_orders[: number_nodes * 7], axis=0)
    gathered = gathered.reshape(number_nodes, 7, features_num)
    out = jnp.mean(gathered, axis=1)
    return out

if __name__ == "__main__":
    import jax
    _d = setup_inputs()
    print(jax.jit(kernel)(*tuple(_d.values())))

</pallas_src>

<mosaic_0001>
#map = affine_map<(d0, d1) -> (0, 0)>
#map1 = affine_map<(d0, d1) -> (0)>
module attributes {stable_mosaic.version = 14 : i64} {
  func.func @_pool_kernel(%arg0: i32, %arg1: i32, %arg2: memref<163842x256xf32, #tpu.memory_space<hbm>>, %arg3: memref<286720xi32, #tpu.memory_space<hbm>>, %arg4: memref<16xi32, #tpu.memory_space<hbm>>, %arg5: memref<40962x256xf32, #tpu.memory_space<hbm>>, %arg6: memref<8960xi32, #tpu.memory_space<vmem>>, %arg7: memref<16xi32, #tpu.memory_space<vmem>>, %arg8: memref<336x256xf32, #tpu.memory_space<vmem>>, %arg9: memref<32x256xf32, #tpu.memory_space<vmem>>, %arg10: memref<16x256xf32, #tpu.memory_space<vmem>>, %arg11: memref<3x!tpu.dma_semaphore, #tpu.memory_space<semaphore_mem>>, %arg12: memref<2x!tpu.dma_semaphore, #tpu.memory_space<semaphore_mem>>, %arg13: memref<!tpu.dma_semaphore, #tpu.memory_space<semaphore_mem>>) attributes {dimension_semantics = [#tpu.dimension_semantics<core_parallel>, #tpu.dimension_semantics<subcore_parallel>], iteration_bounds = array<i64: 2, 16>, scalar_prefetch = 0 : i64, scratch_operands = 8 : i64, tpu.core_type = #tpu.core_type<sc_vector_subcore>, window_params = [{transform_indices = #map}, {transform_indices = #map1}, {transform_indices = #map1}, {transform_indices = #map}]} {
    %mul3A = arith.constant 2 : i32
    %mul3A_0 = arith.muli %arg1, %mul3A : i32
    %add3A = arith.addi %mul3A_0, %arg0 : i32
    %mul3A_1 = arith.constant 1280 : i32
    %mul3A_2 = arith.muli %add3A, %mul3A_1 : i32
    %eq3A = arith.constant 0 : i32
    %eq3A_3 = arith.cmpi eq, %add3A, %eq3A : i32
    %convert_element_type3A = arith.extui %eq3A_3 : i1 to i32
    %cond3A = arith.constant 0 : i32
    %cond3A_4 = arith.cmpi ne, %convert_element_type3A, %cond3A : i32
    scf.if %cond3A_4 {
      "tpu.region"() ({
        %run_scoped3A = tpu.sem_alloc : memref<!tpu.dma_semaphore, #tpu.memory_space<semaphore_mem>>
        tpu.enqueue_dma source(%arg4 : memref<16xi32, #tpu.memory_space<hbm>>) target(%arg7 : memref<16xi32, #tpu.memory_space<vmem>>) target_semaphore(%run_scoped3A : memref<!tpu.dma_semaphore, #tpu.memory_space<semaphore_mem>>)
        tpu.wait_dma2 semaphore(%run_scoped3A : memref<!tpu.dma_semaphore, #tpu.memory_space<semaphore_mem>>) src(%arg4 : memref<16xi32, #tpu.memory_space<hbm>>) dst(%arg7 : memref<16xi32, #tpu.memory_space<vmem>>)
        tpu.yield
      }) : () -> ()
      %dma_start3A_65 = arith.constant 0 : i32
      %dma_start3A_66 = arith.constant 0 : i32
      %dma_start3A_67 = tpu.memref_slice %arg2[%dma_start3A_65, %dma_start3A_66] : memref<163842x256xf32, #tpu.memory_space<hbm>> -> memref<163842x256xf32, #tpu.memory_space<hbm>>
      tpu.enqueue_indirect_dma source(%dma_start3A_67 : memref<163842x256xf32, #tpu.memory_space<hbm>>) target(%arg10 : memref<16x256xf32, #tpu.memory_space<vmem>>) offsets(%arg7 : memref<16xi32, #tpu.memory_space<vmem>>) semaphore(%arg13 : memref<!tpu.dma_semaphore, #tpu.memory_space<semaphore_mem>>)
    } else {
    }
    %mul3A_5 = arith.constant 8960 : i32
    %mul3A_6 = arith.muli %add3A, %mul3A_5 : i32
    "tpu.region"() ({
      %run_scoped3A = tpu.sem_alloc : memref<!tpu.dma_semaphore, #tpu.memory_space<semaphore_mem>>
      %dma_start3A_65 = arith.constant 0 : i32
      %dma_start3A_66 = tpu.memref_slice %arg6[%dma_start3A_65] : memref<8960xi32, #tpu.memory_space<vmem>> -> memref<896xi32, #tpu.memory_space<vmem>>
      %dma_start3A_67 = tpu.memref_slice %arg3[%mul3A_6] : memref<286720xi32, #tpu.memory_space<hbm>> -> memref<896xi32, #tpu.memory_space<hbm>>
      %dma_start3A_68 = arith.constant 0 : i32
      %dma_start3A_69 = tpu.memref_slice %arg6[%dma_start3A_68] : memref<8960xi32, #tpu.memory_space<vmem>> -> memref<896xi32, #tpu.memory_space<vmem>>
      %dma_start3A_70 = tpu.memref_slice %arg3[%mul3A_6] : memref<286720xi32, #tpu.memory_space<hbm>> -> memref<896xi32, #tpu.memory_space<hbm>>
      tpu.enqueue_dma source(%dma_start3A_70 : memref<896xi32, #tpu.memory_space<hbm>>) target(%dma_start3A_69 : memref<896xi32, #tpu.memory_space<vmem>>) target_semaphore(%run_scoped3A : memref<!tpu.dma_semaphore, #tpu.memory_space<semaphore_mem>>)
      %dma_wait3A_71 = arith.constant 0 : i32
      %dma_wait3A_72 = tpu.memref_slice %arg6[%dma_wait3A_71] : memref<8960xi32, #tpu.memory_space<vmem>> -> memref<896xi32, #tpu.memory_space<vmem>>
      %dma_wait3A_73 = tpu.memref_slice %arg3[%mul3A_6] : memref<286720xi32, #tpu.memory_space<hbm>> -> memref<896xi32, #tpu.memory_space<hbm>>
      %dma_wait3A_74 = arith.constant 0 : i32
      %dma_wait3A_75 = tpu.memref_slice %arg6[%dma_wait3A_74] : memref<8960xi32, #tpu.memory_space<vmem>> -> memref<896xi32, #tpu.memory_space<vmem>>
      %dma_wait3A_76 = tpu.memref_slice %arg3[%mul3A_6] : memref<286720xi32, #tpu.memory_space<hbm>> -> memref<896xi32, #tpu.memory_space<hbm>>
      tpu.wait_dma2 semaphore(%run_scoped3A : memref<!tpu.dma_semaphore, #tpu.memory_space<semaphore_mem>>) src(%dma_wait3A_76 : memref<896xi32, #tpu.memory_space<hbm>>) dst(%dma_wait3A_75 : memref<896xi32, #tpu.memory_space<vmem>>)
      tpu.yield
    }) : () -> ()
    %dma_start3A = arith.constant 0 : i32
    %dma_start3A_7 = arith.constant 0 : i32
    %dma_start3A_8 = arith.constant 0 : i32
    %dma_start3A_9 = tpu.memref_slice %arg8[%dma_start3A_7, %dma_start3A_8] : memref<336x256xf32, #tpu.memory_space<vmem>> -> memref<112x256xf32, #tpu.memory_space<vmem>>
    %dma_start3A_10 = arith.constant 0 : i32
    %dma_start3A_11 = tpu.memref_slice %arg6[%dma_start3A_10] : memref<8960xi32, #tpu.memory_space<vmem>> -> memref<112xi32, #tpu.memory_space<vmem>>
    %dma_start3A_12 = arith.constant 0 : i32
    %dma_start3A_13 = arith.constant 0 : i32
    %dma_start3A_14 = tpu.memref_slice %arg2[%dma_start3A_12, %dma_start3A_13] : memref<163842x256xf32, #tpu.memory_space<hbm>> -> memref<163842x256xf32, #tpu.memory_space<hbm>>
    %dma_start3A_15 = tpu.memref_slice %arg11[%dma_start3A] : memref<3x!tpu.dma_semaphore, #tpu.memory_space<semaphore_mem>> -> memref<1x!tpu.dma_semaphore, #tpu.memory_space<semaphore_mem>>
    %dma_start3A_16 = tpu.memref_squeeze %dma_start3A_15 : memref<1x!tpu.dma_semaphore, #tpu.memory_space<semaphore_mem>> -> memref<!tpu.dma_semaphore, #tpu.memory_space<semaphore_mem>>
    tpu.enqueue_indirect_dma source(%dma_start3A_14 : memref<163842x256xf32, #tpu.memory_space<hbm>>) target(%dma_start3A_9 : memref<112x256xf32, #tpu.memory_space<vmem>>) offsets(%dma_start3A_11 : memref<112xi32, #tpu.memory_space<vmem>>) semaphore(%dma_start3A_16 : memref<!tpu.dma_semaphore, #tpu.memory_space<semaphore_mem>>)
    %dma_start3A_17 = arith.constant 1 : i32
    %dma_start3A_18 = arith.constant 112 : i32
    %dma_start3A_19 = arith.constant 0 : i32
    %dma_start3A_20 = tpu.memref_slice %arg8[%dma_start3A_18, %dma_start3A_19] : memref<336x256xf32, #tpu.memory_space<vmem>> -> memref<112x256xf32, #tpu.memory_space<vmem>>
    %dma_start3A_21 = arith.constant 112 : i32
    %dma_start3A_22 = tpu.memref_slice %arg6[%dma_start3A_21] : memref<8960xi32, #tpu.memory_space<vmem>> -> memref<112xi32, #tpu.memory_space<vmem>>
    %dma_start3A_23 = arith.constant 0 : i32
    %dma_start3A_24 = arith.constant 0 : i32
    %dma_start3A_25 = tpu.memref_slice %arg2[%dma_start3A_23, %dma_start3A_24] : memref<163842x256xf32, #tpu.memory_space<hbm>> -> memref<163842x256xf32, #tpu.memory_space<hbm>>
    %dma_start3A_26 = tpu.memref_slice %arg11[%dma_start3A_17] : memref<3x!tpu.dma_semaphore, #tpu.memory_space<semaphore_mem>> -> memref<1x!tpu.dma_semaphore, #tpu.memory_space<semaphore_mem>>
    %dma_start3A_27 = tpu.memref_squeeze %dma_start3A_26 : memref<1x!tpu.dma_semaphore, #tpu.memory_space<semaphore_mem>> -> memref<!tpu.dma_semaphore, #tpu.memory_space<semaphore_mem>>
    tpu.enqueue_indirect_dma source(%dma_start3A_25 : memref<163842x256xf32, #tpu.memory_space<hbm>>) target(%dma_start3A_20 : memref<112x256xf32, #tpu.memory_space<vmem>>) offsets(%dma_start3A_22 : memref<112xi32, #tpu.memory_space<vmem>>) semaphore(%dma_start3A_27 : memref<!tpu.dma_semaphore, #tpu.memory_space<semaphore_mem>>)
    %add3A_28 = arith.constant 896 : i32
    %add3A_29 = arith.addi %mul3A_6, %add3A_28 : i32
    "tpu.region"() ({
      %run_scoped3A = tpu.sem_alloc : memref<!tpu.dma_semaphore, #tpu.memory_space<semaphore_mem>>
      %dma_start3A_65 = arith.constant 896 : i32
      %dma_start3A_66 = tpu.memref_slice %arg6[%dma_start3A_65] : memref<8960xi32, #tpu.memory_space<vmem>> -> memref<8064xi32, #tpu.memory_space<vmem>>
      %dma_start3A_67 = tpu.memref_slice %arg3[%add3A_29] : memref<286720xi32, #tpu.memory_space<hbm>> -> memref<8064xi32, #tpu.memory_space<hbm>>
      %dma_start3A_68 = arith.constant 896 : i32
      %dma_start3A_69 = tpu.memref_slice %arg6[%dma_start3A_68] : memref<8960xi32, #tpu.memory_space<vmem>> -> memref<8064xi32, #tpu.memory_space<vmem>>
      %dma_start3A_70 = tpu.memref_slice %arg3[%add3A_29] : memref<286720xi32, #tpu.memory_space<hbm>> -> memref<8064xi32, #tpu.memory_space<hbm>>
      tpu.enqueue_dma source(%dma_start3A_70 : memref<8064xi32, #tpu.memory_space<hbm>>) target(%dma_start3A_69 : memref<8064xi32, #tpu.memory_space<vmem>>) target_semaphore(%run_scoped3A : memref<!tpu.dma_semaphore, #tpu.memory_space<semaphore_mem>>)
      %dma_wait3A_71 = arith.constant 896 : i32
      %dma_wait3A_72 = tpu.memref_slice %arg6[%dma_wait3A_71] : memref<8960xi32, #tpu.memory_space<vmem>> -> memref<8064xi32, #tpu.memory_space<vmem>>
      %dma_wait3A_73 = tpu.memref_slice %arg3[%add3A_29] : memref<286720xi32, #tpu.memory_space<hbm>> -> memref<8064xi32, #tpu.memory_space<hbm>>
      %dma_wait3A_74 = arith.constant 896 : i32
      %dma_wait3A_75 = tpu.memref_slice %arg6[%dma_wait3A_74] : memref<8960xi32, #tpu.memory_space<vmem>> -> memref<8064xi32, #tpu.memory_space<vmem>>
      %dma_wait3A_76 = tpu.memref_slice %arg3[%add3A_29] : memref<286720xi32, #tpu.memory_space<hbm>> -> memref<8064xi32, #tpu.memory_space<hbm>>
      tpu.wait_dma2 semaphore(%run_scoped3A : memref<!tpu.dma_semaphore, #tpu.memory_space<semaphore_mem>>) src(%dma_wait3A_76 : memref<8064xi32, #tpu.memory_space<hbm>>) dst(%dma_wait3A_75 : memref<8064xi32, #tpu.memory_space<vmem>>)
      tpu.yield
    }) : () -> ()
    %scan3A = arith.constant 0 : i32
    %scan3A_30 = arith.constant 0 : i32
    %scan3A_31 = arith.constant 80 : i32
    %scan3A_32 = arith.addi %scan3A_30, %scan3A_31 : i32
    %scan3A_33 = arith.constant 1 : i32
    scf.for %scan3A_65 = %scan3A_30 to %scan3A_32 step %scan3A_33  : i32 {
      %rem3A = arith.constant 3 : i32
      %rem3A_66 = arith.remsi %scan3A_65, %rem3A : i32
      %mul3A_67 = arith.constant 112 : i32
      %mul3A_68 = arith.muli %scan3A_65, %mul3A_67 : i32
      %mul3A_69 = arith.constant 112 : i32
      %mul3A_70 = arith.muli %rem3A_66, %mul3A_69 : i32
      %dma_wait3A_71 = arith.constant 0 : i32
      %dma_wait3A_72 = tpu.memref_slice %arg8[%mul3A_70, %dma_wait3A_71] : memref<336x256xf32, #tpu.memory_space<vmem>> -> memref<112x256xf32, #tpu.memory_space<vmem>>
      %dma_wait3A_73 = tpu.memref_slice %arg6[%mul3A_68] : memref<8960xi32, #tpu.memory_space<vmem>> -> memref<112xi32, #tpu.memory_space<vmem>>
      %dma_wait3A_74 = arith.constant 0 : i32
      %dma_wait3A_75 = arith.constant 0 : i32
      %dma_wait3A_76 = tpu.memref_slice %arg2[%dma_wait3A_74, %dma_wait3A_75] : memref<163842x256xf32, #tpu.memory_space<hbm>> -> memref<163842x256xf32, #tpu.memory_space<hbm>>
      %dma_wait3A_77 = tpu.memref_slice %arg11[%rem3A_66] : memref<3x!tpu.dma_semaphore, #tpu.memory_space<semaphore_mem>> -> memref<1x!tpu.dma_semaphore, #tpu.memory_space<semaphore_mem>>
      %dma_wait3A_78 = tpu.memref_squeeze %dma_wait3A_77 : memref<1x!tpu.dma_semaphore, #tpu.memory_space<semaphore_mem>> -> memref<!tpu.dma_semaphore, #tpu.memory_space<semaphore_mem>>
      tpu.wait_indirect_dma semaphore(%dma_wait3A_78 : memref<!tpu.dma_semaphore, #tpu.memory_space<semaphore_mem>>) src(%dma_wait3A_76 : memref<163842x256xf32, #tpu.memory_space<hbm>>) dst(%dma_wait3A_72 : memref<112x256xf32, #tpu.memory_space<vmem>>)
      %lt3A = arith.constant 78 : i32
      %lt3A_79 = arith.cmpi slt, %scan3A_65, %lt3A : i32
      %convert_element_type3A_80 = arith.extui %lt3A_79 : i1 to i32
      %cond3A_81 = arith.constant 0 : i32
      %cond3A_82 = arith.cmpi ne, %convert_element_type3A_80, %cond3A_81 : i32
      scf.if %cond3A_82 {
        %add3A_108 = arith.constant 3 : i32
        %add3A_109 = arith.addi %scan3A_65, %add3A_108 : i32
        %sub3A = arith.constant 1 : i32
        %sub3A_110 = arith.subi %add3A_109, %sub3A : i32
        %add3A_111 = arith.constant 3 : i32
        %add3A_112 = arith.addi %scan3A_65, %add3A_111 : i32
        %sub3A_113 = arith.constant 1 : i32
        %sub3A_114 = arith.subi %add3A_112, %sub3A_113 : i32
        %rem3A_115 = arith.constant 3 : i32
        %rem3A_116 = arith.remsi %sub3A_114, %rem3A_115 : i32
        %mul3A_117 = arith.constant 112 : i32
        %mul3A_118 = arith.muli %sub3A_110, %mul3A_117 : i32
        %mul3A_119 = arith.constant 112 : i32
        %mul3A_120 = arith.muli %rem3A_116, %mul3A_119 : i32
        %dma_start3A_121 = arith.constant 0 : i32
        %dma_start3A_122 = tpu.memref_slice %arg8[%mul3A_120, %dma_start3A_121] : memref<336x256xf32, #tpu.memory_space<vmem>> -> memref<112x256xf32, #tpu.memory_space<vmem>>
        %dma_start3A_123 = tpu.memref_slice %arg6[%mul3A_118] : memref<8960xi32, #tpu.memory_space<vmem>> -> memref<112xi32, #tpu.memory_space<vmem>>
        %dma_start3A_124 = arith.constant 0 : i32
        %dma_start3A_125 = arith.constant 0 : i32
        %dma_start3A_126 = tpu.memref_slice %arg2[%dma_start3A_124, %dma_start3A_125] : memref<163842x256xf32, #tpu.memory_space<hbm>> -> memref<163842x256xf32, #tpu.memory_space<hbm>>
        %dma_start3A_127 = tpu.memref_slice %arg11[%rem3A_116] : memref<3x!tpu.dma_semaphore, #tpu.memory_space<semaphore_mem>> -> memref<1x!tpu.dma_semaphore, #tpu.memory_space<semaphore_mem>>
        %dma_start3A_128 = tpu.memref_squeeze %dma_start3A_127 : memref<1x!tpu.dma_semaphore, #tpu.memory_space<semaphore_mem>> -> memref<!tpu.dma_semaphore, #tpu.memory_space<semaphore_mem>>
        tpu.enqueue_indirect_dma source(%dma_start3A_126 : memref<163842x256xf32, #tpu.memory_space<hbm>>) target(%dma_start3A_122 : memref<112x256xf32, #tpu.memory_space<vmem>>) offsets(%dma_start3A_123 : memref<112xi32, #tpu.memory_space<vmem>>) semaphore(%dma_start3A_128 : memref<!tpu.dma_semaphore, #tpu.memory_space<semaphore_mem>>)
      } else {
      }
      %rem3A_83 = arith.constant 2 : i32
      %rem3A_84 = arith.remsi %scan3A_65, %rem3A_83 : i32
      %ge3A = arith.constant 2 : i32
      %ge3A_85 = arith.cmpi sge, %scan3A_65, %ge3A : i32
      %convert_element_type3A_86 = arith.extui %ge3A_85 : i1 to i32
      %cond3A_87 = arith.constant 0 : i32
      %cond3A_88 = arith.cmpi ne, %convert_element_type3A_86, %cond3A_87 : i32
      scf.if %cond3A_88 {
        %dma_wait3A_108 = arith.constant 0 : i32
        %dma_wait3A_109 = arith.constant 0 : i32
        %dma_wait3A_110 = tpu.memref_slice %arg9[%dma_wait3A_108, %dma_wait3A_109] : memref<32x256xf32, #tpu.memory_space<vmem>> -> memref<16x256xf32, #tpu.memory_space<vmem>>
        %dma_wait3A_111 = arith.constant 0 : i32
        %dma_wait3A_112 = tpu.memref_slice %arg5[%mul3A_2, %dma_wait3A_111] : memref<40962x256xf32, #tpu.memory_space<hbm>> -> memref<16x256xf32, #tpu.memory_space<hbm>>
        %dma_wait3A_113 = tpu.memref_slice %arg12[%rem3A_84] : memref<2x!tpu.dma_semaphore, #tpu.memory_space<semaphore_mem>> -> memref<1x!tpu.dma_semaphore, #tpu.memory_space<semaphore_mem>>
        %dma_wait3A_114 = tpu.memref_squeeze %dma_wait3A_113 : memref<1x!tpu.dma_semaphore, #tpu.memory_space<semaphore_mem>> -> memref<!tpu.dma_semaphore, #tpu.memory_space<semaphore_mem>>
        %dma_wait3A_115 = arith.constant 0 : i32
        %dma_wait3A_116 = tpu.memref_slice %arg5[%mul3A_2, %dma_wait3A_115] : memref<40962x256xf32, #tpu.memory_space<hbm>> -> memref<16x256xf32, #tpu.memory_space<hbm>>
        %dma_wait3A_117 = arith.constant 0 : i32
        %dma_wait3A_118 = arith.constant 0 : i32
        %dma_wait3A_119 = tpu.memref_slice %arg9[%dma_wait3A_117, %dma_wait3A_118] : memref<32x256xf32, #tpu.memory_space<vmem>> -> memref<16x256xf32, #tpu.memory_space<vmem>>
        tpu.wait_dma2 semaphore(%dma_wait3A_114 : memref<!tpu.dma_semaphore, #tpu.memory_space<semaphore_mem>>) src(%dma_wait3A_119 : memref<16x256xf32, #tpu.memory_space<vmem>>) dst(%dma_wait3A_116 : memref<16x256xf32, #tpu.memory_space<hbm>>)
      } else {
      }
      %mul3A_89 = arith.constant 112 : i32
      %mul3A_90 = arith.muli %rem3A_66, %mul3A_89 : i32
      %mul3A_91 = arith.constant 16 : i32
      %mul3A_92 = arith.muli %rem3A_84, %mul3A_91 : i32
      %parallel_loop3A = arith.constant 0 : i32
      %parallel_loop3A_93 = arith.constant 16 : i32
      %parallel_loop3A_94 = arith.constant 1 : i32
      scf.for %parallel_loop3A_108 = %parallel_loop3A to %parallel_loop3A_93 step %parallel_loop3A_94  : i32 {
        %parallel_loop3A_109 = arith.constant 7 : i32
        %parallel_loop3A_110 = arith.muli %parallel_loop3A_109, %parallel_loop3A_108 : i32
        %parallel_loop3A_111 = arith.addi %mul3A_90, %parallel_loop3A_110 : i32
        %parallel_loop3A_112 = arith.index_cast %parallel_loop3A_111 : i32 to index
        %parallel_loop3A_113 = arith.constant 0 : index
        %parallel_loop3A_114 = tpu.vector_load %arg8[%parallel_loop3A_112, %parallel_loop3A_113] {strides = array<i32>} : memref<336x256xf32, #tpu.memory_space<vmem>>, vector<1x16xf32>,
        %parallel_loop3A_115 = vector.shape_cast %parallel_loop3A_114 : vector<1x16xf32> to vector<16xf32>
        %parallel_loop3A_116 = arith.constant 1 : i32
        %parallel_loop3A_117 = arith.addi %parallel_loop3A_111, %parallel_loop3A_116 : i32
        %parallel_loop3A_118 = arith.index_cast %parallel_loop3A_117 : i32 to index
        %parallel_loop3A_119 = arith.constant 0 : index
        %parallel_loop3A_120 = tpu.vector_load %arg8[%parallel_loop3A_118, %parallel_loop3A_119] {strides = array<i32>} : memref<336x256xf32, #tpu.memory_space<vmem>>, vector<1x16xf32>,
        %parallel_loop3A_121 = vector.shape_cast %parallel_loop3A_120 : vector<1x16xf32> to vector<16xf32>
        %parallel_loop3A_122 = arith.addf %parallel_loop3A_115, %parallel_loop3A_121 : vector<16xf32>
        %parallel_loop3A_123 = arith.constant 2 : i32
        %parallel_loop3A_124 = arith.addi %parallel_loop3A_111, %parallel_loop3A_123 : i32
        %parallel_loop3A_125 = arith.index_cast %parallel_loop3A_124 : i32 to index
        %parallel_loop3A_126 = arith.constant 0 : index
        %parallel_loop3A_127 = tpu.vector_load %arg8[%parallel_loop3A_125, %parallel_loop3A_126] {strides = array<i32>} : memref<336x256xf32, #tpu.memory_space<vmem>>, vector<1x16xf32>,
        %parallel_loop3A_128 = vector.shape_cast %parallel_loop3A_127 : vector<1x16xf32> to vector<16xf32>
        %parallel_loop3A_129 = arith.addf %parallel_loop3A_122, %parallel_loop3A_128 : vector<16xf32>
        %parallel_loop3A_130 = arith.constant 3 : i32
        %parallel_loop3A_131 = arith.addi %parallel_loop3A_111, %parallel_loop3A_130 : i32
        %parallel_loop3A_132 = arith.index_cast %parallel_loop3A_131 : i32 to index
        %parallel_loop3A_133 = arith.constant 0 : index
        %parallel_loop3A_134 = tpu.vector_load %arg8[%parallel_loop3A_132, %parallel_loop3A_133] {strides = array<i32>} : memref<336x256xf32, #tpu.memory_space<vmem>>, vector<1x16xf32>,
        %parallel_loop3A_135 = vector.shape_cast %parallel_loop3A_134 : vector<1x16xf32> to vector<16xf32>
        %parallel_loop3A_136 = arith.addf %parallel_loop3A_129, %parallel_loop3A_135 : vector<16xf32>
        %parallel_loop3A_137 = arith.constant 4 : i32
        %parallel_loop3A_138 = arith.addi %parallel_loop3A_111, %parallel_loop3A_137 : i32
        %parallel_loop3A_139 = arith.index_cast %parallel_loop3A_138 : i32 to index
        %parallel_loop3A_140 = arith.constant 0 : index
        %parallel_loop3A_141 = tpu.vector_load %arg8[%parallel_loop3A_139, %parallel_loop3A_140] {strides = array<i32>} : memref<336x256xf32, #tpu.memory_space<vmem>>, vector<1x16xf32>,
        %parallel_loop3A_142 = vector.shape_cast %parallel_loop3A_141 : vector<1x16xf32> to vector<16xf32>
        %parallel_loop3A_143 = arith.addf %parallel_loop3A_136, %parallel_loop3A_142 : vector<16xf32>
        %parallel_loop3A_144 = arith.constant 5 : i32
        %parallel_loop3A_145 = arith.addi %parallel_loop3A_111, %parallel_loop3A_144 : i32
        %parallel_loop3A_146 = arith.index_cast %parallel_loop3A_145 : i32 to index
        %parallel_loop3A_147 = arith.constant 0 : index
        %parallel_loop3A_148 = tpu.vector_load %arg8[%parallel_loop3A_146, %parallel_loop3A_147] {strides = array<i32>} : memref<336x256xf32, #tpu.memory_space<vmem>>, vector<1x16xf32>,
        %parallel_loop3A_149 = vector.shape_cast %parallel_loop3A_148 : vector<1x16xf32> to vector<16xf32>
        %parallel_loop3A_150 = arith.addf %parallel_loop3A_143, %parallel_loop3A_149 : vector<16xf32>
        %parallel_loop3A_151 = arith.constant 6 : i32
        %parallel_loop3A_152 = arith.addi %parallel_loop3A_111, %parallel_loop3A_151 : i32
        %parallel_loop3A_153 = arith.index_cast %parallel_loop3A_152 : i32 to index
        %parallel_loop3A_154 = arith.constant 0 : index
        %parallel_loop3A_155 = tpu.vector_load %arg8[%parallel_loop3A_153, %parallel_loop3A_154] {strides = array<i32>} : memref<336x256xf32, #tpu.memory_space<vmem>>, vector<1x16xf32>,
        %parallel_loop3A_156 = vector.shape_cast %parallel_loop3A_155 : vector<1x16xf32> to vector<16xf32>
        %parallel_loop3A_157 = arith.addf %parallel_loop3A_150, %parallel_loop3A_156 : vector<16xf32>
        %parallel_loop3A_158 = arith.constant 0.142857149 : f32
        %parallel_loop3A_159 = vector.broadcast %parallel_loop3A_158 : f32 to vector<16xf32>
        %parallel_loop3A_160 = arith.mulf %parallel_loop3A_157, %parallel_loop3A_159 : vector<16xf32>
        %parallel_loop3A_161 = arith.addi %mul3A_92, %parallel_loop3A_108 : i32
        %parallel_loop3A_162 = arith.index_cast %parallel_loop3A_161 : i32 to index
        %parallel_loop3A_163 = arith.constant 0 : index
        %parallel_loop3A_164 = tpu.vector_load %arg9[%parallel_loop3A_162, %parallel_loop3A_163] {strides = array<i32>} : memref<32x256xf32, #tpu.memory_space<vmem>>, vector<1x16xf32>,
        %parallel_loop3A_165 = vector.shape_cast %parallel_loop3A_164 : vector<1x16xf32> to vector<16xf32>
        %parallel_loop3A_166 = vector.shape_cast %parallel_loop3A_160 : vector<16xf32> to vector<1x16xf32>
        tpu.vector_store %arg9[%parallel_loop3A_162, %parallel_loop3A_163], %parallel_loop3A_166 {strides = array<i32>} : memref<32x256xf32, #tpu.memory_space<vmem>>, vector<1x16xf32>,
        %parallel_loop3A_167 = arith.index_cast %parallel_loop3A_111 : i32 to index
        %parallel_loop3A_168 = arith.constant 16 : index
        %parallel_loop3A_169 = tpu.vector_load %arg8[%parallel_loop3A_167, %parallel_loop3A_168] {strides = array<i32>} : memref<336x256xf32, #tpu.memory_space<vmem>>, vector<1x16xf32>,
        %parallel_loop3A_170 = vector.shape_cast %parallel_loop3A_169 : vector<1x16xf32> to vector<16xf32>
        %parallel_loop3A_171 = arith.constant 1 : i32
        %parallel_loop3A_172 = arith.addi %parallel_loop3A_111, %parallel_loop3A_171 : i32
        %parallel_loop3A_173 = arith.index_cast %parallel_loop3A_172 : i32 to index
        %parallel_loop3A_174 = arith.constant 16 : index
        %parallel_loop3A_175 = tpu.vector_load %arg8[%parallel_loop3A_173, %parallel_loop3A_174] {strides = array<i32>} : memref<336x256xf32, #tpu.memory_space<vmem>>, vector<1x16xf32>,
        %parallel_loop3A_176 = vector.shape_cast %parallel_loop3A_175 : vector<1x16xf32> to vector<16xf32>
        %parallel_loop3A_177 = arith.addf %parallel_loop3A_170, %parallel_loop3A_176 : vector<16xf32>
        %parallel_loop3A_178 = arith.constant 2 : i32
        %parallel_loop3A_179 = arith.addi %parallel_loop3A_111, %parallel_loop3A_178 : i32
        %parallel_loop3A_180 = arith.index_cast %parallel_loop3A_179 : i32 to index
        %parallel_loop3A_181 = arith.constant 16 : index
        %parallel_loop3A_182 = tpu.vector_load %arg8[%parallel_loop3A_180, %parallel_loop3A_181] {strides = array<i32>} : memref<336x256xf32, #tpu.memory_space<vmem>>, vector<1x16xf32>,
        %parallel_loop3A_183 = vector.shape_cast %parallel_loop3A_182 : vector<1x16xf32> to vector<16xf32>
        %parallel_loop3A_184 = arith.addf %parallel_loop3A_177, %parallel_loop3A_183 : vector<16xf32>
        %parallel_loop3A_185 = arith.constant 3 : i32
        %parallel_loop3A_186 = arith.addi %parallel_loop3A_111, %parallel_loop3A_185 : i32
        %parallel_loop3A_187 = arith.index_cast %parallel_loop3A_186 : i32 to index
        %parallel_loop3A_188 = arith.constant 16 : index
        %parallel_loop3A_189 = tpu.vector_load %arg8[%parallel_loop3A_187, %parallel_loop3A_188] {strides = array<i32>} : memref<336x256xf32, #tpu.memory_space<vmem>>, vector<1x16xf32>,
        %parallel_loop3A_190 = vector.shape_cast %parallel_loop3A_189 : vector<1x16xf32> to vector<16xf32>
        %parallel_loop3A_191 = arith.addf %parallel_loop3A_184, %parallel_loop3A_190 : vector<16xf32>
        %parallel_loop3A_192 = arith.constant 4 : i32
        %parallel_loop3A_193 = arith.addi %parallel_loop3A_111, %parallel_loop3A_192 : i32
        %parallel_loop3A_194 = arith.index_cast %parallel_loop3A_193 : i32 to index
        %parallel_loop3A_195 = arith.constant 16 : index
        %parallel_loop3A_196 = tpu.vector_load %arg8[%parallel_loop3A_194, %parallel_loop3A_195] {strides = array<i32>} : memref<336x256xf32, #tpu.memory_space<vmem>>, vector<1x16xf32>,
        %parallel_loop3A_197 = vector.shape_cast %parallel_loop3A_196 : vector<1x16xf32> to vector<16xf32>
        %parallel_loop3A_198 = arith.addf %parallel_loop3A_191, %parallel_loop3A_197 : vector<16xf32>
        %parallel_loop3A_199 = arith.constant 5 : i32
        %parallel_loop3A_200 = arith.addi %parallel_loop3A_111, %parallel_loop3A_199 : i32
        %parallel_loop3A_201 = arith.index_cast %parallel_loop3A_200 : i32 to index
        %parallel_loop3A_202 = arith.constant 16 : index
        %parallel_loop3A_203 = tpu.vector_load %arg8[%parallel_loop3A_201, %parallel_loop3A_202] {strides = array<i32>} : memref<336x256xf32, #tpu.memory_space<vmem>>, vector<1x16xf32>,
        %parallel_loop3A_204 = vector.shape_cast %parallel_loop3A_203 : vector<1x16xf32> to vector<16xf32>
        %parallel_loop3A_205 = arith.addf %parallel_loop3A_198, %parallel_loop3A_204 : vector<16xf32>
        %parallel_loop3A_206 = arith.constant 6 : i32
        %parallel_loop3A_207 = arith.addi %parallel_loop3A_111, %parallel_loop3A_206 : i32
        %parallel_loop3A_208 = arith.index_cast %parallel_loop3A_207 : i32 to index
        %parallel_loop3A_209 = arith.constant 16 : index
        %parallel_loop3A_210 = tpu.vector_load %arg8[%parallel_loop3A_208, %parallel_loop3A_209] {strides = array<i32>} : memref<336x256xf32, #tpu.memory_space<vmem>>, vector<1x16xf32>,
        %parallel_loop3A_211 = vector.shape_cast %parallel_loop3A_210 : vector<1x16xf32> to vector<16xf32>
        %parallel_loop3A_212 = arith.addf %parallel_loop3A_205, %parallel_loop3A_211 : vector<16xf32>
        %parallel_loop3A_213 = arith.constant 0.142857149 : f32
        %parallel_loop3A_214 = vector.broadcast %parallel_loop3A_213 : f32 to vector<16xf32>
        %parallel_loop3A_215 = arith.mulf %parallel_loop3A_212, %parallel_loop3A_214 : vector<16xf32>
        %parallel_loop3A_216 = arith.addi %mul3A_92, %parallel_loop3A_108 : i32
        %parallel_loop3A_217 = arith.index_cast %parallel_loop3A_216 : i32 to index
        %parallel_loop3A_218 = arith.constant 16 : index
        %parallel_loop3A_219 = tpu.vector_load %arg9[%parallel_loop3A_217, %parallel_loop3A_218] {strides = array<i32>} : memref<32x256xf32, #tpu.memory_space<vmem>>, vector<1x16xf32>,
        %parallel_loop3A_220 = vector.shape_cast %parallel_loop3A_219 : vector<1x16xf32> to vector<16xf32>
        %parallel_loop3A_221 = vector.shape_cast %parallel_loop3A_215 : vector<16xf32> to vector<1x16xf32>
        tpu.vector_store %arg9[%parallel_loop3A_217, %parallel_loop3A_218], %parallel_loop3A_221 {strides = array<i32>} : memref<32x256xf32, #tpu.memory_space<vmem>>, vector<1x16xf32>,
        %parallel_loop3A_222 = arith.index_cast %parallel_loop3A_111 : i32 to index
        %parallel_loop3A_223 = arith.constant 32 : index
        %parallel_loop3A_224 = tpu.vector_load %arg8[%parallel_loop3A_222, %parallel_loop3A_223] {strides = array<i32>} : memref<336x256xf32, #tpu.memory_space<vmem>>, vector<1x16xf32>,
        %parallel_loop3A_225 = vector.shape_cast %parallel_loop3A_224 : vector<1x16xf32> to vector<16xf32>
        %parallel_loop3A_226 = arith.constant 1 : i32
        %parallel_loop3A_227 = arith.addi %parallel_loop3A_111, %parallel_loop3A_226 : i32
        %parallel_loop3A_228 = arith.index_cast %parallel_loop3A_227 : i32 to index
        %parallel_loop3A_229 = arith.constant 32 : index
        %parallel_loop3A_230 = tpu.vector_load %arg8[%parallel_loop3A_228, %parallel_loop3A_229] {strides = array<i32>} : memref<336x256xf32, #tpu.memory_space<vmem>>, vector<1x16xf32>,
        %parallel_loop3A_231 = vector.shape_cast %parallel_loop3A_230 : vector<1x16xf32> to vector<16xf32>
        %parallel_loop3A_232 = arith.addf %parallel_loop3A_225, %parallel_loop3A_231 : vector<16xf32>
        %parallel_loop3A_233 = arith.constant 2 : i32
        %parallel_loop3A_234 = arith.addi %parallel_loop3A_111, %parallel_loop3A_233 : i32
        %parallel_loop3A_235 = arith.index_cast %parallel_loop3A_234 : i32 to index
        %parallel_loop3A_236 = arith.constant 32 : index
        %parallel_loop3A_237 = tpu.vector_load %arg8[%parallel_loop3A_235, %parallel_loop3A_236] {strides = array<i32>} : memref<336x256xf32, #tpu.memory_space<vmem>>, vector<1x16xf32>,
        %parallel_loop3A_238 = vector.shape_cast %parallel_loop3A_237 : vector<1x16xf32> to vector<16xf32>
        %parallel_loop3A_239 = arith.addf %parallel_loop3A_232, %parallel_loop3A_238 : vector<16xf32>
        %parallel_loop3A_240 = arith.constant 3 : i32
        %parallel_loop3A_241 = arith.addi %parallel_loop3A_111, %parallel_loop3A_240 : i32
        %parallel_loop3A_242 = arith.index_cast %parallel_loop3A_241 : i32 to index
        %parallel_loop3A_243 = arith.constant 32 : index
        %parallel_loop3A_244 = tpu.vector_load %arg8[%parallel_loop3A_242, %parallel_loop3A_243] {strides = array<i32>} : memref<336x256xf32, #tpu.memory_space<vmem>>, vector<1x16xf32>,
        %parallel_loop3A_245 = vector.shape_cast %parallel_loop3A_244 : vector<1x16xf32> to vector<16xf32>
        %parallel_loop3A_246 = arith.addf %parallel_loop3A_239, %parallel_loop3A_245 : vector<16xf32>
        %parallel_loop3A_247 = arith.constant 4 : i32
        %parallel_loop3A_248 = arith.addi %parallel_loop3A_111, %parallel_loop3A_247 : i32
        %parallel_loop3A_249 = arith.index_cast %parallel_loop3A_248 : i32 to index
        %parallel_loop3A_250 = arith.constant 32 : index
        %parallel_loop3A_251 = tpu.vector_load %arg8[%parallel_loop3A_249, %parallel_loop3A_250] {strides = array<i32>} : memref<336x256xf32, #tpu.memory_space<vmem>>, vector<1x16xf32>,
        %parallel_loop3A_252 = vector.shape_cast %parallel_loop3A_251 : vector<1x16xf32> to vector<16xf32>
        %parallel_loop3A_253 = arith.addf %parallel_loop3A_246, %parallel_loop3A_252 : vector<16xf32>
        %parallel_loop3A_254 = arith.constant 5 : i32
        %parallel_loop3A_255 = arith.addi %parallel_loop3A_111, %parallel_loop3A_254 : i32
        %parallel_loop3A_256 = arith.index_cast %parallel_loop3A_255 : i32 to index
        %parallel_loop3A_257 = arith.constant 32 : index
        %parallel_loop3A_258 = tpu.vector_load %arg8[%parallel_loop3A_256, %parallel_loop3A_257] {strides = array<i32>} : memref<336x256xf32, #tpu.memory_space<vmem>>, vector<1x16xf32>,
        %parallel_loop3A_259 = vector.shape_cast %parallel_loop3A_258 : vector<1x16xf32> to vector<16xf32>
        %parallel_loop3A_260 = arith.addf %parallel_loop3A_253, %parallel_loop3A_259 : vector<16xf32>
        %parallel_loop3A_261 = arith.constant 6 : i32
        %parallel_loop3A_262 = arith.addi %parallel_loop3A_111, %parallel_loop3A_261 : i32
        %parallel_loop3A_263 = arith.index_cast %parallel_loop3A_262 : i32 to index
        %parallel_loop3A_264 = arith.constant 32 : index
        %parallel_loop3A_265 = tpu.vector_load %arg8[%parallel_loop3A_263, %parallel_loop3A_264] {strides = array<i32>} : memref<336x256xf32, #tpu.memory_space<vmem>>, vector<1x16xf32>,
        %parallel_loop3A_266 = vector.shape_cast %parallel_loop3A_265 : vector<1x16xf32> to vector<16xf32>
        %parallel_loop3A_267 = arith.addf %parallel_loop3A_260, %parallel_loop3A_266 : vector<16xf32>
        %parallel_loop3A_268 = arith.constant 0.142857149 : f32
        %parallel_loop3A_269 = vector.broadcast %parallel_loop3A_268 : f32 to vector<16xf32>
        %parallel_loop3A_270 = arith.mulf %parallel_loop3A_267, %parallel_loop3A_269 : vector<16xf32>
        %parallel_loop3A_271 = arith.addi %mul3A_92, %parallel_loop3A_108 : i32
        %parallel_loop3A_272 = arith.index_cast %parallel_loop3A_271 : i32 to index
        %parallel_loop3A_273 = arith.constant 32 : index
        %parallel_loop3A_274 = tpu.vector_load %arg9[%parallel_loop3A_272, %parallel_loop3A_273] {strides = array<i32>} : memref<32x256xf32, #tpu.memory_space<vmem>>, vector<1x16xf32>,
        %parallel_loop3A_275 = vector.shape_cast %parallel_loop3A_274 : vector<1x16xf32> to vector<16xf32>
        %parallel_loop3A_276 = vector.shape_cast %parallel_loop3A_270 : vector<16xf32> to vector<1x16xf32>
        tpu.vector_store %arg9[%parallel_loop3A_272, %parallel_loop3A_273], %parallel_loop3A_276 {strides = array<i32>} : memref<32x256xf32, #tpu.memory_space<vmem>>, vector<1x16xf32>,
        %parallel_loop3A_277 = arith.index_cast %parallel_loop3A_111 : i32 to index
        %parallel_loop3A_278 = arith.constant 48 : index
        %parallel_loop3A_279 = tpu.vector_load %arg8[%parallel_loop3A_277, %parallel_loop3A_278] {strides = array<i32>} : memref<336x256xf32, #tpu.memory_space<vmem>>, vector<1x16xf32>,
        %parallel_loop3A_280 = vector.shape_cast %parallel_loop3A_279 : vector<1x16xf32> to vector<16xf32>
        %parallel_loop3A_281 = arith.constant 1 : i32
        %parallel_loop3A_282 = arith.addi %parallel_loop3A_111, %parallel_loop3A_281 : i32
        %parallel_loop3A_283 = arith.index_cast %parallel_loop3A_282 : i32 to index
        %parallel_loop3A_284 = arith.constant 48 : index
        %parallel_loop3A_285 = tpu.vector_load %arg8[%parallel_loop3A_283, %parallel_loop3A_284] {strides = array<i32>} : memref<336x256xf32, #tpu.memory_space<vmem>>, vector<1x16xf32>,
        %parallel_loop3A_286 = vector.shape_cast %parallel_loop3A_285 : vector<1x16xf32> to vector<16xf32>
        %parallel_loop3A_287 = arith.addf %parallel_loop3A_280, %parallel_loop3A_286 : vector<16xf32>
        %parallel_loop3A_288 = arith.constant 2 : i32
        %parallel_loop3A_289 = arith.addi %parallel_loop3A_111, %parallel_loop3A_288 : i32
        %parallel_loop3A_290 = arith.index_cast %parallel_loop3A_289 : i32 to index
        %parallel_loop3A_291 = arith.constant 48 : index
        %parallel_loop3A_292 = tpu.vector_load %arg8[%parallel_loop3A_290, %parallel_loop3A_291] {strides = array<i32>} : memref<336x256xf32, #tpu.memory_space<vmem>>, vector<1x16xf32>,
        %parallel_loop3A_293 = vector.shape_cast %parallel_loop3A_292 : vector<1x16xf32> to vector<16xf32>
        %parallel_loop3A_294 = arith.addf %parallel_loop3A_287, %parallel_loop3A_293 : vector<16xf32>
        %parallel_loop3A_295 = arith.constant 3 : i32
        %parallel_loop3A_296 = arith.addi %parallel_loop3A_111, %parallel_loop3A_295 : i32
        %parallel_loop3A_297 = arith.index_cast %parallel_loop3A_296 : i32 to index
        %parallel_loop3A_298 = arith.constant 48 : index
        %parallel_loop3A_299 = tpu.vector_load %arg8[%parallel_loop3A_297, %parallel_loop3A_298] {strides = array<i32>} : memref<336x256xf32, #tpu.memory_space<vmem>>, vector<1x16xf32>,
        %parallel_loop3A_300 = vector.shape_cast %parallel_loop3A_299 : vector<1x16xf32> to vector<16xf32>
        %parallel_loop3A_301 = arith.addf %parallel_loop3A_294, %parallel_loop3A_300 : vector<16xf32>
        %parallel_loop3A_302 = arith.constant 4 : i32
        %parallel_loop3A_303 = arith.addi %parallel_loop3A_111, %parallel_loop3A_302 : i32
        %parallel_loop3A_304 = arith.index_cast %parallel_loop3A_303 : i32 to index
        %parallel_loop3A_305 = arith.constant 48 : index
        %parallel_loop3A_306 = tpu.vector_load %arg8[%parallel_loop3A_304, %parallel_loop3A_305] {strides = array<i32>} : memref<336x256xf32, #tpu.memory_space<vmem>>, vector<1x16xf32>,
        %parallel_loop3A_307 = vector.shape_cast %parallel_loop3A_306 : vector<1x16xf32> to vector<16xf32>
        %parallel_loop3A_308 = arith.addf %parallel_loop3A_301, %parallel_loop3A_307 : vector<16xf32>
        %parallel_loop3A_309 = arith.constant 5 : i32
        %parallel_loop3A_310 = arith.addi %parallel_loop3A_111, %parallel_loop3A_309 : i32
        %parallel_loop3A_311 = arith.index_cast %parallel_loop3A_310 : i32 to index
        %parallel_loop3A_312 = arith.constant 48 : index
        %parallel_loop3A_313 = tpu.vector_load %arg8[%parallel_loop3A_311, %parallel_loop3A_312] {strides = array<i32>} : memref<336x256xf32, #tpu.memory_space<vmem>>, vector<1x16xf32>,
        %parallel_loop3A_314 = vector.shape_cast %parallel_loop3A_313 : vector<1x16xf32> to vector<16xf32>
        %parallel_loop3A_315 = arith.addf %parallel_loop3A_308, %parallel_loop3A_314 : vector<16xf32>
        %parallel_loop3A_316 = arith.constant 6 : i32
        %parallel_loop3A_317 = arith.addi %parallel_loop3A_111, %parallel_loop3A_316 : i32
        %parallel_loop3A_318 = arith.index_cast %parallel_loop3A_317 : i32 to index
        %parallel_loop3A_319 = arith.constant 48 : index
        %parallel_loop3A_320 = tpu.vector_load %arg8[%parallel_loop3A_318, %parallel_loop3A_319] {strides = array<i32>} : memref<336x256xf32, #tpu.memory_space<vmem>>, vector<1x16xf32>,
        %parallel_loop3A_321 = vector.shape_cast %parallel_loop3A_320 : vector<1x16xf32> to vector<16xf32>
        %parallel_loop3A_322 = arith.addf %parallel_loop3A_315, %parallel_loop3A_321 : vector<16xf32>
        %parallel_loop3A_323 = arith.constant 0.142857149 : f32
        %parallel_loop3A_324 = vector.broadcast %parallel_loop3A_323 : f32 to vector<16xf32>
        %parallel_loop3A_325 = arith.mulf %parallel_loop3A_322, %parallel_loop3A_324 : vector<16xf32>
        %parallel_loop3A_326 = arith.addi %mul3A_92, %parallel_loop3A_108 : i32
        %parallel_loop3A_327 = arith.index_cast %parallel_loop3A_326 : i32 to index
        %parallel_loop3A_328 = arith.constant 48 : index
        %parallel_loop3A_329 = tpu.vector_load %arg9[%parallel_loop3A_327, %parallel_loop3A_328] {strides = array<i32>} : memref<32x256xf32, #tpu.memory_space<vmem>>, vector<1x16xf32>,
        %parallel_loop3A_330 = vector.shape_cast %parallel_loop3A_329 : vector<1x16xf32> to vector<16xf32>
        %parallel_loop3A_331 = vector.shape_cast %parallel_loop3A_325 : vector<16xf32> to vector<1x16xf32>
        tpu.vector_store %arg9[%parallel_loop3A_327, %parallel_loop3A_328], %parallel_loop3A_331 {strides = array<i32>} : memref<32x256xf32, #tpu.memory_space<vmem>>, vector<1x16xf32>,
        %parallel_loop3A_332 = arith.index_cast %parallel_loop3A_111 : i32 to index
        %parallel_loop3A_333 = arith.constant 64 : index
        %parallel_loop3A_334 = tpu.vector_load %arg8[%parallel_loop3A_332, %parallel_loop3A_333] {strides = array<i32>} : memref<336x256xf32, #tpu.memory_space<vmem>>, vector<1x16xf32>,
        %parallel_loop3A_335 = vector.shape_cast %parallel_loop3A_334 : vector<1x16xf32> to vector<16xf32>
        %parallel_loop3A_336 = arith.constant 1 : i32
        %parallel_loop3A_337 = arith.addi %parallel_loop3A_111, %parallel_loop3A_336 : i32
        %parallel_loop3A_338 = arith.index_cast %parallel_loop3A_337 : i32 to index
        %parallel_loop3A_339 = arith.constant 64 : index
        %parallel_loop3A_340 = tpu.vector_load %arg8[%parallel_loop3A_338, %parallel_loop3A_339] {strides = array<i32>} : memref<336x256xf32, #tpu.memory_space<vmem>>, vector<1x16xf32>,
        %parallel_loop3A_341 = vector.shape_cast %parallel_loop3A_340 : vector<1x16xf32> to vector<16xf32>
        %parallel_loop3A_342 = arith.addf %parallel_loop3A_335, %parallel_loop3A_341 : vector<16xf32>
        %parallel_loop3A_343 = arith.constant 2 : i32
        %parallel_loop3A_344 = arith.addi %parallel_loop3A_111, %parallel_loop3A_343 : i32
        %parallel_loop3A_345 = arith.index_cast %parallel_loop3A_344 : i32 to index
        %parallel_loop3A_346 = arith.constant 64 : index
        %parallel_loop3A_347 = tpu.vector_load %arg8[%parallel_loop3A_345, %parallel_loop3A_346] {strides = array<i32>} : memref<336x256xf32, #tpu.memory_space<vmem>>, vector<1x16xf32>,
        %parallel_loop3A_348 = vector.shape_cast %parallel_loop3A_347 : vector<1x16xf32> to vector<16xf32>
        %parallel_loop3A_349 = arith.addf %parallel_loop3A_342, %parallel_loop3A_348 : vector<16xf32>
        %parallel_loop3A_350 = arith.constant 3 : i32
        %parallel_loop3A_351 = arith.addi %parallel_loop3A_111, %parallel_loop3A_350 : i32
        %parallel_loop3A_352 = arith.index_cast %parallel_loop3A_351 : i32 to index
        %parallel_loop3A_353 = arith.constant 64 : index
        %parallel_loop3A_354 = tpu.vector_load %arg8[%parallel_loop3A_352, %parallel_loop3A_353] {strides = array<i32>} : memref<336x256xf32, #tpu.memory_space<vmem>>, vector<1x16xf32>,
        %parallel_loop3A_355 = vector.shape_cast %parallel_loop3A_354 : vector<1x16xf32> to vector<16xf32>
        %parallel_loop3A_356 = arith.addf %parallel_loop3A_349, %parallel_loop3A_355 : vector<16xf32>
        %parallel_loop3A_357 = arith.constant 4 : i32
        %parallel_loop3A_358 = arith.addi %parallel_loop3A_111, %parallel_loop3A_357 : i32
        %parallel_loop3A_359 = arith.index_cast %parallel_loop3A_358 : i32 to index
        %parallel_loop3A_360 = arith.constant 64 : index
        %parallel_loop3A_361 = tpu.vector_load %arg8[%parallel_loop3A_359, %parallel_loop3A_360] {strides = array<i32>} : memref<336x256xf32, #tpu.memory_space<vmem>>, vector<1x16xf32>,
        %parallel_loop3A_362 = vector.shape_cast %parallel_loop3A_361 : vector<1x16xf32> to vector<16xf32>
        %parallel_loop3A_363 = arith.addf %parallel_loop3A_356, %parallel_loop3A_362 : vector<16xf32>
        %parallel_loop3A_364 = arith.constant 5 : i32
        %parallel_loop3A_365 = arith.addi %parallel_loop3A_111, %parallel_loop3A_364 : i32
        %parallel_loop3A_366 = arith.index_cast %parallel_loop3A_365 : i32 to index
        %parallel_loop3A_367 = arith.constant 64 : index
        %parallel_loop3A_368 = tpu.vector_load %arg8[%parallel_loop3A_366, %parallel_loop3A_367] {strides = array<i32>} : memref<336x256xf32, #tpu.memory_space<vmem>>, vector<1x16xf32>,
        %parallel_loop3A_369 = vector.shape_cast %parallel_loop3A_368 : vector<1x16xf32> to vector<16xf32>
        %parallel_loop3A_370 = arith.addf %parallel_loop3A_363, %parallel_loop3A_369 : vector<16xf32>
        %parallel_loop3A_371 = arith.constant 6 : i32
        %parallel_loop3A_372 = arith.addi %parallel_loop3A_111, %parallel_loop3A_371 : i32
        %parallel_loop3A_373 = arith.index_cast %parallel_loop3A_372 : i32 to index
        %parallel_loop3A_374 = arith.constant 64 : index
        %parallel_loop3A_375 = tpu.vector_load %arg8[%parallel_loop3A_373, %parallel_loop3A_374] {strides = array<i32>} : memref<336x256xf32, #tpu.memory_space<vmem>>, vector<1x16xf32>,
        %parallel_loop3A_376 = vector.shape_cast %parallel_loop3A_375 : vector<1x16xf32> to vector<16xf32>
        %parallel_loop3A_377 = arith.addf %parallel_loop3A_370, %parallel_loop3A_376 : vector<16xf32>
        %parallel_loop3A_378 = arith.constant 0.142857149 : f32
        %parallel_loop3A_379 = vector.broadcast %parallel_loop3A_378 : f32 to vector<16xf32>
        %parallel_loop3A_380 = arith.mulf %parallel_loop3A_377, %parallel_loop3A_379 : vector<16xf32>
        %parallel_loop3A_381 = arith.addi %mul3A_92, %parallel_loop3A_108 : i32
        %parallel_loop3A_382 = arith.index_cast %parallel_loop3A_381 : i32 to index
        %parallel_loop3A_383 = arith.constant 64 : index
        %parallel_loop3A_384 = tpu.vector_load %arg9[%parallel_loop3A_382, %parallel_loop3A_383] {strides = array<i32>} : memref<32x256xf32, #tpu.memory_space<vmem>>, vector<1x16xf32>,
        %parallel_loop3A_385 = vector.shape_cast %parallel_loop3A_384 : vector<1x16xf32> to vector<16xf32>
        %parallel_loop3A_386 = vector.shape_cast %parallel_loop3A_380 : vector<16xf32> to vector<1x16xf32>
        tpu.vector_store %arg9[%parallel_loop3A_382, %parallel_loop3A_383], %parallel_loop3A_386 {strides = array<i32>} : memref<32x256xf32, #tpu.memory_space<vmem>>, vector<1x16xf32>,
        %parallel_loop3A_387 = arith.index_cast %parallel_loop3A_111 : i32 to index
        %parallel_loop3A_388 = arith.constant 80 : index
        %parallel_loop3A_389 = tpu.vector_load %arg8[%parallel_loop3A_387, %parallel_loop3A_388] {strides = array<i32>} : memref<336x256xf32, #tpu.memory_space<vmem>>, vector<1x16xf32>,
        %parallel_loop3A_390 = vector.shape_cast %parallel_loop3A_389 : vector<1x16xf32> to vector<16xf32>
        %parallel_loop3A_391 = arith.constant 1 : i32
        %parallel_loop3A_392 = arith.addi %parallel_loop3A_111, %parallel_loop3A_391 : i32
        %parallel_loop3A_393 = arith.index_cast %parallel_loop3A_392 : i32 to index
        %parallel_loop3A_394 = arith.constant 80 : index
        %parallel_loop3A_395 = tpu.vector_load %arg8[%parallel_loop3A_393, %parallel_loop3A_394] {strides = array<i32>} : memref<336x256xf32, #tpu.memory_space<vmem>>, vector<1x16xf32>,
        %parallel_loop3A_396 = vector.shape_cast %parallel_loop3A_395 : vector<1x16xf32> to vector<16xf32>
        %parallel_loop3A_397 = arith.addf %parallel_loop3A_390, %parallel_loop3A_396 : vector<16xf32>
        %parallel_loop3A_398 = arith.constant 2 : i32
        %parallel_loop3A_399 = arith.addi %parallel_loop3A_111, %parallel_loop3A_398 : i32
        %parallel_loop3A_400 = arith.index_cast %parallel_loop3A_399 : i32 to index
        %parallel_loop3A_401 = arith.constant 80 : index
        %parallel_loop3A_402 = tpu.vector_load %arg8[%parallel_loop3A_400, %parallel_loop3A_401] {strides = array<i32>} : memref<336x256xf32, #tpu.memory_space<vmem>>, vector<1x16xf32>,
        %parallel_loop3A_403 = vector.shape_cast %parallel_loop3A_402 : vector<1x16xf32> to vector<16xf32>
        %parallel_loop3A_404 = arith.addf %parallel_loop3A_397, %parallel_loop3A_403 : vector<16xf32>
        %parallel_loop3A_405 = arith.constant 3 : i32
        %parallel_loop3A_406 = arith.addi %parallel_loop3A_111, %parallel_loop3A_405 : i32
        %parallel_loop3A_407 = arith.index_cast %parallel_loop3A_406 : i32 to index
        %parallel_loop3A_408 = arith.constant 80 : index
        %parallel_loop3A_409 = tpu.vector_load %arg8[%parallel_loop3A_407, %parallel_loop3A_408] {strides = array<i32>} : memref<336x256xf32, #tpu.memory_space<vmem>>, vector<1x16xf32>,
        %parallel_loop3A_410 = vector.shape_cast %parallel_loop3A_409 : vector<1x16xf32> to vector<16xf32>
        %parallel_loop3A_411 = arith.addf %parallel_loop3A_404, %parallel_loop3A_410 : vector<16xf32>
        %parallel_loop3A_412 = arith.constant 4 : i32
        %parallel_loop3A_413 = arith.addi %parallel_loop3A_111, %parallel_loop3A_412 : i32
        %parallel_loop3A_414 = arith.index_cast %parallel_loop3A_413 : i32 to index
        %parallel_loop3A_415 = arith.constant 80 : index
        %parallel_loop3A_416 = tpu.vector_load %arg8[%parallel_loop3A_414, %parallel_loop3A_415] {strides = array<i32>} : memref<336x256xf32, #tpu.memory_space<vmem>>, vector<1x16xf32>,
        %parallel_loop3A_417 = vector.shape_cast %parallel_loop3A_416 : vector<1x16xf32> to vector<16xf32>
        %parallel_loop3A_418 = arith.addf %parallel_loop3A_411, %parallel_loop3A_417 : vector<16xf32>
        %parallel_loop3A_419 = arith.constant 5 : i32
        %parallel_loop3A_420 = arith.addi %parallel_loop3A_111, %parallel_loop3A_419 : i32
        %parallel_loop3A_421 = arith.index_cast %parallel_loop3A_420 : i32 to index
        %parallel_loop3A_422 = arith.constant 80 : index
        %parallel_loop3A_423 = tpu.vector_load %arg8[%parallel_loop3A_421, %parallel_loop3A_422] {strides = array<i32>} : memref<336x256xf32, #tpu.memory_space<vmem>>, vector<1x16xf32>,
        %parallel_loop3A_424 = vector.shape_cast %parallel_loop3A_423 : vector<1x16xf32> to vector<16xf32>
        %parallel_loop3A_425 = arith.addf %parallel_loop3A_418, %parallel_loop3A_424 : vector<16xf32>
        %parallel_loop3A_426 = arith.constant 6 : i32
        %parallel_loop3A_427 = arith.addi %parallel_loop3A_111, %parallel_loop3A_426 : i32
        %parallel_loop3A_428 = arith.index_cast %parallel_loop3A_427 : i32 to index
        %parallel_loop3A_429 = arith.constant 80 : index
        %parallel_loop3A_430 = tpu.vector_load %arg8[%parallel_loop3A_428, %parallel_loop3A_429] {strides = array<i32>} : memref<336x256xf32, #tpu.memory_space<vmem>>, vector<1x16xf32>,
        %parallel_loop3A_431 = vector.shape_cast %parallel_loop3A_430 : vector<1x16xf32> to vector<16xf32>
        %parallel_loop3A_432 = arith.addf %parallel_loop3A_425, %parallel_loop3A_431 : vector<16xf32>
        %parallel_loop3A_433 = arith.constant 0.142857149 : f32
        %parallel_loop3A_434 = vector.broadcast %parallel_loop3A_433 : f32 to vector<16xf32>
        %parallel_loop3A_435 = arith.mulf %parallel_loop3A_432, %parallel_loop3A_434 : vector<16xf32>
        %parallel_loop3A_436 = arith.addi %mul3A_92, %parallel_loop3A_108 : i32
        %parallel_loop3A_437 = arith.index_cast %parallel_loop3A_436 : i32 to index
        %parallel_loop3A_438 = arith.constant 80 : index
        %parallel_loop3A_439 = tpu.vector_load %arg9[%parallel_loop3A_437, %parallel_loop3A_438] {strides = array<i32>} : memref<32x256xf32, #tpu.memory_space<vmem>>, vector<1x16xf32>,
        %parallel_loop3A_440 = vector.shape_cast %parallel_loop3A_439 : vector<1x16xf32> to vector<16xf32>
        %parallel_loop3A_441 = vector.shape_cast %parallel_loop3A_435 : vector<16xf32> to vector<1x16xf32>
        tpu.vector_store %arg9[%parallel_loop3A_437, %parallel_loop3A_438], %parallel_loop3A_441 {strides = array<i32>} : memref<32x256xf32, #tpu.memory_space<vmem>>, vector<1x16xf32>,
        %parallel_loop3A_442 = arith.index_cast %parallel_loop3A_111 : i32 to index
        %parallel_loop3A_443 = arith.constant 96 : index
        %parallel_loop3A_444 = tpu.vector_load %arg8[%parallel_loop3A_442, %parallel_loop3A_443] {strides = array<i32>} : memref<336x256xf32, #tpu.memory_space<vmem>>, vector<1x16xf32>,
        %parallel_loop3A_445 = vector.shape_cast %parallel_loop3A_444 : vector<1x16xf32> to vector<16xf32>
        %parallel_loop3A_446 = arith.constant 1 : i32
        %parallel_loop3A_447 = arith.addi %parallel_loop3A_111, %parallel_loop3A_446 : i32
        %parallel_loop3A_448 = arith.index_cast %parallel_loop3A_447 : i32 to index
        %parallel_loop3A_449 = arith.constant 96 : index
        %parallel_loop3A_450 = tpu.vector_load %arg8[%parallel_loop3A_448, %parallel_loop3A_449] {strides = array<i32>} : memref<336x256xf32, #tpu.memory_space<vmem>>, vector<1x16xf32>,
        %parallel_loop3A_451 = vector.shape_cast %parallel_loop3A_450 : vector<1x16xf32> to vector<16xf32>
        %parallel_loop3A_452 = arith.addf %parallel_loop3A_445, %parallel_loop3A_451 : vector<16xf32>
        %parallel_loop3A_453 = arith.constant 2 : i32
        %parallel_loop3A_454 = arith.addi %parallel_loop3A_111, %parallel_loop3A_453 : i32
        %parallel_loop3A_455 = arith.index_cast %parallel_loop3A_454 : i32 to index
        %parallel_loop3A_456 = arith.constant 96 : index
        %parallel_loop3A_457 = tpu.vector_load %arg8[%parallel_loop3A_455, %parallel_loop3A_456] {strides = array<i32>} : memref<336x256xf32, #tpu.memory_space<vmem>>, vector<1x16xf32>,
        %parallel_loop3A_458 = vector.shape_cast %parallel_loop3A_457 : vector<1x16xf32> to vector<16xf32>
        %parallel_loop3A_459 = arith.addf %parallel_loop3A_452, %parallel_loop3A_458 : vector<16xf32>
        %parallel_loop3A_460 = arith.constant 3 : i32
        %parallel_loop3A_461 = arith.addi %parallel_loop3A_111, %parallel_loop3A_460 : i32
        %parallel_loop3A_462 = arith.index_cast %parallel_loop3A_461 : i32 to index
        %parallel_loop3A_463 = arith.constant 96 : index
        %parallel_loop3A_464 = tpu.vector_load %arg8[%parallel_loop3A_462, %parallel_loop3A_463] {strides = array<i32>} : memref<336x256xf32, #tpu.memory_space<vmem>>, vector<1x16xf32>,
        %parallel_loop3A_465 = vector.shape_cast %parallel_loop3A_464 : vector<1x16xf32> to vector<16xf32>
        %parallel_loop3A_466 = arith.addf %parallel_loop3A_459, %parallel_loop3A_465 : vector<16xf32>
        %parallel_loop3A_467 = arith.constant 4 : i32
        %parallel_loop3A_468 = arith.addi %parallel_loop3A_111, %parallel_loop3A_467 : i32
        %parallel_loop3A_469 = arith.index_cast %parallel_loop3A_468 : i32 to index
        %parallel_loop3A_470 = arith.constant 96 : index
        %parallel_loop3A_471 = tpu.vector_load %arg8[%parallel_loop3A_469, %parallel_loop3A_470] {strides = array<i32>} : memref<336x256xf32, #tpu.memory_space<vmem>>, vector<1x16xf32>,
        %parallel_loop3A_472 = vector.shape_cast %parallel_loop3A_471 : vector<1x16xf32> to vector<16xf32>
        %parallel_loop3A_473 = arith.addf %parallel_loop3A_466, %parallel_loop3A_472 : vector<16xf32>
        %parallel_loop3A_474 = arith.constant 5 : i32
        %parallel_loop3A_475 = arith.addi %parallel_loop3A_111, %parallel_loop3A_474 : i32
        %parallel_loop3A_476 = arith.index_cast %parallel_loop3A_475 : i32 to index
        %parallel_loop3A_477 = arith.constant 96 : index
        %parallel_loop3A_478 = tpu.vector_load %arg8[%parallel_loop3A_476, %parallel_loop3A_477] {strides = array<i32>} : memref<336x256xf32, #tpu.memory_space<vmem>>, vector<1x16xf32>,
        %parallel_loop3A_479 = vector.shape_cast %parallel_loop3A_478 : vector<1x16xf32> to vector<16xf32>
        %parallel_loop3A_480 = arith.addf %parallel_loop3A_473, %parallel_loop3A_479 : vector<16xf32>
        %parallel_loop3A_481 = arith.constant 6 : i32
        %parallel_loop3A_482 = arith.addi %parallel_loop3A_111, %parallel_loop3A_481 : i32
        %parallel_loop3A_483 = arith.index_cast %parallel_loop3A_482 : i32 to index
        %parallel_loop3A_484 = arith.constant 96 : index
        %parallel_loop3A_485 = tpu.vector_load %arg8[%parallel_loop3A_483, %parallel_loop3A_484] {strides = array<i32>} : memref<336x256xf32, #tpu.memory_space<vmem>>, vector<1x16xf32>,
        %parallel_loop3A_486 = vector.shape_cast %parallel_loop3A_485 : vector<1x16xf32> to vector<16xf32>
        %parallel_loop3A_487 = arith.addf %parallel_loop3A_480, %parallel_loop3A_486 : vector<16xf32>
        %parallel_loop3A_488 = arith.constant 0.142857149 : f32
        %parallel_loop3A_489 = vector.broadcast %parallel_loop3A_488 : f32 to vector<16xf32>
        %parallel_loop3A_490 = arith.mulf %parallel_loop3A_487, %parallel_loop3A_489 : vector<16xf32>
        %parallel_loop3A_491 = arith.addi %mul3A_92, %parallel_loop3A_108 : i32
        %parallel_loop3A_492 = arith.index_cast %parallel_loop3A_491 : i32 to index
        %parallel_loop3A_493 = arith.constant 96 : index
        %parallel_loop3A_494 = tpu.vector_load %arg9[%parallel_loop3A_492, %parallel_loop3A_493] {strides = array<i32>} : memref<32x256xf32, #tpu.memory_space<vmem>>, vector<1x16xf32>,
        %parallel_loop3A_495 = vector.shape_cast %parallel_loop3A_494 : vector<1x16xf32> to vector<16xf32>
        %parallel_loop3A_496 = vector.shape_cast %parallel_loop3A_490 : vector<16xf32> to vector<1x16xf32>
        tpu.vector_store %arg9[%parallel_loop3A_492, %parallel_loop3A_493], %parallel_loop3A_496 {strides = array<i32>} : memref<32x256xf32, #tpu.memory_space<vmem>>, vector<1x16xf32>,
        %parallel_loop3A_497 = arith.index_cast %parallel_loop3A_111 : i32 to index
        %parallel_loop3A_498 = arith.constant 112 : index
        %parallel_loop3A_499 = tpu.vector_load %arg8[%parallel_loop3A_497, %parallel_loop3A_498] {strides = array<i32>} : memref<336x256xf32, #tpu.memory_space<vmem>>, vector<1x16xf32>,
        %parallel_loop3A_500 = vector.shape_cast %parallel_loop3A_499 : vector<1x16xf32> to vector<16xf32>
        %parallel_loop3A_501 = arith.constant 1 : i32
        %parallel_loop3A_502 = arith.addi %parallel_loop3A_111, %parallel_loop3A_501 : i32
        %parallel_loop3A_503 = arith.index_cast %parallel_loop3A_502 : i32 to index
        %parallel_loop3A_504 = arith.constant 112 : index
        %parallel_loop3A_505 = tpu.vector_load %arg8[%parallel_loop3A_503, %parallel_loop3A_504] {strides = array<i32>} : memref<336x256xf32, #tpu.memory_space<vmem>>, vector<1x16xf32>,
        %parallel_loop3A_506 = vector.shape_cast %parallel_loop3A_505 : vector<1x16xf32> to vector<16xf32>
        %parallel_loop3A_507 = arith.addf %parallel_loop3A_500, %parallel_loop3A_506 : vector<16xf32>
        %parallel_loop3A_508 = arith.constant 2 : i32
        %parallel_loop3A_509 = arith.addi %parallel_loop3A_111, %parallel_loop3A_508 : i32
        %parallel_loop3A_510 = arith.index_cast %parallel_loop3A_509 : i32 to index
        %parallel_loop3A_511 = arith.constant 112 : index
        %parallel_loop3A_512 = tpu.vector_load %arg8[%parallel_loop3A_510, %parallel_loop3A_511] {strides = array<i32>} : memref<336x256xf32, #tpu.memory_space<vmem>>, vector<1x16xf32>,
        %parallel_loop3A_513 = vector.shape_cast %parallel_loop3A_512 : vector<1x16xf32> to vector<16xf32>
        %parallel_loop3A_514 = arith.addf %parallel_loop3A_507, %parallel_loop3A_513 : vector<16xf32>
        %parallel_loop3A_515 = arith.constant 3 : i32
        %parallel_loop3A_516 = arith.addi %parallel_loop3A_111, %parallel_loop3A_515 : i32
        %parallel_loop3A_517 = arith.index_cast %parallel_loop3A_516 : i32 to index
        %parallel_loop3A_518 = arith.constant 112 : index
        %parallel_loop3A_519 = tpu.vector_load %arg8[%parallel_loop3A_517, %parallel_loop3A_518] {strides = array<i32>} : memref<336x256xf32, #tpu.memory_space<vmem>>, vector<1x16xf32>,
        %parallel_loop3A_520 = vector.shape_cast %parallel_loop3A_519 : vector<1x16xf32> to vector<16xf32>
        %parallel_loop3A_521 = arith.addf %parallel_loop3A_514, %parallel_loop3A_520 : vector<16xf32>
        %parallel_loop3A_522 = arith.constant 4 : i32
        %parallel_loop3A_523 = arith.addi %parallel_loop3A_111, %parallel_loop3A_522 : i32
        %parallel_loop3A_524 = arith.index_cast %parallel_loop3A_523 : i32 to index
        %parallel_loop3A_525 = arith.constant 112 : index
        %parallel_loop3A_526 = tpu.vector_load %arg8[%parallel_loop3A_524, %parallel_loop3A_525] {strides = array<i32>} : memref<336x256xf32, #tpu.memory_space<vmem>>, vector<1x16xf32>,
        %parallel_loop3A_527 = vector.shape_cast %parallel_loop3A_526 : vector<1x16xf32> to vector<16xf32>
        %parallel_loop3A_528 = arith.addf %parallel_loop3A_521, %parallel_loop3A_527 : vector<16xf32>
        %parallel_loop3A_529 = arith.constant 5 : i32
        %parallel_loop3A_530 = arith.addi %parallel_loop3A_111, %parallel_loop3A_529 : i32
        %parallel_loop3A_531 = arith.index_cast %parallel_loop3A_530 : i32 to index
        %parallel_loop3A_532 = arith.constant 112 : index
        %parallel_loop3A_533 = tpu.vector_load %arg8[%parallel_loop3A_531, %parallel_loop3A_532] {strides = array<i32>} : memref<336x256xf32, #tpu.memory_space<vmem>>, vector<1x16xf32>,
        %parallel_loop3A_534 = vector.shape_cast %parallel_loop3A_533 : vector<1x16xf32> to vector<16xf32>
        %parallel_loop3A_535 = arith.addf %parallel_loop3A_528, %parallel_loop3A_534 : vector<16xf32>
        %parallel_loop3A_536 = arith.constant 6 : i32
        %parallel_loop3A_537 = arith.addi %parallel_loop3A_111, %parallel_loop3A_536 : i32
        %parallel_loop3A_538 = arith.index_cast %parallel_loop3A_537 : i32 to index
        %parallel_loop3A_539 = arith.constant 112 : index
        %parallel_loop3A_540 = tpu.vector_load %arg8[%parallel_loop3A_538, %parallel_loop3A_539] {strides = array<i32>} : memref<336x256xf32, #tpu.memory_space<vmem>>, vector<1x16xf32>,
        %parallel_loop3A_541 = vector.shape_cast %parallel_loop3A_540 : vector<1x16xf32> to vector<16xf32>
        %parallel_loop3A_542 = arith.addf %parallel_loop3A_535, %parallel_loop3A_541 : vector<16xf32>
        %parallel_loop3A_543 = arith.constant 0.142857149 : f32
        %parallel_loop3A_544 = vector.broadcast %parallel_loop3A_543 : f32 to vector<16xf32>
        %parallel_loop3A_545 = arith.mulf %parallel_loop3A_542, %parallel_loop3A_544 : vector<16xf32>
        %parallel_loop3A_546 = arith.addi %mul3A_92, %parallel_loop3A_108 : i32
        %parallel_loop3A_547 = arith.index_cast %parallel_loop3A_546 : i32 to index
        %parallel_loop3A_548 = arith.constant 112 : index
        %parallel_loop3A_549 = tpu.vector_load %arg9[%parallel_loop3A_547, %parallel_loop3A_548] {strides = array<i32>} : memref<32x256xf32, #tpu.memory_space<vmem>>, vector<1x16xf32>,
        %parallel_loop3A_550 = vector.shape_cast %parallel_loop3A_549 : vector<1x16xf32> to vector<16xf32>
        %parallel_loop3A_551 = vector.shape_cast %parallel_loop3A_545 : vector<16xf32> to vector<1x16xf32>
        tpu.vector_store %arg9[%parallel_loop3A_547, %parallel_loop3A_548], %parallel_loop3A_551 {strides = array<i32>} : memref<32x256xf32, #tpu.memory_space<vmem>>, vector<1x16xf32>,
        %parallel_loop3A_552 = arith.index_cast %parallel_loop3A_111 : i32 to index
        %parallel_loop3A_553 = arith.constant 128 : index
        %parallel_loop3A_554 = tpu.vector_load %arg8[%parallel_loop3A_552, %parallel_loop3A_553] {strides = array<i32>} : memref<336x256xf32, #tpu.memory_space<vmem>>, vector<1x16xf32>,
        %parallel_loop3A_555 = vector.shape_cast %parallel_loop3A_554 : vector<1x16xf32> to vector<16xf32>
        %parallel_loop3A_556 = arith.constant 1 : i32
        %parallel_loop3A_557 = arith.addi %parallel_loop3A_111, %parallel_loop3A_556 : i32
        %parallel_loop3A_558 = arith.index_cast %parallel_loop3A_557 : i32 to index
        %parallel_loop3A_559 = arith.constant 128 : index
        %parallel_loop3A_560 = tpu.vector_load %arg8[%parallel_loop3A_558, %parallel_loop3A_559] {strides = array<i32>} : memref<336x256xf32, #tpu.memory_space<vmem>>, vector<1x16xf32>,
        %parallel_loop3A_561 = vector.shape_cast %parallel_loop3A_560 : vector<1x16xf32> to vector<16xf32>
        %parallel_loop3A_562 = arith.addf %parallel_loop3A_555, %parallel_loop3A_561 : vector<16xf32>
        %parallel_loop3A_563 = arith.constant 2 : i32
        %parallel_loop3A_564 = arith.addi %parallel_loop3A_111, %parallel_loop3A_563 : i32
        %parallel_loop3A_565 = arith.index_cast %parallel_loop3A_564 : i32 to index
        %parallel_loop3A_566 = arith.constant 128 : index
        %parallel_loop3A_567 = tpu.vector_load %arg8[%parallel_loop3A_565, %parallel_loop3A_566] {strides = array<i32>} : memref<336x256xf32, #tpu.memory_space<vmem>>, vector<1x16xf32>,
        %parallel_loop3A_568 = vector.shape_cast %parallel_loop3A_567 : vector<1x16xf32> to vector<16xf32>
        %parallel_loop3A_569 = arith.addf %parallel_loop3A_562, %parallel_loop3A_568 : vector<16xf32>
        %parallel_loop3A_570 = arith.constant 3 : i32
        %parallel_loop3A_571 = arith.addi %parallel_loop3A_111, %parallel_loop3A_570 : i32
        %parallel_loop3A_572 = arith.index_cast %parallel_loop3A_571 : i32 to index
        %parallel_loop3A_573 = arith.constant 128 : index
        %parallel_loop3A_574 = tpu.vector_load %arg8[%parallel_loop3A_572, %parallel_loop3A_573] {strides = array<i32>} : memref<336x256xf32, #tpu.memory_space<vmem>>, vector<1x16xf32>,
        %parallel_loop3A_575 = vector.shape_cast %parallel_loop3A_574 : vector<1x16xf32> to vector<16xf32>
        %parallel_loop3A_576 = arith.addf %parallel_loop3A_569, %parallel_loop3A_575 : vector<16xf32>
        %parallel_loop3A_577 = arith.constant 4 : i32
        %parallel_loop3A_578 = arith.addi %parallel_loop3A_111, %parallel_loop3A_577 : i32
        %parallel_loop3A_579 = arith.index_cast %parallel_loop3A_578 : i32 to index
        %parallel_loop3A_580 = arith.constant 128 : index
        %parallel_loop3A_581 = tpu.vector_load %arg8[%parallel_loop3A_579, %parallel_loop3A_580] {strides = array<i32>} : memref<336x256xf32, #tpu.memory_space<vmem>>, vector<1x16xf32>,
        %parallel_loop3A_582 = vector.shape_cast %parallel_loop3A_581 : vector<1x16xf32> to vector<16xf32>
        %parallel_loop3A_583 = arith.addf %parallel_loop3A_576, %parallel_loop3A_582 : vector<16xf32>
        %parallel_loop3A_584 = arith.constant 5 : i32
        %parallel_loop3A_585 = arith.addi %parallel_loop3A_111, %parallel_loop3A_584 : i32
        %parallel_loop3A_586 = arith.index_cast %parallel_loop3A_585 : i32 to index
        %parallel_loop3A_587 = arith.constant 128 : index
        %parallel_loop3A_588 = tpu.vector_load %arg8[%parallel_loop3A_586, %parallel_loop3A_587] {strides = array<i32>} : memref<336x256xf32, #tpu.memory_space<vmem>>, vector<1x16xf32>,
        %parallel_loop3A_589 = vector.shape_cast %parallel_loop3A_588 : vector<1x16xf32> to vector<16xf32>
        %parallel_loop3A_590 = arith.addf %parallel_loop3A_583, %parallel_loop3A_589 : vector<16xf32>
        %parallel_loop3A_591 = arith.constant 6 : i32
        %parallel_loop3A_592 = arith.addi %parallel_loop3A_111, %parallel_loop3A_591 : i32
        %parallel_loop3A_593 = arith.index_cast %parallel_loop3A_592 : i32 to index
        %parallel_loop3A_594 = arith.constant 128 : index
        %parallel_loop3A_595 = tpu.vector_load %arg8[%parallel_loop3A_593, %parallel_loop3A_594] {strides = array<i32>} : memref<336x256xf32, #tpu.memory_space<vmem>>, vector<1x16xf32>,
        %parallel_loop3A_596 = vector.shape_cast %parallel_loop3A_595 : vector<1x16xf32> to vector<16xf32>
        %parallel_loop3A_597 = arith.addf %parallel_loop3A_590, %parallel_loop3A_596 : vector<16xf32>
        %parallel_loop3A_598 = arith.constant 0.142857149 : f32
        %parallel_loop3A_599 = vector.broadcast %parallel_loop3A_598 : f32 to vector<16xf32>
        %parallel_loop3A_600 = arith.mulf %parallel_loop3A_597, %parallel_loop3A_599 : vector<16xf32>
        %parallel_loop3A_601 = arith.addi %mul3A_92, %parallel_loop3A_108 : i32
        %parallel_loop3A_602 = arith.index_cast %parallel_loop3A_601 : i32 to index
        %parallel_loop3A_603 = arith.constant 128 : index
        %parallel_loop3A_604 = tpu.vector_load %arg9[%parallel_loop3A_602, %parallel_loop3A_603] {strides = array<i32>} : memref<32x256xf32, #tpu.memory_space<vmem>>, vector<1x16xf32>,
        %parallel_loop3A_605 = vector.shape_cast %parallel_loop3A_604 : vector<1x16xf32> to vector<16xf32>
        %parallel_loop3A_606 = vector.shape_cast %parallel_loop3A_600 : vector<16xf32> to vector<1x16xf32>
        tpu.vector_store %arg9[%parallel_loop3A_602, %parallel_loop3A_603], %parallel_loop3A_606 {strides = array<i32>} : memref<32x256xf32, #tpu.memory_space<vmem>>, vector<1x16xf32>,
        %parallel_loop3A_607 = arith.index_cast %parallel_loop3A_111 : i32 to index
        %parallel_loop3A_608 = arith.constant 144 : index
        %parallel_loop3A_609 = tpu.vector_load %arg8[%parallel_loop3A_607, %parallel_loop3A_608] {strides = array<i32>} : memref<336x256xf32, #tpu.memory_space<vmem>>, vector<1x16xf32>,
        %parallel_loop3A_610 = vector.shape_cast %parallel_loop3A_609 : vector<1x16xf32> to vector<16xf32>
        %parallel_loop3A_611 = arith.constant 1 : i32
        %parallel_loop3A_612 = arith.addi %parallel_loop3A_111, %parallel_loop3A_611 : i32
        %parallel_loop3A_613 = arith.index_cast %parallel_loop3A_612 : i32 to index
        %parallel_loop3A_614 = arith.constant 144 : index
        %parallel_loop3A_615 = tpu.vector_load %arg8[%parallel_loop3A_613, %parallel_loop3A_614] {strides = array<i32>} : memref<336x256xf32, #tpu.memory_space<vmem>>, vector<1x16xf32>,
        %parallel_loop3A_616 = vector.shape_cast %parallel_loop3A_615 : vector<1x16xf32> to vector<16xf32>
        %parallel_loop3A_617 = arith.addf %parallel_loop3A_610, %parallel_loop3A_616 : vector<16xf32>
        %parallel_loop3A_618 = arith.constant 2 : i32
        %parallel_loop3A_619 = arith.addi %parallel_loop3A_111, %parallel_loop3A_618 : i32
        %parallel_loop3A_620 = arith.index_cast %parallel_loop3A_619 : i32 to index
        %parallel_loop3A_621 = arith.constant 144 : index
        %parallel_loop3A_622 = tpu.vector_load %arg8[%parallel_loop3A_620, %parallel_loop3A_621] {strides = array<i32>} : memref<336x256xf32, #tpu.memory_space<vmem>>, vector<1x16xf32>,
        %parallel_loop3A_623 = vector.shape_cast %parallel_loop3A_622 : vector<1x16xf32> to vector<16xf32>
        %parallel_loop3A_624 = arith.addf %parallel_loop3A_617, %parallel_loop3A_623 : vector<16xf32>
        %parallel_loop3A_625 = arith.constant 3 : i32
        %parallel_loop3A_626 = arith.addi %parallel_loop3A_111, %parallel_loop3A_625 : i32
        %parallel_loop3A_627 = arith.index_cast %parallel_loop3A_626 : i32 to index
        %parallel_loop3A_628 = arith.constant 144 : index
        %parallel_loop3A_629 = tpu.vector_load %arg8[%parallel_loop3A_627, %parallel_loop3A_628] {strides = array<i32>} : memref<336x256xf32, #tpu.memory_space<vmem>>, vector<1x16xf32>,
        %parallel_loop3A_630 = vector.shape_cast %parallel_loop3A_629 : vector<1x16xf32> to vector<16xf32>
        %parallel_loop3A_631 = arith.addf %parallel_loop3A_624, %parallel_loop3A_630 : vector<16xf32>
        %parallel_loop3A_632 = arith.constant 4 : i32
        %parallel_loop3A_633 = arith.addi %parallel_loop3A_111, %parallel_loop3A_632 : i32
        %parallel_loop3A_634 = arith.index_cast %parallel_loop3A_633 : i32 to index
        %parallel_loop3A_635 = arith.constant 144 : index
        %parallel_loop3A_636 = tpu.vector_load %arg8[%parallel_loop3A_634, %parallel_loop3A_635] {strides = array<i32>} : memref<336x256xf32, #tpu.memory_space<vmem>>, vector<1x16xf32>,
        %parallel_loop3A_637 = vector.shape_cast %parallel_loop3A_636 : vector<1x16xf32> to vector<16xf32>
        %parallel_loop3A_638 = arith.addf %parallel_loop3A_631, %parallel_loop3A_637 : vector<16xf32>
        %parallel_loop3A_639 = arith.constant 5 : i32
        %parallel_loop3A_640 = arith.addi %parallel_loop3A_111, %parallel_loop3A_639 : i32
        %parallel_loop3A_641 = arith.index_cast %parallel_loop3A_640 : i32 to index
        %parallel_loop3A_642 = arith.constant 144 : index
        %parallel_loop3A_643 = tpu.vector_load %arg8[%parallel_loop3A_641, %parallel_loop3A_642] {strides = array<i32>} : memref<336x256xf32, #tpu.memory_space<vmem>>, vector<1x16xf32>,
        %parallel_loop3A_644 = vector.shape_cast %parallel_loop3A_643 : vector<1x16xf32> to vector<16xf32>
        %parallel_loop3A_645 = arith.addf %parallel_loop3A_638, %parallel_loop3A_644 : vector<16xf32>
        %parallel_loop3A_646 = arith.constant 6 : i32
        %parallel_loop3A_647 = arith.addi %parallel_loop3A_111, %parallel_loop3A_646 : i32
        %parallel_loop3A_648 = arith.index_cast %parallel_loop3A_647 : i32 to index
        %parallel_loop3A_649 = arith.constant 144 : index
        %parallel_loop3A_650 = tpu.vector_load %arg8[%parallel_loop3A_648, %parallel_loop3A_649] {strides = array<i32>} : memref<336x256xf32, #tpu.memory_space<vmem>>, vector<1x16xf32>,
        %parallel_loop3A_651 = vector.shape_cast %parallel_loop3A_650 : vector<1x16xf32> to vector<16xf32>
        %parallel_loop3A_652 = arith.addf %parallel_loop3A_645, %parallel_loop3A_651 : vector<16xf32>
        %parallel_loop3A_653 = arith.constant 0.142857149 : f32
        %parallel_loop3A_654 = vector.broadcast %parallel_loop3A_653 : f32 to vector<16xf32>
        %parallel_loop3A_655 = arith.mulf %parallel_loop3A_652, %parallel_loop3A_654 : vector<16xf32>
        %parallel_loop3A_656 = arith.addi %mul3A_92, %parallel_loop3A_108 : i32
        %parallel_loop3A_657 = arith.index_cast %parallel_loop3A_656 : i32 to index
        %parallel_loop3A_658 = arith.constant 144 : index
        %parallel_loop3A_659 = tpu.vector_load %arg9[%parallel_loop3A_657, %parallel_loop3A_658] {strides = array<i32>} : memref<32x256xf32, #tpu.memory_space<vmem>>, vector<1x16xf32>,
        %parallel_loop3A_660 = vector.shape_cast %parallel_loop3A_659 : vector<1x16xf32> to vector<16xf32>
        %parallel_loop3A_661 = vector.shape_cast %parallel_loop3A_655 : vector<16xf32> to vector<1x16xf32>
        tpu.vector_store %arg9[%parallel_loop3A_657, %parallel_loop3A_658], %parallel_loop3A_661 {strides = array<i32>} : memref<32x256xf32, #tpu.memory_space<vmem>>, vector<1x16xf32>,
        %parallel_loop3A_662 = arith.index_cast %parallel_loop3A_111 : i32 to index
        %parallel_loop3A_663 = arith.constant 160 : index
        %parallel_loop3A_664 = tpu.vector_load %arg8[%parallel_loop3A_662, %parallel_loop3A_663] {strides = array<i32>} : memref<336x256xf32, #tpu.memory_space<vmem>>, vector<1x16xf32>,
        %parallel_loop3A_665 = vector.shape_cast %parallel_loop3A_664 : vector<1x16xf32> to vector<16xf32>
        %parallel_loop3A_666 = arith.constant 1 : i32
        %parallel_loop3A_667 = arith.addi %parallel_loop3A_111, %parallel_loop3A_666 : i32
        %parallel_loop3A_668 = arith.index_cast %parallel_loop3A_667 : i32 to index
        %parallel_loop3A_669 = arith.constant 160 : index
        %parallel_loop3A_670 = tpu.vector_load %arg8[%parallel_loop3A_668, %parallel_loop3A_669] {strides = array<i32>} : memref<336x256xf32, #tpu.memory_space<vmem>>, vector<1x16xf32>,
        %parallel_loop3A_671 = vector.shape_cast %parallel_loop3A_670 : vector<1x16xf32> to vector<16xf32>
        %parallel_loop3A_672 = arith.addf %parallel_loop3A_665, %parallel_loop3A_671 : vector<16xf32>
        %parallel_loop3A_673 = arith.constant 2 : i32
        %parallel_loop3A_674 = arith.addi %parallel_loop3A_111, %parallel_loop3A_673 : i32
        %parallel_loop3A_675 = arith.index_cast %parallel_loop3A_674 : i32 to index
        %parallel_loop3A_676 = arith.constant 160 : index
        %parallel_loop3A_677 = tpu.vector_load %arg8[%parallel_loop3A_675, %parallel_loop3A_676] {strides = array<i32>} : memref<336x256xf32, #tpu.memory_space<vmem>>, vector<1x16xf32>,
        %parallel_loop3A_678 = vector.shape_cast %parallel_loop3A_677 : vector<1x16xf32> to vector<16xf32>
        %parallel_loop3A_679 = arith.addf %parallel_loop3A_672, %parallel_loop3A_678 : vector<16xf32>
        %parallel_loop3A_680 = arith.constant 3 : i32
        %parallel_loop3A_681 = arith.addi %parallel_loop3A_111, %parallel_loop3A_680 : i32
        %parallel_loop3A_682 = arith.index_cast %parallel_loop3A_681 : i32 to index
        %parallel_loop3A_683 = arith.constant 160 : index
        %parallel_loop3A_684 = tpu.vector_load %arg8[%parallel_loop3A_682, %parallel_loop3A_683] {strides = array<i32>} : memref<336x256xf32, #tpu.memory_space<vmem>>, vector<1x16xf32>,
        %parallel_loop3A_685 = vector.shape_cast %parallel_loop3A_684 : vector<1x16xf32> to vector<16xf32>
        %parallel_loop3A_686 = arith.addf %parallel_loop3A_679, %parallel_loop3A_685 : vector<16xf32>
        %parallel_loop3A_687 = arith.constant 4 : i32
        %parallel_loop3A_688 = arith.addi %parallel_loop3A_111, %parallel_loop3A_687 : i32
        %parallel_loop3A_689 = arith.index_cast %parallel_loop3A_688 : i32 to index
        %parallel_loop3A_690 = arith.constant 160 : index
        %parallel_loop3A_691 = tpu.vector_load %arg8[%parallel_loop3A_689, %parallel_loop3A_690] {strides = array<i32>} : memref<336x256xf32, #tpu.memory_space<vmem>>, vector<1x16xf32>,
        %parallel_loop3A_692 = vector.shape_cast %parallel_loop3A_691 : vector<1x16xf32> to vector<16xf32>
        %parallel_loop3A_693 = arith.addf %parallel_loop3A_686, %parallel_loop3A_692 : vector<16xf32>
        %parallel_loop3A_694 = arith.constant 5 : i32
        %parallel_loop3A_695 = arith.addi %parallel_loop3A_111, %parallel_loop3A_694 : i32
        %parallel_loop3A_696 = arith.index_cast %parallel_loop3A_695 : i32 to index
        %parallel_loop3A_697 = arith.constant 160 : index
        %parallel_loop3A_698 = tpu.vector_load %arg8[%parallel_loop3A_696, %parallel_loop3A_697] {strides = array<i32>} : memref<336x256xf32, #tpu.memory_space<vmem>>, vector<1x16xf32>,
        %parallel_loop3A_699 = vector.shape_cast %parallel_loop3A_698 : vector<1x16xf32> to vector<16xf32>
        %parallel_loop3A_700 = arith.addf %parallel_loop3A_693, %parallel_loop3A_699 : vector<16xf32>
        %parallel_loop3A_701 = arith.constant 6 : i32
        %parallel_loop3A_702 = arith.addi %parallel_loop3A_111, %parallel_loop3A_701 : i32
        %parallel_loop3A_703 = arith.index_cast %parallel_loop3A_702 : i32 to index
        %parallel_loop3A_704 = arith.constant 160 : index
        %parallel_loop3A_705 = tpu.vector_load %arg8[%parallel_loop3A_703, %parallel_loop3A_704] {strides = array<i32>} : memref<336x256xf32, #tpu.memory_space<vmem>>, vector<1x16xf32>,
        %parallel_loop3A_706 = vector.shape_cast %parallel_loop3A_705 : vector<1x16xf32> to vector<16xf32>
        %parallel_loop3A_707 = arith.addf %parallel_loop3A_700, %parallel_loop3A_706 : vector<16xf32>
        %parallel_loop3A_708 = arith.constant 0.142857149 : f32
        %parallel_loop3A_709 = vector.broadcast %parallel_loop3A_708 : f32 to vector<16xf32>
        %parallel_loop3A_710 = arith.mulf %parallel_loop3A_707, %parallel_loop3A_709 : vector<16xf32>
        %parallel_loop3A_711 = arith.addi %mul3A_92, %parallel_loop3A_108 : i32
        %parallel_loop3A_712 = arith.index_cast %parallel_loop3A_711 : i32 to index
        %parallel_loop3A_713 = arith.constant 160 : index
        %parallel_loop3A_714 = tpu.vector_load %arg9[%parallel_loop3A_712, %parallel_loop3A_713] {strides = array<i32>} : memref<32x256xf32, #tpu.memory_space<vmem>>, vector<1x16xf32>,
        %parallel_loop3A_715 = vector.shape_cast %parallel_loop3A_714 : vector<1x16xf32> to vector<16xf32>
        %parallel_loop3A_716 = vector.shape_cast %parallel_loop3A_710 : vector<16xf32> to vector<1x16xf32>
        tpu.vector_store %arg9[%parallel_loop3A_712, %parallel_loop3A_713], %parallel_loop3A_716 {strides = array<i32>} : memref<32x256xf32, #tpu.memory_space<vmem>>, vector<1x16xf32>,
        %parallel_loop3A_717 = arith.index_cast %parallel_loop3A_111 : i32 to index
        %parallel_loop3A_718 = arith.constant 176 : index
        %parallel_loop3A_719 = tpu.vector_load %arg8[%parallel_loop3A_717, %parallel_loop3A_718] {strides = array<i32>} : memref<336x256xf32, #tpu.memory_space<vmem>>, vector<1x16xf32>,
        %parallel_loop3A_720 = vector.shape_cast %parallel_loop3A_719 : vector<1x16xf32> to vector<16xf32>
        %parallel_loop3A_721 = arith.constant 1 : i32
        %parallel_loop3A_722 = arith.addi %parallel_loop3A_111, %parallel_loop3A_721 : i32
        %parallel_loop3A_723 = arith.index_cast %parallel_loop3A_722 : i32 to index
        %parallel_loop3A_724 = arith.constant 176 : index
        %parallel_loop3A_725 = tpu.vector_load %arg8[%parallel_loop3A_723, %parallel_loop3A_724] {strides = array<i32>} : memref<336x256xf32, #tpu.memory_space<vmem>>, vector<1x16xf32>,
        %parallel_loop3A_726 = vector.shape_cast %parallel_loop3A_725 : vector<1x16xf32> to vector<16xf32>
        %parallel_loop3A_727 = arith.addf %parallel_loop3A_720, %parallel_loop3A_726 : vector<16xf32>
        %parallel_loop3A_728 = arith.constant 2 : i32
        %parallel_loop3A_729 = arith.addi %parallel_loop3A_111, %parallel_loop3A_728 : i32
        %parallel_loop3A_730 = arith.index_cast %parallel_loop3A_729 : i32 to index
        %parallel_loop3A_731 = arith.constant 176 : index
        %parallel_loop3A_732 = tpu.vector_load %arg8[%parallel_loop3A_730, %parallel_loop3A_731] {strides = array<i32>} : memref<336x256xf32, #tpu.memory_space<vmem>>, vector<1x16xf32>,
        %parallel_loop3A_733 = vector.shape_cast %parallel_loop3A_732 : vector<1x16xf32> to vector<16xf32>
        %parallel_loop3A_734 = arith.addf %parallel_loop3A_727, %parallel_loop3A_733 : vector<16xf32>
        %parallel_loop3A_735 = arith.constant 3 : i32
        %parallel_loop3A_736 = arith.addi %parallel_loop3A_111, %parallel_loop3A_735 : i32
        %parallel_loop3A_737 = arith.index_cast %parallel_loop3A_736 : i32 to index
        %parallel_loop3A_738 = arith.constant 176 : index
        %parallel_loop3A_739 = tpu.vector_load %arg8[%parallel_loop3A_737, %parallel_loop3A_738] {strides = array<i32>} : memref<336x256xf32, #tpu.memory_space<vmem>>, vector<1x16xf32>,
        %parallel_loop3A_740 = vector.shape_cast %parallel_loop3A_739 : vector<1x16xf32> to vector<16xf32>
        %parallel_loop3A_741 = arith.addf %parallel_loop3A_734, %parallel_loop3A_740 : vector<16xf32>
        %parallel_loop3A_742 = arith.constant 4 : i32
        %parallel_loop3A_743 = arith.addi %parallel_loop3A_111, %parallel_loop3A_742 : i32
        %parallel_loop3A_744 = arith.index_cast %parallel_loop3A_743 : i32 to index
        %parallel_loop3A_745 = arith.constant 176 : index
        %parallel_loop3A_746 = tpu.vector_load %arg8[%parallel_loop3A_744, %parallel_loop3A_745] {strides = array<i32>} : memref<336x256xf32, #tpu.memory_space<vmem>>, vector<1x16xf32>,
        %parallel_loop3A_747 = vector.shape_cast %parallel_loop3A_746 : vector<1x16xf32> to vector<16xf32>
        %parallel_loop3A_748 = arith.addf %parallel_loop3A_741, %parallel_loop3A_747 : vector<16xf32>
        %parallel_loop3A_749 = arith.constant 5 : i32
        %parallel_loop3A_750 = arith.addi %parallel_loop3A_111, %parallel_loop3A_749 : i32
        %parallel_loop3A_751 = arith.index_cast %parallel_loop3A_750 : i32 to index
        %parallel_loop3A_752 = arith.constant 176 : index
        %parallel_loop3A_753 = tpu.vector_load %arg8[%parallel_loop3A_751, %parallel_loop3A_752] {strides = array<i32>} : memref<336x256xf32, #tpu.memory_space<vmem>>, vector<1x16xf32>,
        %parallel_loop3A_754 = vector.shape_cast %parallel_loop3A_753 : vector<1x16xf32> to vector<16xf32>
        %parallel_loop3A_755 = arith.addf %parallel_loop3A_748, %parallel_loop3A_754 : vector<16xf32>
        %parallel_loop3A_756 = arith.constant 6 : i32
        %parallel_loop3A_757 = arith.addi %parallel_loop3A_111, %parallel_loop3A_756 : i32
        %parallel_loop3A_758 = arith.index_cast %parallel_loop3A_757 : i32 to index
        %parallel_loop3A_759 = arith.constant 176 : index
        %parallel_loop3A_760 = tpu.vector_load %arg8[%parallel_loop3A_758, %parallel_loop3A_759] {strides = array<i32>} : memref<336x256xf32, #tpu.memory_space<vmem>>, vector<1x16xf32>,
        %parallel_loop3A_761 = vector.shape_cast %parallel_loop3A_760 : vector<1x16xf32> to vector<16xf32>
        %parallel_loop3A_762 = arith.addf %parallel_loop3A_755, %parallel_loop3A_761 : vector<16xf32>
        %parallel_loop3A_763 = arith.constant 0.142857149 : f32
        %parallel_loop3A_764 = vector.broadcast %parallel_loop3A_763 : f32 to vector<16xf32>
        %parallel_loop3A_765 = arith.mulf %parallel_loop3A_762, %parallel_loop3A_764 : vector<16xf32>
        %parallel_loop3A_766 = arith.addi %mul3A_92, %parallel_loop3A_108 : i32
        %parallel_loop3A_767 = arith.index_cast %parallel_loop3A_766 : i32 to index
        %parallel_loop3A_768 = arith.constant 176 : index
        %parallel_loop3A_769 = tpu.vector_load %arg9[%parallel_loop3A_767, %parallel_loop3A_768] {strides = array<i32>} : memref<32x256xf32, #tpu.memory_space<vmem>>, vector<1x16xf32>,
        %parallel_loop3A_770 = vector.shape_cast %parallel_loop3A_769 : vector<1x16xf32> to vector<16xf32>
        %parallel_loop3A_771 = vector.shape_cast %parallel_loop3A_765 : vector<16xf32> to vector<1x16xf32>
        tpu.vector_store %arg9[%parallel_loop3A_767, %parallel_loop3A_768], %parallel_loop3A_771 {strides = array<i32>} : memref<32x256xf32, #tpu.memory_space<vmem>>, vector<1x16xf32>,
        %parallel_loop3A_772 = arith.index_cast %parallel_loop3A_111 : i32 to index
        %parallel_loop3A_773 = arith.constant 192 : index
        %parallel_loop3A_774 = tpu.vector_load %arg8[%parallel_loop3A_772, %parallel_loop3A_773] {strides = array<i32>} : memref<336x256xf32, #tpu.memory_space<vmem>>, vector<1x16xf32>,
        %parallel_loop3A_775 = vector.shape_cast %parallel_loop3A_774 : vector<1x16xf32> to vector<16xf32>
        %parallel_loop3A_776 = arith.constant 1 : i32
        %parallel_loop3A_777 = arith.addi %parallel_loop3A_111, %parallel_loop3A_776 : i32
        %parallel_loop3A_778 = arith.index_cast %parallel_loop3A_777 : i32 to index
        %parallel_loop3A_779 = arith.constant 192 : index
        %parallel_loop3A_780 = tpu.vector_load %arg8[%parallel_loop3A_778, %parallel_loop3A_779] {strides = array<i32>} : memref<336x256xf32, #tpu.memory_space<vmem>>, vector<1x16xf32>,
        %parallel_loop3A_781 = vector.shape_cast %parallel_loop3A_780 : vector<1x16xf32> to vector<16xf32>
        %parallel_loop3A_782 = arith.addf %parallel_loop3A_775, %parallel_loop3A_781 : vector<16xf32>
        %parallel_loop3A_783 = arith.constant 2 : i32
        %parallel_loop3A_784 = arith.addi %parallel_loop3A_111, %parallel_loop3A_783 : i32
        %parallel_loop3A_785 = arith.index_cast %parallel_loop3A_784 : i32 to index
        %parallel_loop3A_786 = arith.constant 192 : index
        %parallel_loop3A_787 = tpu.vector_load %arg8[%parallel_loop3A_785, %parallel_loop3A_786] {strides = array<i32>} : memref<336x256xf32, #tpu.memory_space<vmem>>, vector<1x16xf32>,
        %parallel_loop3A_788 = vector.shape_cast %parallel_loop3A_787 : vector<1x16xf32> to vector<16xf32>
        %parallel_loop3A_789 = arith.addf %parallel_loop3A_782, %parallel_loop3A_788 : vector<16xf32>
        %parallel_loop3A_790 = arith.constant 3 : i32
        %parallel_loop3A_791 = arith.addi %parallel_loop3A_111, %parallel_loop3A_790 : i32
        %parallel_loop3A_792 = arith.index_cast %parallel_loop3A_791 : i32 to index
        %parallel_loop3A_793 = arith.constant 192 : index
        %parallel_loop3A_794 = tpu.vector_load %arg8[%parallel_loop3A_792, %parallel_loop3A_793] {strides = array<i32>} : memref<336x256xf32, #tpu.memory_space<vmem>>, vector<1x16xf32>,
        %parallel_loop3A_795 = vector.shape_cast %parallel_loop3A_794 : vector<1x16xf32> to vector<16xf32>
        %parallel_loop3A_796 = arith.addf %parallel_loop3A_789, %parallel_loop3A_795 : vector<16xf32>
        %parallel_loop3A_797 = arith.constant 4 : i32
        %parallel_loop3A_798 = arith.addi %parallel_loop3A_111, %parallel_loop3A_797 : i32
        %parallel_loop3A_799 = arith.index_cast %parallel_loop3A_798 : i32 to index
        %parallel_loop3A_800 = arith.constant 192 : index
        %parallel_loop3A_801 = tpu.vector_load %arg8[%parallel_loop3A_799, %parallel_loop3A_800] {strides = array<i32>} : memref<336x256xf32, #tpu.memory_space<vmem>>, vector<1x16xf32>,
        %parallel_loop3A_802 = vector.shape_cast %parallel_loop3A_801 : vector<1x16xf32> to vector<16xf32>
        %parallel_loop3A_803 = arith.addf %parallel_loop3A_796, %parallel_loop3A_802 : vector<16xf32>
        %parallel_loop3A_804 = arith.constant 5 : i32
        %parallel_loop3A_805 = arith.addi %parallel_loop3A_111, %parallel_loop3A_804 : i32
        %parallel_loop3A_806 = arith.index_cast %parallel_loop3A_805 : i32 to index
        %parallel_loop3A_807 = arith.constant 192 : index
        %parallel_loop3A_808 = tpu.vector_load %arg8[%parallel_loop3A_806, %parallel_loop3A_807] {strides = array<i32>} : memref<336x256xf32, #tpu.memory_space<vmem>>, vector<1x16xf32>,
        %parallel_loop3A_809 = vector.shape_cast %parallel_loop3A_808 : vector<1x16xf32> to vector<16xf32>
        %parallel_loop3A_810 = arith.addf %parallel_loop3A_803, %parallel_loop3A_809 : vector<16xf32>
        %parallel_loop3A_811 = arith.constant 6 : i32
        %parallel_loop3A_812 = arith.addi %parallel_loop3A_111, %parallel_loop3A_811 : i32
        %parallel_loop3A_813 = arith.index_cast %parallel_loop3A_812 : i32 to index
        %parallel_loop3A_814 = arith.constant 192 : index
        %parallel_loop3A_815 = tpu.vector_load %arg8[%parallel_loop3A_813, %parallel_loop3A_814] {strides = array<i32>} : memref<336x256xf32, #tpu.memory_space<vmem>>, vector<1x16xf32>,
        %parallel_loop3A_816 = vector.shape_cast %parallel_loop3A_815 : vector<1x16xf32> to vector<16xf32>
        %parallel_loop3A_817 = arith.addf %parallel_loop3A_810, %parallel_loop3A_816 : vector<16xf32>
        %parallel_loop3A_818 = arith.constant 0.142857149 : f32
        %parallel_loop3A_819 = vector.broadcast %parallel_loop3A_818 : f32 to vector<16xf32>
        %parallel_loop3A_820 = arith.mulf %parallel_loop3A_817, %parallel_loop3A_819 : vector<16xf32>
        %parallel_loop3A_821 = arith.addi %mul3A_92, %parallel_loop3A_108 : i32
        %parallel_loop3A_822 = arith.index_cast %parallel_loop3A_821 : i32 to index
        %parallel_loop3A_823 = arith.constant 192 : index
        %parallel_loop3A_824 = tpu.vector_load %arg9[%parallel_loop3A_822, %parallel_loop3A_823] {strides = array<i32>} : memref<32x256xf32, #tpu.memory_space<vmem>>, vector<1x16xf32>,
        %parallel_loop3A_825 = vector.shape_cast %parallel_loop3A_824 : vector<1x16xf32> to vector<16xf32>
        %parallel_loop3A_826 = vector.shape_cast %parallel_loop3A_820 : vector<16xf32> to vector<1x16xf32>
        tpu.vector_store %arg9[%parallel_loop3A_822, %parallel_loop3A_823], %parallel_loop3A_826 {strides = array<i32>} : memref<32x256xf32, #tpu.memory_space<vmem>>, vector<1x16xf32>,
        %parallel_loop3A_827 = arith.index_cast %parallel_loop3A_111 : i32 to index
        %parallel_loop3A_828 = arith.constant 208 : index
        %parallel_loop3A_829 = tpu.vector_load %arg8[%parallel_loop3A_827, %parallel_loop3A_828] {strides = array<i32>} : memref<336x256xf32, #tpu.memory_space<vmem>>, vector<1x16xf32>,
        %parallel_loop3A_830 = vector.shape_cast %parallel_loop3A_829 : vector<1x16xf32> to vector<16xf32>
        %parallel_loop3A_831 = arith.constant 1 : i32
        %parallel_loop3A_832 = arith.addi %parallel_loop3A_111, %parallel_loop3A_831 : i32
        %parallel_loop3A_833 = arith.index_cast %parallel_loop3A_832 : i32 to index
        %parallel_loop3A_834 = arith.constant 208 : index
        %parallel_loop3A_835 = tpu.vector_load %arg8[%parallel_loop3A_833, %parallel_loop3A_834] {strides = array<i32>} : memref<336x256xf32, #tpu.memory_space<vmem>>, vector<1x16xf32>,
        %parallel_loop3A_836 = vector.shape_cast %parallel_loop3A_835 : vector<1x16xf32> to vector<16xf32>
        %parallel_loop3A_837 = arith.addf %parallel_loop3A_830, %parallel_loop3A_836 : vector<16xf32>
        %parallel_loop3A_838 = arith.constant 2 : i32
        %parallel_loop3A_839 = arith.addi %parallel_loop3A_111, %parallel_loop3A_838 : i32
        %parallel_loop3A_840 = arith.index_cast %parallel_loop3A_839 : i32 to index
        %parallel_loop3A_841 = arith.constant 208 : index
        %parallel_loop3A_842 = tpu.vector_load %arg8[%parallel_loop3A_840, %parallel_loop3A_841] {strides = array<i32>} : memref<336x256xf32, #tpu.memory_space<vmem>>, vector<1x16xf32>,
        %parallel_loop3A_843 = vector.shape_cast %parallel_loop3A_842 : vector<1x16xf32> to vector<16xf32>
        %parallel_loop3A_844 = arith.addf %parallel_loop3A_837, %parallel_loop3A_843 : vector<16xf32>
        %parallel_loop3A_845 = arith.constant 3 : i32
        %parallel_loop3A_846 = arith.addi %parallel_loop3A_111, %parallel_loop3A_845 : i32
        %parallel_loop3A_847 = arith.index_cast %parallel_loop3A_846 : i32 to index
        %parallel_loop3A_848 = arith.constant 208 : index
        %parallel_loop3A_849 = tpu.vector_load %arg8[%parallel_loop3A_847, %parallel_loop3A_848] {strides = array<i32>} : memref<336x256xf32, #tpu.memory_space<vmem>>, vector<1x16xf32>,
        %parallel_loop3A_850 = vector.shape_cast %parallel_loop3A_849 : vector<1x16xf32> to vector<16xf32>
        %parallel_loop3A_851 = arith.addf %parallel_loop3A_844, %parallel_loop3A_850 : vector<16xf32>
        %parallel_loop3A_852 = arith.constant 4 : i32
        %parallel_loop3A_853 = arith.addi %parallel_loop3A_111, %parallel_loop3A_852 : i32
        %parallel_loop3A_854 = arith.index_cast %parallel_loop3A_853 : i32 to index
        %parallel_loop3A_855 = arith.constant 208 : index
        %parallel_loop3A_856 = tpu.vector_load %arg8[%parallel_loop3A_854, %parallel_loop3A_855] {strides = array<i32>} : memref<336x256xf32, #tpu.memory_space<vmem>>, vector<1x16xf32>,
        %parallel_loop3A_857 = vector.shape_cast %parallel_loop3A_856 : vector<1x16xf32> to vector<16xf32>
        %parallel_loop3A_858 = arith.addf %parallel_loop3A_851, %parallel_loop3A_857 : vector<16xf32>
        %parallel_loop3A_859 = arith.constant 5 : i32
        %parallel_loop3A_860 = arith.addi %parallel_loop3A_111, %parallel_loop3A_859 : i32
        %parallel_loop3A_861 = arith.index_cast %parallel_loop3A_860 : i32 to index
        %parallel_loop3A_862 = arith.constant 208 : index
        %parallel_loop3A_863 = tpu.vector_load %arg8[%parallel_loop3A_861, %parallel_loop3A_862] {strides = array<i32>} : memref<336x256xf32, #tpu.memory_space<vmem>>, vector<1x16xf32>,
        %parallel_loop3A_864 = vector.shape_cast %parallel_loop3A_863 : vector<1x16xf32> to vector<16xf32>
        %parallel_loop3A_865 = arith.addf %parallel_loop3A_858, %parallel_loop3A_864 : vector<16xf32>
        %parallel_loop3A_866 = arith.constant 6 : i32
        %parallel_loop3A_867 = arith.addi %parallel_loop3A_111, %parallel_loop3A_866 : i32
        %parallel_loop3A_868 = arith.index_cast %parallel_loop3A_867 : i32 to index
        %parallel_loop3A_869 = arith.constant 208 : index
        %parallel_loop3A_870 = tpu.vector_load %arg8[%parallel_loop3A_868, %parallel_loop3A_869] {strides = array<i32>} : memref<336x256xf32, #tpu.memory_space<vmem>>, vector<1x16xf32>,
        %parallel_loop3A_871 = vector.shape_cast %parallel_loop3A_870 : vector<1x16xf32> to vector<16xf32>
        %parallel_loop3A_872 = arith.addf %parallel_loop3A_865, %parallel_loop3A_871 : vector<16xf32>
        %parallel_loop3A_873 = arith.constant 0.142857149 : f32
        %parallel_loop3A_874 = vector.broadcast %parallel_loop3A_873 : f32 to vector<16xf32>
        %parallel_loop3A_875 = arith.mulf %parallel_loop3A_872, %parallel_loop3A_874 : vector<16xf32>
        %parallel_loop3A_876 = arith.addi %mul3A_92, %parallel_loop3A_108 : i32
        %parallel_loop3A_877 = arith.index_cast %parallel_loop3A_876 : i32 to index
        %parallel_loop3A_878 = arith.constant 208 : index
        %parallel_loop3A_879 = tpu.vector_load %arg9[%parallel_loop3A_877, %parallel_loop3A_878] {strides = array<i32>} : memref<32x256xf32, #tpu.memory_space<vmem>>, vector<1x16xf32>,
        %parallel_loop3A_880 = vector.shape_cast %parallel_loop3A_879 : vector<1x16xf32> to vector<16xf32>
        %parallel_loop3A_881 = vector.shape_cast %parallel_loop3A_875 : vector<16xf32> to vector<1x16xf32>
        tpu.vector_store %arg9[%parallel_loop3A_877, %parallel_loop3A_878], %parallel_loop3A_881 {strides = array<i32>} : memref<32x256xf32, #tpu.memory_space<vmem>>, vector<1x16xf32>,
        %parallel_loop3A_882 = arith.index_cast %parallel_loop3A_111 : i32 to index
        %parallel_loop3A_883 = arith.constant 224 : index
        %parallel_loop3A_884 = tpu.vector_load %arg8[%parallel_loop3A_882, %parallel_loop3A_883] {strides = array<i32>} : memref<336x256xf32, #tpu.memory_space<vmem>>, vector<1x16xf32>,
        %parallel_loop3A_885 = vector.shape_cast %parallel_loop3A_884 : vector<1x16xf32> to vector<16xf32>
        %parallel_loop3A_886 = arith.constant 1 : i32
        %parallel_loop3A_887 = arith.addi %parallel_loop3A_111, %parallel_loop3A_886 : i32
        %parallel_loop3A_888 = arith.index_cast %parallel_loop3A_887 : i32 to index
        %parallel_loop3A_889 = arith.constant 224 : index
        %parallel_loop3A_890 = tpu.vector_load %arg8[%parallel_loop3A_888, %parallel_loop3A_889] {strides = array<i32>} : memref<336x256xf32, #tpu.memory_space<vmem>>, vector<1x16xf32>,
        %parallel_loop3A_891 = vector.shape_cast %parallel_loop3A_890 : vector<1x16xf32> to vector<16xf32>
        %parallel_loop3A_892 = arith.addf %parallel_loop3A_885, %parallel_loop3A_891 : vector<16xf32>
        %parallel_loop3A_893 = arith.constant 2 : i32
        %parallel_loop3A_894 = arith.addi %parallel_loop3A_111, %parallel_loop3A_893 : i32
        %parallel_loop3A_895 = arith.index_cast %parallel_loop3A_894 : i32 to index
        %parallel_loop3A_896 = arith.constant 224 : index
        %parallel_loop3A_897 = tpu.vector_load %arg8[%parallel_loop3A_895, %parallel_loop3A_896] {strides = array<i32>} : memref<336x256xf32, #tpu.memory_space<vmem>>, vector<1x16xf32>,
        %parallel_loop3A_898 = vector.shape_cast %parallel_loop3A_897 : vector<1x16xf32> to vector<16xf32>
        %parallel_loop3A_899 = arith.addf %parallel_loop3A_892, %parallel_loop3A_898 : vector<16xf32>
        %parallel_loop3A_900 = arith.constant 3 : i32
        %parallel_loop3A_901 = arith.addi %parallel_loop3A_111, %parallel_loop3A_900 : i32
        %parallel_loop3A_902 = arith.index_cast %parallel_loop3A_901 : i32 to index
        %parallel_loop3A_903 = arith.constant 224 : index
        %parallel_loop3A_904 = tpu.vector_load %arg8[%parallel_loop3A_902, %parallel_loop3A_903] {strides = array<i32>} : memref<336x256xf32, #tpu.memory_space<vmem>>, vector<1x16xf32>,
        %parallel_loop3A_905 = vector.shape_cast %parallel_loop3A_904 : vector<1x16xf32> to vector<16xf32>
        %parallel_loop3A_906 = arith.addf %parallel_loop3A_899, %parallel_loop3A_905 : vector<16xf32>
        %parallel_loop3A_907 = arith.constant 4 : i32
        %parallel_loop3A_908 = arith.addi %parallel_loop3A_111, %parallel_loop3A_907 : i32
        %parallel_loop3A_909 = arith.index_cast %parallel_loop3A_908 : i32 to index
        %parallel_loop3A_910 = arith.constant 224 : index
        %parallel_loop3A_911 = tpu.vector_load %arg8[%parallel_loop3A_909, %parallel_loop3A_910] {strides = array<i32>} : memref<336x256xf32, #tpu.memory_space<vmem>>, vector<1x16xf32>,
        %parallel_loop3A_912 = vector.shape_cast %parallel_loop3A_911 : vector<1x16xf32> to vector<16xf32>
        %parallel_loop3A_913 = arith.addf %parallel_loop3A_906, %parallel_loop3A_912 : vector<16xf32>
        %parallel_loop3A_914 = arith.constant 5 : i32
        %parallel_loop3A_915 = arith.addi %parallel_loop3A_111, %parallel_loop3A_914 : i32
        %parallel_loop3A_916 = arith.index_cast %parallel_loop3A_915 : i32 to index
        %parallel_loop3A_917 = arith.constant 224 : index
        %parallel_loop3A_918 = tpu.vector_load %arg8[%parallel_loop3A_916, %parallel_loop3A_917] {strides = array<i32>} : memref<336x256xf32, #tpu.memory_space<vmem>>, vector<1x16xf32>,
        %parallel_loop3A_919 = vector.shape_cast %parallel_loop3A_918 : vector<1x16xf32> to vector<16xf32>
        %parallel_loop3A_920 = arith.addf %parallel_loop3A_913, %parallel_loop3A_919 : vector<16xf32>
        %parallel_loop3A_921 = arith.constant 6 : i32
        %parallel_loop3A_922 = arith.addi %parallel_loop3A_111, %parallel_loop3A_921 : i32
        %parallel_loop3A_923 = arith.index_cast %parallel_loop3A_922 : i32 to index
        %parallel_loop3A_924 = arith.constant 224 : index
        %parallel_loop3A_925 = tpu.vector_load %arg8[%parallel_loop3A_923, %parallel_loop3A_924] {strides = array<i32>} : memref<336x256xf32, #tpu.memory_space<vmem>>, vector<1x16xf32>,
        %parallel_loop3A_926 = vector.shape_cast %parallel_loop3A_925 : vector<1x16xf32> to vector<16xf32>
        %parallel_loop3A_927 = arith.addf %parallel_loop3A_920, %parallel_loop3A_926 : vector<16xf32>
        %parallel_loop3A_928 = arith.constant 0.142857149 : f32
        %parallel_loop3A_929 = vector.broadcast %parallel_loop3A_928 : f32 to vector<16xf32>
        %parallel_loop3A_930 = arith.mulf %parallel_loop3A_927, %parallel_loop3A_929 : vector<16xf32>
        %parallel_loop3A_931 = arith.addi %mul3A_92, %parallel_loop3A_108 : i32
        %parallel_loop3A_932 = arith.index_cast %parallel_loop3A_931 : i32 to index
        %parallel_loop3A_933 = arith.constant 224 : index
        %parallel_loop3A_934 = tpu.vector_load %arg9[%parallel_loop3A_932, %parallel_loop3A_933] {strides = array<i32>} : memref<32x256xf32, #tpu.memory_space<vmem>>, vector<1x16xf32>,
        %parallel_loop3A_935 = vector.shape_cast %parallel_loop3A_934 : vector<1x16xf32> to vector<16xf32>
        %parallel_loop3A_936 = vector.shape_cast %parallel_loop3A_930 : vector<16xf32> to vector<1x16xf32>
        tpu.vector_store %arg9[%parallel_loop3A_932, %parallel_loop3A_933], %parallel_loop3A_936 {strides = array<i32>} : memref<32x256xf32, #tpu.memory_space<vmem>>, vector<1x16xf32>,
        %parallel_loop3A_937 = arith.index_cast %parallel_loop3A_111 : i32 to index
        %parallel_loop3A_938 = arith.constant 240 : index
        %parallel_loop3A_939 = tpu.vector_load %arg8[%parallel_loop3A_937, %parallel_loop3A_938] {strides = array<i32>} : memref<336x256xf32, #tpu.memory_space<vmem>>, vector<1x16xf32>,
        %parallel_loop3A_940 = vector.shape_cast %parallel_loop3A_939 : vector<1x16xf32> to vector<16xf32>
        %parallel_loop3A_941 = arith.constant 1 : i32
        %parallel_loop3A_942 = arith.addi %parallel_loop3A_111, %parallel_loop3A_941 : i32
        %parallel_loop3A_943 = arith.index_cast %parallel_loop3A_942 : i32 to index
        %parallel_loop3A_944 = arith.constant 240 : index
        %parallel_loop3A_945 = tpu.vector_load %arg8[%parallel_loop3A_943, %parallel_loop3A_944] {strides = array<i32>} : memref<336x256xf32, #tpu.memory_space<vmem>>, vector<1x16xf32>,
        %parallel_loop3A_946 = vector.shape_cast %parallel_loop3A_945 : vector<1x16xf32> to vector<16xf32>
        %parallel_loop3A_947 = arith.addf %parallel_loop3A_940, %parallel_loop3A_946 : vector<16xf32>
        %parallel_loop3A_948 = arith.constant 2 : i32
        %parallel_loop3A_949 = arith.addi %parallel_loop3A_111, %parallel_loop3A_948 : i32
        %parallel_loop3A_950 = arith.index_cast %parallel_loop3A_949 : i32 to index
        %parallel_loop3A_951 = arith.constant 240 : index
        %parallel_loop3A_952 = tpu.vector_load %arg8[%parallel_loop3A_950, %parallel_loop3A_951] {strides = array<i32>} : memref<336x256xf32, #tpu.memory_space<vmem>>, vector<1x16xf32>,
        %parallel_loop3A_953 = vector.shape_cast %parallel_loop3A_952 : vector<1x16xf32> to vector<16xf32>
        %parallel_loop3A_954 = arith.addf %parallel_loop3A_947, %parallel_loop3A_953 : vector<16xf32>
        %parallel_loop3A_955 = arith.constant 3 : i32
        %parallel_loop3A_956 = arith.addi %parallel_loop3A_111, %parallel_loop3A_955 : i32
        %parallel_loop3A_957 = arith.index_cast %parallel_loop3A_956 : i32 to index
        %parallel_loop3A_958 = arith.constant 240 : index
        %parallel_loop3A_959 = tpu.vector_load %arg8[%parallel_loop3A_957, %parallel_loop3A_958] {strides = array<i32>} : memref<336x256xf32, #tpu.memory_space<vmem>>, vector<1x16xf32>,
        %parallel_loop3A_960 = vector.shape_cast %parallel_loop3A_959 : vector<1x16xf32> to vector<16xf32>
        %parallel_loop3A_961 = arith.addf %parallel_loop3A_954, %parallel_loop3A_960 : vector<16xf32>
        %parallel_loop3A_962 = arith.constant 4 : i32
        %parallel_loop3A_963 = arith.addi %parallel_loop3A_111, %parallel_loop3A_962 : i32
        %parallel_loop3A_964 = arith.index_cast %parallel_loop3A_963 : i32 to index
        %parallel_loop3A_965 = arith.constant 240 : index
        %parallel_loop3A_966 = tpu.vector_load %arg8[%parallel_loop3A_964, %parallel_loop3A_965] {strides = array<i32>} : memref<336x256xf32, #tpu.memory_space<vmem>>, vector<1x16xf32>,
        %parallel_loop3A_967 = vector.shape_cast %parallel_loop3A_966 : vector<1x16xf32> to vector<16xf32>
        %parallel_loop3A_968 = arith.addf %parallel_loop3A_961, %parallel_loop3A_967 : vector<16xf32>
        %parallel_loop3A_969 = arith.constant 5 : i32
        %parallel_loop3A_970 = arith.addi %parallel_loop3A_111, %parallel_loop3A_969 : i32
        %parallel_loop3A_971 = arith.index_cast %parallel_loop3A_970 : i32 to index
        %parallel_loop3A_972 = arith.constant 240 : index
        %parallel_loop3A_973 = tpu.vector_load %arg8[%parallel_loop3A_971, %parallel_loop3A_972] {strides = array<i32>} : memref<336x256xf32, #tpu.memory_space<vmem>>, vector<1x16xf32>,
        %parallel_loop3A_974 = vector.shape_cast %parallel_loop3A_973 : vector<1x16xf32> to vector<16xf32>
        %parallel_loop3A_975 = arith.addf %parallel_loop3A_968, %parallel_loop3A_974 : vector<16xf32>
        %parallel_loop3A_976 = arith.constant 6 : i32
        %parallel_loop3A_977 = arith.addi %parallel_loop3A_111, %parallel_loop3A_976 : i32
        %parallel_loop3A_978 = arith.index_cast %parallel_loop3A_977 : i32 to index
        %parallel_loop3A_979 = arith.constant 240 : index
        %parallel_loop3A_980 = tpu.vector_load %arg8[%parallel_loop3A_978, %parallel_loop3A_979] {strides = array<i32>} : memref<336x256xf32, #tpu.memory_space<vmem>>, vector<1x16xf32>,
        %parallel_loop3A_981 = vector.shape_cast %parallel_loop3A_980 : vector<1x16xf32> to vector<16xf32>
        %parallel_loop3A_982 = arith.addf %parallel_loop3A_975, %parallel_loop3A_981 : vector<16xf32>
        %parallel_loop3A_983 = arith.constant 0.142857149 : f32
        %parallel_loop3A_984 = vector.broadcast %parallel_loop3A_983 : f32 to vector<16xf32>
        %parallel_loop3A_985 = arith.mulf %parallel_loop3A_982, %parallel_loop3A_984 : vector<16xf32>
        %parallel_loop3A_986 = arith.addi %mul3A_92, %parallel_loop3A_108 : i32
        %parallel_loop3A_987 = arith.index_cast %parallel_loop3A_986 : i32 to index
        %parallel_loop3A_988 = arith.constant 240 : index
        %parallel_loop3A_989 = tpu.vector_load %arg9[%parallel_loop3A_987, %parallel_loop3A_988] {strides = array<i32>} : memref<32x256xf32, #tpu.memory_space<vmem>>, vector<1x16xf32>,
        %parallel_loop3A_990 = vector.shape_cast %parallel_loop3A_989 : vector<1x16xf32> to vector<16xf32>
        %parallel_loop3A_991 = vector.shape_cast %parallel_loop3A_985 : vector<16xf32> to vector<1x16xf32>
        tpu.vector_store %arg9[%parallel_loop3A_987, %parallel_loop3A_988], %parallel_loop3A_991 {strides = array<i32>} : memref<32x256xf32, #tpu.memory_space<vmem>>, vector<1x16xf32>,
      } {sc.loop_unroll_factor = 2 : i64, sc.parallel_access}
      %mul3A_95 = arith.constant 16 : i32
      %mul3A_96 = arith.muli %scan3A_65, %mul3A_95 : i32
      %add3A_97 = arith.addi %mul3A_2, %mul3A_96 : i32
      %dma_start3A_98 = arith.constant 0 : i32
      %dma_start3A_99 = tpu.memref_slice %arg9[%mul3A_92, %dma_start3A_98] : memref<32x256xf32, #tpu.memory_space<vmem>> -> memref<16x256xf32, #tpu.memory_space<vmem>>
      %dma_start3A_100 = arith.constant 0 : i32
      %dma_start3A_101 = tpu.memref_slice %arg5[%add3A_97, %dma_start3A_100] : memref<40962x256xf32, #tpu.memory_space<hbm>> -> memref<16x256xf32, #tpu.memory_space<hbm>>
      %dma_start3A_102 = tpu.memref_slice %arg12[%rem3A_84] : memref<2x!tpu.dma_semaphore, #tpu.memory_space<semaphore_mem>> -> memref<1x!tpu.dma_semaphore, #tpu.memory_space<semaphore_mem>>
      %dma_start3A_103 = tpu.memref_squeeze %dma_start3A_102 : memref<1x!tpu.dma_semaphore, #tpu.memory_space<semaphore_mem>> -> memref<!tpu.dma_semaphore, #tpu.memory_space<semaphore_mem>>
      %dma_start3A_104 = arith.constant 0 : i32
      %dma_start3A_105 = tpu.memref_slice %arg5[%add3A_97, %dma_start3A_104] : memref<40962x256xf32, #tpu.memory_space<hbm>> -> memref<16x256xf32, #tpu.memory_space<hbm>>
      %dma_start3A_106 = arith.constant 0 : i32
      %dma_start3A_107 = tpu.memref_slice %arg9[%mul3A_92, %dma_start3A_106] : memref<32x256xf32, #tpu.memory_space<vmem>> -> memref<16x256xf32, #tpu.memory_space<vmem>>
      tpu.enqueue_dma source(%dma_start3A_107 : memref<16x256xf32, #tpu.memory_space<vmem>>) target(%dma_start3A_105 : memref<16x256xf32, #tpu.memory_space<hbm>>) target_semaphore(%dma_start3A_103 : memref<!tpu.dma_semaphore, #tpu.memory_space<semaphore_mem>>)
    }
    %scan3A_34 = arith.constant 80 : i32
    %dma_wait3A = arith.constant 0 : i32
    %dma_wait3A_35 = arith.constant 0 : i32
    %dma_wait3A_36 = arith.constant 0 : i32
    %dma_wait3A_37 = tpu.memref_slice %arg9[%dma_wait3A_35, %dma_wait3A_36] : memref<32x256xf32, #tpu.memory_space<vmem>> -> memref<16x256xf32, #tpu.memory_space<vmem>>
    %dma_wait3A_38 = arith.constant 0 : i32
    %dma_wait3A_39 = tpu.memref_slice %arg5[%mul3A_2, %dma_wait3A_38] : memref<40962x256xf32, #tpu.memory_space<hbm>> -> memref<16x256xf32, #tpu.memory_space<hbm>>
    %dma_wait3A_40 = tpu.memref_slice %arg12[%dma_wait3A] : memref<2x!tpu.dma_semaphore, #tpu.memory_space<semaphore_mem>> -> memref<1x!tpu.dma_semaphore, #tpu.memory_space<semaphore_mem>>
    %dma_wait3A_41 = tpu.memref_squeeze %dma_wait3A_40 : memref<1x!tpu.dma_semaphore, #tpu.memory_space<semaphore_mem>> -> memref<!tpu.dma_semaphore, #tpu.memory_space<semaphore_mem>>
    %dma_wait3A_42 = arith.constant 0 : i32
    %dma_wait3A_43 = tpu.memref_slice %arg5[%mul3A_2, %dma_wait3A_42] : memref<40962x256xf32, #tpu.memory_space<hbm>> -> memref<16x256xf32, #tpu.memory_space<hbm>>
    %dma_wait3A_44 = arith.constant 0 : i32
    %dma_wait3A_45 = arith.constant 0 : i32
    %dma_wait3A_46 = tpu.memref_slice %arg9[%dma_wait3A_44, %dma_wait3A_45] : memref<32x256xf32, #tpu.memory_space<vmem>> -> memref<16x256xf32, #tpu.memory_space<vmem>>
    tpu.wait_dma2 semaphore(%dma_wait3A_41 : memref<!tpu.dma_semaphore, #tpu.memory_space<semaphore_mem>>) src(%dma_wait3A_46 : memref<16x256xf32, #tpu.memory_space<vmem>>) dst(%dma_wait3A_43 : memref<16x256xf32, #tpu.memory_space<hbm>>)
    %dma_wait3A_47 = arith.constant 1 : i32
    %dma_wait3A_48 = arith.constant 0 : i32
    %dma_wait3A_49 = arith.constant 0 : i32
    %dma_wait3A_50 = tpu.memref_slice %arg9[%dma_wait3A_48, %dma_wait3A_49] : memref<32x256xf32, #tpu.memory_space<vmem>> -> memref<16x256xf32, #tpu.memory_space<vmem>>
    %dma_wait3A_51 = arith.constant 0 : i32
    %dma_wait3A_52 = tpu.memref_slice %arg5[%mul3A_2, %dma_wait3A_51] : memref<40962x256xf32, #tpu.memory_space<hbm>> -> memref<16x256xf32, #tpu.memory_space<hbm>>
    %dma_wait3A_53 = tpu.memref_slice %arg12[%dma_wait3A_47] : memref<2x!tpu.dma_semaphore, #tpu.memory_space<semaphore_mem>> -> memref<1x!tpu.dma_semaphore, #tpu.memory_space<semaphore_mem>>
    %dma_wait3A_54 = tpu.memref_squeeze %dma_wait3A_53 : memref<1x!tpu.dma_semaphore, #tpu.memory_space<semaphore_mem>> -> memref<!tpu.dma_semaphore, #tpu.memory_space<semaphore_mem>>
    %dma_wait3A_55 = arith.constant 0 : i32
    %dma_wait3A_56 = tpu.memref_slice %arg5[%mul3A_2, %dma_wait3A_55] : memref<40962x256xf32, #tpu.memory_space<hbm>> -> memref<16x256xf32, #tpu.memory_space<hbm>>
    %dma_wait3A_57 = arith.constant 0 : i32
    %dma_wait3A_58 = arith.constant 0 : i32
    %dma_wait3A_59 = tpu.memref_slice %arg9[%dma_wait3A_57, %dma_wait3A_58] : memref<32x256xf32, #tpu.memory_space<vmem>> -> memref<16x256xf32, #tpu.memory_space<vmem>>
    tpu.wait_dma2 semaphore(%dma_wait3A_54 : memref<!tpu.dma_semaphore, #tpu.memory_space<semaphore_mem>>) src(%dma_wait3A_59 : memref<16x256xf32, #tpu.memory_space<vmem>>) dst(%dma_wait3A_56 : memref<16x256xf32, #tpu.memory_space<hbm>>)
    %eq3A_60 = arith.constant 0 : i32
    %eq3A_61 = arith.cmpi eq, %add3A, %eq3A_60 : i32
    %convert_element_type3A_62 = arith.extui %eq3A_61 : i1 to i32
    %cond3A_63 = arith.constant 0 : i32
    %cond3A_64 = arith.cmpi ne, %convert_element_type3A_62, %cond3A_63 : i32
    scf.if %cond3A_64 {
      %dma_wait3A_65 = arith.constant 0 : i32
      %dma_wait3A_66 = arith.constant 0 : i32
      %dma_wait3A_67 = tpu.memref_slice %arg2[%dma_wait3A_65, %dma_wait3A_66] : memref<163842x256xf32, #tpu.memory_space<hbm>> -> memref<163842x256xf32, #tpu.memory_space<hbm>>
      tpu.wait_indirect_dma semaphore(%arg13 : memref<!tpu.dma_semaphore, #tpu.memory_space<semaphore_mem>>) src(%dma_wait3A_67 : memref<163842x256xf32, #tpu.memory_space<hbm>>) dst(%arg10 : memref<16x256xf32, #tpu.memory_space<vmem>>)
      %get3A = arith.constant 0 : i32
      %get3A_68 = arith.index_cast %get3A : i32 to index
      %get3A_69 = arith.constant 0 : index
      %get3A_70 = tpu.vector_load %arg10[%get3A_68, %get3A_69] {strides = array<i32>} : memref<16x256xf32, #tpu.memory_space<vmem>>, vector<1x16xf32>,
      %get3A_71 = vector.shape_cast %get3A_70 : vector<1x16xf32> to vector<16xf32>
      %get3A_72 = arith.constant 1 : i32
      %get3A_73 = arith.index_cast %get3A_72 : i32 to index
      %get3A_74 = arith.constant 0 : index
      %get3A_75 = tpu.vector_load %arg10[%get3A_73, %get3A_74] {strides = array<i32>} : memref<16x256xf32, #tpu.memory_space<vmem>>, vector<1x16xf32>,
      %get3A_76 = vector.shape_cast %get3A_75 : vector<1x16xf32> to vector<16xf32>
      %add3A_77 = arith.addf %get3A_71, %get3A_76 : vector<16xf32>
      %get3A_78 = arith.constant 2 : i32
      %get3A_79 = arith.index_cast %get3A_78 : i32 to index
      %get3A_80 = arith.constant 0 : index
      %get3A_81 = tpu.vector_load %arg10[%get3A_79, %get3A_80] {strides = array<i32>} : memref<16x256xf32, #tpu.memory_space<vmem>>, vector<1x16xf32>,
      %get3A_82 = vector.shape_cast %get3A_81 : vector<1x16xf32> to vector<16xf32>
      %add3A_83 = arith.addf %add3A_77, %get3A_82 : vector<16xf32>
      %get3A_84 = arith.constant 3 : i32
      %get3A_85 = arith.index_cast %get3A_84 : i32 to index
      %get3A_86 = arith.constant 0 : index
      %get3A_87 = tpu.vector_load %arg10[%get3A_85, %get3A_86] {strides = array<i32>} : memref<16x256xf32, #tpu.memory_space<vmem>>, vector<1x16xf32>,
      %get3A_88 = vector.shape_cast %get3A_87 : vector<1x16xf32> to vector<16xf32>
      %add3A_89 = arith.addf %add3A_83, %get3A_88 : vector<16xf32>
      %get3A_90 = arith.constant 4 : i32
      %get3A_91 = arith.index_cast %get3A_90 : i32 to index
      %get3A_92 = arith.constant 0 : index
      %get3A_93 = tpu.vector_load %arg10[%get3A_91, %get3A_92] {strides = array<i32>} : memref<16x256xf32, #tpu.memory_space<vmem>>, vector<1x16xf32>,
      %get3A_94 = vector.shape_cast %get3A_93 : vector<1x16xf32> to vector<16xf32>
      %add3A_95 = arith.addf %add3A_89, %get3A_94 : vector<16xf32>
      %get3A_96 = arith.constant 5 : i32
      %get3A_97 = arith.index_cast %get3A_96 : i32 to index
      %get3A_98 = arith.constant 0 : index
      %get3A_99 = tpu.vector_load %arg10[%get3A_97, %get3A_98] {strides = array<i32>} : memref<16x256xf32, #tpu.memory_space<vmem>>, vector<1x16xf32>,
      %get3A_100 = vector.shape_cast %get3A_99 : vector<1x16xf32> to vector<16xf32>
      %add3A_101 = arith.addf %add3A_95, %get3A_100 : vector<16xf32>
      %get3A_102 = arith.constant 6 : i32
      %get3A_103 = arith.index_cast %get3A_102 : i32 to index
      %get3A_104 = arith.constant 0 : index
      %get3A_105 = tpu.vector_load %arg10[%get3A_103, %get3A_104] {strides = array<i32>} : memref<16x256xf32, #tpu.memory_space<vmem>>, vector<1x16xf32>,
      %get3A_106 = vector.shape_cast %get3A_105 : vector<1x16xf32> to vector<16xf32>
      %add3A_107 = arith.addf %add3A_101, %get3A_106 : vector<16xf32>
      %mul3A_108 = arith.constant 0.142857149 : f32
      %mul3A_109 = vector.broadcast %mul3A_108 : f32 to vector<16xf32>
      %mul3A_110 = arith.mulf %add3A_107, %mul3A_109 : vector<16xf32>
      %swap3A = arith.constant 0 : i32
      %swap3A_111 = arith.index_cast %swap3A : i32 to index
      %swap3A_112 = arith.constant 0 : index
      %swap3A_113 = tpu.vector_load %arg9[%swap3A_111, %swap3A_112] {strides = array<i32>} : memref<32x256xf32, #tpu.memory_space<vmem>>, vector<1x16xf32>,
      %swap3A_114 = vector.shape_cast %swap3A_113 : vector<1x16xf32> to vector<16xf32>
      %swap3A_115 = vector.shape_cast %mul3A_110 : vector<16xf32> to vector<1x16xf32>
      tpu.vector_store %arg9[%swap3A_111, %swap3A_112], %swap3A_115 {strides = array<i32>} : memref<32x256xf32, #tpu.memory_space<vmem>>, vector<1x16xf32>,
      %get3A_116 = arith.constant 0 : i32
      %get3A_117 = arith.index_cast %get3A_116 : i32 to index
      %get3A_118 = arith.constant 16 : index
      %get3A_119 = tpu.vector_load %arg10[%get3A_117, %get3A_118] {strides = array<i32>} : memref<16x256xf32, #tpu.memory_space<vmem>>, vector<1x16xf32>,
      %get3A_120 = vector.shape_cast %get3A_119 : vector<1x16xf32> to vector<16xf32>
      %get3A_121 = arith.constant 1 : i32
      %get3A_122 = arith.index_cast %get3A_121 : i32 to index
      %get3A_123 = arith.constant 16 : index
      %get3A_124 = tpu.vector_load %arg10[%get3A_122, %get3A_123] {strides = array<i32>} : memref<16x256xf32, #tpu.memory_space<vmem>>, vector<1x16xf32>,
      %get3A_125 = vector.shape_cast %get3A_124 : vector<1x16xf32> to vector<16xf32>
      %add3A_126 = arith.addf %get3A_120, %get3A_125 : vector<16xf32>
      %get3A_127 = arith.constant 2 : i32
      %get3A_128 = arith.index_cast %get3A_127 : i32 to index
      %get3A_129 = arith.constant 16 : index
      %get3A_130 = tpu.vector_load %arg10[%get3A_128, %get3A_129] {strides = array<i32>} : memref<16x256xf32, #tpu.memory_space<vmem>>, vector<1x16xf32>,
      %get3A_131 = vector.shape_cast %get3A_130 : vector<1x16xf32> to vector<16xf32>
      %add3A_132 = arith.addf %add3A_126, %get3A_131 : vector<16xf32>
      %get3A_133 = arith.constant 3 : i32
      %get3A_134 = arith.index_cast %get3A_133 : i32 to index
      %get3A_135 = arith.constant 16 : index
      %get3A_136 = tpu.vector_load %arg10[%get3A_134, %get3A_135] {strides = array<i32>} : memref<16x256xf32, #tpu.memory_space<vmem>>, vector<1x16xf32>,
      %get3A_137 = vector.shape_cast %get3A_136 : vector<1x16xf32> to vector<16xf32>
      %add3A_138 = arith.addf %add3A_132, %get3A_137 : vector<16xf32>
      %get3A_139 = arith.constant 4 : i32
      %get3A_140 = arith.index_cast %get3A_139 : i32 to index
      %get3A_141 = arith.constant 16 : index
      %get3A_142 = tpu.vector_load %arg10[%get3A_140, %get3A_141] {strides = array<i32>} : memref<16x256xf32, #tpu.memory_space<vmem>>, vector<1x16xf32>,
      %get3A_143 = vector.shape_cast %get3A_142 : vector<1x16xf32> to vector<16xf32>
      %add3A_144 = arith.addf %add3A_138, %get3A_143 : vector<16xf32>
      %get3A_145 = arith.constant 5 : i32
      %get3A_146 = arith.index_cast %get3A_145 : i32 to index
      %get3A_147 = arith.constant 16 : index
      %get3A_148 = tpu.vector_load %arg10[%get3A_146, %get3A_147] {strides = array<i32>} : memref<16x256xf32, #tpu.memory_space<vmem>>, vector<1x16xf32>,
      %get3A_149 = vector.shape_cast %get3A_148 : vector<1x16xf32> to vector<16xf32>
      %add3A_150 = arith.addf %add3A_144, %get3A_149 : vector<16xf32>
      %get3A_151 = arith.constant 6 : i32
      %get3A_152 = arith.index_cast %get3A_151 : i32 to index
      %get3A_153 = arith.constant 16 : index
      %get3A_154 = tpu.vector_load %arg10[%get3A_152, %get3A_153] {strides = array<i32>} : memref<16x256xf32, #tpu.memory_space<vmem>>, vector<1x16xf32>,
      %get3A_155 = vector.shape_cast %get3A_154 : vector<1x16xf32> to vector<16xf32>
      %add3A_156 = arith.addf %add3A_150, %get3A_155 : vector<16xf32>
      %mul3A_157 = arith.constant 0.142857149 : f32
      %mul3A_158 = vector.broadcast %mul3A_157 : f32 to vector<16xf32>
      %mul3A_159 = arith.mulf %add3A_156, %mul3A_158 : vector<16xf32>
      %swap3A_160 = arith.constant 0 : i32
      %swap3A_161 = arith.index_cast %swap3A_160 : i32 to index
      %swap3A_162 = arith.constant 16 : index
      %swap3A_163 = tpu.vector_load %arg9[%swap3A_161, %swap3A_162] {strides = array<i32>} : memref<32x256xf32, #tpu.memory_space<vmem>>, vector<1x16xf32>,
      %swap3A_164 = vector.shape_cast %swap3A_163 : vector<1x16xf32> to vector<16xf32>
      %swap3A_165 = vector.shape_cast %mul3A_159 : vector<16xf32> to vector<1x16xf32>
      tpu.vector_store %arg9[%swap3A_161, %swap3A_162], %swap3A_165 {strides = array<i32>} : memref<32x256xf32, #tpu.memory_space<vmem>>, vector<1x16xf32>,
      %get3A_166 = arith.constant 0 : i32
      %get3A_167 = arith.index_cast %get3A_166 : i32 to index
      %get3A_168 = arith.constant 32 : index
      %get3A_169 = tpu.vector_load %arg10[%get3A_167, %get3A_168] {strides = array<i32>} : memref<16x256xf32, #tpu.memory_space<vmem>>, vector<1x16xf32>,
      %get3A_170 = vector.shape_cast %get3A_169 : vector<1x16xf32> to vector<16xf32>
      %get3A_171 = arith.constant 1 : i32
      %get3A_172 = arith.index_cast %get3A_171 : i32 to index
      %get3A_173 = arith.constant 32 : index
      %get3A_174 = tpu.vector_load %arg10[%get3A_172, %get3A_173] {strides = array<i32>} : memref<16x256xf32, #tpu.memory_space<vmem>>, vector<1x16xf32>,
      %get3A_175 = vector.shape_cast %get3A_174 : vector<1x16xf32> to vector<16xf32>
      %add3A_176 = arith.addf %get3A_170, %get3A_175 : vector<16xf32>
      %get3A_177 = arith.constant 2 : i32
      %get3A_178 = arith.index_cast %get3A_177 : i32 to index
      %get3A_179 = arith.constant 32 : index
      %get3A_180 = tpu.vector_load %arg10[%get3A_178, %get3A_179] {strides = array<i32>} : memref<16x256xf32, #tpu.memory_space<vmem>>, vector<1x16xf32>,
      %get3A_181 = vector.shape_cast %get3A_180 : vector<1x16xf32> to vector<16xf32>
      %add3A_182 = arith.addf %add3A_176, %get3A_181 : vector<16xf32>
      %get3A_183 = arith.constant 3 : i32
      %get3A_184 = arith.index_cast %get3A_183 : i32 to index
      %get3A_185 = arith.constant 32 : index
      %get3A_186 = tpu.vector_load %arg10[%get3A_184, %get3A_185] {strides = array<i32>} : memref<16x256xf32, #tpu.memory_space<vmem>>, vector<1x16xf32>,
      %get3A_187 = vector.shape_cast %get3A_186 : vector<1x16xf32> to vector<16xf32>
      %add3A_188 = arith.addf %add3A_182, %get3A_187 : vector<16xf32>
      %get3A_189 = arith.constant 4 : i32
      %get3A_190 = arith.index_cast %get3A_189 : i32 to index
      %get3A_191 = arith.constant 32 : index
      %get3A_192 = tpu.vector_load %arg10[%get3A_190, %get3A_191] {strides = array<i32>} : memref<16x256xf32, #tpu.memory_space<vmem>>, vector<1x16xf32>,
      %get3A_193 = vector.shape_cast %get3A_192 : vector<1x16xf32> to vector<16xf32>
      %add3A_194 = arith.addf %add3A_188, %get3A_193 : vector<16xf32>
      %get3A_195 = arith.constant 5 : i32
      %get3A_196 = arith.index_cast %get3A_195 : i32 to index
      %get3A_197 = arith.constant 32 : index
      %get3A_198 = tpu.vector_load %arg10[%get3A_196, %get3A_197] {strides = array<i32>} : memref<16x256xf32, #tpu.memory_space<vmem>>, vector<1x16xf32>,
      %get3A_199 = vector.shape_cast %get3A_198 : vector<1x16xf32> to vector<16xf32>
      %add3A_200 = arith.addf %add3A_194, %get3A_199 : vector<16xf32>
      %get3A_201 = arith.constant 6 : i32
      %get3A_202 = arith.index_cast %get3A_201 : i32 to index
      %get3A_203 = arith.constant 32 : index
      %get3A_204 = tpu.vector_load %arg10[%get3A_202, %get3A_203] {strides = array<i32>} : memref<16x256xf32, #tpu.memory_space<vmem>>, vector<1x16xf32>,
      %get3A_205 = vector.shape_cast %get3A_204 : vector<1x16xf32> to vector<16xf32>
      %add3A_206 = arith.addf %add3A_200, %get3A_205 : vector<16xf32>
      %mul3A_207 = arith.constant 0.142857149 : f32
      %mul3A_208 = vector.broadcast %mul3A_207 : f32 to vector<16xf32>
      %mul3A_209 = arith.mulf %add3A_206, %mul3A_208 : vector<16xf32>
      %swap3A_210 = arith.constant 0 : i32
      %swap3A_211 = arith.index_cast %swap3A_210 : i32 to index
      %swap3A_212 = arith.constant 32 : index
      %swap3A_213 = tpu.vector_load %arg9[%swap3A_211, %swap3A_212] {strides = array<i32>} : memref<32x256xf32, #tpu.memory_space<vmem>>, vector<1x16xf32>,
      %swap3A_214 = vector.shape_cast %swap3A_213 : vector<1x16xf32> to vector<16xf32>
      %swap3A_215 = vector.shape_cast %mul3A_209 : vector<16xf32> to vector<1x16xf32>
      tpu.vector_store %arg9[%swap3A_211, %swap3A_212], %swap3A_215 {strides = array<i32>} : memref<32x256xf32, #tpu.memory_space<vmem>>, vector<1x16xf32>,
      %get3A_216 = arith.constant 0 : i32
      %get3A_217 = arith.index_cast %get3A_216 : i32 to index
      %get3A_218 = arith.constant 48 : index
      %get3A_219 = tpu.vector_load %arg10[%get3A_217, %get3A_218] {strides = array<i32>} : memref<16x256xf32, #tpu.memory_space<vmem>>, vector<1x16xf32>,
      %get3A_220 = vector.shape_cast %get3A_219 : vector<1x16xf32> to vector<16xf32>
      %get3A_221 = arith.constant 1 : i32
      %get3A_222 = arith.index_cast %get3A_221 : i32 to index
      %get3A_223 = arith.constant 48 : index
      %get3A_224 = tpu.vector_load %arg10[%get3A_222, %get3A_223] {strides = array<i32>} : memref<16x256xf32, #tpu.memory_space<vmem>>, vector<1x16xf32>,
      %get3A_225 = vector.shape_cast %get3A_224 : vector<1x16xf32> to vector<16xf32>
      %add3A_226 = arith.addf %get3A_220, %get3A_225 : vector<16xf32>
      %get3A_227 = arith.constant 2 : i32
      %get3A_228 = arith.index_cast %get3A_227 : i32 to index
      %get3A_229 = arith.constant 48 : index
      %get3A_230 = tpu.vector_load %arg10[%get3A_228, %get3A_229] {strides = array<i32>} : memref<16x256xf32, #tpu.memory_space<vmem>>, vector<1x16xf32>,
      %get3A_231 = vector.shape_cast %get3A_230 : vector<1x16xf32> to vector<16xf32>
      %add3A_232 = arith.addf %add3A_226, %get3A_231 : vector<16xf32>
      %get3A_233 = arith.constant 3 : i32
      %get3A_234 = arith.index_cast %get3A_233 : i32 to index
      %get3A_235 = arith.constant 48 : index
      %get3A_236 = tpu.vector_load %arg10[%get3A_234, %get3A_235] {strides = array<i32>} : memref<16x256xf32, #tpu.memory_space<vmem>>, vector<1x16xf32>,
      %get3A_237 = vector.shape_cast %get3A_236 : vector<1x16xf32> to vector<16xf32>
      %add3A_238 = arith.addf %add3A_232, %get3A_237 : vector<16xf32>
      %get3A_239 = arith.constant 4 : i32
      %get3A_240 = arith.index_cast %get3A_239 : i32 to index
      %get3A_241 = arith.constant 48 : index
      %get3A_242 = tpu.vector_load %arg10[%get3A_240, %get3A_241] {strides = array<i32>} : memref<16x256xf32, #tpu.memory_space<vmem>>, vector<1x16xf32>,
      %get3A_243 = vector.shape_cast %get3A_242 : vector<1x16xf32> to vector<16xf32>
      %add3A_244 = arith.addf %add3A_238, %get3A_243 : vector<16xf32>
      %get3A_245 = arith.constant 5 : i32
      %get3A_246 = arith.index_cast %get3A_245 : i32 to index
      %get3A_247 = arith.constant 48 : index
      %get3A_248 = tpu.vector_load %arg10[%get3A_246, %get3A_247] {strides = array<i32>} : memref<16x256xf32, #tpu.memory_space<vmem>>, vector<1x16xf32>,
      %get3A_249 = vector.shape_cast %get3A_248 : vector<1x16xf32> to vector<16xf32>
      %add3A_250 = arith.addf %add3A_244, %get3A_249 : vector<16xf32>
      %get3A_251 = arith.constant 6 : i32
      %get3A_252 = arith.index_cast %get3A_251 : i32 to index
      %get3A_253 = arith.constant 48 : index
      %get3A_254 = tpu.vector_load %arg10[%get3A_252, %get3A_253] {strides = array<i32>} : memref<16x256xf32, #tpu.memory_space<vmem>>, vector<1x16xf32>,
      %get3A_255 = vector.shape_cast %get3A_254 : vector<1x16xf32> to vector<16xf32>
      %add3A_256 = arith.addf %add3A_250, %get3A_255 : vector<16xf32>
      %mul3A_257 = arith.constant 0.142857149 : f32
      %mul3A_258 = vector.broadcast %mul3A_257 : f32 to vector<16xf32>
      %mul3A_259 = arith.mulf %add3A_256, %mul3A_258 : vector<16xf32>
      %swap3A_260 = arith.constant 0 : i32
      %swap3A_261 = arith.index_cast %swap3A_260 : i32 to index
      %swap3A_262 = arith.constant 48 : index
      %swap3A_263 = tpu.vector_load %arg9[%swap3A_261, %swap3A_262] {strides = array<i32>} : memref<32x256xf32, #tpu.memory_space<vmem>>, vector<1x16xf32>,
      %swap3A_264 = vector.shape_cast %swap3A_263 : vector<1x16xf32> to vector<16xf32>
      %swap3A_265 = vector.shape_cast %mul3A_259 : vector<16xf32> to vector<1x16xf32>
      tpu.vector_store %arg9[%swap3A_261, %swap3A_262], %swap3A_265 {strides = array<i32>} : memref<32x256xf32, #tpu.memory_space<vmem>>, vector<1x16xf32>,
      %get3A_266 = arith.constant 0 : i32
      %get3A_267 = arith.index_cast %get3A_266 : i32 to index
      %get3A_268 = arith.constant 64 : index
      %get3A_269 = tpu.vector_load %arg10[%get3A_267, %get3A_268] {strides = array<i32>} : memref<16x256xf32, #tpu.memory_space<vmem>>, vector<1x16xf32>,
      %get3A_270 = vector.shape_cast %get3A_269 : vector<1x16xf32> to vector<16xf32>
      %get3A_271 = arith.constant 1 : i32
      %get3A_272 = arith.index_cast %get3A_271 : i32 to index
      %get3A_273 = arith.constant 64 : index
      %get3A_274 = tpu.vector_load %arg10[%get3A_272, %get3A_273] {strides = array<i32>} : memref<16x256xf32, #tpu.memory_space<vmem>>, vector<1x16xf32>,
      %get3A_275 = vector.shape_cast %get3A_274 : vector<1x16xf32> to vector<16xf32>
      %add3A_276 = arith.addf %get3A_270, %get3A_275 : vector<16xf32>
      %get3A_277 = arith.constant 2 : i32
      %get3A_278 = arith.index_cast %get3A_277 : i32 to index
      %get3A_279 = arith.constant 64 : index
      %get3A_280 = tpu.vector_load %arg10[%get3A_278, %get3A_279] {strides = array<i32>} : memref<16x256xf32, #tpu.memory_space<vmem>>, vector<1x16xf32>,
      %get3A_281 = vector.shape_cast %get3A_280 : vector<1x16xf32> to vector<16xf32>
      %add3A_282 = arith.addf %add3A_276, %get3A_281 : vector<16xf32>
      %get3A_283 = arith.constant 3 : i32
      %get3A_284 = arith.index_cast %get3A_283 : i32 to index
      %get3A_285 = arith.constant 64 : index
      %get3A_286 = tpu.vector_load %arg10[%get3A_284, %get3A_285] {strides = array<i32>} : memref<16x256xf32, #tpu.memory_space<vmem>>, vector<1x16xf32>,
      %get3A_287 = vector.shape_cast %get3A_286 : vector<1x16xf32> to vector<16xf32>
      %add3A_288 = arith.addf %add3A_282, %get3A_287 : vector<16xf32>
      %get3A_289 = arith.constant 4 : i32
      %get3A_290 = arith.index_cast %get3A_289 : i32 to index
      %get3A_291 = arith.constant 64 : index
      %get3A_292 = tpu.vector_load %arg10[%get3A_290, %get3A_291] {strides = array<i32>} : memref<16x256xf32, #tpu.memory_space<vmem>>, vector<1x16xf32>,
      %get3A_293 = vector.shape_cast %get3A_292 : vector<1x16xf32> to vector<16xf32>
      %add3A_294 = arith.addf %add3A_288, %get3A_293 : vector<16xf32>
      %get3A_295 = arith.constant 5 : i32
      %get3A_296 = arith.index_cast %get3A_295 : i32 to index
      %get3A_297 = arith.constant 64 : index
      %get3A_298 = tpu.vector_load %arg10[%get3A_296, %get3A_297] {strides = array<i32>} : memref<16x256xf32, #tpu.memory_space<vmem>>, vector<1x16xf32>,
      %get3A_299 = vector.shape_cast %get3A_298 : vector<1x16xf32> to vector<16xf32>
      %add3A_300 = arith.addf %add3A_294, %get3A_299 : vector<16xf32>
      %get3A_301 = arith.constant 6 : i32
      %get3A_302 = arith.index_cast %get3A_301 : i32 to index
      %get3A_303 = arith.constant 64 : index
      %get3A_304 = tpu.vector_load %arg10[%get3A_302, %get3A_303] {strides = array<i32>} : memref<16x256xf32, #tpu.memory_space<vmem>>, vector<1x16xf32>,
      %get3A_305 = vector.shape_cast %get3A_304 : vector<1x16xf32> to vector<16xf32>
      %add3A_306 = arith.addf %add3A_300, %get3A_305 : vector<16xf32>
      %mul3A_307 = arith.constant 0.142857149 : f32
      %mul3A_308 = vector.broadcast %mul3A_307 : f32 to vector<16xf32>
      %mul3A_309 = arith.mulf %add3A_306, %mul3A_308 : vector<16xf32>
      %swap3A_310 = arith.constant 0 : i32
      %swap3A_311 = arith.index_cast %swap3A_310 : i32 to index
      %swap3A_312 = arith.constant 64 : index
      %swap3A_313 = tpu.vector_load %arg9[%swap3A_311, %swap3A_312] {strides = array<i32>} : memref<32x256xf32, #tpu.memory_space<vmem>>, vector<1x16xf32>,
      %swap3A_314 = vector.shape_cast %swap3A_313 : vector<1x16xf32> to vector<16xf32>
      %swap3A_315 = vector.shape_cast %mul3A_309 : vector<16xf32> to vector<1x16xf32>
      tpu.vector_store %arg9[%swap3A_311, %swap3A_312], %swap3A_315 {strides = array<i32>} : memref<32x256xf32, #tpu.memory_space<vmem>>, vector<1x16xf32>,
      %get3A_316 = arith.constant 0 : i32
      %get3A_317 = arith.index_cast %get3A_316 : i32 to index
      %get3A_318 = arith.constant 80 : index
      %get3A_319 = tpu.vector_load %arg10[%get3A_317, %get3A_318] {strides = array<i32>} : memref<16x256xf32, #tpu.memory_space<vmem>>, vector<1x16xf32>,
      %get3A_320 = vector.shape_cast %get3A_319 : vector<1x16xf32> to vector<16xf32>
      %get3A_321 = arith.constant 1 : i32
      %get3A_322 = arith.index_cast %get3A_321 : i32 to index
      %get3A_323 = arith.constant 80 : index
      %get3A_324 = tpu.vector_load %arg10[%get3A_322, %get3A_323] {strides = array<i32>} : memref<16x256xf32, #tpu.memory_space<vmem>>, vector<1x16xf32>,
      %get3A_325 = vector.shape_cast %get3A_324 : vector<1x16xf32> to vector<16xf32>
      %add3A_326 = arith.addf %get3A_320, %get3A_325 : vector<16xf32>
      %get3A_327 = arith.constant 2 : i32
      %get3A_328 = arith.index_cast %get3A_327 : i32 to index
      %get3A_329 = arith.constant 80 : index
      %get3A_330 = tpu.vector_load %arg10[%get3A_328, %get3A_329] {strides = array<i32>} : memref<16x256xf32, #tpu.memory_space<vmem>>, vector<1x16xf32>,
      %get3A_331 = vector.shape_cast %get3A_330 : vector<1x16xf32> to vector<16xf32>
      %add3A_332 = arith.addf %add3A_326, %get3A_331 : vector<16xf32>
      %get3A_333 = arith.constant 3 : i32
      %get3A_334 = arith.index_cast %get3A_333 : i32 to index
      %get3A_335 = arith.constant 80 : index
      %get3A_336 = tpu.vector_load %arg10[%get3A_334, %get3A_335] {strides = array<i32>} : memref<16x256xf32, #tpu.memory_space<vmem>>, vector<1x16xf32>,
      %get3A_337 = vector.shape_cast %get3A_336 : vector<1x16xf32> to vector<16xf32>
      %add3A_338 = arith.addf %add3A_332, %get3A_337 : vector<16xf32>
      %get3A_339 = arith.constant 4 : i32
      %get3A_340 = arith.index_cast %get3A_339 : i32 to index
      %get3A_341 = arith.constant 80 : index
      %get3A_342 = tpu.vector_load %arg10[%get3A_340, %get3A_341] {strides = array<i32>} : memref<16x256xf32, #tpu.memory_space<vmem>>, vector<1x16xf32>,
      %get3A_343 = vector.shape_cast %get3A_342 : vector<1x16xf32> to vector<16xf32>
      %add3A_344 = arith.addf %add3A_338, %get3A_343 : vector<16xf32>
      %get3A_345 = arith.constant 5 : i32
      %get3A_346 = arith.index_cast %get3A_345 : i32 to index
      %get3A_347 = arith.constant 80 : index
      %get3A_348 = tpu.vector_load %arg10[%get3A_346, %get3A_347] {strides = array<i32>} : memref<16x256xf32, #tpu.memory_space<vmem>>, vector<1x16xf32>,
      %get3A_349 = vector.shape_cast %get3A_348 : vector<1x16xf32> to vector<16xf32>
      %add3A_350 = arith.addf %add3A_344, %get3A_349 : vector<16xf32>
      %get3A_351 = arith.constant 6 : i32
      %get3A_352 = arith.index_cast %get3A_351 : i32 to index
      %get3A_353 = arith.constant 80 : index
      %get3A_354 = tpu.vector_load %arg10[%get3A_352, %get3A_353] {strides = array<i32>} : memref<16x256xf32, #tpu.memory_space<vmem>>, vector<1x16xf32>,
      %get3A_355 = vector.shape_cast %get3A_354 : vector<1x16xf32> to vector<16xf32>
      %add3A_356 = arith.addf %add3A_350, %get3A_355 : vector<16xf32>
      %mul3A_357 = arith.constant 0.142857149 : f32
      %mul3A_358 = vector.broadcast %mul3A_357 : f32 to vector<16xf32>
      %mul3A_359 = arith.mulf %add3A_356, %mul3A_358 : vector<16xf32>
      %swap3A_360 = arith.constant 0 : i32
      %swap3A_361 = arith.index_cast %swap3A_360 : i32 to index
      %swap3A_362 = arith.constant 80 : index
      %swap3A_363 = tpu.vector_load %arg9[%swap3A_361, %swap3A_362] {strides = array<i32>} : memref<32x256xf32, #tpu.memory_space<vmem>>, vector<1x16xf32>,
      %swap3A_364 = vector.shape_cast %swap3A_363 : vector<1x16xf32> to vector<16xf32>
      %swap3A_365 = vector.shape_cast %mul3A_359 : vector<16xf32> to vector<1x16xf32>
      tpu.vector_store %arg9[%swap3A_361, %swap3A_362], %swap3A_365 {strides = array<i32>} : memref<32x256xf32, #tpu.memory_space<vmem>>, vector<1x16xf32>,
      %get3A_366 = arith.constant 0 : i32
      %get3A_367 = arith.index_cast %get3A_366 : i32 to index
      %get3A_368 = arith.constant 96 : index
      %get3A_369 = tpu.vector_load %arg10[%get3A_367, %get3A_368] {strides = array<i32>} : memref<16x256xf32, #tpu.memory_space<vmem>>, vector<1x16xf32>,
      %get3A_370 = vector.shape_cast %get3A_369 : vector<1x16xf32> to vector<16xf32>
      %get3A_371 = arith.constant 1 : i32
      %get3A_372 = arith.index_cast %get3A_371 : i32 to index
      %get3A_373 = arith.constant 96 : index
      %get3A_374 = tpu.vector_load %arg10[%get3A_372, %get3A_373] {strides = array<i32>} : memref<16x256xf32, #tpu.memory_space<vmem>>, vector<1x16xf32>,
      %get3A_375 = vector.shape_cast %get3A_374 : vector<1x16xf32> to vector<16xf32>
      %add3A_376 = arith.addf %get3A_370, %get3A_375 : vector<16xf32>
      %get3A_377 = arith.constant 2 : i32
      %get3A_378 = arith.index_cast %get3A_377 : i32 to index
      %get3A_379 = arith.constant 96 : index
      %get3A_380 = tpu.vector_load %arg10[%get3A_378, %get3A_379] {strides = array<i32>} : memref<16x256xf32, #tpu.memory_space<vmem>>, vector<1x16xf32>,
      %get3A_381 = vector.shape_cast %get3A_380 : vector<1x16xf32> to vector<16xf32>
      %add3A_382 = arith.addf %add3A_376, %get3A_381 : vector<16xf32>
      %get3A_383 = arith.constant 3 : i32
      %get3A_384 = arith.index_cast %get3A_383 : i32 to index
      %get3A_385 = arith.constant 96 : index
      %get3A_386 = tpu.vector_load %arg10[%get3A_384, %get3A_385] {strides = array<i32>} : memref<16x256xf32, #tpu.memory_space<vmem>>, vector<1x16xf32>,
      %get3A_387 = vector.shape_cast %get3A_386 : vector<1x16xf32> to vector<16xf32>
      %add3A_388 = arith.addf %add3A_382, %get3A_387 : vector<16xf32>
      %get3A_389 = arith.constant 4 : i32
      %get3A_390 = arith.index_cast %get3A_389 : i32 to index
      %get3A_391 = arith.constant 96 : index
      %get3A_392 = tpu.vector_load %arg10[%get3A_390, %get3A_391] {strides = array<i32>} : memref<16x256xf32, #tpu.memory_space<vmem>>, vector<1x16xf32>,
      %get3A_393 = vector.shape_cast %get3A_392 : vector<1x16xf32> to vector<16xf32>
      %add3A_394 = arith.addf %add3A_388, %get3A_393 : vector<16xf32>
      %get3A_395 = arith.constant 5 : i32
      %get3A_396 = arith.index_cast %get3A_395 : i32 to index
      %get3A_397 = arith.constant 96 : index
      %get3A_398 = tpu.vector_load %arg10[%get3A_396, %get3A_397] {strides = array<i32>} : memref<16x256xf32, #tpu.memory_space<vmem>>, vector<1x16xf32>,
      %get3A_399 = vector.shape_cast %get3A_398 : vector<1x16xf32> to vector<16xf32>
      %add3A_400 = arith.addf %add3A_394, %get3A_399 : vector<16xf32>
      %get3A_401 = arith.constant 6 : i32
      %get3A_402 = arith.index_cast %get3A_401 : i32 to index
      %get3A_403 = arith.constant 96 : index
      %get3A_404 = tpu.vector_load %arg10[%get3A_402, %get3A_403] {strides = array<i32>} : memref<16x256xf32, #tpu.memory_space<vmem>>, vector<1x16xf32>,
      %get3A_405 = vector.shape_cast %get3A_404 : vector<1x16xf32> to vector<16xf32>
      %add3A_406 = arith.addf %add3A_400, %get3A_405 : vector<16xf32>
      %mul3A_407 = arith.constant 0.142857149 : f32
      %mul3A_408 = vector.broadcast %mul3A_407 : f32 to vector<16xf32>
      %mul3A_409 = arith.mulf %add3A_406, %mul3A_408 : vector<16xf32>
      %swap3A_410 = arith.constant 0 : i32
      %swap3A_411 = arith.index_cast %swap3A_410 : i32 to index
      %swap3A_412 = arith.constant 96 : index
      %swap3A_413 = tpu.vector_load %arg9[%swap3A_411, %swap3A_412] {strides = array<i32>} : memref<32x256xf32, #tpu.memory_space<vmem>>, vector<1x16xf32>,
      %swap3A_414 = vector.shape_cast %swap3A_413 : vector<1x16xf32> to vector<16xf32>
      %swap3A_415 = vector.shape_cast %mul3A_409 : vector<16xf32> to vector<1x16xf32>
      tpu.vector_store %arg9[%swap3A_411, %swap3A_412], %swap3A_415 {strides = array<i32>} : memref<32x256xf32, #tpu.memory_space<vmem>>, vector<1x16xf32>,
      %get3A_416 = arith.constant 0 : i32
      %get3A_417 = arith.index_cast %get3A_416 : i32 to index
      %get3A_418 = arith.constant 112 : index
      %get3A_419 = tpu.vector_load %arg10[%get3A_417, %get3A_418] {strides = array<i32>} : memref<16x256xf32, #tpu.memory_space<vmem>>, vector<1x16xf32>,
      %get3A_420 = vector.shape_cast %get3A_419 : vector<1x16xf32> to vector<16xf32>
      %get3A_421 = arith.constant 1 : i32
      %get3A_422 = arith.index_cast %get3A_421 : i32 to index
      %get3A_423 = arith.constant 112 : index
      %get3A_424 = tpu.vector_load %arg10[%get3A_422, %get3A_423] {strides = array<i32>} : memref<16x256xf32, #tpu.memory_space<vmem>>, vector<1x16xf32>,
      %get3A_425 = vector.shape_cast %get3A_424 : vector<1x16xf32> to vector<16xf32>
      %add3A_426 = arith.addf %get3A_420, %get3A_425 : vector<16xf32>
      %get3A_427 = arith.constant 2 : i32
      %get3A_428 = arith.index_cast %get3A_427 : i32 to index
      %get3A_429 = arith.constant 112 : index
      %get3A_430 = tpu.vector_load %arg10[%get3A_428, %get3A_429] {strides = array<i32>} : memref<16x256xf32, #tpu.memory_space<vmem>>, vector<1x16xf32>,
      %get3A_431 = vector.shape_cast %get3A_430 : vector<1x16xf32> to vector<16xf32>
      %add3A_432 = arith.addf %add3A_426, %get3A_431 : vector<16xf32>
      %get3A_433 = arith.constant 3 : i32
      %get3A_434 = arith.index_cast %get3A_433 : i32 to index
      %get3A_435 = arith.constant 112 : index
      %get3A_436 = tpu.vector_load %arg10[%get3A_434, %get3A_435] {strides = array<i32>} : memref<16x256xf32, #tpu.memory_space<vmem>>, vector<1x16xf32>,
      %get3A_437 = vector.shape_cast %get3A_436 : vector<1x16xf32> to vector<16xf32>
      %add3A_438 = arith.addf %add3A_432, %get3A_437 : vector<16xf32>
      %get3A_439 = arith.constant 4 : i32
      %get3A_440 = arith.index_cast %get3A_439 : i32 to index
      %get3A_441 = arith.constant 112 : index
      %get3A_442 = tpu.vector_load %arg10[%get3A_440, %get3A_441] {strides = array<i32>} : memref<16x256xf32, #tpu.memory_space<vmem>>, vector<1x16xf32>,
      %get3A_443 = vector.shape_cast %get3A_442 : vector<1x16xf32> to vector<16xf32>
      %add3A_444 = arith.addf %add3A_438, %get3A_443 : vector<16xf32>
      %get3A_445 = arith.constant 5 : i32
      %get3A_446 = arith.index_cast %get3A_445 : i32 to index
      %get3A_447 = arith.constant 112 : index
      %get3A_448 = tpu.vector_load %arg10[%get3A_446, %get3A_447] {strides = array<i32>} : memref<16x256xf32, #tpu.memory_space<vmem>>, vector<1x16xf32>,
      %get3A_449 = vector.shape_cast %get3A_448 : vector<1x16xf32> to vector<16xf32>
      %add3A_450 = arith.addf %add3A_444, %get3A_449 : vector<16xf32>
      %get3A_451 = arith.constant 6 : i32
      %get3A_452 = arith.index_cast %get3A_451 : i32 to index
      %get3A_453 = arith.constant 112 : index
      %get3A_454 = tpu.vector_load %arg10[%get3A_452, %get3A_453] {strides = array<i32>} : memref<16x256xf32, #tpu.memory_space<vmem>>, vector<1x16xf32>,
      %get3A_455 = vector.shape_cast %get3A_454 : vector<1x16xf32> to vector<16xf32>
      %add3A_456 = arith.addf %add3A_450, %get3A_455 : vector<16xf32>
      %mul3A_457 = arith.constant 0.142857149 : f32
      %mul3A_458 = vector.broadcast %mul3A_457 : f32 to vector<16xf32>
      %mul3A_459 = arith.mulf %add3A_456, %mul3A_458 : vector<16xf32>
      %swap3A_460 = arith.constant 0 : i32
      %swap3A_461 = arith.index_cast %swap3A_460 : i32 to index
      %swap3A_462 = arith.constant 112 : index
      %swap3A_463 = tpu.vector_load %arg9[%swap3A_461, %swap3A_462] {strides = array<i32>} : memref<32x256xf32, #tpu.memory_space<vmem>>, vector<1x16xf32>,
      %swap3A_464 = vector.shape_cast %swap3A_463 : vector<1x16xf32> to vector<16xf32>
      %swap3A_465 = vector.shape_cast %mul3A_459 : vector<16xf32> to vector<1x16xf32>
      tpu.vector_store %arg9[%swap3A_461, %swap3A_462], %swap3A_465 {strides = array<i32>} : memref<32x256xf32, #tpu.memory_space<vmem>>, vector<1x16xf32>,
      %get3A_466 = arith.constant 0 : i32
      %get3A_467 = arith.index_cast %get3A_466 : i32 to index
      %get3A_468 = arith.constant 128 : index
      %get3A_469 = tpu.vector_load %arg10[%get3A_467, %get3A_468] {strides = array<i32>} : memref<16x256xf32, #tpu.memory_space<vmem>>, vector<1x16xf32>,
      %get3A_470 = vector.shape_cast %get3A_469 : vector<1x16xf32> to vector<16xf32>
      %get3A_471 = arith.constant 1 : i32
      %get3A_472 = arith.index_cast %get3A_471 : i32 to index
      %get3A_473 = arith.constant 128 : index
      %get3A_474 = tpu.vector_load %arg10[%get3A_472, %get3A_473] {strides = array<i32>} : memref<16x256xf32, #tpu.memory_space<vmem>>, vector<1x16xf32>,
      %get3A_475 = vector.shape_cast %get3A_474 : vector<1x16xf32> to vector<16xf32>
      %add3A_476 = arith.addf %get3A_470, %get3A_475 : vector<16xf32>
      %get3A_477 = arith.constant 2 : i32
      %get3A_478 = arith.index_cast %get3A_477 : i32 to index
      %get3A_479 = arith.constant 128 : index
      %get3A_480 = tpu.vector_load %arg10[%get3A_478, %get3A_479] {strides = array<i32>} : memref<16x256xf32, #tpu.memory_space<vmem>>, vector<1x16xf32>,
      %get3A_481 = vector.shape_cast %get3A_480 : vector<1x16xf32> to vector<16xf32>
      %add3A_482 = arith.addf %add3A_476, %get3A_481 : vector<16xf32>
      %get3A_483 = arith.constant 3 : i32
      %get3A_484 = arith.index_cast %get3A_483 : i32 to index
      %get3A_485 = arith.constant 128 : index
      %get3A_486 = tpu.vector_load %arg10[%get3A_484, %get3A_485] {strides = array<i32>} : memref<16x256xf32, #tpu.memory_space<vmem>>, vector<1x16xf32>,
      %get3A_487 = vector.shape_cast %get3A_486 : vector<1x16xf32> to vector<16xf32>
      %add3A_488 = arith.addf %add3A_482, %get3A_487 : vector<16xf32>
      %get3A_489 = arith.constant 4 : i32
      %get3A_490 = arith.index_cast %get3A_489 : i32 to index
      %get3A_491 = arith.constant 128 : index
      %get3A_492 = tpu.vector_load %arg10[%get3A_490, %get3A_491] {strides = array<i32>} : memref<16x256xf32, #tpu.memory_space<vmem>>, vector<1x16xf32>,
      %get3A_493 = vector.shape_cast %get3A_492 : vector<1x16xf32> to vector<16xf32>
      %add3A_494 = arith.addf %add3A_488, %get3A_493 : vector<16xf32>
      %get3A_495 = arith.constant 5 : i32
      %get3A_496 = arith.index_cast %get3A_495 : i32 to index
      %get3A_497 = arith.constant 128 : index
      %get3A_498 = tpu.vector_load %arg10[%get3A_496, %get3A_497] {strides = array<i32>} : memref<16x256xf32, #tpu.memory_space<vmem>>, vector<1x16xf32>,
      %get3A_499 = vector.shape_cast %get3A_498 : vector<1x16xf32> to vector<16xf32>
      %add3A_500 = arith.addf %add3A_494, %get3A_499 : vector<16xf32>
      %get3A_501 = arith.constant 6 : i32
      %get3A_502 = arith.index_cast %get3A_501 : i32 to index
      %get3A_503 = arith.constant 128 : index
      %get3A_504 = tpu.vector_load %arg10[%get3A_502, %get3A_503] {strides = array<i32>} : memref<16x256xf32, #tpu.memory_space<vmem>>, vector<1x16xf32>,
      %get3A_505 = vector.shape_cast %get3A_504 : vector<1x16xf32> to vector<16xf32>
      %add3A_506 = arith.addf %add3A_500, %get3A_505 : vector<16xf32>
      %mul3A_507 = arith.constant 0.142857149 : f32
      %mul3A_508 = vector.broadcast %mul3A_507 : f32 to vector<16xf32>
      %mul3A_509 = arith.mulf %add3A_506, %mul3A_508 : vector<16xf32>
      %swap3A_510 = arith.constant 0 : i32
      %swap3A_511 = arith.index_cast %swap3A_510 : i32 to index
      %swap3A_512 = arith.constant 128 : index
      %swap3A_513 = tpu.vector_load %arg9[%swap3A_511, %swap3A_512] {strides = array<i32>} : memref<32x256xf32, #tpu.memory_space<vmem>>, vector<1x16xf32>,
      %swap3A_514 = vector.shape_cast %swap3A_513 : vector<1x16xf32> to vector<16xf32>
      %swap3A_515 = vector.shape_cast %mul3A_509 : vector<16xf32> to vector<1x16xf32>
      tpu.vector_store %arg9[%swap3A_511, %swap3A_512], %swap3A_515 {strides = array<i32>} : memref<32x256xf32, #tpu.memory_space<vmem>>, vector<1x16xf32>,
      %get3A_516 = arith.constant 0 : i32
      %get3A_517 = arith.index_cast %get3A_516 : i32 to index
      %get3A_518 = arith.constant 144 : index
      %get3A_519 = tpu.vector_load %arg10[%get3A_517, %get3A_518] {strides = array<i32>} : memref<16x256xf32, #tpu.memory_space<vmem>>, vector<1x16xf32>,
      %get3A_520 = vector.shape_cast %get3A_519 : vector<1x16xf32> to vector<16xf32>
      %get3A_521 = arith.constant 1 : i32
      %get3A_522 = arith.index_cast %get3A_521 : i32 to index
      %get3A_523 = arith.constant 144 : index
      %get3A_524 = tpu.vector_load %arg10[%get3A_522, %get3A_523] {strides = array<i32>} : memref<16x256xf32, #tpu.memory_space<vmem>>, vector<1x16xf32>,
      %get3A_525 = vector.shape_cast %get3A_524 : vector<1x16xf32> to vector<16xf32>
      %add3A_526 = arith.addf %get3A_520, %get3A_525 : vector<16xf32>
      %get3A_527 = arith.constant 2 : i32
      %get3A_528 = arith.index_cast %get3A_527 : i32 to index
      %get3A_529 = arith.constant 144 : index
      %get3A_530 = tpu.vector_load %arg10[%get3A_528, %get3A_529] {strides = array<i32>} : memref<16x256xf32, #tpu.memory_space<vmem>>, vector<1x16xf32>,
      %get3A_531 = vector.shape_cast %get3A_530 : vector<1x16xf32> to vector<16xf32>
      %add3A_532 = arith.addf %add3A_526, %get3A_531 : vector<16xf32>
      %get3A_533 = arith.constant 3 : i32
      %get3A_534 = arith.index_cast %get3A_533 : i32 to index
      %get3A_535 = arith.constant 144 : index
      %get3A_536 = tpu.vector_load %arg10[%get3A_534, %get3A_535] {strides = array<i32>} : memref<16x256xf32, #tpu.memory_space<vmem>>, vector<1x16xf32>,
      %get3A_537 = vector.shape_cast %get3A_536 : vector<1x16xf32> to vector<16xf32>
      %add3A_538 = arith.addf %add3A_532, %get3A_537 : vector<16xf32>
      %get3A_539 = arith.constant 4 : i32
      %get3A_540 = arith.index_cast %get3A_539 : i32 to index
      %get3A_541 = arith.constant 144 : index
      %get3A_542 = tpu.vector_load %arg10[%get3A_540, %get3A_541] {strides = array<i32>} : memref<16x256xf32, #tpu.memory_space<vmem>>, vector<1x16xf32>,
      %get3A_543 = vector.shape_cast %get3A_542 : vector<1x16xf32> to vector<16xf32>
      %add3A_544 = arith.addf %add3A_538, %get3A_543 : vector<16xf32>
      %get3A_545 = arith.constant 5 : i32
      %get3A_546 = arith.index_cast %get3A_545 : i32 to index
      %get3A_547 = arith.constant 144 : index
      %get3A_548 = tpu.vector_load %arg10[%get3A_546, %get3A_547] {strides = array<i32>} : memref<16x256xf32, #tpu.memory_space<vmem>>, vector<1x16xf32>,
      %get3A_549 = vector.shape_cast %get3A_548 : vector<1x16xf32> to vector<16xf32>
      %add3A_550 = arith.addf %add3A_544, %get3A_549 : vector<16xf32>
      %get3A_551 = arith.constant 6 : i32
      %get3A_552 = arith.index_cast %get3A_551 : i32 to index
      %get3A_553 = arith.constant 144 : index
      %get3A_554 = tpu.vector_load %arg10[%get3A_552, %get3A_553] {strides = array<i32>} : memref<16x256xf32, #tpu.memory_space<vmem>>, vector<1x16xf32>,
      %get3A_555 = vector.shape_cast %get3A_554 : vector<1x16xf32> to vector<16xf32>
      %add3A_556 = arith.addf %add3A_550, %get3A_555 : vector<16xf32>
      %mul3A_557 = arith.constant 0.142857149 : f32
      %mul3A_558 = vector.broadcast %mul3A_557 : f32 to vector<16xf32>
      %mul3A_559 = arith.mulf %add3A_556, %mul3A_558 : vector<16xf32>
      %swap3A_560 = arith.constant 0 : i32
      %swap3A_561 = arith.index_cast %swap3A_560 : i32 to index
      %swap3A_562 = arith.constant 144 : index
      %swap3A_563 = tpu.vector_load %arg9[%swap3A_561, %swap3A_562] {strides = array<i32>} : memref<32x256xf32, #tpu.memory_space<vmem>>, vector<1x16xf32>,
      %swap3A_564 = vector.shape_cast %swap3A_563 : vector<1x16xf32> to vector<16xf32>
      %swap3A_565 = vector.shape_cast %mul3A_559 : vector<16xf32> to vector<1x16xf32>
      tpu.vector_store %arg9[%swap3A_561, %swap3A_562], %swap3A_565 {strides = array<i32>} : memref<32x256xf32, #tpu.memory_space<vmem>>, vector<1x16xf32>,
      %get3A_566 = arith.constant 0 : i32
      %get3A_567 = arith.index_cast %get3A_566 : i32 to index
      %get3A_568 = arith.constant 160 : index
      %get3A_569 = tpu.vector_load %arg10[%get3A_567, %get3A_568] {strides = array<i32>} : memref<16x256xf32, #tpu.memory_space<vmem>>, vector<1x16xf32>,
      %get3A_570 = vector.shape_cast %get3A_569 : vector<1x16xf32> to vector<16xf32>
      %get3A_571 = arith.constant 1 : i32
      %get3A_572 = arith.index_cast %get3A_571 : i32 to index
      %get3A_573 = arith.constant 160 : index
      %get3A_574 = tpu.vector_load %arg10[%get3A_572, %get3A_573] {strides = array<i32>} : memref<16x256xf32, #tpu.memory_space<vmem>>, vector<1x16xf32>,
      %get3A_575 = vector.shape_cast %get3A_574 : vector<1x16xf32> to vector<16xf32>
      %add3A_576 = arith.addf %get3A_570, %get3A_575 : vector<16xf32>
      %get3A_577 = arith.constant 2 : i32
      %get3A_578 = arith.index_cast %get3A_577 : i32 to index
      %get3A_579 = arith.constant 160 : index
      %get3A_580 = tpu.vector_load %arg10[%get3A_578, %get3A_579] {strides = array<i32>} : memref<16x256xf32, #tpu.memory_space<vmem>>, vector<1x16xf32>,
      %get3A_581 = vector.shape_cast %get3A_580 : vector<1x16xf32> to vector<16xf32>
      %add3A_582 = arith.addf %add3A_576, %get3A_581 : vector<16xf32>
      %get3A_583 = arith.constant 3 : i32
      %get3A_584 = arith.index_cast %get3A_583 : i32 to index
      %get3A_585 = arith.constant 160 : index
      %get3A_586 = tpu.vector_load %arg10[%get3A_584, %get3A_585] {strides = array<i32>} : memref<16x256xf32, #tpu.memory_space<vmem>>, vector<1x16xf32>,
      %get3A_587 = vector.shape_cast %get3A_586 : vector<1x16xf32> to vector<16xf32>
      %add3A_588 = arith.addf %add3A_582, %get3A_587 : vector<16xf32>
      %get3A_589 = arith.constant 4 : i32
      %get3A_590 = arith.index_cast %get3A_589 : i32 to index
      %get3A_591 = arith.constant 160 : index
      %get3A_592 = tpu.vector_load %arg10[%get3A_590, %get3A_591] {strides = array<i32>} : memref<16x256xf32, #tpu.memory_space<vmem>>, vector<1x16xf32>,
      %get3A_593 = vector.shape_cast %get3A_592 : vector<1x16xf32> to vector<16xf32>
      %add3A_594 = arith.addf %add3A_588, %get3A_593 : vector<16xf32>
      %get3A_595 = arith.constant 5 : i32
      %get3A_596 = arith.index_cast %get3A_595 : i32 to index
      %get3A_597 = arith.constant 160 : index
      %get3A_598 = tpu.vector_load %arg10[%get3A_596, %get3A_597] {strides = array<i32>} : memref<16x256xf32, #tpu.memory_space<vmem>>, vector<1x16xf32>,
      %get3A_599 = vector.shape_cast %get3A_598 : vector<1x16xf32> to vector<16xf32>
      %add3A_600 = arith.addf %add3A_594, %get3A_599 : vector<16xf32>
      %get3A_601 = arith.constant 6 : i32
      %get3A_602 = arith.index_cast %get3A_601 : i32 to index
      %get3A_603 = arith.constant 160 : index
      %get3A_604 = tpu.vector_load %arg10[%get3A_602, %get3A_603] {strides = array<i32>} : memref<16x256xf32, #tpu.memory_space<vmem>>, vector<1x16xf32>,
      %get3A_605 = vector.shape_cast %get3A_604 : vector<1x16xf32> to vector<16xf32>
      %add3A_606 = arith.addf %add3A_600, %get3A_605 : vector<16xf32>
      %mul3A_607 = arith.constant 0.142857149 : f32
      %mul3A_608 = vector.broadcast %mul3A_607 : f32 to vector<16xf32>
      %mul3A_609 = arith.mulf %add3A_606, %mul3A_608 : vector<16xf32>
      %swap3A_610 = arith.constant 0 : i32
      %swap3A_611 = arith.index_cast %swap3A_610 : i32 to index
      %swap3A_612 = arith.constant 160 : index
      %swap3A_613 = tpu.vector_load %arg9[%swap3A_611, %swap3A_612] {strides = array<i32>} : memref<32x256xf32, #tpu.memory_space<vmem>>, vector<1x16xf32>,
      %swap3A_614 = vector.shape_cast %swap3A_613 : vector<1x16xf32> to vector<16xf32>
      %swap3A_615 = vector.shape_cast %mul3A_609 : vector<16xf32> to vector<1x16xf32>
      tpu.vector_store %arg9[%swap3A_611, %swap3A_612], %swap3A_615 {strides = array<i32>} : memref<32x256xf32, #tpu.memory_space<vmem>>, vector<1x16xf32>,
      %get3A_616 = arith.constant 0 : i32
      %get3A_617 = arith.index_cast %get3A_616 : i32 to index
      %get3A_618 = arith.constant 176 : index
      %get3A_619 = tpu.vector_load %arg10[%get3A_617, %get3A_618] {strides = array<i32>} : memref<16x256xf32, #tpu.memory_space<vmem>>, vector<1x16xf32>,
      %get3A_620 = vector.shape_cast %get3A_619 : vector<1x16xf32> to vector<16xf32>
      %get3A_621 = arith.constant 1 : i32
      %get3A_622 = arith.index_cast %get3A_621 : i32 to index
      %get3A_623 = arith.constant 176 : index
      %get3A_624 = tpu.vector_load %arg10[%get3A_622, %get3A_623] {strides = array<i32>} : memref<16x256xf32, #tpu.memory_space<vmem>>, vector<1x16xf32>,
      %get3A_625 = vector.shape_cast %get3A_624 : vector<1x16xf32> to vector<16xf32>
      %add3A_626 = arith.addf %get3A_620, %get3A_625 : vector<16xf32>
      %get3A_627 = arith.constant 2 : i32
      %get3A_628 = arith.index_cast %get3A_627 : i32 to index
      %get3A_629 = arith.constant 176 : index
      %get3A_630 = tpu.vector_load %arg10[%get3A_628, %get3A_629] {strides = array<i32>} : memref<16x256xf32, #tpu.memory_space<vmem>>, vector<1x16xf32>,
      %get3A_631 = vector.shape_cast %get3A_630 : vector<1x16xf32> to vector<16xf32>
      %add3A_632 = arith.addf %add3A_626, %get3A_631 : vector<16xf32>
      %get3A_633 = arith.constant 3 : i32
      %get3A_634 = arith.index_cast %get3A_633 : i32 to index
      %get3A_635 = arith.constant 176 : index
      %get3A_636 = tpu.vector_load %arg10[%get3A_634, %get3A_635] {strides = array<i32>} : memref<16x256xf32, #tpu.memory_space<vmem>>, vector<1x16xf32>,
      %get3A_637 = vector.shape_cast %get3A_636 : vector<1x16xf32> to vector<16xf32>
      %add3A_638 = arith.addf %add3A_632, %get3A_637 : vector<16xf32>
      %get3A_639 = arith.constant 4 : i32
      %get3A_640 = arith.index_cast %get3A_639 : i32 to index
      %get3A_641 = arith.constant 176 : index
      %get3A_642 = tpu.vector_load %arg10[%get3A_640, %get3A_641] {strides = array<i32>} : memref<16x256xf32, #tpu.memory_space<vmem>>, vector<1x16xf32>,
      %get3A_643 = vector.shape_cast %get3A_642 : vector<1x16xf32> to vector<16xf32>
      %add3A_644 = arith.addf %add3A_638, %get3A_643 : vector<16xf32>
      %get3A_645 = arith.constant 5 : i32
      %get3A_646 = arith.index_cast %get3A_645 : i32 to index
      %get3A_647 = arith.constant 176 : index
      %get3A_648 = tpu.vector_load %arg10[%get3A_646, %get3A_647] {strides = array<i32>} : memref<16x256xf32, #tpu.memory_space<vmem>>, vector<1x16xf32>,
      %get3A_649 = vector.shape_cast %get3A_648 : vector<1x16xf32> to vector<16xf32>
      %add3A_650 = arith.addf %add3A_644, %get3A_649 : vector<16xf32>
      %get3A_651 = arith.constant 6 : i32
      %get3A_652 = arith.index_cast %get3A_651 : i32 to index
      %get3A_653 = arith.constant 176 : index
      %get3A_654 = tpu.vector_load %arg10[%get3A_652, %get3A_653] {strides = array<i32>} : memref<16x256xf32, #tpu.memory_space<vmem>>, vector<1x16xf32>,
      %get3A_655 = vector.shape_cast %get3A_654 : vector<1x16xf32> to vector<16xf32>
      %add3A_656 = arith.addf %add3A_650, %get3A_655 : vector<16xf32>
      %mul3A_657 = arith.constant 0.142857149 : f32
      %mul3A_658 = vector.broadcast %mul3A_657 : f32 to vector<16xf32>
      %mul3A_659 = arith.mulf %add3A_656, %mul3A_658 : vector<16xf32>
      %swap3A_660 = arith.constant 0 : i32
      %swap3A_661 = arith.index_cast %swap3A_660 : i32 to index
      %swap3A_662 = arith.constant 176 : index
      %swap3A_663 = tpu.vector_load %arg9[%swap3A_661, %swap3A_662] {strides = array<i32>} : memref<32x256xf32, #tpu.memory_space<vmem>>, vector<1x16xf32>,
      %swap3A_664 = vector.shape_cast %swap3A_663 : vector<1x16xf32> to vector<16xf32>
      %swap3A_665 = vector.shape_cast %mul3A_659 : vector<16xf32> to vector<1x16xf32>
      tpu.vector_store %arg9[%swap3A_661, %swap3A_662], %swap3A_665 {strides = array<i32>} : memref<32x256xf32, #tpu.memory_space<vmem>>, vector<1x16xf32>,
      %get3A_666 = arith.constant 0 : i32
      %get3A_667 = arith.index_cast %get3A_666 : i32 to index
      %get3A_668 = arith.constant 192 : index
      %get3A_669 = tpu.vector_load %arg10[%get3A_667, %get3A_668] {strides = array<i32>} : memref<16x256xf32, #tpu.memory_space<vmem>>, vector<1x16xf32>,
      %get3A_670 = vector.shape_cast %get3A_669 : vector<1x16xf32> to vector<16xf32>
      %get3A_671 = arith.constant 1 : i32
      %get3A_672 = arith.index_cast %get3A_671 : i32 to index
      %get3A_673 = arith.constant 192 : index
      %get3A_674 = tpu.vector_load %arg10[%get3A_672, %get3A_673] {strides = array<i32>} : memref<16x256xf32, #tpu.memory_space<vmem>>, vector<1x16xf32>,
      %get3A_675 = vector.shape_cast %get3A_674 : vector<1x16xf32> to vector<16xf32>
      %add3A_676 = arith.addf %get3A_670, %get3A_675 : vector<16xf32>
      %get3A_677 = arith.constant 2 : i32
      %get3A_678 = arith.index_cast %get3A_677 : i32 to index
      %get3A_679 = arith.constant 192 : index
      %get3A_680 = tpu.vector_load %arg10[%get3A_678, %get3A_679] {strides = array<i32>} : memref<16x256xf32, #tpu.memory_space<vmem>>, vector<1x16xf32>,
      %get3A_681 = vector.shape_cast %get3A_680 : vector<1x16xf32> to vector<16xf32>
      %add3A_682 = arith.addf %add3A_676, %get3A_681 : vector<16xf32>
      %get3A_683 = arith.constant 3 : i32
      %get3A_684 = arith.index_cast %get3A_683 : i32 to index
      %get3A_685 = arith.constant 192 : index
      %get3A_686 = tpu.vector_load %arg10[%get3A_684, %get3A_685] {strides = array<i32>} : memref<16x256xf32, #tpu.memory_space<vmem>>, vector<1x16xf32>,
      %get3A_687 = vector.shape_cast %get3A_686 : vector<1x16xf32> to vector<16xf32>
      %add3A_688 = arith.addf %add3A_682, %get3A_687 : vector<16xf32>
      %get3A_689 = arith.constant 4 : i32
      %get3A_690 = arith.index_cast %get3A_689 : i32 to index
      %get3A_691 = arith.constant 192 : index
      %get3A_692 = tpu.vector_load %arg10[%get3A_690, %get3A_691] {strides = array<i32>} : memref<16x256xf32, #tpu.memory_space<vmem>>, vector<1x16xf32>,
      %get3A_693 = vector.shape_cast %get3A_692 : vector<1x16xf32> to vector<16xf32>
      %add3A_694 = arith.addf %add3A_688, %get3A_693 : vector<16xf32>
      %get3A_695 = arith.constant 5 : i32
      %get3A_696 = arith.index_cast %get3A_695 : i32 to index
      %get3A_697 = arith.constant 192 : index
      %get3A_698 = tpu.vector_load %arg10[%get3A_696, %get3A_697] {strides = array<i32>} : memref<16x256xf32, #tpu.memory_space<vmem>>, vector<1x16xf32>,
      %get3A_699 = vector.shape_cast %get3A_698 : vector<1x16xf32> to vector<16xf32>
      %add3A_700 = arith.addf %add3A_694, %get3A_699 : vector<16xf32>
      %get3A_701 = arith.constant 6 : i32
      %get3A_702 = arith.index_cast %get3A_701 : i32 to index
      %get3A_703 = arith.constant 192 : index
      %get3A_704 = tpu.vector_load %arg10[%get3A_702, %get3A_703] {strides = array<i32>} : memref<16x256xf32, #tpu.memory_space<vmem>>, vector<1x16xf32>,
      %get3A_705 = vector.shape_cast %get3A_704 : vector<1x16xf32> to vector<16xf32>
      %add3A_706 = arith.addf %add3A_700, %get3A_705 : vector<16xf32>
      %mul3A_707 = arith.constant 0.142857149 : f32
      %mul3A_708 = vector.broadcast %mul3A_707 : f32 to vector<16xf32>
      %mul3A_709 = arith.mulf %add3A_706, %mul3A_708 : vector<16xf32>
      %swap3A_710 = arith.constant 0 : i32
      %swap3A_711 = arith.index_cast %swap3A_710 : i32 to index
      %swap3A_712 = arith.constant 192 : index
      %swap3A_713 = tpu.vector_load %arg9[%swap3A_711, %swap3A_712] {strides = array<i32>} : memref<32x256xf32, #tpu.memory_space<vmem>>, vector<1x16xf32>,
      %swap3A_714 = vector.shape_cast %swap3A_713 : vector<1x16xf32> to vector<16xf32>
      %swap3A_715 = vector.shape_cast %mul3A_709 : vector<16xf32> to vector<1x16xf32>
      tpu.vector_store %arg9[%swap3A_711, %swap3A_712], %swap3A_715 {strides = array<i32>} : memref<32x256xf32, #tpu.memory_space<vmem>>, vector<1x16xf32>,
      %get3A_716 = arith.constant 0 : i32
      %get3A_717 = arith.index_cast %get3A_716 : i32 to index
      %get3A_718 = arith.constant 208 : index
      %get3A_719 = tpu.vector_load %arg10[%get3A_717, %get3A_718] {strides = array<i32>} : memref<16x256xf32, #tpu.memory_space<vmem>>, vector<1x16xf32>,
      %get3A_720 = vector.shape_cast %get3A_719 : vector<1x16xf32> to vector<16xf32>
      %get3A_721 = arith.constant 1 : i32
      %get3A_722 = arith.index_cast %get3A_721 : i32 to index
      %get3A_723 = arith.constant 208 : index
      %get3A_724 = tpu.vector_load %arg10[%get3A_722, %get3A_723] {strides = array<i32>} : memref<16x256xf32, #tpu.memory_space<vmem>>, vector<1x16xf32>,
      %get3A_725 = vector.shape_cast %get3A_724 : vector<1x16xf32> to vector<16xf32>
      %add3A_726 = arith.addf %get3A_720, %get3A_725 : vector<16xf32>
      %get3A_727 = arith.constant 2 : i32
      %get3A_728 = arith.index_cast %get3A_727 : i32 to index
      %get3A_729 = arith.constant 208 : index
      %get3A_730 = tpu.vector_load %arg10[%get3A_728, %get3A_729] {strides = array<i32>} : memref<16x256xf32, #tpu.memory_space<vmem>>, vector<1x16xf32>,
      %get3A_731 = vector.shape_cast %get3A_730 : vector<1x16xf32> to vector<16xf32>
      %add3A_732 = arith.addf %add3A_726, %get3A_731 : vector<16xf32>
      %get3A_733 = arith.constant 3 : i32
      %get3A_734 = arith.index_cast %get3A_733 : i32 to index
      %get3A_735 = arith.constant 208 : index
      %get3A_736 = tpu.vector_load %arg10[%get3A_734, %get3A_735] {strides = array<i32>} : memref<16x256xf32, #tpu.memory_space<vmem>>, vector<1x16xf32>,
      %get3A_737 = vector.shape_cast %get3A_736 : vector<1x16xf32> to vector<16xf32>
      %add3A_738 = arith.addf %add3A_732, %get3A_737 : vector<16xf32>
      %get3A_739 = arith.constant 4 : i32
      %get3A_740 = arith.index_cast %get3A_739 : i32 to index
      %get3A_741 = arith.constant 208 : index
      %get3A_742 = tpu.vector_load %arg10[%get3A_740, %get3A_741] {strides = array<i32>} : memref<16x256xf32, #tpu.memory_space<vmem>>, vector<1x16xf32>,
      %get3A_743 = vector.shape_cast %get3A_742 : vector<1x16xf32> to vector<16xf32>
      %add3A_744 = arith.addf %add3A_738, %get3A_743 : vector<16xf32>
      %get3A_745 = arith.constant 5 : i32
      %get3A_746 = arith.index_cast %get3A_745 : i32 to index
      %get3A_747 = arith.constant 208 : index
      %get3A_748 = tpu.vector_load %arg10[%get3A_746, %get3A_747] {strides = array<i32>} : memref<16x256xf32, #tpu.memory_space<vmem>>, vector<1x16xf32>,
      %get3A_749 = vector.shape_cast %get3A_748 : vector<1x16xf32> to vector<16xf32>
      %add3A_750 = arith.addf %add3A_744, %get3A_749 : vector<16xf32>
      %get3A_751 = arith.constant 6 : i32
      %get3A_752 = arith.index_cast %get3A_751 : i32 to index
      %get3A_753 = arith.constant 208 : index
      %get3A_754 = tpu.vector_load %arg10[%get3A_752, %get3A_753] {strides = array<i32>} : memref<16x256xf32, #tpu.memory_space<vmem>>, vector<1x16xf32>,
      %get3A_755 = vector.shape_cast %get3A_754 : vector<1x16xf32> to vector<16xf32>
      %add3A_756 = arith.addf %add3A_750, %get3A_755 : vector<16xf32>
      %mul3A_757 = arith.constant 0.142857149 : f32
      %mul3A_758 = vector.broadcast %mul3A_757 : f32 to vector<16xf32>
      %mul3A_759 = arith.mulf %add3A_756, %mul3A_758 : vector<16xf32>
      %swap3A_760 = arith.constant 0 : i32
      %swap3A_761 = arith.index_cast %swap3A_760 : i32 to index
      %swap3A_762 = arith.constant 208 : index
      %swap3A_763 = tpu.vector_load %arg9[%swap3A_761, %swap3A_762] {strides = array<i32>} : memref<32x256xf32, #tpu.memory_space<vmem>>, vector<1x16xf32>,
      %swap3A_764 = vector.shape_cast %swap3A_763 : vector<1x16xf32> to vector<16xf32>
      %swap3A_765 = vector.shape_cast %mul3A_759 : vector<16xf32> to vector<1x16xf32>
      tpu.vector_store %arg9[%swap3A_761, %swap3A_762], %swap3A_765 {strides = array<i32>} : memref<32x256xf32, #tpu.memory_space<vmem>>, vector<1x16xf32>,
      %get3A_766 = arith.constant 0 : i32
      %get3A_767 = arith.index_cast %get3A_766 : i32 to index
      %get3A_768 = arith.constant 224 : index
      %get3A_769 = tpu.vector_load %arg10[%get3A_767, %get3A_768] {strides = array<i32>} : memref<16x256xf32, #tpu.memory_space<vmem>>, vector<1x16xf32>,
      %get3A_770 = vector.shape_cast %get3A_769 : vector<1x16xf32> to vector<16xf32>
      %get3A_771 = arith.constant 1 : i32
      %get3A_772 = arith.index_cast %get3A_771 : i32 to index
      %get3A_773 = arith.constant 224 : index
      %get3A_774 = tpu.vector_load %arg10[%get3A_772, %get3A_773] {strides = array<i32>} : memref<16x256xf32, #tpu.memory_space<vmem>>, vector<1x16xf32>,
      %get3A_775 = vector.shape_cast %get3A_774 : vector<1x16xf32> to vector<16xf32>
      %add3A_776 = arith.addf %get3A_770, %get3A_775 : vector<16xf32>
      %get3A_777 = arith.constant 2 : i32
      %get3A_778 = arith.index_cast %get3A_777 : i32 to index
      %get3A_779 = arith.constant 224 : index
      %get3A_780 = tpu.vector_load %arg10[%get3A_778, %get3A_779] {strides = array<i32>} : memref<16x256xf32, #tpu.memory_space<vmem>>, vector<1x16xf32>,
      %get3A_781 = vector.shape_cast %get3A_780 : vector<1x16xf32> to vector<16xf32>
      %add3A_782 = arith.addf %add3A_776, %get3A_781 : vector<16xf32>
      %get3A_783 = arith.constant 3 : i32
      %get3A_784 = arith.index_cast %get3A_783 : i32 to index
      %get3A_785 = arith.constant 224 : index
      %get3A_786 = tpu.vector_load %arg10[%get3A_784, %get3A_785] {strides = array<i32>} : memref<16x256xf32, #tpu.memory_space<vmem>>, vector<1x16xf32>,
      %get3A_787 = vector.shape_cast %get3A_786 : vector<1x16xf32> to vector<16xf32>
      %add3A_788 = arith.addf %add3A_782, %get3A_787 : vector<16xf32>
      %get3A_789 = arith.constant 4 : i32
      %get3A_790 = arith.index_cast %get3A_789 : i32 to index
      %get3A_791 = arith.constant 224 : index
      %get3A_792 = tpu.vector_load %arg10[%get3A_790, %get3A_791] {strides = array<i32>} : memref<16x256xf32, #tpu.memory_space<vmem>>, vector<1x16xf32>,
      %get3A_793 = vector.shape_cast %get3A_792 : vector<1x16xf32> to vector<16xf32>
      %add3A_794 = arith.addf %add3A_788, %get3A_793 : vector<16xf32>
      %get3A_795 = arith.constant 5 : i32
      %get3A_796 = arith.index_cast %get3A_795 : i32 to index
      %get3A_797 = arith.constant 224 : index
      %get3A_798 = tpu.vector_load %arg10[%get3A_796, %get3A_797] {strides = array<i32>} : memref<16x256xf32, #tpu.memory_space<vmem>>, vector<1x16xf32>,
      %get3A_799 = vector.shape_cast %get3A_798 : vector<1x16xf32> to vector<16xf32>
      %add3A_800 = arith.addf %add3A_794, %get3A_799 : vector<16xf32>
      %get3A_801 = arith.constant 6 : i32
      %get3A_802 = arith.index_cast %get3A_801 : i32 to index
      %get3A_803 = arith.constant 224 : index
      %get3A_804 = tpu.vector_load %arg10[%get3A_802, %get3A_803] {strides = array<i32>} : memref<16x256xf32, #tpu.memory_space<vmem>>, vector<1x16xf32>,
      %get3A_805 = vector.shape_cast %get3A_804 : vector<1x16xf32> to vector<16xf32>
      %add3A_806 = arith.addf %add3A_800, %get3A_805 : vector<16xf32>
      %mul3A_807 = arith.constant 0.142857149 : f32
      %mul3A_808 = vector.broadcast %mul3A_807 : f32 to vector<16xf32>
      %mul3A_809 = arith.mulf %add3A_806, %mul3A_808 : vector<16xf32>
      %swap3A_810 = arith.constant 0 : i32
      %swap3A_811 = arith.index_cast %swap3A_810 : i32 to index
      %swap3A_812 = arith.constant 224 : index
      %swap3A_813 = tpu.vector_load %arg9[%swap3A_811, %swap3A_812] {strides = array<i32>} : memref<32x256xf32, #tpu.memory_space<vmem>>, vector<1x16xf32>,
      %swap3A_814 = vector.shape_cast %swap3A_813 : vector<1x16xf32> to vector<16xf32>
      %swap3A_815 = vector.shape_cast %mul3A_809 : vector<16xf32> to vector<1x16xf32>
      tpu.vector_store %arg9[%swap3A_811, %swap3A_812], %swap3A_815 {strides = array<i32>} : memref<32x256xf32, #tpu.memory_space<vmem>>, vector<1x16xf32>,
      %get3A_816 = arith.constant 0 : i32
      %get3A_817 = arith.index_cast %get3A_816 : i32 to index
      %get3A_818 = arith.constant 240 : index
      %get3A_819 = tpu.vector_load %arg10[%get3A_817, %get3A_818] {strides = array<i32>} : memref<16x256xf32, #tpu.memory_space<vmem>>, vector<1x16xf32>,
      %get3A_820 = vector.shape_cast %get3A_819 : vector<1x16xf32> to vector<16xf32>
      %get3A_821 = arith.constant 1 : i32
      %get3A_822 = arith.index_cast %get3A_821 : i32 to index
      %get3A_823 = arith.constant 240 : index
      %get3A_824 = tpu.vector_load %arg10[%get3A_822, %get3A_823] {strides = array<i32>} : memref<16x256xf32, #tpu.memory_space<vmem>>, vector<1x16xf32>,
      %get3A_825 = vector.shape_cast %get3A_824 : vector<1x16xf32> to vector<16xf32>
      %add3A_826 = arith.addf %get3A_820, %get3A_825 : vector<16xf32>
      %get3A_827 = arith.constant 2 : i32
      %get3A_828 = arith.index_cast %get3A_827 : i32 to index
      %get3A_829 = arith.constant 240 : index
      %get3A_830 = tpu.vector_load %arg10[%get3A_828, %get3A_829] {strides = array<i32>} : memref<16x256xf32, #tpu.memory_space<vmem>>, vector<1x16xf32>,
      %get3A_831 = vector.shape_cast %get3A_830 : vector<1x16xf32> to vector<16xf32>
      %add3A_832 = arith.addf %add3A_826, %get3A_831 : vector<16xf32>
      %get3A_833 = arith.constant 3 : i32
      %get3A_834 = arith.index_cast %get3A_833 : i32 to index
      %get3A_835 = arith.constant 240 : index
      %get3A_836 = tpu.vector_load %arg10[%get3A_834, %get3A_835] {strides = array<i32>} : memref<16x256xf32, #tpu.memory_space<vmem>>, vector<1x16xf32>,
      %get3A_837 = vector.shape_cast %get3A_836 : vector<1x16xf32> to vector<16xf32>
      %add3A_838 = arith.addf %add3A_832, %get3A_837 : vector<16xf32>
      %get3A_839 = arith.constant 4 : i32
      %get3A_840 = arith.index_cast %get3A_839 : i32 to index
      %get3A_841 = arith.constant 240 : index
      %get3A_842 = tpu.vector_load %arg10[%get3A_840, %get3A_841] {strides = array<i32>} : memref<16x256xf32, #tpu.memory_space<vmem>>, vector<1x16xf32>,
      %get3A_843 = vector.shape_cast %get3A_842 : vector<1x16xf32> to vector<16xf32>
      %add3A_844 = arith.addf %add3A_838, %get3A_843 : vector<16xf32>
      %get3A_845 = arith.constant 5 : i32
      %get3A_846 = arith.index_cast %get3A_845 : i32 to index
      %get3A_847 = arith.constant 240 : index
      %get3A_848 = tpu.vector_load %arg10[%get3A_846, %get3A_847] {strides = array<i32>} : memref<16x256xf32, #tpu.memory_space<vmem>>, vector<1x16xf32>,
      %get3A_849 = vector.shape_cast %get3A_848 : vector<1x16xf32> to vector<16xf32>
      %add3A_850 = arith.addf %add3A_844, %get3A_849 : vector<16xf32>
      %get3A_851 = arith.constant 6 : i32
      %get3A_852 = arith.index_cast %get3A_851 : i32 to index
      %get3A_853 = arith.constant 240 : index
      %get3A_854 = tpu.vector_load %arg10[%get3A_852, %get3A_853] {strides = array<i32>} : memref<16x256xf32, #tpu.memory_space<vmem>>, vector<1x16xf32>,
      %get3A_855 = vector.shape_cast %get3A_854 : vector<1x16xf32> to vector<16xf32>
      %add3A_856 = arith.addf %add3A_850, %get3A_855 : vector<16xf32>
      %mul3A_857 = arith.constant 0.142857149 : f32
      %mul3A_858 = vector.broadcast %mul3A_857 : f32 to vector<16xf32>
      %mul3A_859 = arith.mulf %add3A_856, %mul3A_858 : vector<16xf32>
      %swap3A_860 = arith.constant 0 : i32
      %swap3A_861 = arith.index_cast %swap3A_860 : i32 to index
      %swap3A_862 = arith.constant 240 : index
      %swap3A_863 = tpu.vector_load %arg9[%swap3A_861, %swap3A_862] {strides = array<i32>} : memref<32x256xf32, #tpu.memory_space<vmem>>, vector<1x16xf32>,
      %swap3A_864 = vector.shape_cast %swap3A_863 : vector<1x16xf32> to vector<16xf32>
      %swap3A_865 = vector.shape_cast %mul3A_859 : vector<16xf32> to vector<1x16xf32>
      tpu.vector_store %arg9[%swap3A_861, %swap3A_862], %swap3A_865 {strides = array<i32>} : memref<32x256xf32, #tpu.memory_space<vmem>>, vector<1x16xf32>,
      %get3A_866 = arith.constant 7 : i32
      %get3A_867 = arith.index_cast %get3A_866 : i32 to index
      %get3A_868 = arith.constant 0 : index
      %get3A_869 = tpu.vector_load %arg10[%get3A_867, %get3A_868] {strides = array<i32>} : memref<16x256xf32, #tpu.memory_space<vmem>>, vector<1x16xf32>,
      %get3A_870 = vector.shape_cast %get3A_869 : vector<1x16xf32> to vector<16xf32>
      %get3A_871 = arith.constant 8 : i32
      %get3A_872 = arith.index_cast %get3A_871 : i32 to index
      %get3A_873 = arith.constant 0 : index
      %get3A_874 = tpu.vector_load %arg10[%get3A_872, %get3A_873] {strides = array<i32>} : memref<16x256xf32, #tpu.memory_space<vmem>>, vector<1x16xf32>,
      %get3A_875 = vector.shape_cast %get3A_874 : vector<1x16xf32> to vector<16xf32>
      %add3A_876 = arith.addf %get3A_870, %get3A_875 : vector<16xf32>
      %get3A_877 = arith.constant 9 : i32
      %get3A_878 = arith.index_cast %get3A_877 : i32 to index
      %get3A_879 = arith.constant 0 : index
      %get3A_880 = tpu.vector_load %arg10[%get3A_878, %get3A_879] {strides = array<i32>} : memref<16x256xf32, #tpu.memory_space<vmem>>, vector<1x16xf32>,
      %get3A_881 = vector.shape_cast %get3A_880 : vector<1x16xf32> to vector<16xf32>
      %add3A_882 = arith.addf %add3A_876, %get3A_881 : vector<16xf32>
      %get3A_883 = arith.constant 10 : i32
      %get3A_884 = arith.index_cast %get3A_883 : i32 to index
      %get3A_885 = arith.constant 0 : index
      %get3A_886 = tpu.vector_load %arg10[%get3A_884, %get3A_885] {strides = array<i32>} : memref<16x256xf32, #tpu.memory_space<vmem>>, vector<1x16xf32>,
      %get3A_887 = vector.shape_cast %get3A_886 : vector<1x16xf32> to vector<16xf32>
      %add3A_888 = arith.addf %add3A_882, %get3A_887 : vector<16xf32>
      %get3A_889 = arith.constant 11 : i32
      %get3A_890 = arith.index_cast %get3A_889 : i32 to index
      %get3A_891 = arith.constant 0 : index
      %get3A_892 = tpu.vector_load %arg10[%get3A_890, %get3A_891] {strides = array<i32>} : memref<16x256xf32, #tpu.memory_space<vmem>>, vector<1x16xf32>,
      %get3A_893 = vector.shape_cast %get3A_892 : vector<1x16xf32> to vector<16xf32>
      %add3A_894 = arith.addf %add3A_888, %get3A_893 : vector<16xf32>
      %get3A_895 = arith.constant 12 : i32
      %get3A_896 = arith.index_cast %get3A_895 : i32 to index
      %get3A_897 = arith.constant 0 : index
      %get3A_898 = tpu.vector_load %arg10[%get3A_896, %get3A_897] {strides = array<i32>} : memref<16x256xf32, #tpu.memory_space<vmem>>, vector<1x16xf32>,
      %get3A_899 = vector.shape_cast %get3A_898 : vector<1x16xf32> to vector<16xf32>
      %add3A_900 = arith.addf %add3A_894, %get3A_899 : vector<16xf32>
      %get3A_901 = arith.constant 13 : i32
      %get3A_902 = arith.index_cast %get3A_901 : i32 to index
      %get3A_903 = arith.constant 0 : index
      %get3A_904 = tpu.vector_load %arg10[%get3A_902, %get3A_903] {strides = array<i32>} : memref<16x256xf32, #tpu.memory_space<vmem>>, vector<1x16xf32>,
      %get3A_905 = vector.shape_cast %get3A_904 : vector<1x16xf32> to vector<16xf32>
      %add3A_906 = arith.addf %add3A_900, %get3A_905 : vector<16xf32>
      %mul3A_907 = arith.constant 0.142857149 : f32
      %mul3A_908 = vector.broadcast %mul3A_907 : f32 to vector<16xf32>
      %mul3A_909 = arith.mulf %add3A_906, %mul3A_908 : vector<16xf32>
      %swap3A_910 = arith.constant 1 : i32
      %swap3A_911 = arith.index_cast %swap3A_910 : i32 to index
      %swap3A_912 = arith.constant 0 : index
      %swap3A_913 = tpu.vector_load %arg9[%swap3A_911, %swap3A_912] {strides = array<i32>} : memref<32x256xf32, #tpu.memory_space<vmem>>, vector<1x16xf32>,
      %swap3A_914 = vector.shape_cast %swap3A_913 : vector<1x16xf32> to vector<16xf32>
      %swap3A_915 = vector.shape_cast %mul3A_909 : vector<16xf32> to vector<1x16xf32>
      tpu.vector_store %arg9[%swap3A_911, %swap3A_912], %swap3A_915 {strides = array<i32>} : memref<32x256xf32, #tpu.memory_space<vmem>>, vector<1x16xf32>,
      %get3A_916 = arith.constant 7 : i32
      %get3A_917 = arith.index_cast %get3A_916 : i32 to index
      %get3A_918 = arith.constant 16 : index
      %get3A_919 = tpu.vector_load %arg10[%get3A_917, %get3A_918] {strides = array<i32>} : memref<16x256xf32, #tpu.memory_space<vmem>>, vector<1x16xf32>,
      %get3A_920 = vector.shape_cast %get3A_919 : vector<1x16xf32> to vector<16xf32>
      %get3A_921 = arith.constant 8 : i32
      %get3A_922 = arith.index_cast %get3A_921 : i32 to index
      %get3A_923 = arith.constant 16 : index
      %get3A_924 = tpu.vector_load %arg10[%get3A_922, %get3A_923] {strides = array<i32>} : memref<16x256xf32, #tpu.memory_space<vmem>>, vector<1x16xf32>,
      %get3A_925 = vector.shape_cast %get3A_924 : vector<1x16xf32> to vector<16xf32>
      %add3A_926 = arith.addf %get3A_920, %get3A_925 : vector<16xf32>
      %get3A_927 = arith.constant 9 : i32
      %get3A_928 = arith.index_cast %get3A_927 : i32 to index
      %get3A_929 = arith.constant 16 : index
      %get3A_930 = tpu.vector_load %arg10[%get3A_928, %get3A_929] {strides = array<i32>} : memref<16x256xf32, #tpu.memory_space<vmem>>, vector<1x16xf32>,
      %get3A_931 = vector.shape_cast %get3A_930 : vector<1x16xf32> to vector<16xf32>
      %add3A_932 = arith.addf %add3A_926, %get3A_931 : vector<16xf32>
      %get3A_933 = arith.constant 10 : i32
      %get3A_934 = arith.index_cast %get3A_933 : i32 to index
      %get3A_935 = arith.constant 16 : index
      %get3A_936 = tpu.vector_load %arg10[%get3A_934, %get3A_935] {strides = array<i32>} : memref<16x256xf32, #tpu.memory_space<vmem>>, vector<1x16xf32>,
      %get3A_937 = vector.shape_cast %get3A_936 : vector<1x16xf32> to vector<16xf32>
      %add3A_938 = arith.addf %add3A_932, %get3A_937 : vector<16xf32>
      %get3A_939 = arith.constant 11 : i32
      %get3A_940 = arith.index_cast %get3A_939 : i32 to index
      %get3A_941 = arith.constant 16 : index
      %get3A_942 = tpu.vector_load %arg10[%get3A_940, %get3A_941] {strides = array<i32>} : memref<16x256xf32, #tpu.memory_space<vmem>>, vector<1x16xf32>,
      %get3A_943 = vector.shape_cast %get3A_942 : vector<1x16xf32> to vector<16xf32>
      %add3A_944 = arith.addf %add3A_938, %get3A_943 : vector<16xf32>
      %get3A_945 = arith.constant 12 : i32
      %get3A_946 = arith.index_cast %get3A_945 : i32 to index
      %get3A_947 = arith.constant 16 : index
      %get3A_948 = tpu.vector_load %arg10[%get3A_946, %get3A_947] {strides = array<i32>} : memref<16x256xf32, #tpu.memory_space<vmem>>, vector<1x16xf32>,
      %get3A_949 = vector.shape_cast %get3A_948 : vector<1x16xf32> to vector<16xf32>
      %add3A_950 = arith.addf %add3A_944, %get3A_949 : vector<16xf32>
      %get3A_951 = arith.constant 13 : i32
      %get3A_952 = arith.index_cast %get3A_951 : i32 to index
      %get3A_953 = arith.constant 16 : index
      %get3A_954 = tpu.vector_load %arg10[%get3A_952, %get3A_953] {strides = array<i32>} : memref<16x256xf32, #tpu.memory_space<vmem>>, vector<1x16xf32>,
      %get3A_955 = vector.shape_cast %get3A_954 : vector<1x16xf32> to vector<16xf32>
      %add3A_956 = arith.addf %add3A_950, %get3A_955 : vector<16xf32>
      %mul3A_957 = arith.constant 0.142857149 : f32
      %mul3A_958 = vector.broadcast %mul3A_957 : f32 to vector<16xf32>
      %mul3A_959 = arith.mulf %add3A_956, %mul3A_958 : vector<16xf32>
      %swap3A_960 = arith.constant 1 : i32
      %swap3A_961 = arith.index_cast %swap3A_960 : i32 to index
      %swap3A_962 = arith.constant 16 : index
      %swap3A_963 = tpu.vector_load %arg9[%swap3A_961, %swap3A_962] {strides = array<i32>} : memref<32x256xf32, #tpu.memory_space<vmem>>, vector<1x16xf32>,
      %swap3A_964 = vector.shape_cast %swap3A_963 : vector<1x16xf32> to vector<16xf32>
      %swap3A_965 = vector.shape_cast %mul3A_959 : vector<16xf32> to vector<1x16xf32>
      tpu.vector_store %arg9[%swap3A_961, %swap3A_962], %swap3A_965 {strides = array<i32>} : memref<32x256xf32, #tpu.memory_space<vmem>>, vector<1x16xf32>,
      %get3A_966 = arith.constant 7 : i32
      %get3A_967 = arith.index_cast %get3A_966 : i32 to index
      %get3A_968 = arith.constant 32 : index
      %get3A_969 = tpu.vector_load %arg10[%get3A_967, %get3A_968] {strides = array<i32>} : memref<16x256xf32, #tpu.memory_space<vmem>>, vector<1x16xf32>,
      %get3A_970 = vector.shape_cast %get3A_969 : vector<1x16xf32> to vector<16xf32>
      %get3A_971 = arith.constant 8 : i32
      %get3A_972 = arith.index_cast %get3A_971 : i32 to index
      %get3A_973 = arith.constant 32 : index
      %get3A_974 = tpu.vector_load %arg10[%get3A_972, %get3A_973] {strides = array<i32>} : memref<16x256xf32, #tpu.memory_space<vmem>>, vector<1x16xf32>,
      %get3A_975 = vector.shape_cast %get3A_974 : vector<1x16xf32> to vector<16xf32>
      %add3A_976 = arith.addf %get3A_970, %get3A_975 : vector<16xf32>
      %get3A_977 = arith.constant 9 : i32
      %get3A_978 = arith.index_cast %get3A_977 : i32 to index
      %get3A_979 = arith.constant 32 : index
      %get3A_980 = tpu.vector_load %arg10[%get3A_978, %get3A_979] {strides = array<i32>} : memref<16x256xf32, #tpu.memory_space<vmem>>, vector<1x16xf32>,
      %get3A_981 = vector.shape_cast %get3A_980 : vector<1x16xf32> to vector<16xf32>
      %add3A_982 = arith.addf %add3A_976, %get3A_981 : vector<16xf32>
      %get3A_983 = arith.constant 10 : i32
      %get3A_984 = arith.index_cast %get3A_983 : i32 to index
      %get3A_985 = arith.constant 32 : index
      %get3A_986 = tpu.vector_load %arg10[%get3A_984, %get3A_985] {strides = array<i32>} : memref<16x256xf32, #tpu.memory_space<vmem>>, vector<1x16xf32>,
      %get3A_987 = vector.shape_cast %get3A_986 : vector<1x16xf32> to vector<16xf32>
      %add3A_988 = arith.addf %add3A_982, %get3A_987 : vector<16xf32>
      %get3A_989 = arith.constant 11 : i32
      %get3A_990 = arith.index_cast %get3A_989 : i32 to index
      %get3A_991 = arith.constant 32 : index
      %get3A_992 = tpu.vector_load %arg10[%get3A_990, %get3A_991] {strides = array<i32>} : memref<16x256xf32, #tpu.memory_space<vmem>>, vector<1x16xf32>,
      %get3A_993 = vector.shape_cast %get3A_992 : vector<1x16xf32> to vector<16xf32>
      %add3A_994 = arith.addf %add3A_988, %get3A_993 : vector<16xf32>
      %get3A_995 = arith.constant 12 : i32
      %get3A_996 = arith.index_cast %get3A_995 : i32 to index
      %get3A_997 = arith.constant 32 : index
      %get3A_998 = tpu.vector_load %arg10[%get3A_996, %get3A_997] {strides = array<i32>} : memref<16x256xf32, #tpu.memory_space<vmem>>, vector<1x16xf32>,
      %get3A_999 = vector.shape_cast %get3A_998 : vector<1x16xf32> to vector<16xf32>
      %add3A_1000 = arith.addf %add3A_994, %get3A_999 : vector<16xf32>
      %get3A_1001 = arith.constant 13 : i32
      %get3A_1002 = arith.index_cast %get3A_1001 : i32 to index
      %get3A_1003 = arith.constant 32 : index
      %get3A_1004 = tpu.vector_load %arg10[%get3A_1002, %get3A_1003] {strides = array<i32>} : memref<16x256xf32, #tpu.memory_space<vmem>>, vector<1x16xf32>,
      %get3A_1005 = vector.shape_cast %get3A_1004 : vector<1x16xf32> to vector<16xf32>
      %add3A_1006 = arith.addf %add3A_1000, %get3A_1005 : vector<16xf32>
      %mul3A_1007 = arith.constant 0.142857149 : f32
      %mul3A_1008 = vector.broadcast %mul3A_1007 : f32 to vector<16xf32>
      %mul3A_1009 = arith.mulf %add3A_1006, %mul3A_1008 : vector<16xf32>
      %swap3A_1010 = arith.constant 1 : i32
      %swap3A_1011 = arith.index_cast %swap3A_1010 : i32 to index
      %swap3A_1012 = arith.constant 32 : index
      %swap3A_1013 = tpu.vector_load %arg9[%swap3A_1011, %swap3A_1012] {strides = array<i32>} : memref<32x256xf32, #tpu.memory_space<vmem>>, vector<1x16xf32>,
      %swap3A_1014 = vector.shape_cast %swap3A_1013 : vector<1x16xf32> to vector<16xf32>
      %swap3A_1015 = vector.shape_cast %mul3A_1009 : vector<16xf32> to vector<1x16xf32>
      tpu.vector_store %arg9[%swap3A_1011, %swap3A_1012], %swap3A_1015 {strides = array<i32>} : memref<32x256xf32, #tpu.memory_space<vmem>>, vector<1x16xf32>,
      %get3A_1016 = arith.constant 7 : i32
      %get3A_1017 = arith.index_cast %get3A_1016 : i32 to index
      %get3A_1018 = arith.constant 48 : index
      %get3A_1019 = tpu.vector_load %arg10[%get3A_1017, %get3A_1018] {strides = array<i32>} : memref<16x256xf32, #tpu.memory_space<vmem>>, vector<1x16xf32>,
      %get3A_1020 = vector.shape_cast %get3A_1019 : vector<1x16xf32> to vector<16xf32>
      %get3A_1021 = arith.constant 8 : i32
      %get3A_1022 = arith.index_cast %get3A_1021 : i32 to index
      %get3A_1023 = arith.constant 48 : index
      %get3A_1024 = tpu.vector_load %arg10[%get3A_1022, %get3A_1023] {strides = array<i32>} : memref<16x256xf32, #tpu.memory_space<vmem>>, vector<1x16xf32>,
      %get3A_1025 = vector.shape_cast %get3A_1024 : vector<1x16xf32> to vector<16xf32>
      %add3A_1026 = arith.addf %get3A_1020, %get3A_1025 : vector<16xf32>
      %get3A_1027 = arith.constant 9 : i32
      %get3A_1028 = arith.index_cast %get3A_1027 : i32 to index
      %get3A_1029 = arith.constant 48 : index
      %get3A_1030 = tpu.vector_load %arg10[%get3A_1028, %get3A_1029] {strides = array<i32>} : memref<16x256xf32, #tpu.memory_space<vmem>>, vector<1x16xf32>,
      %get3A_1031 = vector.shape_cast %get3A_1030 : vector<1x16xf32> to vector<16xf32>
      %add3A_1032 = arith.addf %add3A_1026, %get3A_1031 : vector<16xf32>
      %get3A_1033 = arith.constant 10 : i32
      %get3A_1034 = arith.index_cast %get3A_1033 : i32 to index
      %get3A_1035 = arith.constant 48 : index
      %get3A_1036 = tpu.vector_load %arg10[%get3A_1034, %get3A_1035] {strides = array<i32>} : memref<16x256xf32, #tpu.memory_space<vmem>>, vector<1x16xf32>,
      %get3A_1037 = vector.shape_cast %get3A_1036 : vector<1x16xf32> to vector<16xf32>
      %add3A_1038 = arith.addf %add3A_1032, %get3A_1037 : vector<16xf32>
      %get3A_1039 = arith.constant 11 : i32
      %get3A_1040 = arith.index_cast %get3A_1039 : i32 to index
      %get3A_1041 = arith.constant 48 : index
      %get3A_1042 = tpu.vector_load %arg10[%get3A_1040, %get3A_1041] {strides = array<i32>} : memref<16x256xf32, #tpu.memory_space<vmem>>, vector<1x16xf32>,
      %get3A_1043 = vector.shape_cast %get3A_1042 : vector<1x16xf32> to vector<16xf32>
      %add3A_1044 = arith.addf %add3A_1038, %get3A_1043 : vector<16xf32>
      %get3A_1045 = arith.constant 12 : i32
      %get3A_1046 = arith.index_cast %get3A_1045 : i32 to index
      %get3A_1047 = arith.constant 48 : index
      %get3A_1048 = tpu.vector_load %arg10[%get3A_1046, %get3A_1047] {strides = array<i32>} : memref<16x256xf32, #tpu.memory_space<vmem>>, vector<1x16xf32>,
      %get3A_1049 = vector.shape_cast %get3A_1048 : vector<1x16xf32> to vector<16xf32>
      %add3A_1050 = arith.addf %add3A_1044, %get3A_1049 : vector<16xf32>
      %get3A_1051 = arith.constant 13 : i32
      %get3A_1052 = arith.index_cast %get3A_1051 : i32 to index
      %get3A_1053 = arith.constant 48 : index
      %get3A_1054 = tpu.vector_load %arg10[%get3A_1052, %get3A_1053] {strides = array<i32>} : memref<16x256xf32, #tpu.memory_space<vmem>>, vector<1x16xf32>,
      %get3A_1055 = vector.shape_cast %get3A_1054 : vector<1x16xf32> to vector<16xf32>
      %add3A_1056 = arith.addf %add3A_1050, %get3A_1055 : vector<16xf32>
      %mul3A_1057 = arith.constant 0.142857149 : f32
      %mul3A_1058 = vector.broadcast %mul3A_1057 : f32 to vector<16xf32>
      %mul3A_1059 = arith.mulf %add3A_1056, %mul3A_1058 : vector<16xf32>
      %swap3A_1060 = arith.constant 1 : i32
      %swap3A_1061 = arith.index_cast %swap3A_1060 : i32 to index
      %swap3A_1062 = arith.constant 48 : index
      %swap3A_1063 = tpu.vector_load %arg9[%swap3A_1061, %swap3A_1062] {strides = array<i32>} : memref<32x256xf32, #tpu.memory_space<vmem>>, vector<1x16xf32>,
      %swap3A_1064 = vector.shape_cast %swap3A_1063 : vector<1x16xf32> to vector<16xf32>
      %swap3A_1065 = vector.shape_cast %mul3A_1059 : vector<16xf32> to vector<1x16xf32>
      tpu.vector_store %arg9[%swap3A_1061, %swap3A_1062], %swap3A_1065 {strides = array<i32>} : memref<32x256xf32, #tpu.memory_space<vmem>>, vector<1x16xf32>,
      %get3A_1066 = arith.constant 7 : i32
      %get3A_1067 = arith.index_cast %get3A_1066 : i32 to index
      %get3A_1068 = arith.constant 64 : index
      %get3A_1069 = tpu.vector_load %arg10[%get3A_1067, %get3A_1068] {strides = array<i32>} : memref<16x256xf32, #tpu.memory_space<vmem>>, vector<1x16xf32>,
      %get3A_1070 = vector.shape_cast %get3A_1069 : vector<1x16xf32> to vector<16xf32>
      %get3A_1071 = arith.constant 8 : i32
      %get3A_1072 = arith.index_cast %get3A_1071 : i32 to index
      %get3A_1073 = arith.constant 64 : index
      %get3A_1074 = tpu.vector_load %arg10[%get3A_1072, %get3A_1073] {strides = array<i32>} : memref<16x256xf32, #tpu.memory_space<vmem>>, vector<1x16xf32>,
      %get3A_1075 = vector.shape_cast %get3A_1074 : vector<1x16xf32> to vector<16xf32>
      %add3A_1076 = arith.addf %get3A_1070, %get3A_1075 : vector<16xf32>
      %get3A_1077 = arith.constant 9 : i32
      %get3A_1078 = arith.index_cast %get3A_1077 : i32 to index
      %get3A_1079 = arith.constant 64 : index
      %get3A_1080 = tpu.vector_load %arg10[%get3A_1078, %get3A_1079] {strides = array<i32>} : memref<16x256xf32, #tpu.memory_space<vmem>>, vector<1x16xf32>,
      %get3A_1081 = vector.shape_cast %get3A_1080 : vector<1x16xf32> to vector<16xf32>
      %add3A_1082 = arith.addf %add3A_1076, %get3A_1081 : vector<16xf32>
      %get3A_1083 = arith.constant 10 : i32
      %get3A_1084 = arith.index_cast %get3A_1083 : i32 to index
      %get3A_1085 = arith.constant 64 : index
      %get3A_1086 = tpu.vector_load %arg10[%get3A_1084, %get3A_1085] {strides = array<i32>} : memref<16x256xf32, #tpu.memory_space<vmem>>, vector<1x16xf32>,
      %get3A_1087 = vector.shape_cast %get3A_1086 : vector<1x16xf32> to vector<16xf32>
      %add3A_1088 = arith.addf %add3A_1082, %get3A_1087 : vector<16xf32>
      %get3A_1089 = arith.constant 11 : i32
      %get3A_1090 = arith.index_cast %get3A_1089 : i32 to index
      %get3A_1091 = arith.constant 64 : index
      %get3A_1092 = tpu.vector_load %arg10[%get3A_1090, %get3A_1091] {strides = array<i32>} : memref<16x256xf32, #tpu.memory_space<vmem>>, vector<1x16xf32>,
      %get3A_1093 = vector.shape_cast %get3A_1092 : vector<1x16xf32> to vector<16xf32>
      %add3A_1094 = arith.addf %add3A_1088, %get3A_1093 : vector<16xf32>
      %get3A_1095 = arith.constant 12 : i32
      %get3A_1096 = arith.index_cast %get3A_1095 : i32 to index
      %get3A_1097 = arith.constant 64 : index
      %get3A_1098 = tpu.vector_load %arg10[%get3A_1096, %get3A_1097] {strides = array<i32>} : memref<16x256xf32, #tpu.memory_space<vmem>>, vector<1x16xf32>,
      %get3A_1099 = vector.shape_cast %get3A_1098 : vector<1x16xf32> to vector<16xf32>
      %add3A_1100 = arith.addf %add3A_1094, %get3A_1099 : vector<16xf32>
      %get3A_1101 = arith.constant 13 : i32
      %get3A_1102 = arith.index_cast %get3A_1101 : i32 to index
      %get3A_1103 = arith.constant 64 : index
      %get3A_1104 = tpu.vector_load %arg10[%get3A_1102, %get3A_1103] {strides = array<i32>} : memref<16x256xf32, #tpu.memory_space<vmem>>, vector<1x16xf32>,
      %get3A_1105 = vector.shape_cast %get3A_1104 : vector<1x16xf32> to vector<16xf32>
      %add3A_1106 = arith.addf %add3A_1100, %get3A_1105 : vector<16xf32>
      %mul3A_1107 = arith.constant 0.142857149 : f32
      %mul3A_1108 = vector.broadcast %mul3A_1107 : f32 to vector<16xf32>
      %mul3A_1109 = arith.mulf %add3A_1106, %mul3A_1108 : vector<16xf32>
      %swap3A_1110 = arith.constant 1 : i32
      %swap3A_1111 = arith.index_cast %swap3A_1110 : i32 to index
      %swap3A_1112 = arith.constant 64 : index
      %swap3A_1113 = tpu.vector_load %arg9[%swap3A_1111, %swap3A_1112] {strides = array<i32>} : memref<32x256xf32, #tpu.memory_space<vmem>>, vector<1x16xf32>,
      %swap3A_1114 = vector.shape_cast %swap3A_1113 : vector<1x16xf32> to vector<16xf32>
      %swap3A_1115 = vector.shape_cast %mul3A_1109 : vector<16xf32> to vector<1x16xf32>
      tpu.vector_store %arg9[%swap3A_1111, %swap3A_1112], %swap3A_1115 {strides = array<i32>} : memref<32x256xf32, #tpu.memory_space<vmem>>, vector<1x16xf32>,
      %get3A_1116 = arith.constant 7 : i32
      %get3A_1117 = arith.index_cast %get3A_1116 : i32 to index
      %get3A_1118 = arith.constant 80 : index
      %get3A_1119 = tpu.vector_load %arg10[%get3A_1117, %get3A_1118] {strides = array<i32>} : memref<16x256xf32, #tpu.memory_space<vmem>>, vector<1x16xf32>,
      %get3A_1120 = vector.shape_cast %get3A_1119 : vector<1x16xf32> to vector<16xf32>
      %get3A_1121 = arith.constant 8 : i32
      %get3A_1122 = arith.index_cast %get3A_1121 : i32 to index
      %get3A_1123 = arith.constant 80 : index
      %get3A_1124 = tpu.vector_load %arg10[%get3A_1122, %get3A_1123] {strides = array<i32>} : memref<16x256xf32, #tpu.memory_space<vmem>>, vector<1x16xf32>,
      %get3A_1125 = vector.shape_cast %get3A_1124 : vector<1x16xf32> to vector<16xf32>
      %add3A_1126 = arith.addf %get3A_1120, %get3A_1125 : vector<16xf32>
      %get3A_1127 = arith.constant 9 : i32
      %get3A_1128 = arith.index_cast %get3A_1127 : i32 to index
      %get3A_1129 = arith.constant 80 : index
      %get3A_1130 = tpu.vector_load %arg10[%get3A_1128, %get3A_1129] {strides = array<i32>} : memref<16x256xf32, #tpu.memory_space<vmem>>, vector<1x16xf32>,
      %get3A_1131 = vector.shape_cast %get3A_1130 : vector<1x16xf32> to vector<16xf32>
      %add3A_1132 = arith.addf %add3A_1126, %get3A_1131 : vector<16xf32>
      %get3A_1133 = arith.constant 10 : i32
      %get3A_1134 = arith.index_cast %get3A_1133 : i32 to index
      %get3A_1135 = arith.constant 80 : index
      %get3A_1136 = tpu.vector_load %arg10[%get3A_1134, %get3A_1135] {strides = array<i32>} : memref<16x256xf32, #tpu.memory_space<vmem>>, vector<1x16xf32>,
      %get3A_1137 = vector.shape_cast %get3A_1136 : vector<1x16xf32> to vector<16xf32>
      %add3A_1138 = arith.addf %add3A_1132, %get3A_1137 : vector<16xf32>
      %get3A_1139 = arith.constant 11 : i32
      %get3A_1140 = arith.index_cast %get3A_1139 : i32 to index
      %get3A_1141 = arith.constant 80 : index
      %get3A_1142 = tpu.vector_load %arg10[%get3A_1140, %get3A_1141] {strides = array<i32>} : memref<16x256xf32, #tpu.memory_space<vmem>>, vector<1x16xf32>,
      %get3A_1143 = vector.shape_cast %get3A_1142 : vector<1x16xf32> to vector<16xf32>
      %add3A_1144 = arith.addf %add3A_1138, %get3A_1143 : vector<16xf32>
      %get3A_1145 = arith.constant 12 : i32
      %get3A_1146 = arith.index_cast %get3A_1145 : i32 to index
      %get3A_1147 = arith.constant 80 : index
      %get3A_1148 = tpu.vector_load %arg10[%get3A_1146, %get3A_1147] {strides = array<i32>} : memref<16x256xf32, #tpu.memory_space<vmem>>, vector<1x16xf32>,
      %get3A_1149 = vector.shape_cast %get3A_1148 : vector<1x16xf32> to vector<16xf32>
      %add3A_1150 = arith.addf %add3A_1144, %get3A_1149 : vector<16xf32>
      %get3A_1151 = arith.constant 13 : i32
      %get3A_1152 = arith.index_cast %get3A_1151 : i32 to index
      %get3A_1153 = arith.constant 80 : index
      %get3A_1154 = tpu.vector_load %arg10[%get3A_1152, %get3A_1153] {strides = array<i32>} : memref<16x256xf32, #tpu.memory_space<vmem>>, vector<1x16xf32>,
      %get3A_1155 = vector.shape_cast %get3A_1154 : vector<1x16xf32> to vector<16xf32>
      %add3A_1156 = arith.addf %add3A_1150, %get3A_1155 : vector<16xf32>
      %mul3A_1157 = arith.constant 0.142857149 : f32
      %mul3A_1158 = vector.broadcast %mul3A_1157 : f32 to vector<16xf32>
      %mul3A_1159 = arith.mulf %add3A_1156, %mul3A_1158 : vector<16xf32>
      %swap3A_1160 = arith.constant 1 : i32
      %swap3A_1161 = arith.index_cast %swap3A_1160 : i32 to index
      %swap3A_1162 = arith.constant 80 : index
      %swap3A_1163 = tpu.vector_load %arg9[%swap3A_1161, %swap3A_1162] {strides = array<i32>} : memref<32x256xf32, #tpu.memory_space<vmem>>, vector<1x16xf32>,
      %swap3A_1164 = vector.shape_cast %swap3A_1163 : vector<1x16xf32> to vector<16xf32>
      %swap3A_1165 = vector.shape_cast %mul3A_1159 : vector<16xf32> to vector<1x16xf32>
      tpu.vector_store %arg9[%swap3A_1161, %swap3A_1162], %swap3A_1165 {strides = array<i32>} : memref<32x256xf32, #tpu.memory_space<vmem>>, vector<1x16xf32>,
      %get3A_1166 = arith.constant 7 : i32
      %get3A_1167 = arith.index_cast %get3A_1166 : i32 to index
      %get3A_1168 = arith.constant 96 : index
      %get3A_1169 = tpu.vector_load %arg10[%get3A_1167, %get3A_1168] {strides = array<i32>} : memref<16x256xf32, #tpu.memory_space<vmem>>, vector<1x16xf32>,
      %get3A_1170 = vector.shape_cast %get3A_1169 : vector<1x16xf32> to vector<16xf32>
      %get3A_1171 = arith.constant 8 : i32
      %get3A_1172 = arith.index_cast %get3A_1171 : i32 to index
      %get3A_1173 = arith.constant 96 : index
      %get3A_1174 = tpu.vector_load %arg10[%get3A_1172, %get3A_1173] {strides = array<i32>} : memref<16x256xf32, #tpu.memory_space<vmem>>, vector<1x16xf32>,
      %get3A_1175 = vector.shape_cast %get3A_1174 : vector<1x16xf32> to vector<16xf32>
      %add3A_1176 = arith.addf %get3A_1170, %get3A_1175 : vector<16xf32>
      %get3A_1177 = arith.constant 9 : i32
      %get3A_1178 = arith.index_cast %get3A_1177 : i32 to index
      %get3A_1179 = arith.constant 96 : index
      %get3A_1180 = tpu.vector_load %arg10[%get3A_1178, %get3A_1179] {strides = array<i32>} : memref<16x256xf32, #tpu.memory_space<vmem>>, vector<1x16xf32>,
      %get3A_1181 = vector.shape_cast %get3A_1180 : vector<1x16xf32> to vector<16xf32>
      %add3A_1182 = arith.addf %add3A_1176, %get3A_1181 : vector<16xf32>
      %get3A_1183 = arith.constant 10 : i32
      %get3A_1184 = arith.index_cast %get3A_1183 : i32 to index
      %get3A_1185 = arith.constant 96 : index
      %get3A_1186 = tpu.vector_load %arg10[%get3A_1184, %get3A_1185] {strides = array<i32>} : memref<16x256xf32, #tpu.memory_space<vmem>>, vector<1x16xf32>,
      %get3A_1187 = vector.shape_cast %get3A_1186 : vector<1x16xf32> to vector<16xf32>
      %add3A_1188 = arith.addf %add3A_1182, %get3A_1187 : vector<16xf32>
      %get3A_1189 = arith.constant 11 : i32
      %get3A_1190 = arith.index_cast %get3A_1189 : i32 to index
      %get3A_1191 = arith.constant 96 : index
      %get3A_1192 = tpu.vector_load %arg10[%get3A_1190, %get3A_1191] {strides = array<i32>} : memref<16x256xf32, #tpu.memory_space<vmem>>, vector<1x16xf32>,
      %get3A_1193 = vector.shape_cast %get3A_1192 : vector<1x16xf32> to vector<16xf32>
      %add3A_1194 = arith.addf %add3A_1188, %get3A_1193 : vector<16xf32>
      %get3A_1195 = arith.constant 12 : i32
      %get3A_1196 = arith.index_cast %get3A_1195 : i32 to index
      %get3A_1197 = arith.constant 96 : index
      %get3A_1198 = tpu.vector_load %arg10[%get3A_1196, %get3A_1197] {strides = array<i32>} : memref<16x256xf32, #tpu.memory_space<vmem>>, vector<1x16xf32>,
      %get3A_1199 = vector.shape_cast %get3A_1198 : vector<1x16xf32> to vector<16xf32>
      %add3A_1200 = arith.addf %add3A_1194, %get3A_1199 : vector<16xf32>
      %get3A_1201 = arith.constant 13 : i32
      %get3A_1202 = arith.index_cast %get3A_1201 : i32 to index
      %get3A_1203 = arith.constant 96 : index
      %get3A_1204 = tpu.vector_load %arg10[%get3A_1202, %get3A_1203] {strides = array<i32>} : memref<16x256xf32, #tpu.memory_space<vmem>>, vector<1x16xf32>,
      %get3A_1205 = vector.shape_cast %get3A_1204 : vector<1x16xf32> to vector<16xf32>
      %add3A_1206 = arith.addf %add3A_1200, %get3A_1205 : vector<16xf32>
      %mul3A_1207 = arith.constant 0.142857149 : f32
      %mul3A_1208 = vector.broadcast %mul3A_1207 : f32 to vector<16xf32>
      %mul3A_1209 = arith.mulf %add3A_1206, %mul3A_1208 : vector<16xf32>
      %swap3A_1210 = arith.constant 1 : i32
      %swap3A_1211 = arith.index_cast %swap3A_1210 : i32 to index
      %swap3A_1212 = arith.constant 96 : index
      %swap3A_1213 = tpu.vector_load %arg9[%swap3A_1211, %swap3A_1212] {strides = array<i32>} : memref<32x256xf32, #tpu.memory_space<vmem>>, vector<1x16xf32>,
      %swap3A_1214 = vector.shape_cast %swap3A_1213 : vector<1x16xf32> to vector<16xf32>
      %swap3A_1215 = vector.shape_cast %mul3A_1209 : vector<16xf32> to vector<1x16xf32>
      tpu.vector_store %arg9[%swap3A_1211, %swap3A_1212], %swap3A_1215 {strides = array<i32>} : memref<32x256xf32, #tpu.memory_space<vmem>>, vector<1x16xf32>,
      %get3A_1216 = arith.constant 7 : i32
      %get3A_1217 = arith.index_cast %get3A_1216 : i32 to index
      %get3A_1218 = arith.constant 112 : index
      %get3A_1219 = tpu.vector_load %arg10[%get3A_1217, %get3A_1218] {strides = array<i32>} : memref<16x256xf32, #tpu.memory_space<vmem>>, vector<1x16xf32>,
      %get3A_1220 = vector.shape_cast %get3A_1219 : vector<1x16xf32> to vector<16xf32>
      %get3A_1221 = arith.constant 8 : i32
      %get3A_1222 = arith.index_cast %get3A_1221 : i32 to index
      %get3A_1223 = arith.constant 112 : index
      %get3A_1224 = tpu.vector_load %arg10[%get3A_1222, %get3A_1223] {strides = array<i32>} : memref<16x256xf32, #tpu.memory_space<vmem>>, vector<1x16xf32>,
      %get3A_1225 = vector.shape_cast %get3A_1224 : vector<1x16xf32> to vector<16xf32>
      %add3A_1226 = arith.addf %get3A_1220, %get3A_1225 : vector<16xf32>
      %get3A_1227 = arith.constant 9 : i32
      %get3A_1228 = arith.index_cast %get3A_1227 : i32 to index
      %get3A_1229 = arith.constant 112 : index
      %get3A_1230 = tpu.vector_load %arg10[%get3A_1228, %get3A_1229] {strides = array<i32>} : memref<16x256xf32, #tpu.memory_space<vmem>>, vector<1x16xf32>,
      %get3A_1231 = vector.shape_cast %get3A_1230 : vector<1x16xf32> to vector<16xf32>
      %add3A_1232 = arith.addf %add3A_1226, %get3A_1231 : vector<16xf32>
      %get3A_1233 = arith.constant 10 : i32
      %get3A_1234 = arith.index_cast %get3A_1233 : i32 to index
      %get3A_1235 = arith.constant 112 : index
      %get3A_1236 = tpu.vector_load %arg10[%get3A_1234, %get3A_1235] {strides = array<i32>} : memref<16x256xf32, #tpu.memory_space<vmem>>, vector<1x16xf32>,
      %get3A_1237 = vector.shape_cast %get3A_1236 : vector<1x16xf32> to vector<16xf32>
      %add3A_1238 = arith.addf %add3A_1232, %get3A_1237 : vector<16xf32>
      %get3A_1239 = arith.constant 11 : i32
      %get3A_1240 = arith.index_cast %get3A_1239 : i32 to index
      %get3A_1241 = arith.constant 112 : index
      %get3A_1242 = tpu.vector_load %arg10[%get3A_1240, %get3A_1241] {strides = array<i32>} : memref<16x256xf32, #tpu.memory_space<vmem>>, vector<1x16xf32>,
      %get3A_1243 = vector.shape_cast %get3A_1242 : vector<1x16xf32> to vector<16xf32>
      %add3A_1244 = arith.addf %add3A_1238, %get3A_1243 : vector<16xf32>
      %get3A_1245 = arith.constant 12 : i32
      %get3A_1246 = arith.index_cast %get3A_1245 : i32 to index
      %get3A_1247 = arith.constant 112 : index
      %get3A_1248 = tpu.vector_load %arg10[%get3A_1246, %get3A_1247] {strides = array<i32>} : memref<16x256xf32, #tpu.memory_space<vmem>>, vector<1x16xf32>,
      %get3A_1249 = vector.shape_cast %get3A_1248 : vector<1x16xf32> to vector<16xf32>
      %add3A_1250 = arith.addf %add3A_1244, %get3A_1249 : vector<16xf32>
      %get3A_1251 = arith.constant 13 : i32
      %get3A_1252 = arith.index_cast %get3A_1251 : i32 to index
      %get3A_1253 = arith.constant 112 : index
      %get3A_1254 = tpu.vector_load %arg10[%get3A_1252, %get3A_1253] {strides = array<i32>} : memref<16x256xf32, #tpu.memory_space<vmem>>, vector<1x16xf32>,
      %get3A_1255 = vector.shape_cast %get3A_1254 : vector<1x16xf32> to vector<16xf32>
      %add3A_1256 = arith.addf %add3A_1250, %get3A_1255 : vector<16xf32>
      %mul3A_1257 = arith.constant 0.142857149 : f32
      %mul3A_1258 = vector.broadcast %mul3A_1257 : f32 to vector<16xf32>
      %mul3A_1259 = arith.mulf %add3A_1256, %mul3A_1258 : vector<16xf32>
      %swap3A_1260 = arith.constant 1 : i32
      %swap3A_1261 = arith.index_cast %swap3A_1260 : i32 to index
      %swap3A_1262 = arith.constant 112 : index
      %swap3A_1263 = tpu.vector_load %arg9[%swap3A_1261, %swap3A_1262] {strides = array<i32>} : memref<32x256xf32, #tpu.memory_space<vmem>>, vector<1x16xf32>,
      %swap3A_1264 = vector.shape_cast %swap3A_1263 : vector<1x16xf32> to vector<16xf32>
      %swap3A_1265 = vector.shape_cast %mul3A_1259 : vector<16xf32> to vector<1x16xf32>
      tpu.vector_store %arg9[%swap3A_1261, %swap3A_1262], %swap3A_1265 {strides = array<i32>} : memref<32x256xf32, #tpu.memory_space<vmem>>, vector<1x16xf32>,
      %get3A_1266 = arith.constant 7 : i32
      %get3A_1267 = arith.index_cast %get3A_1266 : i32 to index
      %get3A_1268 = arith.constant 128 : index
      %get3A_1269 = tpu.vector_load %arg10[%get3A_1267, %get3A_1268] {strides = array<i32>} : memref<16x256xf32, #tpu.memory_space<vmem>>, vector<1x16xf32>,
      %get3A_1270 = vector.shape_cast %get3A_1269 : vector<1x16xf32> to vector<16xf32>
      %get3A_1271 = arith.constant 8 : i32
      %get3A_1272 = arith.index_cast %get3A_1271 : i32 to index
      %get3A_1273 = arith.constant 128 : index
      %get3A_1274 = tpu.vector_load %arg10[%get3A_1272, %get3A_1273] {strides = array<i32>} : memref<16x256xf32, #tpu.memory_space<vmem>>, vector<1x16xf32>,
      %get3A_1275 = vector.shape_cast %get3A_1274 : vector<1x16xf32> to vector<16xf32>
      %add3A_1276 = arith.addf %get3A_1270, %get3A_1275 : vector<16xf32>
      %get3A_1277 = arith.constant 9 : i32
      %get3A_1278 = arith.index_cast %get3A_1277 : i32 to index
      %get3A_1279 = arith.constant 128 : index
      %get3A_1280 = tpu.vector_load %arg10[%get3A_1278, %get3A_1279] {strides = array<i32>} : memref<16x256xf32, #tpu.memory_space<vmem>>, vector<1x16xf32>,
      %get3A_1281 = vector.shape_cast %get3A_1280 : vector<1x16xf32> to vector<16xf32>
      %add3A_1282 = arith.addf %add3A_1276, %get3A_1281 : vector<16xf32>
      %get3A_1283 = arith.constant 10 : i32
      %get3A_1284 = arith.index_cast %get3A_1283 : i32 to index
      %get3A_1285 = arith.constant 128 : index
      %get3A_1286 = tpu.vector_load %arg10[%get3A_1284, %get3A_1285] {strides = array<i32>} : memref<16x256xf32, #tpu.memory_space<vmem>>, vector<1x16xf32>,
      %get3A_1287 = vector.shape_cast %get3A_1286 : vector<1x16xf32> to vector<16xf32>
      %add3A_1288 = arith.addf %add3A_1282, %get3A_1287 : vector<16xf32>
      %get3A_1289 = arith.constant 11 : i32
      %get3A_1290 = arith.index_cast %get3A_1289 : i32 to index
      %get3A_1291 = arith.constant 128 : index
      %get3A_1292 = tpu.vector_load %arg10[%get3A_1290, %get3A_1291] {strides = array<i32>} : memref<16x256xf32, #tpu.memory_space<vmem>>, vector<1x16xf32>,
      %get3A_1293 = vector.shape_cast %get3A_1292 : vector<1x16xf32> to vector<16xf32>
      %add3A_1294 = arith.addf %add3A_1288, %get3A_1293 : vector<16xf32>
      %get3A_1295 = arith.constant 12 : i32
      %get3A_1296 = arith.index_cast %get3A_1295 : i32 to index
      %get3A_1297 = arith.constant 128 : index
      %get3A_1298 = tpu.vector_load %arg10[%get3A_1296, %get3A_1297] {strides = array<i32>} : memref<16x256xf32, #tpu.memory_space<vmem>>, vector<1x16xf32>,
      %get3A_1299 = vector.shape_cast %get3A_1298 : vector<1x16xf32> to vector<16xf32>
      %add3A_1300 = arith.addf %add3A_1294, %get3A_1299 : vector<16xf32>
      %get3A_1301 = arith.constant 13 : i32
      %get3A_1302 = arith.index_cast %get3A_1301 : i32 to index
      %get3A_1303 = arith.constant 128 : index
      %get3A_1304 = tpu.vector_load %arg10[%get3A_1302, %get3A_1303] {strides = array<i32>} : memref<16x256xf32, #tpu.memory_space<vmem>>, vector<1x16xf32>,
      %get3A_1305 = vector.shape_cast %get3A_1304 : vector<1x16xf32> to vector<16xf32>
      %add3A_1306 = arith.addf %add3A_1300, %get3A_1305 : vector<16xf32>
      %mul3A_1307 = arith.constant 0.142857149 : f32
      %mul3A_1308 = vector.broadcast %mul3A_1307 : f32 to vector<16xf32>
      %mul3A_1309 = arith.mulf %add3A_1306, %mul3A_1308 : vector<16xf32>
      %swap3A_1310 = arith.constant 1 : i32
      %swap3A_1311 = arith.index_cast %swap3A_1310 : i32 to index
      %swap3A_1312 = arith.constant 128 : index
      %swap3A_1313 = tpu.vector_load %arg9[%swap3A_1311, %swap3A_1312] {strides = array<i32>} : memref<32x256xf32, #tpu.memory_space<vmem>>, vector<1x16xf32>,
      %swap3A_1314 = vector.shape_cast %swap3A_1313 : vector<1x16xf32> to vector<16xf32>
      %swap3A_1315 = vector.shape_cast %mul3A_1309 : vector<16xf32> to vector<1x16xf32>
      tpu.vector_store %arg9[%swap3A_1311, %swap3A_1312], %swap3A_1315 {strides = array<i32>} : memref<32x256xf32, #tpu.memory_space<vmem>>, vector<1x16xf32>,
      %get3A_1316 = arith.constant 7 : i32
      %get3A_1317 = arith.index_cast %get3A_1316 : i32 to index
      %get3A_1318 = arith.constant 144 : index
      %get3A_1319 = tpu.vector_load %arg10[%get3A_1317, %get3A_1318] {strides = array<i32>} : memref<16x256xf32, #tpu.memory_space<vmem>>, vector<1x16xf32>,
      %get3A_1320 = vector.shape_cast %get3A_1319 : vector<1x16xf32> to vector<16xf32>
      %get3A_1321 = arith.constant 8 : i32
      %get3A_1322 = arith.index_cast %get3A_1321 : i32 to index
      %get3A_1323 = arith.constant 144 : index
      %get3A_1324 = tpu.vector_load %arg10[%get3A_1322, %get3A_1323] {strides = array<i32>} : memref<16x256xf32, #tpu.memory_space<vmem>>, vector<1x16xf32>,
      %get3A_1325 = vector.shape_cast %get3A_1324 : vector<1x16xf32> to vector<16xf32>
      %add3A_1326 = arith.addf %get3A_1320, %get3A_1325 : vector<16xf32>
      %get3A_1327 = arith.constant 9 : i32
      %get3A_1328 = arith.index_cast %get3A_1327 : i32 to index
      %get3A_1329 = arith.constant 144 : index
      %get3A_1330 = tpu.vector_load %arg10[%get3A_1328, %get3A_1329] {strides = array<i32>} : memref<16x256xf32, #tpu.memory_space<vmem>>, vector<1x16xf32>,
      %get3A_1331 = vector.shape_cast %get3A_1330 : vector<1x16xf32> to vector<16xf32>
      %add3A_1332 = arith.addf %add3A_1326, %get3A_1331 : vector<16xf32>
      %get3A_1333 = arith.constant 10 : i32
      %get3A_1334 = arith.index_cast %get3A_1333 : i32 to index
      %get3A_1335 = arith.constant 144 : index
      %get3A_1336 = tpu.vector_load %arg10[%get3A_1334, %get3A_1335] {strides = array<i32>} : memref<16x256xf32, #tpu.memory_space<vmem>>, vector<1x16xf32>,
      %get3A_1337 = vector.shape_cast %get3A_1336 : vector<1x16xf32> to vector<16xf32>
      %add3A_1338 = arith.addf %add3A_1332, %get3A_1337 : vector<16xf32>
      %get3A_1339 = arith.constant 11 : i32
      %get3A_1340 = arith.index_cast %get3A_1339 : i32 to index
      %get3A_1341 = arith.constant 144 : index
      %get3A_1342 = tpu.vector_load %arg10[%get3A_1340, %get3A_1341] {strides = array<i32>} : memref<16x256xf32, #tpu.memory_space<vmem>>, vector<1x16xf32>,
      %get3A_1343 = vector.shape_cast %get3A_1342 : vector<1x16xf32> to vector<16xf32>
      %add3A_1344 = arith.addf %add3A_1338, %get3A_1343 : vector<16xf32>
      %get3A_1345 = arith.constant 12 : i32
      %get3A_1346 = arith.index_cast %get3A_1345 : i32 to index
      %get3A_1347 = arith.constant 144 : index
      %get3A_1348 = tpu.vector_load %arg10[%get3A_1346, %get3A_1347] {strides = array<i32>} : memref<16x256xf32, #tpu.memory_space<vmem>>, vector<1x16xf32>,
      %get3A_1349 = vector.shape_cast %get3A_1348 : vector<1x16xf32> to vector<16xf32>
      %add3A_1350 = arith.addf %add3A_1344, %get3A_1349 : vector<16xf32>
      %get3A_1351 = arith.constant 13 : i32
      %get3A_1352 = arith.index_cast %get3A_1351 : i32 to index
      %get3A_1353 = arith.constant 144 : index
      %get3A_1354 = tpu.vector_load %arg10[%get3A_1352, %get3A_1353] {strides = array<i32>} : memref<16x256xf32, #tpu.memory_space<vmem>>, vector<1x16xf32>,
      %get3A_1355 = vector.shape_cast %get3A_1354 : vector<1x16xf32> to vector<16xf32>
      %add3A_1356 = arith.addf %add3A_1350, %get3A_1355 : vector<16xf32>
      %mul3A_1357 = arith.constant 0.142857149 : f32
      %mul3A_1358 = vector.broadcast %mul3A_1357 : f32 to vector<16xf32>
      %mul3A_1359 = arith.mulf %add3A_1356, %mul3A_1358 : vector<16xf32>
      %swap3A_1360 = arith.constant 1 : i32
      %swap3A_1361 = arith.index_cast %swap3A_1360 : i32 to index
      %swap3A_1362 = arith.constant 144 : index
      %swap3A_1363 = tpu.vector_load %arg9[%swap3A_1361, %swap3A_1362] {strides = array<i32>} : memref<32x256xf32, #tpu.memory_space<vmem>>, vector<1x16xf32>,
      %swap3A_1364 = vector.shape_cast %swap3A_1363 : vector<1x16xf32> to vector<16xf32>
      %swap3A_1365 = vector.shape_cast %mul3A_1359 : vector<16xf32> to vector<1x16xf32>
      tpu.vector_store %arg9[%swap3A_1361, %swap3A_1362], %swap3A_1365 {strides = array<i32>} : memref<32x256xf32, #tpu.memory_space<vmem>>, vector<1x16xf32>,
      %get3A_1366 = arith.constant 7 : i32
      %get3A_1367 = arith.index_cast %get3A_1366 : i32 to index
      %get3A_1368 = arith.constant 160 : index
      %get3A_1369 = tpu.vector_load %arg10[%get3A_1367, %get3A_1368] {strides = array<i32>} : memref<16x256xf32, #tpu.memory_space<vmem>>, vector<1x16xf32>,
      %get3A_1370 = vector.shape_cast %get3A_1369 : vector<1x16xf32> to vector<16xf32>
      %get3A_1371 = arith.constant 8 : i32
      %get3A_1372 = arith.index_cast %get3A_1371 : i32 to index
      %get3A_1373 = arith.constant 160 : index
      %get3A_1374 = tpu.vector_load %arg10[%get3A_1372, %get3A_1373] {strides = array<i32>} : memref<16x256xf32, #tpu.memory_space<vmem>>, vector<1x16xf32>,
      %get3A_1375 = vector.shape_cast %get3A_1374 : vector<1x16xf32> to vector<16xf32>
      %add3A_1376 = arith.addf %get3A_1370, %get3A_1375 : vector<16xf32>
      %get3A_1377 = arith.constant 9 : i32
      %get3A_1378 = arith.index_cast %get3A_1377 : i32 to index
      %get3A_1379 = arith.constant 160 : index
      %get3A_1380 = tpu.vector_load %arg10[%get3A_1378, %get3A_1379] {strides = array<i32>} : memref<16x256xf32, #tpu.memory_space<vmem>>, vector<1x16xf32>,
      %get3A_1381 = vector.shape_cast %get3A_1380 : vector<1x16xf32> to vector<16xf32>
      %add3A_1382 = arith.addf %add3A_1376, %get3A_1381 : vector<16xf32>
      %get3A_1383 = arith.constant 10 : i32
      %get3A_1384 = arith.index_cast %get3A_1383 : i32 to index
      %get3A_1385 = arith.constant 160 : index
      %get3A_1386 = tpu.vector_load %arg10[%get3A_1384, %get3A_1385] {strides = array<i32>} : memref<16x256xf32, #tpu.memory_space<vmem>>, vector<1x16xf32>,
      %get3A_1387 = vector.shape_cast %get3A_1386 : vector<1x16xf32> to vector<16xf32>
      %add3A_1388 = arith.addf %add3A_1382, %get3A_1387 : vector<16xf32>
      %get3A_1389 = arith.constant 11 : i32
      %get3A_1390 = arith.index_cast %get3A_1389 : i32 to index
      %get3A_1391 = arith.constant 160 : index
      %get3A_1392 = tpu.vector_load %arg10[%get3A_1390, %get3A_1391] {strides = array<i32>} : memref<16x256xf32, #tpu.memory_space<vmem>>, vector<1x16xf32>,
      %get3A_1393 = vector.shape_cast %get3A_1392 : vector<1x16xf32> to vector<16xf32>
      %add3A_1394 = arith.addf %add3A_1388, %get3A_1393 : vector<16xf32>
      %get3A_1395 = arith.constant 12 : i32
      %get3A_1396 = arith.index_cast %get3A_1395 : i32 to index
      %get3A_1397 = arith.constant 160 : index
      %get3A_1398 = tpu.vector_load %arg10[%get3A_1396, %get3A_1397] {strides = array<i32>} : memref<16x256xf32, #tpu.memory_space<vmem>>, vector<1x16xf32>,
      %get3A_1399 = vector.shape_cast %get3A_1398 : vector<1x16xf32> to vector<16xf32>
      %add3A_1400 = arith.addf %add3A_1394, %get3A_1399 : vector<16xf32>
      %get3A_1401 = arith.constant 13 : i32
      %get3A_1402 = arith.index_cast %get3A_1401 : i32 to index
      %get3A_1403 = arith.constant 160 : index
      %get3A_1404 = tpu.vector_load %arg10[%get3A_1402, %get3A_1403] {strides = array<i32>} : memref<16x256xf32, #tpu.memory_space<vmem>>, vector<1x16xf32>,
      %get3A_1405 = vector.shape_cast %get3A_1404 : vector<1x16xf32> to vector<16xf32>
      %add3A_1406 = arith.addf %add3A_1400, %get3A_1405 : vector<16xf32>
      %mul3A_1407 = arith.constant 0.142857149 : f32
      %mul3A_1408 = vector.broadcast %mul3A_1407 : f32 to vector<16xf32>
      %mul3A_1409 = arith.mulf %add3A_1406, %mul3A_1408 : vector<16xf32>
      %swap3A_1410 = arith.constant 1 : i32
      %swap3A_1411 = arith.index_cast %swap3A_1410 : i32 to index
      %swap3A_1412 = arith.constant 160 : index
      %swap3A_1413 = tpu.vector_load %arg9[%swap3A_1411, %swap3A_1412] {strides = array<i32>} : memref<32x256xf32, #tpu.memory_space<vmem>>, vector<1x16xf32>,
      %swap3A_1414 = vector.shape_cast %swap3A_1413 : vector<1x16xf32> to vector<16xf32>
      %swap3A_1415 = vector.shape_cast %mul3A_1409 : vector<16xf32> to vector<1x16xf32>
      tpu.vector_store %arg9[%swap3A_1411, %swap3A_1412], %swap3A_1415 {strides = array<i32>} : memref<32x256xf32, #tpu.memory_space<vmem>>, vector<1x16xf32>,
      %get3A_1416 = arith.constant 7 : i32
      %get3A_1417 = arith.index_cast %get3A_1416 : i32 to index
      %get3A_1418 = arith.constant 176 : index
      %get3A_1419 = tpu.vector_load %arg10[%get3A_1417, %get3A_1418] {strides = array<i32>} : memref<16x256xf32, #tpu.memory_space<vmem>>, vector<1x16xf32>,
      %get3A_1420 = vector.shape_cast %get3A_1419 : vector<1x16xf32> to vector<16xf32>
      %get3A_1421 = arith.constant 8 : i32
      %get3A_1422 = arith.index_cast %get3A_1421 : i32 to index
      %get3A_1423 = arith.constant 176 : index
      %get3A_1424 = tpu.vector_load %arg10[%get3A_1422, %get3A_1423] {strides = array<i32>} : memref<16x256xf32, #tpu.memory_space<vmem>>, vector<1x16xf32>,
      %get3A_1425 = vector.shape_cast %get3A_1424 : vector<1x16xf32> to vector<16xf32>
      %add3A_1426 = arith.addf %get3A_1420, %get3A_1425 : vector<16xf32>
      %get3A_1427 = arith.constant 9 : i32
      %get3A_1428 = arith.index_cast %get3A_1427 : i32 to index
      %get3A_1429 = arith.constant 176 : index
      %get3A_1430 = tpu.vector_load %arg10[%get3A_1428, %get3A_1429] {strides = array<i32>} : memref<16x256xf32, #tpu.memory_space<vmem>>, vector<1x16xf32>,
      %get3A_1431 = vector.shape_cast %get3A_1430 : vector<1x16xf32> to vector<16xf32>
      %add3A_1432 = arith.addf %add3A_1426, %get3A_1431 : vector<16xf32>
      %get3A_1433 = arith.constant 10 : i32
      %get3A_1434 = arith.index_cast %get3A_1433 : i32 to index
      %get3A_1435 = arith.constant 176 : index
      %get3A_1436 = tpu.vector_load %arg10[%get3A_1434, %get3A_1435] {strides = array<i32>} : memref<16x256xf32, #tpu.memory_space<vmem>>, vector<1x16xf32>,
      %get3A_1437 = vector.shape_cast %get3A_1436 : vector<1x16xf32> to vector<16xf32>
      %add3A_1438 = arith.addf %add3A_1432, %get3A_1437 : vector<16xf32>
      %get3A_1439 = arith.constant 11 : i32
      %get3A_1440 = arith.index_cast %get3A_1439 : i32 to index
      %get3A_1441 = arith.constant 176 : index
      %get3A_1442 = tpu.vector_load %arg10[%get3A_1440, %get3A_1441] {strides = array<i32>} : memref<16x256xf32, #tpu.memory_space<vmem>>, vector<1x16xf32>,
      %get3A_1443 = vector.shape_cast %get3A_1442 : vector<1x16xf32> to vector<16xf32>
      %add3A_1444 = arith.addf %add3A_1438, %get3A_1443 : vector<16xf32>
      %get3A_1445 = arith.constant 12 : i32
      %get3A_1446 = arith.index_cast %get3A_1445 : i32 to index
      %get3A_1447 = arith.constant 176 : index
      %get3A_1448 = tpu.vector_load %arg10[%get3A_1446, %get3A_1447] {strides = array<i32>} : memref<16x256xf32, #tpu.memory_space<vmem>>, vector<1x16xf32>,
      %get3A_1449 = vector.shape_cast %get3A_1448 : vector<1x16xf32> to vector<16xf32>
      %add3A_1450 = arith.addf %add3A_1444, %get3A_1449 : vector<16xf32>
      %get3A_1451 = arith.constant 13 : i32
      %get3A_1452 = arith.index_cast %get3A_1451 : i32 to index
      %get3A_1453 = arith.constant 176 : index
      %get3A_1454 = tpu.vector_load %arg10[%get3A_1452, %get3A_1453] {strides = array<i32>} : memref<16x256xf32, #tpu.memory_space<vmem>>, vector<1x16xf32>,
      %get3A_1455 = vector.shape_cast %get3A_1454 : vector<1x16xf32> to vector<16xf32>
      %add3A_1456 = arith.addf %add3A_1450, %get3A_1455 : vector<16xf32>
      %mul3A_1457 = arith.constant 0.142857149 : f32
      %mul3A_1458 = vector.broadcast %mul3A_1457 : f32 to vector<16xf32>
      %mul3A_1459 = arith.mulf %add3A_1456, %mul3A_1458 : vector<16xf32>
      %swap3A_1460 = arith.constant 1 : i32
      %swap3A_1461 = arith.index_cast %swap3A_1460 : i32 to index
      %swap3A_1462 = arith.constant 176 : index
      %swap3A_1463 = tpu.vector_load %arg9[%swap3A_1461, %swap3A_1462] {strides = array<i32>} : memref<32x256xf32, #tpu.memory_space<vmem>>, vector<1x16xf32>,
      %swap3A_1464 = vector.shape_cast %swap3A_1463 : vector<1x16xf32> to vector<16xf32>
      %swap3A_1465 = vector.shape_cast %mul3A_1459 : vector<16xf32> to vector<1x16xf32>
      tpu.vector_store %arg9[%swap3A_1461, %swap3A_1462], %swap3A_1465 {strides = array<i32>} : memref<32x256xf32, #tpu.memory_space<vmem>>, vector<1x16xf32>,
      %get3A_1466 = arith.constant 7 : i32
      %get3A_1467 = arith.index_cast %get3A_1466 : i32 to index
      %get3A_1468 = arith.constant 192 : index
      %get3A_1469 = tpu.vector_load %arg10[%get3A_1467, %get3A_1468] {strides = array<i32>} : memref<16x256xf32, #tpu.memory_space<vmem>>, vector<1x16xf32>,
      %get3A_1470 = vector.shape_cast %get3A_1469 : vector<1x16xf32> to vector<16xf32>
      %get3A_1471 = arith.constant 8 : i32
      %get3A_1472 = arith.index_cast %get3A_1471 : i32 to index
      %get3A_1473 = arith.constant 192 : index
      %get3A_1474 = tpu.vector_load %arg10[%get3A_1472, %get3A_1473] {strides = array<i32>} : memref<16x256xf32, #tpu.memory_space<vmem>>, vector<1x16xf32>,
      %get3A_1475 = vector.shape_cast %get3A_1474 : vector<1x16xf32> to vector<16xf32>
      %add3A_1476 = arith.addf %get3A_1470, %get3A_1475 : vector<16xf32>
      %get3A_1477 = arith.constant 9 : i32
      %get3A_1478 = arith.index_cast %get3A_1477 : i32 to index
      %get3A_1479 = arith.constant 192 : index
      %get3A_1480 = tpu.vector_load %arg10[%get3A_1478, %get3A_1479] {strides = array<i32>} : memref<16x256xf32, #tpu.memory_space<vmem>>, vector<1x16xf32>,
      %get3A_1481 = vector.shape_cast %get3A_1480 : vector<1x16xf32> to vector<16xf32>
      %add3A_1482 = arith.addf %add3A_1476, %get3A_1481 : vector<16xf32>
      %get3A_1483 = arith.constant 10 : i32
      %get3A_1484 = arith.index_cast %get3A_1483 : i32 to index
      %get3A_1485 = arith.constant 192 : index
      %get3A_1486 = tpu.vector_load %arg10[%get3A_1484, %get3A_1485] {strides = array<i32>} : memref<16x256xf32, #tpu.memory_space<vmem>>, vector<1x16xf32>,
      %get3A_1487 = vector.shape_cast %get3A_1486 : vector<1x16xf32> to vector<16xf32>
      %add3A_1488 = arith.addf %add3A_1482, %get3A_1487 : vector<16xf32>
      %get3A_1489 = arith.constant 11 : i32
      %get3A_1490 = arith.index_cast %get3A_1489 : i32 to index
      %get3A_1491 = arith.constant 192 : index
      %get3A_1492 = tpu.vector_load %arg10[%get3A_1490, %get3A_1491] {strides = array<i32>} : memref<16x256xf32, #tpu.memory_space<vmem>>, vector<1x16xf32>,
      %get3A_1493 = vector.shape_cast %get3A_1492 : vector<1x16xf32> to vector<16xf32>
      %add3A_1494 = arith.addf %add3A_1488, %get3A_1493 : vector<16xf32>
      %get3A_1495 = arith.constant 12 : i32
      %get3A_1496 = arith.index_cast %get3A_1495 : i32 to index
      %get3A_1497 = arith.constant 192 : index
      %get3A_1498 = tpu.vector_load %arg10[%get3A_1496, %get3A_1497] {strides = array<i32>} : memref<16x256xf32, #tpu.memory_space<vmem>>, vector<1x16xf32>,
      %get3A_1499 = vector.shape_cast %get3A_1498 : vector<1x16xf32> to vector<16xf32>
      %add3A_1500 = arith.addf %add3A_1494, %get3A_1499 : vector<16xf32>
      %get3A_1501 = arith.constant 13 : i32
      %get3A_1502 = arith.index_cast %get3A_1501 : i32 to index
      %get3A_1503 = arith.constant 192 : index
      %get3A_1504 = tpu.vector_load %arg10[%get3A_1502, %get3A_1503] {strides = array<i32>} : memref<16x256xf32, #tpu.memory_space<vmem>>, vector<1x16xf32>,
      %get3A_1505 = vector.shape_cast %get3A_1504 : vector<1x16xf32> to vector<16xf32>
      %add3A_1506 = arith.addf %add3A_1500, %get3A_1505 : vector<16xf32>
      %mul3A_1507 = arith.constant 0.142857149 : f32
      %mul3A_1508 = vector.broadcast %mul3A_1507 : f32 to vector<16xf32>
      %mul3A_1509 = arith.mulf %add3A_1506, %mul3A_1508 : vector<16xf32>
      %swap3A_1510 = arith.constant 1 : i32
      %swap3A_1511 = arith.index_cast %swap3A_1510 : i32 to index
      %swap3A_1512 = arith.constant 192 : index
      %swap3A_1513 = tpu.vector_load %arg9[%swap3A_1511, %swap3A_1512] {strides = array<i32>} : memref<32x256xf32, #tpu.memory_space<vmem>>, vector<1x16xf32>,
      %swap3A_1514 = vector.shape_cast %swap3A_1513 : vector<1x16xf32> to vector<16xf32>
      %swap3A_1515 = vector.shape_cast %mul3A_1509 : vector<16xf32> to vector<1x16xf32>
      tpu.vector_store %arg9[%swap3A_1511, %swap3A_1512], %swap3A_1515 {strides = array<i32>} : memref<32x256xf32, #tpu.memory_space<vmem>>, vector<1x16xf32>,
      %get3A_1516 = arith.constant 7 : i32
      %get3A_1517 = arith.index_cast %get3A_1516 : i32 to index
      %get3A_1518 = arith.constant 208 : index
      %get3A_1519 = tpu.vector_load %arg10[%get3A_1517, %get3A_1518] {strides = array<i32>} : memref<16x256xf32, #tpu.memory_space<vmem>>, vector<1x16xf32>,
      %get3A_1520 = vector.shape_cast %get3A_1519 : vector<1x16xf32> to vector<16xf32>
      %get3A_1521 = arith.constant 8 : i32
      %get3A_1522 = arith.index_cast %get3A_1521 : i32 to index
      %get3A_1523 = arith.constant 208 : index
      %get3A_1524 = tpu.vector_load %arg10[%get3A_1522, %get3A_1523] {strides = array<i32>} : memref<16x256xf32, #tpu.memory_space<vmem>>, vector<1x16xf32>,
      %get3A_1525 = vector.shape_cast %get3A_1524 : vector<1x16xf32> to vector<16xf32>
      %add3A_1526 = arith.addf %get3A_1520, %get3A_1525 : vector<16xf32>
      %get3A_1527 = arith.constant 9 : i32
      %get3A_1528 = arith.index_cast %get3A_1527 : i32 to index
      %get3A_1529 = arith.constant 208 : index
      %get3A_1530 = tpu.vector_load %arg10[%get3A_1528, %get3A_1529] {strides = array<i32>} : memref<16x256xf32, #tpu.memory_space<vmem>>, vector<1x16xf32>,
      %get3A_1531 = vector.shape_cast %get3A_1530 : vector<1x16xf32> to vector<16xf32>
      %add3A_1532 = arith.addf %add3A_1526, %get3A_1531 : vector<16xf32>
      %get3A_1533 = arith.constant 10 : i32
      %get3A_1534 = arith.index_cast %get3A_1533 : i32 to index
      %get3A_1535 = arith.constant 208 : index
      %get3A_1536 = tpu.vector_load %arg10[%get3A_1534, %get3A_1535] {strides = array<i32>} : memref<16x256xf32, #tpu.memory_space<vmem>>, vector<1x16xf32>,
      %get3A_1537 = vector.shape_cast %get3A_1536 : vector<1x16xf32> to vector<16xf32>
      %add3A_1538 = arith.addf %add3A_1532, %get3A_1537 : vector<16xf32>
      %get3A_1539 = arith.constant 11 : i32
      %get3A_1540 = arith.index_cast %get3A_1539 : i32 to index
      %get3A_1541 = arith.constant 208 : index
      %get3A_1542 = tpu.vector_load %arg10[%get3A_1540, %get3A_1541] {strides = array<i32>} : memref<16x256xf32, #tpu.memory_space<vmem>>, vector<1x16xf32>,
      %get3A_1543 = vector.shape_cast %get3A_1542 : vector<1x16xf32> to vector<16xf32>
      %add3A_1544 = arith.addf %add3A_1538, %get3A_1543 : vector<16xf32>
      %get3A_1545 = arith.constant 12 : i32
      %get3A_1546 = arith.index_cast %get3A_1545 : i32 to index
      %get3A_1547 = arith.constant 208 : index
      %get3A_1548 = tpu.vector_load %arg10[%get3A_1546, %get3A_1547] {strides = array<i32>} : memref<16x256xf32, #tpu.memory_space<vmem>>, vector<1x16xf32>,
      %get3A_1549 = vector.shape_cast %get3A_1548 : vector<1x16xf32> to vector<16xf32>
      %add3A_1550 = arith.addf %add3A_1544, %get3A_1549 : vector<16xf32>
      %get3A_1551 = arith.constant 13 : i32
      %get3A_1552 = arith.index_cast %get3A_1551 : i32 to index
      %get3A_1553 = arith.constant 208 : index
      %get3A_1554 = tpu.vector_load %arg10[%get3A_1552, %get3A_1553] {strides = array<i32>} : memref<16x256xf32, #tpu.memory_space<vmem>>, vector<1x16xf32>,
      %get3A_1555 = vector.shape_cast %get3A_1554 : vector<1x16xf32> to vector<16xf32>
      %add3A_1556 = arith.addf %add3A_1550, %get3A_1555 : vector<16xf32>
      %mul3A_1557 = arith.constant 0.142857149 : f32
      %mul3A_1558 = vector.broadcast %mul3A_1557 : f32 to vector<16xf32>
      %mul3A_1559 = arith.mulf %add3A_1556, %mul3A_1558 : vector<16xf32>
      %swap3A_1560 = arith.constant 1 : i32
      %swap3A_1561 = arith.index_cast %swap3A_1560 : i32 to index
      %swap3A_1562 = arith.constant 208 : index
      %swap3A_1563 = tpu.vector_load %arg9[%swap3A_1561, %swap3A_1562] {strides = array<i32>} : memref<32x256xf32, #tpu.memory_space<vmem>>, vector<1x16xf32>,
      %swap3A_1564 = vector.shape_cast %swap3A_1563 : vector<1x16xf32> to vector<16xf32>
      %swap3A_1565 = vector.shape_cast %mul3A_1559 : vector<16xf32> to vector<1x16xf32>
      tpu.vector_store %arg9[%swap3A_1561, %swap3A_1562], %swap3A_1565 {strides = array<i32>} : memref<32x256xf32, #tpu.memory_space<vmem>>, vector<1x16xf32>,
      %get3A_1566 = arith.constant 7 : i32
      %get3A_1567 = arith.index_cast %get3A_1566 : i32 to index
      %get3A_1568 = arith.constant 224 : index
      %get3A_1569 = tpu.vector_load %arg10[%get3A_1567, %get3A_1568] {strides = array<i32>} : memref<16x256xf32, #tpu.memory_space<vmem>>, vector<1x16xf32>,
      %get3A_1570 = vector.shape_cast %get3A_1569 : vector<1x16xf32> to vector<16xf32>
      %get3A_1571 = arith.constant 8 : i32
      %get3A_1572 = arith.index_cast %get3A_1571 : i32 to index
      %get3A_1573 = arith.constant 224 : index
      %get3A_1574 = tpu.vector_load %arg10[%get3A_1572, %get3A_1573] {strides = array<i32>} : memref<16x256xf32, #tpu.memory_space<vmem>>, vector<1x16xf32>,
      %get3A_1575 = vector.shape_cast %get3A_1574 : vector<1x16xf32> to vector<16xf32>
      %add3A_1576 = arith.addf %get3A_1570, %get3A_1575 : vector<16xf32>
      %get3A_1577 = arith.constant 9 : i32
      %get3A_1578 = arith.index_cast %get3A_1577 : i32 to index
      %get3A_1579 = arith.constant 224 : index
      %get3A_1580 = tpu.vector_load %arg10[%get3A_1578, %get3A_1579] {strides = array<i32>} : memref<16x256xf32, #tpu.memory_space<vmem>>, vector<1x16xf32>,
      %get3A_1581 = vector.shape_cast %get3A_1580 : vector<1x16xf32> to vector<16xf32>
      %add3A_1582 = arith.addf %add3A_1576, %get3A_1581 : vector<16xf32>
      %get3A_1583 = arith.constant 10 : i32
      %get3A_1584 = arith.index_cast %get3A_1583 : i32 to index
      %get3A_1585 = arith.constant 224 : index
      %get3A_1586 = tpu.vector_load %arg10[%get3A_1584, %get3A_1585] {strides = array<i32>} : memref<16x256xf32, #tpu.memory_space<vmem>>, vector<1x16xf32>,
      %get3A_1587 = vector.shape_cast %get3A_1586 : vector<1x16xf32> to vector<16xf32>
      %add3A_1588 = arith.addf %add3A_1582, %get3A_1587 : vector<16xf32>
      %get3A_1589 = arith.constant 11 : i32
      %get3A_1590 = arith.index_cast %get3A_1589 : i32 to index
      %get3A_1591 = arith.constant 224 : index
      %get3A_1592 = tpu.vector_load %arg10[%get3A_1590, %get3A_1591] {strides = array<i32>} : memref<16x256xf32, #tpu.memory_space<vmem>>, vector<1x16xf32>,
      %get3A_1593 = vector.shape_cast %get3A_1592 : vector<1x16xf32> to vector<16xf32>
      %add3A_1594 = arith.addf %add3A_1588, %get3A_1593 : vector<16xf32>
      %get3A_1595 = arith.constant 12 : i32
      %get3A_1596 = arith.index_cast %get3A_1595 : i32 to index
      %get3A_1597 = arith.constant 224 : index
      %get3A_1598 = tpu.vector_load %arg10[%get3A_1596, %get3A_1597] {strides = array<i32>} : memref<16x256xf32, #tpu.memory_space<vmem>>, vector<1x16xf32>,
      %get3A_1599 = vector.shape_cast %get3A_1598 : vector<1x16xf32> to vector<16xf32>
      %add3A_1600 = arith.addf %add3A_1594, %get3A_1599 : vector<16xf32>
      %get3A_1601 = arith.constant 13 : i32
      %get3A_1602 = arith.index_cast %get3A_1601 : i32 to index
      %get3A_1603 = arith.constant 224 : index
      %get3A_1604 = tpu.vector_load %arg10[%get3A_1602, %get3A_1603] {strides = array<i32>} : memref<16x256xf32, #tpu.memory_space<vmem>>, vector<1x16xf32>,
      %get3A_1605 = vector.shape_cast %get3A_1604 : vector<1x16xf32> to vector<16xf32>
      %add3A_1606 = arith.addf %add3A_1600, %get3A_1605 : vector<16xf32>
      %mul3A_1607 = arith.constant 0.142857149 : f32
      %mul3A_1608 = vector.broadcast %mul3A_1607 : f32 to vector<16xf32>
      %mul3A_1609 = arith.mulf %add3A_1606, %mul3A_1608 : vector<16xf32>
      %swap3A_1610 = arith.constant 1 : i32
      %swap3A_1611 = arith.index_cast %swap3A_1610 : i32 to index
      %swap3A_1612 = arith.constant 224 : index
      %swap3A_1613 = tpu.vector_load %arg9[%swap3A_1611, %swap3A_1612] {strides = array<i32>} : memref<32x256xf32, #tpu.memory_space<vmem>>, vector<1x16xf32>,
      %swap3A_1614 = vector.shape_cast %swap3A_1613 : vector<1x16xf32> to vector<16xf32>
      %swap3A_1615 = vector.shape_cast %mul3A_1609 : vector<16xf32> to vector<1x16xf32>
      tpu.vector_store %arg9[%swap3A_1611, %swap3A_1612], %swap3A_1615 {strides = array<i32>} : memref<32x256xf32, #tpu.memory_space<vmem>>, vector<1x16xf32>,
      %get3A_1616 = arith.constant 7 : i32
      %get3A_1617 = arith.index_cast %get3A_1616 : i32 to index
      %get3A_1618 = arith.constant 240 : index
      %get3A_1619 = tpu.vector_load %arg10[%get3A_1617, %get3A_1618] {strides = array<i32>} : memref<16x256xf32, #tpu.memory_space<vmem>>, vector<1x16xf32>,
      %get3A_1620 = vector.shape_cast %get3A_1619 : vector<1x16xf32> to vector<16xf32>
      %get3A_1621 = arith.constant 8 : i32
      %get3A_1622 = arith.index_cast %get3A_1621 : i32 to index
      %get3A_1623 = arith.constant 240 : index
      %get3A_1624 = tpu.vector_load %arg10[%get3A_1622, %get3A_1623] {strides = array<i32>} : memref<16x256xf32, #tpu.memory_space<vmem>>, vector<1x16xf32>,
      %get3A_1625 = vector.shape_cast %get3A_1624 : vector<1x16xf32> to vector<16xf32>
      %add3A_1626 = arith.addf %get3A_1620, %get3A_1625 : vector<16xf32>
      %get3A_1627 = arith.constant 9 : i32
      %get3A_1628 = arith.index_cast %get3A_1627 : i32 to index
      %get3A_1629 = arith.constant 240 : index
      %get3A_1630 = tpu.vector_load %arg10[%get3A_1628, %get3A_1629] {strides = array<i32>} : memref<16x256xf32, #tpu.memory_space<vmem>>, vector<1x16xf32>,
      %get3A_1631 = vector.shape_cast %get3A_1630 : vector<1x16xf32> to vector<16xf32>
      %add3A_1632 = arith.addf %add3A_1626, %get3A_1631 : vector<16xf32>
      %get3A_1633 = arith.constant 10 : i32
      %get3A_1634 = arith.index_cast %get3A_1633 : i32 to index
      %get3A_1635 = arith.constant 240 : index
      %get3A_1636 = tpu.vector_load %arg10[%get3A_1634, %get3A_1635] {strides = array<i32>} : memref<16x256xf32, #tpu.memory_space<vmem>>, vector<1x16xf32>,
      %get3A_1637 = vector.shape_cast %get3A_1636 : vector<1x16xf32> to vector<16xf32>
      %add3A_1638 = arith.addf %add3A_1632, %get3A_1637 : vector<16xf32>
      %get3A_1639 = arith.constant 11 : i32
      %get3A_1640 = arith.index_cast %get3A_1639 : i32 to index
      %get3A_1641 = arith.constant 240 : index
      %get3A_1642 = tpu.vector_load %arg10[%get3A_1640, %get3A_1641] {strides = array<i32>} : memref<16x256xf32, #tpu.memory_space<vmem>>, vector<1x16xf32>,
      %get3A_1643 = vector.shape_cast %get3A_1642 : vector<1x16xf32> to vector<16xf32>
      %add3A_1644 = arith.addf %add3A_1638, %get3A_1643 : vector<16xf32>
      %get3A_1645 = arith.constant 12 : i32
      %get3A_1646 = arith.index_cast %get3A_1645 : i32 to index
      %get3A_1647 = arith.constant 240 : index
      %get3A_1648 = tpu.vector_load %arg10[%get3A_1646, %get3A_1647] {strides = array<i32>} : memref<16x256xf32, #tpu.memory_space<vmem>>, vector<1x16xf32>,
      %get3A_1649 = vector.shape_cast %get3A_1648 : vector<1x16xf32> to vector<16xf32>
      %add3A_1650 = arith.addf %add3A_1644, %get3A_1649 : vector<16xf32>
      %get3A_1651 = arith.constant 13 : i32
      %get3A_1652 = arith.index_cast %get3A_1651 : i32 to index
      %get3A_1653 = arith.constant 240 : index
      %get3A_1654 = tpu.vector_load %arg10[%get3A_1652, %get3A_1653] {strides = array<i32>} : memref<16x256xf32, #tpu.memory_space<vmem>>, vector<1x16xf32>,
      %get3A_1655 = vector.shape_cast %get3A_1654 : vector<1x16xf32> to vector<16xf32>
      %add3A_1656 = arith.addf %add3A_1650, %get3A_1655 : vector<16xf32>
      %mul3A_1657 = arith.constant 0.142857149 : f32
      %mul3A_1658 = vector.broadcast %mul3A_1657 : f32 to vector<16xf32>
      %mul3A_1659 = arith.mulf %add3A_1656, %mul3A_1658 : vector<16xf32>
      %swap3A_1660 = arith.constant 1 : i32
      %swap3A_1661 = arith.index_cast %swap3A_1660 : i32 to index
      %swap3A_1662 = arith.constant 240 : index
      %swap3A_1663 = tpu.vector_load %arg9[%swap3A_1661, %swap3A_1662] {strides = array<i32>} : memref<32x256xf32, #tpu.memory_space<vmem>>, vector<1x16xf32>,
      %swap3A_1664 = vector.shape_cast %swap3A_1663 : vector<1x16xf32> to vector<16xf32>
      %swap3A_1665 = vector.shape_cast %mul3A_1659 : vector<16xf32> to vector<1x16xf32>
      tpu.vector_store %arg9[%swap3A_1661, %swap3A_1662], %swap3A_1665 {strides = array<i32>} : memref<32x256xf32, #tpu.memory_space<vmem>>, vector<1x16xf32>,
      "tpu.region"() ({
        %run_scoped3A = tpu.sem_alloc : memref<!tpu.dma_semaphore, #tpu.memory_space<semaphore_mem>>
        %dma_start3A_1666 = arith.constant 0 : i32
        %dma_start3A_1667 = arith.constant 0 : i32
        %dma_start3A_1668 = tpu.memref_slice %arg9[%dma_start3A_1666, %dma_start3A_1667] : memref<32x256xf32, #tpu.memory_space<vmem>> -> memref<2x256xf32, #tpu.memory_space<vmem>>
        %dma_start3A_1669 = arith.constant 40960 : i32
        %dma_start3A_1670 = arith.constant 0 : i32
        %dma_start3A_1671 = tpu.memref_slice %arg5[%dma_start3A_1669, %dma_start3A_1670] : memref<40962x256xf32, #tpu.memory_space<hbm>> -> memref<2x256xf32, #tpu.memory_space<hbm>>
        %dma_start3A_1672 = arith.constant 40960 : i32
        %dma_start3A_1673 = arith.constant 0 : i32
        %dma_start3A_1674 = tpu.memref_slice %arg5[%dma_start3A_1672, %dma_start3A_1673] : memref<40962x256xf32, #tpu.memory_space<hbm>> -> memref<2x256xf32, #tpu.memory_space<hbm>>
        %dma_start3A_1675 = arith.constant 0 : i32
        %dma_start3A_1676 = arith.constant 0 : i32
        %dma_start3A_1677 = tpu.memref_slice %arg9[%dma_start3A_1675, %dma_start3A_1676] : memref<32x256xf32, #tpu.memory_space<vmem>> -> memref<2x256xf32, #tpu.memory_space<vmem>>
        tpu.enqueue_dma source(%dma_start3A_1677 : memref<2x256xf32, #tpu.memory_space<vmem>>) target(%dma_start3A_1674 : memref<2x256xf32, #tpu.memory_space<hbm>>) target_semaphore(%run_scoped3A : memref<!tpu.dma_semaphore, #tpu.memory_space<semaphore_mem>>)
        %dma_wait3A_1678 = arith.constant 0 : i32
        %dma_wait3A_1679 = arith.constant 0 : i32
        %dma_wait3A_1680 = tpu.memref_slice %arg9[%dma_wait3A_1678, %dma_wait3A_1679] : memref<32x256xf32, #tpu.memory_space<vmem>> -> memref<2x256xf32, #tpu.memory_space<vmem>>
        %dma_wait3A_1681 = arith.constant 40960 : i32
        %dma_wait3A_1682 = arith.constant 0 : i32
        %dma_wait3A_1683 = tpu.memref_slice %arg5[%dma_wait3A_1681, %dma_wait3A_1682] : memref<40962x256xf32, #tpu.memory_space<hbm>> -> memref<2x256xf32, #tpu.memory_space<hbm>>
        %dma_wait3A_1684 = arith.constant 40960 : i32
        %dma_wait3A_1685 = arith.constant 0 : i32
        %dma_wait3A_1686 = tpu.memref_slice %arg5[%dma_wait3A_1684, %dma_wait3A_1685] : memref<40962x256xf32, #tpu.memory_space<hbm>> -> memref<2x256xf32, #tpu.memory_space<hbm>>
        %dma_wait3A_1687 = arith.constant 0 : i32
        %dma_wait3A_1688 = arith.constant 0 : i32
        %dma_wait3A_1689 = tpu.memref_slice %arg9[%dma_wait3A_1687, %dma_wait3A_1688] : memref<32x256xf32, #tpu.memory_space<vmem>> -> memref<2x256xf32, #tpu.memory_space<vmem>>
        tpu.wait_dma2 semaphore(%run_scoped3A : memref<!tpu.dma_semaphore, #tpu.memory_space<semaphore_mem>>) src(%dma_wait3A_1689 : memref<2x256xf32, #tpu.memory_space<vmem>>) dst(%dma_wait3A_1686 : memref<2x256xf32, #tpu.memory_space<hbm>>)
        tpu.yield
      }) : () -> ()
    } else {
    }
    return
  }
}

</mosaic_0001>

<sc_bundles>
// kernel: kernel.3.cloned.1.call-start
scs
__scs_entry_jumppad:
0x0: {  	(pc) =	sbr.rel $0x88, $3  }
0x1: {  	(tag) =	ssettag $0x0;
	lr =	simm.s32 $0x1  }
0x2: {  	[smem:$0x3F9F] =	sst lr;
	_ =	strace $0xD0000000  }
0x3: {  	_ = 	snop  }
0x4: {  	_ = 	snop  }
0x5: {  	_ = 	snop  }
0x6: {  	_ = 	snop  }
0x7: {  	_ = 	snop  }
__scs_overlays_trampoline_lowered:
0x8: {  	[smem:$0x3FAE] =	sst s0  }
0x9: {  	[smem:$0x3FAF] =	sst s1  }
0xa: {  	[smem:$0x3FB0] =	sst s2  }
0xb: {  	[smem:$0x3FB1] =	sst s3  }
0xc: {  	[smem:$0x3FB2] =	sst s4  }
0xd: {  	[smem:$0x3FB3] =	sst s5  }
0xe: {  	[smem:$0x3FB4] =	sst s6  }
0xf: {  	[smem:$0x3FB5] =	sst s7  }
0x10: {  	[smem:$0x3FB6] =	sst s8  }
0x11: {  	[smem:$0x3FB7] =	sst s9;
	s0 =	simm.s32 @!p0 $0x0  }
0x12: {  	s1 =	sld [smem:$0x3F9D];
	s0 =	simm.s32 @p0 $0x1  }
0x13: {  	[smem:$0x3FB8] =	sst s0;
	s0 =	simm.s32 @!p1 $0x0  }
0x14: {  	s2 =	sld [smem:$0x3F9C];
	s0 =	simm.s32 @p1 $0x1  }
0x15: {  	[smem:$0x3FB9] =	sst s0;
	s0 =	simm.s32 @!p2 $0x0  }
0x16: {  	s3 =	sld [smem:$0x3FDB];
	s0 =	simm.s32 @p2 $0x1  }
0x17: {  	s4 =	simm.s32 $0x1BF5;
	[smem:$0x3FBB] =	sst s0  }
0x18: {  	s0 =	sld [smem:$0x3F9E];
	_ =	swait.ge [sflag:s4], $0x0  }
0x19: {  	s7 =	sld [smem:$0x3F9F]  }
0x1a: {  	s8 =	sadd.s32 $0xFFFFE003, lr  }
0x1b: {  	s9 =	sadd.s32 $0xFFFFFEF7, lr;
	s5 =	simm.s32 $0xFFFFFFFF;
	p2 =	slt.u32 s8, $0xFFFFF086  }
0x1c: {  	p1 =	slt.u32 s9, $0xF7A;
	s5 =	simm.s32 @!p2 $0x0  }
0x1d: {  	s5 =	simm.s32 @p1 $0x1;
	p0 =	seq.s32 s7, s2  }
0x1e: {  	s7 =	smul.u32 @!p0 $0xF7A, s2;
	p2 =	seq.s32 @!p0 s5, $0x0  }
0x1f: {  	s9 =	smul.u32 $0xF7A, s1;
	s8 =	simm.s32 @!p0 $0x1BF5;
	p2 =	por !p2, p0  }
0x20: {  	[sflag:s8] =	ssyncset.s32 @!p0 $0xFFFFF086;
	s6 =	sadd.s32 @!p0 s3, s7;
	s7 =	simm.s32 @!p0 $0x108  }
0x21: {  	s3 =	sadd.s32 s3, s9;
	s6 =	sadd.s32 @!p0 $0x88, s6;
	s7 =	simm.s32 @p2 $0x1082  }
0x22: {  	[simem:s7], [sflag:s8] =	dma.local @!p0 [hbm:s6], $0xF7A  }
0x23: {  	s9 =	sor.u32 $0xD0000000, s2;
	s6 =	simm.s32 $0x108;
	_ =	swait.ge @!p0 [sflag:s8], $0x0  }
0x24: {  	s3 =	sadd.s32 $0x88, s3;
	s6 =	simm.s32 @!p1 $0x1082;
	[sflag:s4] =	ssyncset.s32 $0xFFFFF086  }
0x25: {  	[simem:s6], [sflag:s4] =	dma.local [hbm:s3], $0xF7A  }
0x26: {  	[smem:$0x3F9F] =	sst s1;
	(tag) =	ssettag s2;
	_ =	strace s9  }
0x27: {  	s1 =	sld [smem:$0x3FAF]  }
0x28: {  	s2 =	sld [smem:$0x3FB0]  }
0x29: {  	s4 =	sld [smem:$0x3FB2]  }
0x2a: {  	p0 =	seq.s32 s5, $0x0;
	s5 =	sld [smem:$0x3FB3]  }
0x2b: {  	s6 =	sld [smem:$0x3FB4]  }
0x2c: {  	s7 =	sld [smem:$0x3FB5]  }
0x2d: {  	s3 =	simm.s32 $0x108;
	s8 =	sld [smem:$0x3FB6]  }
0x2e: {  	s3 =	simm.s32 @!p0 $0x1082;
	s9 =	sld [smem:$0x3FB7]  }
0x2f: {  	lr =	sadd.s32 s0, s3;
	s0 =	sld [smem:$0x3FAE]  }
0x30: {  	s3 =	sld [smem:$0x3FB1]  }
0x31: {  	[smem:$0x3FBA] =	sst s10  }
0x32: {  	s10 =	sld [smem:$0x3FB8];
	_ =	sdelay $0x3  }
0x33: {  	p0 =	seq.s32 s10, $0x1;
	s10 =	sld [smem:$0x3FBA];
	_ =	sdelay $0x3  }
0x34: {  	[smem:$0x3FBA] =	sst s10  }
0x35: {  	s10 =	sld [smem:$0x3FB9];
	_ =	sdelay $0x3  }
0x36: {  	p1 =	seq.s32 s10, $0x1;
	s10 =	sld [smem:$0x3FBA];
	_ =	sdelay $0x3  }
0x37: {  	[smem:$0x3FBA] =	sst s10  }
0x38: {  	s10 =	sld [smem:$0x3FBB]  }
0x39: {  	_ = 	snop;
	(pc) =	sbr.ind lr, $3  }
0x3a: {  	_ = 	snop  }
0x3b: {  	_ = 	snop  }
0x3c: {  	p2 =	seq.s32 s10, $0x1;
	s10 =	sld [smem:$0x3FBA]  }
0x3d: {  	_ =	shalt  }
0x3e: {  	_ =	shalt  }
0x3f: {  	_ =	shalt  }
0x40: {  	_ =	shalt  }
0x41: {  	_ =	shalt  }
0x42: {  	_ =	shalt  }
0x43: {  	_ =	shalt  }
0x44: {  	_ =	shalt  }
0x45: {  	_ =	shalt  }
0x46: {  	_ =	shalt  }
0x47: {  	_ =	shalt  }
0x48: {  	_ =	shalt  }
0x49: {  	_ =	shalt  }
0x4a: {  	_ =	shalt  }
0x4b: {  	_ =	shalt  }
0x4c: {  	_ =	shalt  }
0x4d: {  	_ =	shalt  }
0x4e: {  	_ =	shalt  }
0x4f: {  	_ =	shalt  }
0x50: {  	_ =	shalt  }
0x51: {  	_ =	shalt  }
0x52: {  	_ =	shalt  }
0x53: {  	_ =	shalt  }
0x54: {  	_ =	shalt  }
0x55: {  	_ =	shalt  }
0x56: {  	_ =	shalt  }
0x57: {  	_ =	shalt  }
0x58: {  	_ =	shalt  }
0x59: {  	_ =	shalt  }
0x5a: {  	_ =	shalt  }
0x5b: {  	_ =	shalt  }
0x5c: {  	_ =	shalt  }
0x5d: {  	_ =	shalt  }
0x5e: {  	_ =	shalt  }
0x5f: {  	_ =	shalt  }
0x60: {  	_ =	shalt  }
0x61: {  	_ =	shalt  }
0x62: {  	_ =	shalt  }
0x63: {  	_ =	shalt  }
0x64: {  	_ =	shalt  }
0x65: {  	_ =	shalt  }
0x66: {  	_ =	shalt  }
0x67: {  	_ =	shalt  }
0x68: {  	_ =	shalt  }
0x69: {  	_ =	shalt  }
0x6a: {  	_ =	shalt  }
0x6b: {  	_ =	shalt  }
0x6c: {  	_ =	shalt  }
0x6d: {  	_ =	shalt  }
0x6e: {  	_ =	shalt  }
0x6f: {  	_ =	shalt  }
0x70: {  	_ =	shalt  }
0x71: {  	_ =	shalt  }
0x72: {  	_ =	shalt  }
0x73: {  	_ =	shalt  }
0x74: {  	_ =	shalt  }
0x75: {  	_ =	shalt  }
0x76: {  	_ =	shalt  }
0x77: {  	_ =	shalt  }
0x78: {  	_ =	shalt  }
0x79: {  	_ =	shalt  }
0x7a: {  	_ =	shalt  }
0x7b: {  	_ =	shalt  }
0x7c: {  	_ =	shalt  }
0x7d: {  	_ =	shalt  }
0x7e: {  	_ =	shalt  }
0x7f: {  	_ =	shalt  }
0x80: {  	_ =	shalt  }
0x81: {  	_ =	shalt  }
0x82: {  	_ =	shalt  }
0x83: {  	_ =	shalt  }
0x84: {  	_ =	shalt  }
0x85: {  	_ =	shalt  }
0x86: {  	_ =	shalt  }
0x87: {  	_ =	shalt  }
.Lfunc_end0:
.L_simem_size_0:
called_computation_lowered:
.L_overlay_start_0:
0x88: {  	s2 =	sld [smem:$0x3FD9]  }
0x89: {  	s3 =	sld [smem:$0x3FFE];
	_ =	sdelay $0x1  }
0x8a: {  	s1 =	srdreg.scid  }
0x8b: {  	s0 =	sand.u32 $0x1, s1  }
0x8c: {  	s17 =	sshll.u32 s0, $0xA;
	s2 =	sadd.s32 s3, s2  }
0x8d: {  	s2 =	sadd.s32 s2, s17  }
0x8e: {  	[smem:$0x3FC6] =	sst s2  }
0x8f: {  	_ = 	snop  }
0x90: {  	s2 =	sld [smem:$0x3FC9]  }
0x91: {  	s18 =	sld [smem:$0x3FD0];
	(tm) =	ssettm $0x1  }
0x92: {  	s4 =	sld [smem:$0x3FFB];
	_ =	sdelay $0x3  }
0x93: {  	_ =	strace s4  }
0x94: {  	s4 =	sld [smem:$0x3FFC];
	_ =	sdelay $0x3  }
0x95: {  	_ =	strace s4  }
0x96: {  	s4 =	sld [smem:$0x3FFD];
	_ =	sdelay $0x3  }
0x97: {  	_ =	strace s4  }
0x98: {  	_ =	strace $0x8FFFFFFF  }
0x99: {  	s19 =	sld [smem:$0x3FDB];
	_ =	sdelay $0x1  }
0x9a: {  	s5 =	simm.s32 $_scs_section_size  }
0x9b: {  	s6 =	simm.s32 $_size__tile_overlayer_lowered;
	s7 =	simm.s32 $_tile_overlayer_lowered  }
0x9c: {  	s22 =	simm.s32 $0x1BFF;
	s21 =	sshll.u32 s7, $0x1;
	s4 =	sadd.s32 s5, s19  }
0x9d: {  	s8 =	simm.s32 $0x0;
	s20 =	sshll.u32 s6, $0x1;
	s6 =	sadd.s32 s21, s4  }
0x9e: {  	[timem:s8], [sflag:s22] =	dma.local [hbm:s6], s20  }
0x9f: {  	_ =	swait.ge [sflag:s22], s20  }
0xa0: {  	s5 =	ssub.s32 $0x0, s20;
	[sflag:s22] =	ssyncset.done $0x0  }
0xa1: {  	[sflag:s22] =	ssyncadd.s32 s5;
	_ =	sdelay $0x1  }
0xa2: {  	s23 =	simm.s32 $0x1B8B  }
0xa3: {  	_ =	swait.ge [sflag:s23], $0x1  }
0xa4: {  	[sflag:s23] =	ssyncset.done $0x0  }
0xa5: {  	s25 =	simm.s32 $0x1B8E;
	s24 =	sld [smem:$0x3FFE];
	[sflag:s23] =	ssyncadd.s32 $0xFFFFFFFF  }
0xa6: {  	s26 =	simm.s32 $execute0_lowered;
	[smem:$0x3FD2] =	sst s25  }
0xa7: {  	s6 =	sshll.u32 s26, $0x1;
	_ =	strace $0x80000046;
	[dreg:$0x1] =	wrdreg $0xFFFFFFFF  }
0xa8: {  	s28 =	simm.s32 $_size_execute0_lowered;
	s4 =	sadd.s32 s4, s6;
	[dreg:$0x0] =	wrdreg $0x0  }
0xa9: {  	s6 =	sshll.u32 s28, $0x1;
	[dreg:$0x2] =	wrdreg s4  }
0xaa: {  	[dreg:$0x3] =	wrdreg s6  }
0xab: {  	[dreg:$0x4] =	wrdreg $0xC0  }
0xac: {  	_ =	task [dreg:s8], $0x5FFFF  }
0xad: {  	[dreg:$0x1] =	wrdreg $0xFFFFFFFF  }
0xae: {  	[dreg:$0x0] =	wrdreg $0x60  }
0xaf: {  	[dreg:$0x2] =	wrdreg s2  }
0xb0: {  	[dreg:$0x3] =	wrdreg s24  }
0xb1: {  	[dreg:$0x4] =	wrdreg s18  }
0xb2: {  	[dreg:$0x5] =	wrdreg $0x9  }
0xb3: {  	_ =	task.clear_ibuf [dreg:s8], $0x6FFFF;
	_ =	strace $0x90000046  }
0xb4: {  	s29 =	simm.s32 $0x9;
	_ =	strace $0x80000048  }
0xb5: {  	_ =	swait.ge [sflag:s29], $0x1  }
0xb6: {  	[sflag:s29] =	ssyncadd.s32 $0xFFFFFFFF  }
0xb7: {  	_ =	strace $0x90000048  }
0xb8: {  	_ =	sfence  }
0xb9: {  	s30 =	sld [smem:$0x0];
	_ =	sdelay $0x2  }
0xba: {  	s31 =	sshll.u32 s1, $0xD;
	s1 =	sshrl.u32 s1, $0x2  }
0xbb: {  	s3 =	sand.u32 $0x4000, s31;
	s1 =	sadd.s32 s1, s30  }
0xbc: {  	s0 =	sor.u32 s3, s0;
	s1 =	sshll.u32 s1, $0x11  }
0xbd: {  	s0 =	sor.u32 s1, s0  }
0xbe: {  	s0 =	sadd.s32 $0x8F2B, s0  }
0xbf: {  	[sflag:s0] =	ssyncadd.remote.s32 $0x1  }
0xc0: {  	_ =	sfence.sel $0xFFFF  }
0xc1: {  	[dreg:$0x0] =	wrdreg $0xFFFFFFFF;
	(pc) =	sbr.abs _section_cstart, $3  }
0xc2: {  	[dreg:$0x1] =	wrdreg $0xFFFFFFFF  }
0xc3: {  	_ =	task.clear_ibuf [dreg:s8], $0x2FFFF;
	_ =	strace $0x9FFFFFFF  }
0xc4: {  	(tm) =	ssettm $0x7FFFFFFF  }
0xc5: {  	_ =	shalt  }
tec
execute0_lowered:
.L_overlay_start_1:
0x0: {  	(tag) =	ssettag $0x1  }
0x1: {  	s0 =	srdreg.scid;
	s1 =	rddreg [dreg:$0x1]  }
0x2: {  	s2 =	stileid.u32;
	s5 =	rddreg [dreg:$0x2]  }
0x3: {  	s4 =	simm.s32 $0x0;
	s0 =	sand.u32 $0x1, s0;
	s2 =	sshll.u32 s2, $0x1  }
0x4: {  	[smem:$0x7FF] =	sst s4;
	s2 =	sor.u32 s0, s2  }
0x5: {  	s31 =	sadd.s32 $0x140000, s5;
	s0 =	ssub.s32 $0x2, s0;
	s3 =	smul.u32 $0x2300, s2  }
0x6: {  	_ =	strace $0x80000047;
	s26 =	sshrl.u32 s0, $0x1;
	s30 =	smul.u32 $0x50000, s2  }
0x7: {  	[dreg:$0x19] =	wrdreg s31;
	s0 =	ssub.s32 s0, s26;
	s3 =	sshrl.u32 s3, $0x3  }
.Ltmp0:
0x8: {  	[dreg:$0x18] =	wrdreg s30;
	s0 =	smax.u32 s0, $0x1;
	(pc) =	sbr.rel .LBB2_1-.Ltmp0, $4  }
0x9: {  	s3 =	sadd.s32 s3, s1;
	s1 =	sadd.s32 $0x9000, s1;
	[dreg:$0x1a] =	wrdreg s0  }
0xa: {  	v2 =	vlaneseq.u32;
	[dreg:$0x15] =	wrdreg s1;
	s28 =	sadd.s32 $0x400, s3  }
0xb: {  	vm1 =	vmmov $0xffff;
	v0 =	vand.u32 $0x7, v2;
	v1 =	vshrl.u32 v2, $0x3;
	p0 =	sne.s32 s2, $0x0;
	s29 =	sadd.s32 $0x470, s3;
	[dreg:$0x16] =	wrdreg s28  }
0xc: {  	v2 =	vor.u32 $0x8, v2;
	v1 =	vmul.u32 $0x8, v1;
	vm0 =	vmmov @!p0 $0xffff;
	s3 =	simm.s32 $0x0;
	[dreg:$0x17] =	wrdreg s29  }
.LBB2_11:
0xd: {  	s3 =	sadd.s32 $0x1, s3;
	s0 =	rddreg [dreg:$0x1a]  }
0xe: {  	p1 =	sne.s32 s3, s0  }
.Ltmp1:
0xf: {  	_ = 	snop;
	(pc) =	sbr.rel @!p1 .LBB2_12-.Ltmp1, $1  }
0x10: {  	_ =	sdelay $0x3  }
.LBB2_1:
0x11: {  	s0 =	simm.s32 @!p0 $0x0;
	s1 =	simm.s32 @!p0 $0x2300;
	s2 =	rddreg [dreg:$0x15]  }
0x12: {  	[tilespmem:s1], [sflag:$0x7] =	stream.linear.gather @!p0 [hbm4b:s2+s0], $0x80, $0x38;
	[tilespmem:$0x1A380] =	vst v63  }
0x13: {  	[dreg:$0x1b] =	wrdreg s3;
	s1 =	simm.s32 @!p0 $0x7  }
0x14: {  	_ =	swait.ge @!p0 [sflag:s1], $0x80  }
0x15: {  	[sflag:s1] =	ssyncset.done @!p0 $0x0  }
0x16: {  	[sflag:s1] =	ssyncadd.s32 @!p0 $0xFFFFFF80  }
0x17: {  	v3 =	vld @!p0 [tilespmem:$0x2300];
	_ =	sdelay $0x4  }
0x18: {  	v4 =	vshll.u32 @!p0 v3, $0x1  }
0x19: {  	v5 =	vlaneseq.u32 @!p0;
	v3 =	vand.u32 @!p0 $0x7, v3;
	v4 =	vand.u32 @!p0 $0xFFFFFFF0, v4  }
0x1a: {  	v6 =	vshrl.u32 @!p0 v5, $0x3;
	v3 =	vor.u32 @!p0 v3, v4;
	v4 =	vand.u32 @!p0 $0x7, v5  }
0x1b: {  	v6 =	vmul.u32 @!p0 $0x8, v6;
	v4 =	vperm.xlane @!p0 v3, v4  }
0x1c: {  	v5 =	vor.u32 @!p0 $0x8, v5  }
0x1d: {  	v3 =	vperm.xlane @!p0 v3, v5;
	v4 =	vadd.s32 @!p0 v6, v4;
	_ =	sdelay $0x1  }
0x1e: {  	v3 =	vadd.s32 @!p0 v6, v3;
	_ =	sdelay $0x1  }
0x1f: {  	s1 =	simm.s32 @!p0 $0x19380;
	s2 =	rddreg [dreg:$0x0]  }
0x20: {  	[tilespmem:s1], [sflag:$0x6] =	stream.indirect_vreg.gather @!p0 [hbm4b:s2+s0], $0x80, v4, vm0, $0xb8;
	[tilespmem:$0x1A380] =	vst v63  }
0x21: {  	s1 =	simm.s32 @!p0 $0x19B80  }
0x22: {  	[tilespmem:s1], [sflag:$0x6] =	stream.indirect_vreg.gather @!p0 [hbm4b:s2+s0], $0x80, v3, vm0, $0xb8;
	[tilespmem:$0x1A380] =	vst v63  }
0x23: {  	s3 =	simm.s32 $0x7;
	s28 =	rddreg [dreg:$0x16];
	s0 =	simm.s32 $0x0  }
0x24: {  	[tilespmem:s0], [sflag:$0x7] =	stream.linear.gather [hbm4b:s28+s0], $0x380, $0x38;
	[tilespmem:$0x1A380] =	vst v63  }
0x25: {  	_ =	swait.ge [sflag:s3], $0x380  }
0x26: {  	[sflag:s3] =	ssyncset.done $0x0  }
0x27: {  	[sflag:s3] =	ssyncadd.s32 $0xFFFFFC80  }
0x28: {  	v3 =	vld [tilespmem:$0x0];
	_ =	sdelay $0x4  }
0x29: {  	v50 =	vshll.u32 v3, $0x1  }
0x2a: {  	v3 =	vand.u32 $0x7, v3;
	v4 =	vand.u32 $0xFFFFFFF0, v50  }
0x2b: {  	v3 =	vor.u32 v3, v4  }
0x2c: {  	v4 =	vperm.xlane v3, v0;
	_ =	sdelay $0x1  }
0x2d: {  	v3 =	vperm.xlane v3, v2;
	v4 =	vadd.s32 v1, v4;
	_ =	sdelay $0x1  }
0x2e: {  	v3 =	vadd.s32 v1, v3;
	_ =	sdelay $0x1  }
0x2f: {  	s29 =	simm.s32 $0x2380  }
0x30: {  	[tilespmem:s29], [sflag:$0x1] =	stream.indirect_vreg.gather [hbm4b:s2+s0], $0x80, v4, vm1, $0xb8;
	[tilespmem:$0x1A380] =	vst v63  }
0x31: {  	s30 =	simm.s32 $0x2B80  }
0x32: {  	[tilespmem:s30], [sflag:$0x1] =	stream.indirect_vreg.gather [hbm4b:s2+s0], $0x80, v3, vm1, $0xb8;
	[tilespmem:$0x1A380] =	vst v63  }
0x33: {  	v3 =	vld [tilespmem:$0x10];
	_ =	sdelay $0x4  }
0x34: {  	v51 =	vshll.u32 v3, $0x1  }
0x35: {  	v3 =	vand.u32 $0x7, v3;
	v4 =	vand.u32 $0xFFFFFFF0, v51  }
0x36: {  	v3 =	vor.u32 v3, v4  }
0x37: {  	v4 =	vperm.xlane v3, v0;
	_ =	sdelay $0x1  }
0x38: {  	v3 =	vperm.xlane v3, v2;
	v4 =	vadd.s32 v1, v4;
	_ =	sdelay $0x1  }
0x39: {  	v3 =	vadd.s32 v1, v3;
	_ =	sdelay $0x1  }
0x3a: {  	s31 =	simm.s32 $0x3380  }
0x3b: {  	[tilespmem:s31], [sflag:$0x1] =	stream.indirect_vreg.gather [hbm4b:s2+s0], $0x80, v4, vm1, $0xb8;
	[tilespmem:$0x1A380] =	vst v63  }
0x3c: {  	s4 =	simm.s32 $0x3B80  }
0x3d: {  	[tilespmem:s4], [sflag:$0x1] =	stream.indirect_vreg.gather [hbm4b:s2+s0], $0x80, v3, vm1, $0xb8;
	[tilespmem:$0x1A380] =	vst v63  }
0x3e: {  	v3 =	vld [tilespmem:$0x20];
	_ =	sdelay $0x4  }
0x3f: {  	v52 =	vshll.u32 v3, $0x1  }
0x40: {  	v3 =	vand.u32 $0x7, v3;
	v4 =	vand.u32 $0xFFFFFFF0, v52  }
0x41: {  	v3 =	vor.u32 v3, v4  }
0x42: {  	v4 =	vperm.xlane v3, v0;
	_ =	sdelay $0x1  }
0x43: {  	v3 =	vperm.xlane v3, v2;
	v4 =	vadd.s32 v1, v4;
	_ =	sdelay $0x1  }
0x44: {  	v3 =	vadd.s32 v1, v3;
	_ =	sdelay $0x1  }
0x45: {  	s5 =	simm.s32 $0x4380  }
0x46: {  	[tilespmem:s5], [sflag:$0x1] =	stream.indirect_vreg.gather [hbm4b:s2+s0], $0x80, v4, vm1, $0xb8;
	[tilespmem:$0x1A380] =	vst v63  }
0x47: {  	s6 =	simm.s32 $0x4B80  }
0x48: {  	[tilespmem:s6], [sflag:$0x1] =	stream.indirect_vreg.gather [hbm4b:s2+s0], $0x80, v3, vm1, $0xb8;
	[tilespmem:$0x1A380] =	vst v63  }
0x49: {  	v3 =	vld [tilespmem:$0x30];
	_ =	sdelay $0x4  }
0x4a: {  	v53 =	vshll.u32 v3, $0x1  }
0x4b: {  	v3 =	vand.u32 $0x7, v3;
	v4 =	vand.u32 $0xFFFFFFF0, v53  }
0x4c: {  	v3 =	vor.u32 v3, v4  }
0x4d: {  	v4 =	vperm.xlane v3, v0;
	_ =	sdelay $0x1  }
0x4e: {  	v3 =	vperm.xlane v3, v2;
	v4 =	vadd.s32 v1, v4;
	_ =	sdelay $0x1  }
0x4f: {  	v3 =	vadd.s32 v1, v3;
	_ =	sdelay $0x1  }
0x50: {  	s7 =	simm.s32 $0x5380  }
0x51: {  	[tilespmem:s7], [sflag:$0x1] =	stream.indirect_vreg.gather [hbm4b:s2+s0], $0x80, v4, vm1, $0xb8;
	[tilespmem:$0x1A380] =	vst v63  }
0x52: {  	s8 =	simm.s32 $0x5B80  }
0x53: {  	[tilespmem:s8], [sflag:$0x1] =	stream.indirect_vreg.gather [hbm4b:s2+s0], $0x80, v3, vm1, $0xb8;
	[tilespmem:$0x1A380] =	vst v63  }
0x54: {  	v3 =	vld [tilespmem:$0x40];
	_ =	sdelay $0x4  }
0x55: {  	v54 =	vshll.u32 v3, $0x1  }
0x56: {  	v3 =	vand.u32 $0x7, v3;
	v4 =	vand.u32 $0xFFFFFFF0, v54  }
0x57: {  	v3 =	vor.u32 v3, v4  }
0x58: {  	v4 =	vperm.xlane v3, v0;
	_ =	sdelay $0x1  }
0x59: {  	v3 =	vperm.xlane v3, v2;
	v4 =	vadd.s32 v1, v4;
	_ =	sdelay $0x1  }
0x5a: {  	v3 =	vadd.s32 v1, v3;
	_ =	sdelay $0x1  }
0x5b: {  	s9 =	simm.s32 $0x6380  }
0x5c: {  	[tilespmem:s9], [sflag:$0x1] =	stream.indirect_vreg.gather [hbm4b:s2+s0], $0x80, v4, vm1, $0xb8;
	[tilespmem:$0x1A380] =	vst v63  }
0x5d: {  	s10 =	simm.s32 $0x6B80  }
0x5e: {  	[tilespmem:s10], [sflag:$0x1] =	stream.indirect_vreg.gather [hbm4b:s2+s0], $0x80, v3, vm1, $0xb8;
	[tilespmem:$0x1A380] =	vst v63  }
0x5f: {  	v3 =	vld [tilespmem:$0x50];
	_ =	sdelay $0x4  }
0x60: {  	v55 =	vshll.u32 v3, $0x1  }
0x61: {  	v3 =	vand.u32 $0x7, v3;
	v4 =	vand.u32 $0xFFFFFFF0, v55  }
0x62: {  	v3 =	vor.u32 v3, v4  }
0x63: {  	v4 =	vperm.xlane v3, v0;
	_ =	sdelay $0x1  }
0x64: {  	v3 =	vperm.xlane v3, v2;
	v4 =	vadd.s32 v1, v4;
	_ =	sdelay $0x1  }
0x65: {  	v3 =	vadd.s32 v1, v3;
	_ =	sdelay $0x1  }
0x66: {  	s11 =	simm.s32 $0x7380  }
0x67: {  	[tilespmem:s11], [sflag:$0x1] =	stream.indirect_vreg.gather [hbm4b:s2+s0], $0x80, v4, vm1, $0xb8;
	[tilespmem:$0x1A380] =	vst v63  }
0x68: {  	s12 =	simm.s32 $0x7B80  }
0x69: {  	[tilespmem:s12], [sflag:$0x1] =	stream.indirect_vreg.gather [hbm4b:s2+s0], $0x80, v3, vm1, $0xb8;
	[tilespmem:$0x1A380] =	vst v63  }
0x6a: {  	v3 =	vld [tilespmem:$0x60];
	_ =	sdelay $0x4  }
0x6b: {  	v56 =	vshll.u32 v3, $0x1  }
0x6c: {  	v3 =	vand.u32 $0x7, v3;
	v4 =	vand.u32 $0xFFFFFFF0, v56  }
0x6d: {  	v3 =	vor.u32 v3, v4  }
0x6e: {  	v4 =	vperm.xlane v3, v0;
	_ =	sdelay $0x1  }
0x6f: {  	v3 =	vperm.xlane v3, v2;
	v4 =	vadd.s32 v1, v4;
	_ =	sdelay $0x1  }
0x70: {  	v3 =	vadd.s32 v1, v3;
	_ =	sdelay $0x1  }
0x71: {  	s13 =	simm.s32 $0x8380  }
0x72: {  	[tilespmem:s13], [sflag:$0x1] =	stream.indirect_vreg.gather [hbm4b:s2+s0], $0x80, v4, vm1, $0xb8;
	[tilespmem:$0x1A380] =	vst v63  }
0x73: {  	s14 =	simm.s32 $0x8B80  }
0x74: {  	[tilespmem:s14], [sflag:$0x1] =	stream.indirect_vreg.gather [hbm4b:s2+s0], $0x80, v3, vm1, $0xb8;
	[tilespmem:$0x1A380] =	vst v63  }
0x75: {  	v3 =	vld [tilespmem:$0x70];
	_ =	sdelay $0x4  }
0x76: {  	v57 =	vshll.u32 v3, $0x1  }
0x77: {  	v3 =	vand.u32 $0x7, v3;
	v4 =	vand.u32 $0xFFFFFFF0, v57  }
0x78: {  	v3 =	vor.u32 v3, v4  }
0x79: {  	v4 =	vperm.xlane v3, v0;
	_ =	sdelay $0x1  }
0x7a: {  	v3 =	vperm.xlane v3, v2;
	v4 =	vadd.s32 v1, v4;
	_ =	sdelay $0x1  }
0x7b: {  	v3 =	vadd.s32 v1, v3;
	_ =	sdelay $0x1  }
0x7c: {  	s15 =	simm.s32 $0x9380  }
0x7d: {  	[tilespmem:s15], [sflag:$0x2] =	stream.indirect_vreg.gather [hbm4b:s2+s0], $0x80, v4, vm1, $0xb8;
	[tilespmem:$0x1A380] =	vst v63  }
0x7e: {  	s16 =	simm.s32 $0x9B80  }
0x7f: {  	[tilespmem:s16], [sflag:$0x2] =	stream.indirect_vreg.gather [hbm4b:s2+s0], $0x80, v3, vm1, $0xb8;
	[tilespmem:$0x1A380] =	vst v63  }
0x80: {  	v3 =	vld [tilespmem:$0x80];
	_ =	sdelay $0x4  }
0x81: {  	v58 =	vshll.u32 v3, $0x1  }
0x82: {  	v3 =	vand.u32 $0x7, v3;
	v4 =	vand.u32 $0xFFFFFFF0, v58  }
0x83: {  	v3 =	vor.u32 v3, v4  }
0x84: {  	v4 =	vperm.xlane v3, v0;
	_ =	sdelay $0x1  }
0x85: {  	v3 =	vperm.xlane v3, v2;
	v4 =	vadd.s32 v1, v4;
	_ =	sdelay $0x1  }
0x86: {  	v3 =	vadd.s32 v1, v3;
	_ =	sdelay $0x1  }
0x87: {  	s17 =	simm.s32 $0xA380  }
0x88: {  	[tilespmem:s17], [sflag:$0x2] =	stream.indirect_vreg.gather [hbm4b:s2+s0], $0x80, v4, vm1, $0xb8;
	[tilespmem:$0x1A380] =	vst v63  }
0x89: {  	s18 =	simm.s32 $0xAB80  }
0x8a: {  	[tilespmem:s18], [sflag:$0x2] =	stream.indirect_vreg.gather [hbm4b:s2+s0], $0x80, v3, vm1, $0xb8;
	[tilespmem:$0x1A380] =	vst v63  }
0x8b: {  	v3 =	vld [tilespmem:$0x90];
	_ =	sdelay $0x4  }
0x8c: {  	v59 =	vshll.u32 v3, $0x1  }
0x8d: {  	v3 =	vand.u32 $0x7, v3;
	v4 =	vand.u32 $0xFFFFFFF0, v59  }
0x8e: {  	v3 =	vor.u32 v3, v4  }
0x8f: {  	v4 =	vperm.xlane v3, v0;
	_ =	sdelay $0x1  }
0x90: {  	v3 =	vperm.xlane v3, v2;
	v4 =	vadd.s32 v1, v4;
	_ =	sdelay $0x1  }
0x91: {  	v3 =	vadd.s32 v1, v3;
	_ =	sdelay $0x1  }
0x92: {  	s19 =	simm.s32 $0xB380  }
0x93: {  	[tilespmem:s19], [sflag:$0x2] =	stream.indirect_vreg.gather [hbm4b:s2+s0], $0x80, v4, vm1, $0xb8;
	[tilespmem:$0x1A380] =	vst v63  }
0x94: {  	s20 =	simm.s32 $0xBB80  }
0x95: {  	[tilespmem:s20], [sflag:$0x2] =	stream.indirect_vreg.gather [hbm4b:s2+s0], $0x80, v3, vm1, $0xb8;
	[tilespmem:$0x1A380] =	vst v63  }
0x96: {  	v3 =	vld [tilespmem:$0xA0];
	_ =	sdelay $0x4  }
0x97: {  	v60 =	vshll.u32 v3, $0x1  }
0x98: {  	v3 =	vand.u32 $0x7, v3;
	v4 =	vand.u32 $0xFFFFFFF0, v60  }
0x99: {  	v3 =	vor.u32 v3, v4  }
0x9a: {  	v4 =	vperm.xlane v3, v0;
	_ =	sdelay $0x1  }
0x9b: {  	v3 =	vperm.xlane v3, v2;
	v4 =	vadd.s32 v1, v4;
	_ =	sdelay $0x1  }
0x9c: {  	v3 =	vadd.s32 v1, v3;
	_ =	sdelay $0x1  }
0x9d: {  	s21 =	simm.s32 $0xC380  }
0x9e: {  	[tilespmem:s21], [sflag:$0x2] =	stream.indirect_vreg.gather [hbm4b:s2+s0], $0x80, v4, vm1, $0xb8;
	[tilespmem:$0x1A380] =	vst v63  }
0x9f: {  	s22 =	simm.s32 $0xCB80  }
0xa0: {  	[tilespmem:s22], [sflag:$0x2] =	stream.indirect_vreg.gather [hbm4b:s2+s0], $0x80, v3, vm1, $0xb8;
	[tilespmem:$0x1A380] =	vst v63  }
0xa1: {  	v3 =	vld [tilespmem:$0xB0];
	_ =	sdelay $0x4  }
0xa2: {  	v61 =	vshll.u32 v3, $0x1  }
0xa3: {  	v3 =	vand.u32 $0x7, v3;
	v4 =	vand.u32 $0xFFFFFFF0, v61  }
0xa4: {  	v3 =	vor.u32 v3, v4  }
0xa5: {  	v4 =	vperm.xlane v3, v0;
	_ =	sdelay $0x1  }
0xa6: {  	v3 =	vperm.xlane v3, v2;
	v4 =	vadd.s32 v1, v4;
	_ =	sdelay $0x1  }
0xa7: {  	v3 =	vadd.s32 v1, v3;
	_ =	sdelay $0x1  }
0xa8: {  	s23 =	simm.s32 $0xD380  }
0xa9: {  	[tilespmem:s23], [sflag:$0x2] =	stream.indirect_vreg.gather [hbm4b:s2+s0], $0x80, v4, vm1, $0xb8;
	[tilespmem:$0x1A380] =	vst v63  }
0xaa: {  	s24 =	simm.s32 $0xDB80  }
0xab: {  	[tilespmem:s24], [sflag:$0x2] =	stream.indirect_vreg.gather [hbm4b:s2+s0], $0x80, v3, vm1, $0xb8;
	[tilespmem:$0x1A380] =	vst v63  }
0xac: {  	v3 =	vld [tilespmem:$0xC0];
	_ =	sdelay $0x4  }
0xad: {  	v62 =	vshll.u32 v3, $0x1  }
0xae: {  	v3 =	vand.u32 $0x7, v3;
	v4 =	vand.u32 $0xFFFFFFF0, v62  }
0xaf: {  	v3 =	vor.u32 v3, v4  }
0xb0: {  	v4 =	vperm.xlane v3, v0;
	_ =	sdelay $0x1  }
0xb1: {  	v3 =	vperm.xlane v3, v2;
	v4 =	vadd.s32 v1, v4;
	_ =	sdelay $0x1  }
0xb2: {  	v3 =	vadd.s32 v1, v3;
	_ =	sdelay $0x1  }
0xb3: {  	s25 =	simm.s32 $0xE380  }
0xb4: {  	[tilespmem:s25], [sflag:$0x2] =	stream.indirect_vreg.gather [hbm4b:s2+s0], $0x80, v4, vm1, $0xb8;
	[tilespmem:$0x1A380] =	vst v63  }
0xb5: {  	s26 =	simm.s32 $0xEB80  }
0xb6: {  	[tilespmem:s26], [sflag:$0x2] =	stream.indirect_vreg.gather [hbm4b:s2+s0], $0x80, v3, vm1, $0xb8;
	[tilespmem:$0x1A380] =	vst v63  }
0xb7: {  	v3 =	vld [tilespmem:$0xD0];
	_ =	sdelay $0x4  }
0xb8: {  	v63 =	vshll.u32 v3, $0x1  }
0xb9: {  	v3 =	vand.u32 $0x7, v3;
	v4 =	vand.u32 $0xFFFFFFF0, v63  }
0xba: {  	v3 =	vor.u32 v3, v4  }
0xbb: {  	v4 =	vperm.xlane v3, v0;
	_ =	sdelay $0x1  }
0xbc: {  	v3 =	vperm.xlane v3, v2;
	v4 =	vadd.s32 v1, v4;
	_ =	sdelay $0x1  }
0xbd: {  	v3 =	vadd.s32 v1, v3;
	_ =	sdelay $0x1  }
0xbe: {  	s28 =	simm.s32 $0xF380  }
0xbf: {  	[tilespmem:s28], [sflag:$0x2] =	stream.indirect_vreg.gather [hbm4b:s2+s0], $0x80, v4, vm1, $0xb8;
	[tilespmem:$0x1A380] =	vst v63  }
0xc0: {  	s29 =	simm.s32 $0xFB80  }
0xc1: {  	[tilespmem:s29], [sflag:$0x2] =	stream.indirect_vreg.gather [hbm4b:s2+s0], $0x80, v3, vm1, $0xb8;
	[tilespmem:$0x1A380] =	vst v63  }
0xc2: {  	s30 =	rddreg [dreg:$0x17];
	s31 =	simm.s32 $0x380  }
0xc3: {  	[tilespmem:s31], [sflag:$0x7] =	stream.linear.gather [hbm4b:s30+s0], $0x1F80, $0x38;
	[tilespmem:$0x1A380] =	vst v63  }
0xc4: {  	_ =	swait.ge [sflag:s3], $0x1F80  }
0xc5: {  	s6 =	simm.s32 $0x0;
	[sflag:s3] =	ssyncset.done $0x0  }
0xc6: {  	s7 =	simm.s32 $0x0;
	s8 =	simm.s32 $0x0;
	[sflag:s3] =	ssyncadd.s32 $0xFFFFE080  }
.LBB2_2:
0xc7: {  	s0 =	smul.u32 $0xAB, s8;
	_ =	sdelay $0x1  }
0xc8: {  	s0 =	sshrl.u32 s0, $0x9  }
0xc9: {  	s0 =	sand.u32 $0x7F, s0  }
0xca: {  	s0 =	smul.u32 $0x3, s0;
	_ =	sdelay $0x1  }
0xcb: {  	p1 =	slt.u32 s8, $0x4E;
	s0 =	ssub.s32 s8, s0  }
.Ltmp2:
0xcc: {  	s0 =	sand.u32 $0xFF, s0;
	(pc) =	sbr.rel @!p1 .LBB2_3-.Ltmp2, $4  }
0xcd: {  	s0 =	sadd.s32 $0x1, s0  }
0xce: {  	_ =	swait.ge [sflag:s0], $0x7000  }
0xcf: {  	[sflag:s0] =	ssyncset.done $0x0  }
0xd0: {  	[sflag:s0] =	ssyncadd.s32 $0xFFFF9000  }
0xd1: {  	s1 =	sadd.s32 $0x2, s8  }
0xd2: {  	s0 =	smul.u32 $0x1C0, s1;
	_ =	sdelay $0x1  }
0xd3: {  	s0 =	sshra.s32 s0, $0x2  }
0xd4: {  	v3 =	vld [tilespmem:s0+$0x0];
	_ =	sdelay $0x2  }
0xd5: {  	s2 =	smul.u32 $0xAB, s1;
	_ =	sdelay $0x1  }
0xd6: {  	s2 =	sshrl.u32 s2, $0x9;
	v4 =	vshll.u32 v3, $0x1  }
0xd7: {  	s2 =	sand.u32 $0x7F, s2;
	v3 =	vand.u32 $0x7, v3;
	v4 =	vand.u32 $0xFFFFFFF0, v4  }
0xd8: {  	s2 =	smul.u32 $0x3, s2;
	v3 =	vor.u32 v3, v4  }
0xd9: {  	v4 =	vperm.xlane v3, v0  }
0xda: {  	s1 =	ssub.s32 s1, s2  }
0xdb: {  	s1 =	sand.u32 $0xFF, s1;
	v3 =	vperm.xlane v3, v2;
	v4 =	vadd.s32 v1, v4  }
0xdc: {  	s17 =	smul.u32 $0x1C000, s1  }
0xdd: {  	v3 =	vadd.s32 v1, v3  }
0xde: {  	s4 =	rddreg [dreg:$0x0];
	s2 =	sshrl.u32 s17, $0x2  }
0xdf: {  	s5 =	simm.s32 $0x0;
	s1 =	sadd.s32 $0x1, s1;
	s3 =	sadd.s32 $0x2380, s2  }
0xe0: {  	[tilespmem:s3], [sflag:s1] =	stream.indirect_vreg.gather [hbm4b:s4+s5], $0x80, v4, vm1, $0xb8;
	[tilespmem:$0x1A380] =	vst v63  }
0xe1: {  	s18 =	sadd.s32 $0x2B80, s2  }
0xe2: {  	[tilespmem:s18], [sflag:s1] =	stream.indirect_vreg.gather [hbm4b:s4+s5], $0x80, v3, vm1, $0xb8;
	[tilespmem:$0x1A380] =	vst v63  }
0xe3: {  	v3 =	vld [tilespmem:s0+$0x10];
	_ =	sdelay $0x4  }
0xe4: {  	v58 =	vshll.u32 v3, $0x1  }
0xe5: {  	v3 =	vand.u32 $0x7, v3;
	v4 =	vand.u32 $0xFFFFFFF0, v58  }
0xe6: {  	v3 =	vor.u32 v3, v4  }
0xe7: {  	v4 =	vperm.xlane v3, v0;
	_ =	sdelay $0x1  }
0xe8: {  	v3 =	vperm.xlane v3, v2;
	v4 =	vadd.s32 v1, v4;
	_ =	sdelay $0x1  }
0xe9: {  	v3 =	vadd.s32 v1, v3;
	_ =	sdelay $0x1  }
0xea: {  	s19 =	sadd.s32 $0x3380, s2  }
0xeb: {  	[tilespmem:s19], [sflag:s1] =	stream.indirect_vreg.gather [hbm4b:s4+s5], $0x80, v4, vm1, $0xb8;
	[tilespmem:$0x1A380] =	vst v63  }
0xec: {  	s20 =	sadd.s32 $0x3B80, s2  }
0xed: {  	[tilespmem:s20], [sflag:s1] =	stream.indirect_vreg.gather [hbm4b:s4+s5], $0x80, v3, vm1, $0xb8;
	[tilespmem:$0x1A380] =	vst v63  }
0xee: {  	v3 =	vld [tilespmem:s0+$0x20];
	_ =	sdelay $0x4  }
0xef: {  	v59 =	vshll.u32 v3, $0x1  }
0xf0: {  	v3 =	vand.u32 $0x7, v3;
	v4 =	vand.u32 $0xFFFFFFF0, v59  }
0xf1: {  	v3 =	vor.u32 v3, v4  }
0xf2: {  	v4 =	vperm.xlane v3, v0;
	_ =	sdelay $0x1  }
0xf3: {  	v3 =	vperm.xlane v3, v2;
	v4 =	vadd.s32 v1, v4;
	_ =	sdelay $0x1  }
0xf4: {  	v3 =	vadd.s32 v1, v3;
	_ =	sdelay $0x1  }
0xf5: {  	s21 =	sadd.s32 $0x4380, s2  }
0xf6: {  	[tilespmem:s21], [sflag:s1] =	stream.indirect_vreg.gather [hbm4b:s4+s5], $0x80, v4, vm1, $0xb8;
	[tilespmem:$0x1A380] =	vst v63  }
0xf7: {  	s22 =	sadd.s32 $0x4B80, s2  }
0xf8: {  	[tilespmem:s22], [sflag:s1] =	stream.indirect_vreg.gather [hbm4b:s4+s5], $0x80, v3, vm1, $0xb8;
	[tilespmem:$0x1A380] =	vst v63  }
0xf9: {  	v3 =	vld [tilespmem:s0+$0x30];
	_ =	sdelay $0x4  }
0xfa: {  	v60 =	vshll.u32 v3, $0x1  }
0xfb: {  	v3 =	vand.u32 $0x7, v3;
	v4 =	vand.u32 $0xFFFFFFF0, v60  }
0xfc: {  	v3 =	vor.u32 v3, v4  }
0xfd: {  	v4 =	vperm.xlane v3, v0;
	_ =	sdelay $0x1  }
0xfe: {  	v3 =	vperm.xlane v3, v2;
	v4 =	vadd.s32 v1, v4;
	_ =	sdelay $0x1  }
0xff: {  	v3 =	vadd.s32 v1, v3;
	_ =	sdelay $0x1  }
0x100: {  	s23 =	sadd.s32 $0x5380, s2  }
0x101: {  	[tilespmem:s23], [sflag:s1] =	stream.indirect_vreg.gather [hbm4b:s4+s5], $0x80, v4, vm1, $0xb8;
	[tilespmem:$0x1A380] =	vst v63  }
0x102: {  	s24 =	sadd.s32 $0x5B80, s2  }
0x103: {  	[tilespmem:s24], [sflag:s1] =	stream.indirect_vreg.gather [hbm4b:s4+s5], $0x80, v3, vm1, $0xb8;
	[tilespmem:$0x1A380] =	vst v63  }
0x104: {  	v3 =	vld [tilespmem:s0+$0x40];
	_ =	sdelay $0x4  }
0x105: {  	v61 =	vshll.u32 v3, $0x1  }
0x106: {  	v3 =	vand.u32 $0x7, v3;
	v4 =	vand.u32 $0xFFFFFFF0, v61  }
0x107: {  	v3 =	vor.u32 v3, v4  }
0x108: {  	v4 =	vperm.xlane v3, v0;
	_ =	sdelay $0x1  }
0x109: {  	v3 =	vperm.xlane v3, v2;
	v4 =	vadd.s32 v1, v4;
	_ =	sdelay $0x1  }
0x10a: {  	v3 =	vadd.s32 v1, v3;
	_ =	sdelay $0x1  }
0x10b: {  	s25 =	sadd.s32 $0x6380, s2  }
0x10c: {  	[tilespmem:s25], [sflag:s1] =	stream.indirect_vreg.gather [hbm4b:s4+s5], $0x80, v4, vm1, $0xb8;
	[tilespmem:$0x1A380] =	vst v63  }
0x10d: {  	s26 =	sadd.s32 $0x6B80, s2  }
0x10e: {  	[tilespmem:s26], [sflag:s1] =	stream.indirect_vreg.gather [hbm4b:s4+s5], $0x80, v3, vm1, $0xb8;
	[tilespmem:$0x1A380] =	vst v63  }
0x10f: {  	v3 =	vld [tilespmem:s0+$0x50];
	_ =	sdelay $0x4  }
0x110: {  	v62 =	vshll.u32 v3, $0x1  }
0x111: {  	v3 =	vand.u32 $0x7, v3;
	v4 =	vand.u32 $0xFFFFFFF0, v62  }
0x112: {  	v3 =	vor.u32 v3, v4  }
0x113: {  	v4 =	vperm.xlane v3, v0;
	_ =	sdelay $0x1  }
0x114: {  	v3 =	vperm.xlane v3, v2;
	v4 =	vadd.s32 v1, v4;
	_ =	sdelay $0x1  }
0x115: {  	v3 =	vadd.s32 v1, v3;
	_ =	sdelay $0x1  }
0x116: {  	s28 =	sadd.s32 $0x7380, s2  }
0x117: {  	[tilespmem:s28], [sflag:s1] =	stream.indirect_vreg.gather [hbm4b:s4+s5], $0x80, v4, vm1, $0xb8;
	[tilespmem:$0x1A380] =	vst v63  }
0x118: {  	s29 =	sadd.s32 $0x7B80, s2  }
0x119: {  	[tilespmem:s29], [sflag:s1] =	stream.indirect_vreg.gather [hbm4b:s4+s5], $0x80, v3, vm1, $0xb8;
	[tilespmem:$0x1A380] =	vst v63  }
0x11a: {  	v3 =	vld [tilespmem:s0+$0x60];
	_ =	sdelay $0x4  }
0x11b: {  	v63 =	vshll.u32 v3, $0x1  }
0x11c: {  	v3 =	vand.u32 $0x7, v3;
	v4 =	vand.u32 $0xFFFFFFF0, v63  }
0x11d: {  	v3 =	vor.u32 v3, v4  }
0x11e: {  	v4 =	vperm.xlane v3, v0;
	_ =	sdelay $0x1  }
0x11f: {  	v3 =	vperm.xlane v3, v2;
	v4 =	vadd.s32 v1, v4;
	_ =	sdelay $0x1  }
0x120: {  	p1 =	slt.u32 s8, $0x2;
	v3 =	vadd.s32 v1, v3  }
.Ltmp3:
0x121: {  	_ = 	snop;
	(pc) =	sbr.rel @p1 .LBB2_6-.Ltmp3, $4  }
.Ltmp4:
0x122: {  	s30 =	sadd.s32 $0x8380, s2;
	(pc) =	sbr.rel @!p1 .LBB2_5-.Ltmp4, $4  }
0x123: {  	[tilespmem:s30], [sflag:s1] =	stream.indirect_vreg.gather [hbm4b:s4+s5], $0x80, v4, vm1, $0xb8;
	[tilespmem:$0x1A380] =	vst v63  }
0x124: {  	s10 =	sand.u32 $0x1, s8;
	s31 =	sadd.s32 $0x8B80, s2  }
0x125: {  	[tilespmem:s31], [sflag:s1] =	stream.indirect_vreg.gather [hbm4b:s4+s5], $0x80, v3, vm1, $0xb8;
	[tilespmem:$0x1A380] =	vst v63  }
0x126: {  	_ = 	snop  }
.LBB2_3:
0x127: {  	s10 =	sand.u32 $0x1, s8  }
.LBB2_5:
0x128: {  	s0 =	sor.u32 $0x4, s10  }
0x129: {  	_ =	swait.ge [sflag:s0], $0x1000  }
0x12a: {  	[sflag:s0] =	ssyncset.done $0x0  }
0x12b: {  	[sflag:s0] =	ssyncadd.s32 $0xFFFFF000  }
.LBB2_6:
0x12c: {  	s0 =	smulhi.u32 $0xAAAAAAAB, s8;
	_ =	sdelay $0x1  }
0x12d: {  	s0 =	sshrl.u32 s0, $0x1  }
0x12e: {  	[dreg:$0x1e] =	wrdreg s8;
	s1 =	smul.u32 $0xA800, s0  }
0x12f: {  	[dreg:$0x1c] =	wrdreg s6  }
0x130: {  	[dreg:$0x1d] =	wrdreg s7;
	s0 =	smul.u32 $0x15000, s0;
	s1 =	ssub.s32 s6, s1  }
0x131: {  	[dreg:$0x4] =	wrdreg s1  }
0x132: {  	s3 =	simm.s32 $0x380;
	s0 =	ssub.s32 s7, s0;
	s1 =	rddreg [dreg:$0x4]  }
0x133: {  	s3 =	sand.u32 $0x380, s3;
	s24 =	sadd.s32 $0x700, s0;
	s2 =	sadd.s32 $0x380, s1  }
0x134: {  	s4 =	sadd.s32 $0x800, s0;
	s1 =	sand.u32 $0x3F800, s24;
	s5 =	sadd.s32 $0x80, s2  }
0x135: {  	s25 =	sand.u32 $0x7FFFF800, s4;
	s6 =	sor.u32 s3, s1;
	s26 =	sand.u32 $0x300, s5  }
0x136: {  	s3 =	sadd.s32 $0x900, s0;
	s4 =	sadd.s32 $0x100, s2;
	v3 =	vld [tilespmem:s6+$0x2380];
	s9 =	sor.u32 s26, s25  }
0x137: {  	s1 =	sand.u32 $0x7FFFF800, s3;
	s3 =	sand.u32 $0x380, s4;
	v4 =	vld [tilespmem:s9+$0x2380]  }
0x138: {  	s7 =	sadd.s32 $0x180, s2;
	s5 =	sadd.s32 $0xA00, s0;
	s25 =	sor.u32 s3, s1  }
0x139: {  	s1 =	sand.u32 $0x7FFFF800, s5;
	s3 =	sand.u32 $0x300, s7;
	v5 =	vld [tilespmem:s25+$0x2380]  }
0x13a: {  	s8 =	sadd.s32 $0xB00, s0;
	s11 =	sadd.s32 $0x200, s2;
	s28 =	sor.u32 s3, s1  }
0x13b: {  	s12 =	sand.u32 $0x7FFFF800, s8;
	s13 =	sand.u32 $0x380, s11;
	v6 =	vld [tilespmem:s28+$0x2380]  }
0x13c: {  	s14 =	sadd.s32 $0xC00, s0;
	s15 =	sadd.s32 $0x280, s2;
	s3 =	sor.u32 s13, s12;
	v3 =	vadd.f32 v4, v3  }
0x13d: {  	s4 =	sand.u32 $0x7FFFF800, s14;
	s5 =	sand.u32 $0x300, s15;
	v4 =	vld [tilespmem:s3+$0x2380]  }
0x13e: {  	s16 =	sadd.s32 $0xD00, s0;
	s17 =	sadd.s32 $0x300, s2;
	s4 =	sor.u32 s5, s4;
	v3 =	vadd.f32 v5, v3  }
0x13f: {  	s8 =	sand.u32 $0x380, s17;
	s5 =	sand.u32 $0x7FFFF800, s16;
	v5 =	vld [tilespmem:s4+$0x2380]  }
0x140: {  	s5 =	sor.u32 s8, s5;
	v3 =	vadd.f32 v6, v3  }
0x141: {  	v6 =	vld [tilespmem:s5+$0x2380]  }
0x142: {  	v3 =	vadd.f32 v4, v3;
	_ =	sdelay $0x1  }
0x143: {  	v3 =	vadd.f32 v5, v3;
	_ =	sdelay $0x1  }
0x144: {  	s14 =	sshll.u32 s10, $0xC;
	v3 =	vadd.f32 v6, v3  }
0x145: {  	s18 =	simm.s32 $0x80;
	s19 =	sand.u32 $0x1800, s14  }
0x146: {  	s8 =	sadd.s32 $0x17380, s19;
	[dreg:$0x1f] =	wrdreg s10;
	s10 =	sand.u32 $0x380, s18;
	v3 =	vmul.f32 $1.428571490e-01, v3  }
0x147: {  	s16 =	sadd.s32 s10, s8  }
0x148: {  	[tilespmem:s16+$0x0] =	vst v3  }
0x149: {  	v3 =	vld [tilespmem:s6+$0x2390]  }
0x14a: {  	v4 =	vld [tilespmem:s9+$0x2390];
	_ =	sdelay $0x1  }
0x14b: {  	v5 =	vld [tilespmem:s25+$0x2390];
	_ =	sdelay $0x1  }
0x14c: {  	v6 =	vld [tilespmem:s28+$0x2390]  }
0x14d: {  	v3 =	vadd.f32 v4, v3  }
0x14e: {  	v4 =	vld [tilespmem:s3+$0x2390]  }
0x14f: {  	v3 =	vadd.f32 v5, v3  }
0x150: {  	v5 =	vld [tilespmem:s4+$0x2390]  }
0x151: {  	v3 =	vadd.f32 v6, v3  }
0x152: {  	s20 =	simm.s32 $0x0;
	v6 =	vld [tilespmem:s5+$0x2390]  }
0x153: {  	s11 =	sand.u32 $0x3F800, s0;
	s10 =	sand.u32 $0x300, s20;
	v3 =	vadd.f32 v4, v3  }
0x154: {  	s26 =	sor.u32 s10, s11  }
0x155: {  	s22 =	sadd.s32 $0x200, s0;
	s21 =	sadd.s32 $0xFFFFFD80, s2;
	v4 =	vld [tilespmem:s26+$0x2380];
	v3 =	vadd.f32 v5, v3  }
0x156: {  	s24 =	sadd.s32 $0xFFFFFE80, s2;
	s10 =	sand.u32 $0x300, s21;
	s11 =	sand.u32 $0x7F800, s22;
	v5 =	vld [tilespmem:s26+$0x2400]  }
0x157: {  	s12 =	sadd.s32 $0xFFFFFE00, s2;
	s13 =	sadd.s32 $0x300, s0;
	s17 =	sor.u32 s10, s11;
	v3 =	vadd.f32 v6, v3  }
0x158: {  	s7 =	sadd.s32 $0x400, s0;
	s12 =	sand.u32 $0x380, s12;
	s23 =	sand.u32 $0x7F800, s13;
	v6 =	vld [tilespmem:s17+$0x2380]  }
0x159: {  	s15 =	sand.u32 $0x300, s24;
	s1 =	sor.u32 s12, s23;
	s18 =	sand.u32 $0x7F800, s7;
	v3 =	vmul.f32 $1.428571490e-01, v3  }
0x15a: {  	s19 =	sor.u32 s15, s18;
	v7 =	vld [tilespmem:s1+$0x2380]  }
0x15b: {  	s20 =	sadd.s32 $0x500, s0;
	s21 =	sadd.s32 $0xFFFFFF00, s2;
	v4 =	vadd.f32 v5, v4;
	v5 =	vld [tilespmem:s19+$0x2380];
	[tilespmem:s16+$0x10] =	vst v3  }
0x15c: {  	s11 =	sand.u32 $0x380, s21;
	s10 =	sand.u32 $0x7F800, s20;
	v3 =	vld [tilespmem:s6+$0x23A0]  }
0x15d: {  	s22 =	sadd.s32 $0x600, s0;
	s2 =	sadd.s32 $0xFFFFFF80, s2;
	s11 =	sor.u32 s11, s10;
	v4 =	vadd.f32 v6, v4;
	v6 =	vld [tilespmem:s9+$0x23A0]  }
0x15e: {  	s2 =	sand.u32 $0x300, s2;
	s10 =	sand.u32 $0x7F800, s22;
	v8 =	vld [tilespmem:s11+$0x2380]  }
0x15f: {  	s10 =	sor.u32 s2, s10;
	v4 =	vadd.f32 v7, v4;
	v7 =	vld [tilespmem:s25+$0x23A0]  }
0x160: {  	v9 =	vld [tilespmem:s10+$0x2380]  }
0x161: {  	v4 =	vadd.f32 v5, v4;
	v5 =	vld [tilespmem:s28+$0x23A0]  }
0x162: {  	v3 =	vadd.f32 v6, v3  }
0x163: {  	v6 =	vld [tilespmem:s3+$0x23A0];
	v4 =	vadd.f32 v8, v4  }
0x164: {  	v3 =	vadd.f32 v7, v3  }
0x165: {  	v7 =	vld [tilespmem:s4+$0x23A0];
	v4 =	vadd.f32 v9, v4  }
0x166: {  	s23 =	simm.s32 $0x0;
	v3 =	vadd.f32 v5, v3  }
0x167: {  	s2 =	sand.u32 $0x300, s23;
	v5 =	vld [tilespmem:s5+$0x23A0];
	v4 =	vmul.f32 $1.428571490e-01, v4  }
0x168: {  	s15 =	sadd.s32 s2, s8;
	v3 =	vadd.f32 v6, v3  }
0x169: {  	[tilespmem:s15+$0x0] =	vst v4  }
0x16a: {  	v4 =	vld [tilespmem:s26+$0x2390];
	v3 =	vadd.f32 v7, v3  }
0x16b: {  	v6 =	vld [tilespmem:s26+$0x2410]  }
0x16c: {  	v3 =	vadd.f32 v5, v3  }
0x16d: {  	v5 =	vld [tilespmem:s17+$0x2390]  }
0x16e: {  	v3 =	vmul.f32 $1.428571490e-01, v3  }
0x16f: {  	v7 =	vld [tilespmem:s1+$0x2390]  }
0x170: {  	v4 =	vadd.f32 v6, v4;
	v6 =	vld [tilespmem:s19+$0x2390];
	[tilespmem:s16+$0x20] =	vst v3  }
0x171: {  	v3 =	vld [tilespmem:s6+$0x23B0]  }
0x172: {  	v4 =	vadd.f32 v5, v4;
	v5 =	vld [tilespmem:s9+$0x23B0]  }
0x173: {  	v8 =	vld [tilespmem:s11+$0x2390]  }
0x174: {  	v4 =	vadd.f32 v7, v4;
	v7 =	vld [tilespmem:s25+$0x23B0]  }
0x175: {  	v9 =	vld [tilespmem:s10+$0x2390]  }
0x176: {  	v4 =	vadd.f32 v6, v4;
	v6 =	vld [tilespmem:s28+$0x23B0]  }
0x177: {  	v3 =	vadd.f32 v5, v3  }
0x178: {  	v5 =	vld [tilespmem:s3+$0x23B0];
	v4 =	vadd.f32 v8, v4  }
0x179: {  	v3 =	vadd.f32 v7, v3  }
0x17a: {  	v7 =	vld [tilespmem:s4+$0x23B0];
	v4 =	vadd.f32 v9, v4  }
0x17b: {  	v3 =	vadd.f32 v6, v3  }
0x17c: {  	v6 =	vld [tilespmem:s5+$0x23B0];
	v4 =	vmul.f32 $1.428571490e-01, v4  }
0x17d: {  	v3 =	vadd.f32 v5, v3  }
0x17e: {  	[tilespmem:s15+$0x10] =	vst v4  }
0x17f: {  	v4 =	vld [tilespmem:s26+$0x23A0];
	v3 =	vadd.f32 v7, v3  }
0x180: {  	v5 =	vld [tilespmem:s26+$0x2420]  }
0x181: {  	v3 =	vadd.f32 v6, v3  }
0x182: {  	v6 =	vld [tilespmem:s17+$0x23A0]  }
0x183: {  	v3 =	vmul.f32 $1.428571490e-01, v3  }
0x184: {  	v7 =	vld [tilespmem:s1+$0x23A0]  }
0x185: {  	v4 =	vadd.f32 v5, v4;
	v5 =	vld [tilespmem:s19+$0x23A0];
	[tilespmem:s16+$0x30] =	vst v3  }
0x186: {  	v3 =	vld [tilespmem:s6+$0x23C0]  }
0x187: {  	v4 =	vadd.f32 v6, v4;
	v6 =	vld [tilespmem:s9+$0x23C0]  }
0x188: {  	v8 =	vld [tilespmem:s11+$0x23A0]  }
0x189: {  	v4 =	vadd.f32 v7, v4;
	v7 =	vld [tilespmem:s25+$0x23C0]  }
0x18a: {  	v9 =	vld [tilespmem:s10+$0x23A0]  }
0x18b: {  	v4 =	vadd.f32 v5, v4;
	v5 =	vld [tilespmem:s28+$0x23C0]  }
0x18c: {  	v3 =	vadd.f32 v6, v3  }
0x18d: {  	v6 =	vld [tilespmem:s3+$0x23C0];
	v4 =	vadd.f32 v8, v4  }
0x18e: {  	v3 =	vadd.f32 v7, v3  }
0x18f: {  	v7 =	vld [tilespmem:s4+$0x23C0];
	v4 =	vadd.f32 v9, v4  }
0x190: {  	v3 =	vadd.f32 v5, v3  }
0x191: {  	v5 =	vld [tilespmem:s5+$0x23C0];
	v4 =	vmul.f32 $1.428571490e-01, v4  }
0x192: {  	v3 =	vadd.f32 v6, v3  }
0x193: {  	[tilespmem:s15+$0x20] =	vst v4  }
0x194: {  	v4 =	vld [tilespmem:s26+$0x23B0];
	v3 =	vadd.f32 v7, v3  }
0x195: {  	v6 =	vld [tilespmem:s26+$0x2430]  }
0x196: {  	v3 =	vadd.f32 v5, v3  }
0x197: {  	v5 =	vld [tilespmem:s17+$0x23B0]  }
0x198: {  	v3 =	vmul.f32 $1.428571490e-01, v3  }
0x199: {  	v7 =	vld [tilespmem:s1+$0x23B0]  }
0x19a: {  	v4 =	vadd.f32 v6, v4;
	v6 =	vld [tilespmem:s19+$0x23B0];
	[tilespmem:s16+$0x40] =	vst v3  }
0x19b: {  	v3 =	vld [tilespmem:s6+$0x23D0]  }
0x19c: {  	v4 =	vadd.f32 v5, v4;
	v5 =	vld [tilespmem:s9+$0x23D0]  }
0x19d: {  	v8 =	vld [tilespmem:s11+$0x23B0]  }
0x19e: {  	v4 =	vadd.f32 v7, v4;
	v7 =	vld [tilespmem:s25+$0x23D0]  }
0x19f: {  	v9 =	vld [tilespmem:s10+$0x23B0]  }
0x1a0: {  	v4 =	vadd.f32 v6, v4;
	v6 =	vld [tilespmem:s28+$0x23D0]  }
0x1a1: {  	v3 =	vadd.f32 v5, v3  }
0x1a2: {  	v5 =	vld [tilespmem:s3+$0x23D0];
	v4 =	vadd.f32 v8, v4  }
0x1a3: {  	v3 =	vadd.f32 v7, v3  }
0x1a4: {  	v7 =	vld [tilespmem:s4+$0x23D0];
	v4 =	vadd.f32 v9, v4  }
0x1a5: {  	v3 =	vadd.f32 v6, v3  }
0x1a6: {  	v6 =	vld [tilespmem:s5+$0x23D0];
	v4 =	vmul.f32 $1.428571490e-01, v4  }
0x1a7: {  	v3 =	vadd.f32 v5, v3  }
0x1a8: {  	[tilespmem:s15+$0x30] =	vst v4  }
0x1a9: {  	v4 =	vld [tilespmem:s26+$0x23C0];
	v3 =	vadd.f32 v7, v3  }
0x1aa: {  	v5 =	vld [tilespmem:s26+$0x2440]  }
0x1ab: {  	v3 =	vadd.f32 v6, v3  }
0x1ac: {  	v6 =	vld [tilespmem:s17+$0x23C0]  }
0x1ad: {  	v3 =	vmul.f32 $1.428571490e-01, v3  }
0x1ae: {  	v7 =	vld [tilespmem:s1+$0x23C0]  }
0x1af: {  	v8 =	vld [tilespmem:s19+$0x23C0];
	v4 =	vadd.f32 v5, v4;
	[tilespmem:s16+$0x50] =	vst v3  }
0x1b0: {  	v3 =	vld [tilespmem:s6+$0x23E0]  }
0x1b1: {  	v4 =	vadd.f32 v6, v4;
	v5 =	vld [tilespmem:s9+$0x23E0]  }
0x1b2: {  	v6 =	vld [tilespmem:s11+$0x23C0]  }
0x1b3: {  	v4 =	vadd.f32 v7, v4;
	v7 =	vld [tilespmem:s25+$0x23E0]  }
0x1b4: {  	v9 =	vld [tilespmem:s10+$0x23C0]  }
0x1b5: {  	v4 =	vadd.f32 v8, v4;
	v8 =	vld [tilespmem:s28+$0x23E0]  }
0x1b6: {  	v3 =	vadd.f32 v5, v3  }
0x1b7: {  	v5 =	vld [tilespmem:s3+$0x23E0];
	v4 =	vadd.f32 v6, v4  }
0x1b8: {  	v3 =	vadd.f32 v7, v3  }
0x1b9: {  	v6 =	vld [tilespmem:s4+$0x23E0];
	v4 =	vadd.f32 v9, v4  }
0x1ba: {  	v3 =	vadd.f32 v8, v3  }
0x1bb: {  	v7 =	vld [tilespmem:s5+$0x23E0];
	v4 =	vmul.f32 $1.428571490e-01, v4  }
0x1bc: {  	v3 =	vadd.f32 v5, v3  }
0x1bd: {  	[tilespmem:s15+$0x40] =	vst v4  }
0x1be: {  	v4 =	vld [tilespmem:s26+$0x23D0];
	v3 =	vadd.f32 v6, v3  }
0x1bf: {  	v5 =	vld [tilespmem:s26+$0x2450]  }
0x1c0: {  	v3 =	vadd.f32 v7, v3  }
0x1c1: {  	v6 =	vld [tilespmem:s17+$0x23D0]  }
0x1c2: {  	v3 =	vmul.f32 $1.428571490e-01, v3  }
0x1c3: {  	v7 =	vld [tilespmem:s1+$0x23D0]  }
0x1c4: {  	v8 =	vld [tilespmem:s19+$0x23D0];
	v4 =	vadd.f32 v5, v4;
	[tilespmem:s16+$0x60] =	vst v3  }
0x1c5: {  	v3 =	vld [tilespmem:s6+$0x23F0]  }
0x1c6: {  	v4 =	vadd.f32 v6, v4;
	v5 =	vld [tilespmem:s9+$0x23F0]  }
0x1c7: {  	v6 =	vld [tilespmem:s11+$0x23D0]  }
0x1c8: {  	v4 =	vadd.f32 v7, v4;
	v7 =	vld [tilespmem:s25+$0x23F0]  }
0x1c9: {  	v9 =	vld [tilespmem:s10+$0x23D0]  }
0x1ca: {  	v4 =	vadd.f32 v8, v4;
	v8 =	vld [tilespmem:s28+$0x23F0]  }
0x1cb: {  	v3 =	vadd.f32 v5, v3  }
0x1cc: {  	v5 =	vld [tilespmem:s3+$0x23F0];
	v4 =	vadd.f32 v6, v4  }
0x1cd: {  	v3 =	vadd.f32 v7, v3  }
0x1ce: {  	v6 =	vld [tilespmem:s4+$0x23F0];
	v4 =	vadd.f32 v9, v4  }
0x1cf: {  	v3 =	vadd.f32 v8, v3  }
0x1d0: {  	v7 =	vld [tilespmem:s5+$0x23F0];
	v4 =	vmul.f32 $1.428571490e-01, v4  }
0x1d1: {  	v3 =	vadd.f32 v5, v3  }
0x1d2: {  	[tilespmem:s15+$0x50] =	vst v4  }
0x1d3: {  	v4 =	vld [tilespmem:s26+$0x23E0];
	v3 =	vadd.f32 v6, v3  }
0x1d4: {  	v5 =	vld [tilespmem:s26+$0x2460]  }
0x1d5: {  	v3 =	vadd.f32 v7, v3  }
0x1d6: {  	v6 =	vld [tilespmem:s17+$0x23E0]  }
0x1d7: {  	v3 =	vmul.f32 $1.428571490e-01, v3  }
0x1d8: {  	v7 =	vld [tilespmem:s1+$0x23E0]  }
0x1d9: {  	v8 =	vld [tilespmem:s19+$0x23E0];
	v4 =	vadd.f32 v5, v4;
	[tilespmem:s16+$0x70] =	vst v3  }
0x1da: {  	v3 =	vld [tilespmem:s6+$0x2780]  }
0x1db: {  	v4 =	vadd.f32 v6, v4;
	v5 =	vld [tilespmem:s9+$0x2780]  }
0x1dc: {  	v6 =	vld [tilespmem:s11+$0x23E0]  }
0x1dd: {  	v4 =	vadd.f32 v7, v4;
	v7 =	vld [tilespmem:s25+$0x2780]  }
0x1de: {  	v9 =	vld [tilespmem:s10+$0x23E0]  }
0x1df: {  	v4 =	vadd.f32 v8, v4;
	v8 =	vld [tilespmem:s28+$0x2780]  }
0x1e0: {  	v3 =	vadd.f32 v5, v3  }
0x1e1: {  	v5 =	vld [tilespmem:s3+$0x2780];
	v4 =	vadd.f32 v6, v4  }
0x1e2: {  	v3 =	vadd.f32 v7, v3  }
0x1e3: {  	v6 =	vld [tilespmem:s4+$0x2780];
	v4 =	vadd.f32 v9, v4  }
0x1e4: {  	v3 =	vadd.f32 v8, v3  }
0x1e5: {  	v7 =	vld [tilespmem:s5+$0x2780];
	v4 =	vmul.f32 $1.428571490e-01, v4  }
0x1e6: {  	v3 =	vadd.f32 v5, v3  }
0x1e7: {  	[tilespmem:s15+$0x60] =	vst v4  }
0x1e8: {  	v4 =	vld [tilespmem:s26+$0x23F0];
	v3 =	vadd.f32 v6, v3  }
0x1e9: {  	v5 =	vld [tilespmem:s26+$0x2470]  }
0x1ea: {  	v3 =	vadd.f32 v7, v3  }
0x1eb: {  	v6 =	vld [tilespmem:s17+$0x23F0]  }
0x1ec: {  	[smem:$0x7F6] =	sst s17;
	v3 =	vmul.f32 $1.428571490e-01, v3  }
0x1ed: {  	v7 =	vld [tilespmem:s1+$0x23F0];
	[smem:$0x7FA] =	sst s19  }
0x1ee: {  	v8 =	vld [tilespmem:s19+$0x23F0];
	v4 =	vadd.f32 v5, v4;
	[tilespmem:s16+$0x400] =	vst v3  }
0x1ef: {  	v3 =	vld [tilespmem:s6+$0x2790]  }
0x1f0: {  	v4 =	vadd.f32 v6, v4;
	v5 =	vld [tilespmem:s9+$0x2790]  }
0x1f1: {  	[smem:$0x7F7] =	sst s11  }
0x1f2: {  	v4 =	vadd.f32 v7, v4;
	v7 =	vld [tilespmem:s25+$0x2790]  }
0x1f3: {  	v6 =	vld [tilespmem:s11+$0x23F0];
	[smem:$0x7FB] =	sst s10  }
0x1f4: {  	v4 =	vadd.f32 v8, v4;
	v8 =	vld [tilespmem:s28+$0x2790]  }
0x1f5: {  	v3 =	vadd.f32 v5, v3  }
0x1f6: {  	v5 =	vld [tilespmem:s3+$0x2790]  }
0x1f7: {  	v3 =	vadd.f32 v7, v3  }
0x1f8: {  	v4 =	vadd.f32 v6, v4;
	v6 =	vld [tilespmem:s4+$0x2790]  }
0x1f9: {  	v9 =	vld [tilespmem:s10+$0x23F0];
	v3 =	vadd.f32 v8, v3  }
0x1fa: {  	v10 =	vld [tilespmem:s5+$0x2790]  }
0x1fb: {  	v3 =	vadd.f32 v5, v3;
	_ =	sdelay $0x1  }
0x1fc: {  	v3 =	vadd.f32 v6, v3  }
0x1fd: {  	v4 =	vadd.f32 v9, v4  }
0x1fe: {  	v3 =	vadd.f32 v10, v3  }
0x1ff: {  	v4 =	vmul.f32 $1.428571490e-01, v4  }
0x200: {  	v10 =	vmul.f32 $1.428571490e-01, v3  }
0x201: {  	s24 =	rddreg [dreg:$0x4];
	[tilespmem:s15+$0x70] =	vst v4  }
0x202: {  	s7 =	simm.s32 $0xA80;
	s12 =	smov.u32 s16;
	v7 =	vld [tilespmem:s17+$0x2780];
	[tilespmem:s16+$0x410] =	vst v10;
	s16 =	sadd.s32 $0xE00, s0  }
0x203: {  	s8 =	sand.u32 $0x380, s7;
	v3 =	vld [tilespmem:s10+$0x2780];
	s0 =	sadd.s32 $0xA80, s24;
	s10 =	sadd.s32 $0x700, s16  }
0x204: {  	v4 =	vld [tilespmem:s11+$0x2780];
	s11 =	sadd.s32 $0x800, s16;
	s13 =	sadd.s32 $0x80, s0;
	s2 =	sand.u32 $0x3F800, s10  }
0x205: {  	v5 =	vld [tilespmem:s19+$0x2780];
	s18 =	sand.u32 $0x7FFFF800, s11;
	s19 =	sand.u32 $0x300, s13;
	s17 =	sor.u32 s8, s2  }
0x206: {  	s20 =	sadd.s32 $0x900, s16;
	s21 =	sadd.s32 $0x100, s0;
	s18 =	sor.u32 s19, s18;
	v15 =	vld [tilespmem:s17+$0x2380]  }
0x207: {  	s2 =	sand.u32 $0x7FFFF800, s20;
	s8 =	sand.u32 $0x380, s21;
	v16 =	vld [tilespmem:s18+$0x2380]  }
0x208: {  	s22 =	sadd.s32 $0xA00, s16;
	s23 =	sadd.s32 $0x180, s0;
	s21 =	sor.u32 s8, s2  }
0x209: {  	s2 =	sand.u32 $0x7FFFF800, s22;
	s8 =	sand.u32 $0x300, s23;
	v17 =	vld [tilespmem:s21+$0x2380]  }
0x20a: {  	s24 =	sadd.s32 $0xB00, s16;
	s7 =	sadd.s32 $0x200, s0;
	s22 =	sor.u32 s8, s2  }
0x20b: {  	s13 =	sand.u32 $0x7FFFF800, s24;
	s19 =	sand.u32 $0x380, s7;
	v18 =	vld [tilespmem:s22+$0x2380]  }
0x20c: {  	s20 =	sadd.s32 $0xC00, s16;
	s19 =	sor.u32 s19, s13;
	s23 =	sadd.s32 $0x280, s0;
	v15 =	vadd.f32 v16, v15  }
0x20d: {  	v53 =	vld [tilespmem:s19+$0x2380];
	s2 =	sand.u32 $0x7FFFF800, s20;
	s8 =	sand.u32 $0x300, s23  }
0x20e: {  	s24 =	sadd.s32 $0xD00, s16;
	s7 =	sadd.s32 $0x300, s0;
	s20 =	sor.u32 s8, s2;
	v15 =	vadd.f32 v17, v15  }
0x20f: {  	s2 =	sand.u32 $0x7FFFF800, s24;
	s8 =	sand.u32 $0x380, s7;
	v54 =	vld [tilespmem:s20+$0x2380]  }
0x210: {  	v8 =	vld [tilespmem:s26+$0x2780];
	s11 =	sor.u32 s8, s2;
	v15 =	vadd.f32 v18, v15  }
0x211: {  	v55 =	vld [tilespmem:s11+$0x2380]  }
0x212: {  	v9 =	vld [tilespmem:s26+$0x2800];
	v15 =	vadd.f32 v53, v15  }
0x213: {  	v6 =	vld [tilespmem:s1+$0x2780]  }
0x214: {  	v12 =	vld [tilespmem:s6+$0x27A0];
	v15 =	vadd.f32 v54, v15  }
0x215: {  	v14 =	vld [tilespmem:s9+$0x27A0]  }
0x216: {  	v13 =	vld [tilespmem:s25+$0x27A0];
	s10 =	sadd.s32 $0x200, s14;
	v15 =	vadd.f32 v55, v15  }
0x217: {  	v11 =	vld [tilespmem:s28+$0x27A0];
	s13 =	simm.s32 $0x180;
	s2 =	sand.u32 $0x1800, s10  }
0x218: {  	v10 =	vld [tilespmem:s3+$0x27A0];
	s8 =	sand.u32 $0x380, s13;
	[smem:$0x7F5] =	sst s14;
	s2 =	sadd.s32 $0x17380, s2;
	v15 =	vmul.f32 $1.428571490e-01, v15  }
0x219: {  	[smem:$0x7F8] =	sst s10;
	s7 =	sadd.s32 s8, s2  }
0x21a: {  	[tilespmem:s7+$0x0] =	vst v15  }
0x21b: {  	v15 =	vld [tilespmem:s17+$0x2390]  }
0x21c: {  	v56 =	vld [tilespmem:s18+$0x2390];
	_ =	sdelay $0x1  }
0x21d: {  	v57 =	vld [tilespmem:s21+$0x2390];
	_ =	sdelay $0x1  }
0x21e: {  	v58 =	vld [tilespmem:s22+$0x2390]  }
0x21f: {  	v15 =	vadd.f32 v56, v15  }
0x220: {  	v59 =	vld [tilespmem:s19+$0x2390]  }
0x221: {  	v15 =	vadd.f32 v57, v15  }
0x222: {  	v60 =	vld [tilespmem:s20+$0x2390]  }
0x223: {  	v15 =	vadd.f32 v58, v15  }
0x224: {  	v61 =	vld [tilespmem:s11+$0x2390]  }
0x225: {  	v15 =	vadd.f32 v59, v15;
	_ =	sdelay $0x1  }
0x226: {  	v15 =	vadd.f32 v60, v15;
	_ =	sdelay $0x1  }
0x227: {  	v15 =	vadd.f32 v61, v15;
	_ =	sdelay $0x1  }
0x228: {  	v15 =	vmul.f32 $1.428571490e-01, v15;
	_ =	sdelay $0x1  }
0x229: {  	[tilespmem:s7+$0x10] =	vst v15  }
0x22a: {  	v15 =	vld [tilespmem:s17+$0x23A0]  }
0x22b: {  	v62 =	vld [tilespmem:s18+$0x23A0];
	_ =	sdelay $0x1  }
0x22c: {  	v63 =	vld [tilespmem:s21+$0x23A0];
	_ =	sdelay $0x1  }
0x22d: {  	v21 =	vld [tilespmem:s22+$0x23A0]  }
0x22e: {  	v15 =	vadd.f32 v62, v15  }
0x22f: {  	v22 =	vld [tilespmem:s19+$0x23A0]  }
0x230: {  	v15 =	vadd.f32 v63, v15  }
0x231: {  	v23 =	vld [tilespmem:s20+$0x23A0]  }
0x232: {  	v15 =	vadd.f32 v21, v15  }
0x233: {  	v24 =	vld [tilespmem:s11+$0x23A0]  }
0x234: {  	v15 =	vadd.f32 v22, v15;
	_ =	sdelay $0x1  }
0x235: {  	v15 =	vadd.f32 v23, v15;
	_ =	sdelay $0x1  }
0x236: {  	v15 =	vadd.f32 v24, v15;
	_ =	sdelay $0x1  }
0x237: {  	v15 =	vmul.f32 $1.428571490e-01, v15;
	_ =	sdelay $0x1  }
0x238: {  	[tilespmem:s7+$0x20] =	vst v15  }
0x239: {  	v15 =	vld [tilespmem:s17+$0x23B0]  }
0x23a: {  	v25 =	vld [tilespmem:s18+$0x23B0];
	_ =	sdelay $0x1  }
0x23b: {  	v26 =	vld [tilespmem:s21+$0x23B0];
	_ =	sdelay $0x1  }
0x23c: {  	v27 =	vld [tilespmem:s22+$0x23B0]  }
0x23d: {  	v15 =	vadd.f32 v25, v15  }
0x23e: {  	v28 =	vld [tilespmem:s19+$0x23B0]  }
0x23f: {  	v15 =	vadd.f32 v26, v15  }
0x240: {  	v29 =	vld [tilespmem:s20+$0x23B0]  }
0x241: {  	v15 =	vadd.f32 v27, v15  }
0x242: {  	v30 =	vld [tilespmem:s11+$0x23B0]  }
0x243: {  	v15 =	vadd.f32 v28, v15;
	_ =	sdelay $0x1  }
0x244: {  	v15 =	vadd.f32 v29, v15;
	_ =	sdelay $0x1  }
0x245: {  	v15 =	vadd.f32 v30, v15;
	_ =	sdelay $0x1  }
0x246: {  	v15 =	vmul.f32 $1.428571490e-01, v15;
	_ =	sdelay $0x1  }
0x247: {  	[tilespmem:s7+$0x30] =	vst v15  }
0x248: {  	v15 =	vld [tilespmem:s17+$0x23C0]  }
0x249: {  	v31 =	vld [tilespmem:s18+$0x23C0];
	_ =	sdelay $0x1  }
0x24a: {  	v32 =	vld [tilespmem:s21+$0x23C0];
	_ =	sdelay $0x1  }
0x24b: {  	v33 =	vld [tilespmem:s22+$0x23C0]  }
0x24c: {  	v15 =	vadd.f32 v31, v15  }
0x24d: {  	v34 =	vld [tilespmem:s19+$0x23C0]  }
0x24e: {  	v15 =	vadd.f32 v32, v15  }
0x24f: {  	v35 =	vld [tilespmem:s20+$0x23C0]  }
0x250: {  	v15 =	vadd.f32 v33, v15  }
0x251: {  	v36 =	vld [tilespmem:s11+$0x23C0]  }
0x252: {  	v15 =	vadd.f32 v34, v15;
	_ =	sdelay $0x1  }
0x253: {  	v15 =	vadd.f32 v35, v15;
	_ =	sdelay $0x1  }
0x254: {  	v15 =	vadd.f32 v36, v15;
	_ =	sdelay $0x1  }
0x255: {  	v15 =	vmul.f32 $1.428571490e-01, v15;
	_ =	sdelay $0x1  }
0x256: {  	[tilespmem:s7+$0x40] =	vst v15  }
0x257: {  	v15 =	vld [tilespmem:s17+$0x23D0]  }
0x258: {  	v37 =	vld [tilespmem:s18+$0x23D0];
	_ =	sdelay $0x1  }
0x259: {  	v38 =	vld [tilespmem:s21+$0x23D0];
	_ =	sdelay $0x1  }
0x25a: {  	v39 =	vld [tilespmem:s22+$0x23D0]  }
0x25b: {  	v15 =	vadd.f32 v37, v15  }
0x25c: {  	v40 =	vld [tilespmem:s19+$0x23D0]  }
0x25d: {  	v15 =	vadd.f32 v38, v15  }
0x25e: {  	v41 =	vld [tilespmem:s20+$0x23D0]  }
0x25f: {  	v15 =	vadd.f32 v39, v15  }
0x260: {  	v42 =	vld [tilespmem:s11+$0x23D0]  }
0x261: {  	v15 =	vadd.f32 v40, v15;
	_ =	sdelay $0x1  }
0x262: {  	v15 =	vadd.f32 v41, v15;
	_ =	sdelay $0x1  }
0x263: {  	v15 =	vadd.f32 v42, v15;
	_ =	sdelay $0x1  }
0x264: {  	v15 =	vmul.f32 $1.428571490e-01, v15;
	_ =	sdelay $0x1  }
0x265: {  	[tilespmem:s7+$0x50] =	vst v15  }
0x266: {  	v15 =	vld [tilespmem:s17+$0x23E0]  }
0x267: {  	v43 =	vld [tilespmem:s18+$0x23E0];
	_ =	sdelay $0x1  }
0x268: {  	v44 =	vld [tilespmem:s21+$0x23E0];
	_ =	sdelay $0x1  }
0x269: {  	v45 =	vld [tilespmem:s22+$0x23E0]  }
0x26a: {  	v15 =	vadd.f32 v43, v15  }
0x26b: {  	v46 =	vld [tilespmem:s19+$0x23E0]  }
0x26c: {  	v15 =	vadd.f32 v44, v15  }
0x26d: {  	v47 =	vld [tilespmem:s20+$0x23E0]  }
0x26e: {  	v15 =	vadd.f32 v45, v15  }
0x26f: {  	v48 =	vld [tilespmem:s11+$0x23E0]  }
0x270: {  	v15 =	vadd.f32 v46, v15;
	_ =	sdelay $0x1  }
0x271: {  	v15 =	vadd.f32 v47, v15;
	_ =	sdelay $0x1  }
0x272: {  	v12 =	vadd.f32 v14, v12;
	v49 =	vadd.f32 v48, v15;
	_ =	sdelay $0x1  }
0x273: {  	v12 =	vadd.f32 v13, v12;
	v50 =	vmul.f32 $1.428571490e-01, v49  }
0x274: {  	v51 =	vld [tilespmem:s4+$0x27A0]  }
0x275: {  	v11 =	vadd.f32 v11, v12;
	v52 =	vld [tilespmem:s5+$0x27A0];
	[tilespmem:s7+$0x60] =	vst v50  }
0x276: {  	v13 =	vld [tilespmem:s17+$0x23F0]  }
0x277: {  	v10 =	vadd.f32 v10, v11;
	v11 =	vld [tilespmem:s18+$0x23F0];
	_ =	sdelay $0x1  }
0x278: {  	v10 =	vadd.f32 v51, v10;
	v53 =	vld [tilespmem:s21+$0x23F0];
	_ =	sdelay $0x1  }
0x279: {  	v10 =	vadd.f32 v52, v10;
	v54 =	vld [tilespmem:s22+$0x23F0]  }
0x27a: {  	v11 =	vadd.f32 v11, v13  }
0x27b: {  	v10 =	vmul.f32 $1.428571490e-01, v10;
	v55 =	vld [tilespmem:s19+$0x23F0]  }
0x27c: {  	v11 =	vadd.f32 v53, v11  }
0x27d: {  	[tilespmem:s12+$0x420] =	vst v10;
	v10 =	vld [tilespmem:s20+$0x23F0]  }
0x27e: {  	v56 =	vld [tilespmem:s6+$0x27B0];
	v11 =	vadd.f32 v54, v11  }
0x27f: {  	v57 =	vld [tilespmem:s11+$0x23F0]  }
0x280: {  	v58 =	vld [tilespmem:s9+$0x27B0];
	v11 =	vadd.f32 v55, v11  }
0x281: {  	v59 =	vld [tilespmem:s25+$0x27B0]  }
0x282: {  	s23 =	sand.u32 $0x3F800, s16;
	s24 =	sadd.s32 $0xFFFFFD80, s0;
	s14 =	simm.s32 $0x700;
	v60 =	vld [tilespmem:s28+$0x27B0];
	v10 =	vadd.f32 v10, v11  }
0x283: {  	v8 =	vadd.f32 v9, v8;
	s10 =	sadd.s32 $0x200, s16;
	s8 =	smov.u32 s12;
	s12 =	sand.u32 $0x300, s14;
	v9 =	vld [tilespmem:s3+$0x27B0]  }
0x284: {  	s13 =	sand.u32 $0x7F800, s10;
	s23 =	sor.u32 s12, s23;
	s12 =	sand.u32 $0x300, s24;
	v62 =	vld [tilespmem:s4+$0x27B0];
	v10 =	vadd.f32 v57, v10  }
0x285: {  	v7 =	vadd.f32 v7, v8;
	v61 =	vld [tilespmem:s23+$0x2400];
	s24 =	sor.u32 s12, s13;
	v8 =	vadd.f32 v58, v56  }
0x286: {  	v63 =	vld [tilespmem:s24+$0x2380];
	v10 =	vmul.f32 $1.428571490e-01, v10  }
0x287: {  	v6 =	vadd.f32 v6, v7;
	v7 =	vadd.f32 v59, v8;
	v11 =	vld [tilespmem:s23+$0x2380]  }
0x288: {  	s10 =	sadd.s32 $0x300, s16;
	s14 =	sadd.s32 $0xFFFFFE00, s0;
	v8 =	vld [tilespmem:s5+$0x27B0];
	[tilespmem:s7+$0x70] =	vst v10  }
0x289: {  	v5 =	vadd.f32 v5, v6;
	s12 =	sand.u32 $0x380, s14;
	s13 =	sand.u32 $0x7F800, s10;
	v6 =	vadd.f32 v60, v7;
	v10 =	vld [tilespmem:s17+$0x2780]  }
0x28a: {  	s14 =	sadd.s32 $0x400, s16;
	s29 =	sor.u32 s12, s13;
	s13 =	sadd.s32 $0xFFFFFE80, s0;
	v7 =	vld [tilespmem:s18+$0x2780]  }
0x28b: {  	v4 =	vadd.f32 v4, v5;
	s12 =	sand.u32 $0x300, s13;
	s13 =	sand.u32 $0x7F800, s14;
	v18 =	vld [tilespmem:s29+$0x2380];
	v5 =	vadd.f32 v9, v6  }
0x28c: {  	s10 =	sadd.s32 $0x500, s16;
	s14 =	sadd.s32 $0xFFFFFF00, s0;
	s30 =	sor.u32 s12, s13;
	v9 =	vadd.f32 v61, v11;
	v6 =	vld [tilespmem:s21+$0x2780]  }
0x28d: {  	v3 =	vadd.f32 v3, v4;
	s13 =	sand.u32 $0x380, s14;
	s12 =	sand.u32 $0x7F800, s10;
	v4 =	vadd.f32 v62, v5;
	v11 =	vld [tilespmem:s30+$0x2380]  }
0x28e: {  	s0 =	sadd.s32 $0xFFFFFF80, s0;
	s10 =	sadd.s32 $0x600, s16;
	s31 =	sor.u32 s13, s12;
	v5 =	vld [tilespmem:s22+$0x2780];
	v9 =	vadd.f32 v63, v9  }
0x28f: {  	v3 =	vmul.f32 $1.428571490e-01, v3;
	s0 =	sand.u32 $0x300, s0;
	s12 =	sand.u32 $0x7F800, s10;
	v19 =	vld [tilespmem:s31+$0x2380];
	v4 =	vadd.f32 v8, v4;
	v7 =	vadd.f32 v7, v10  }
0x290: {  	s14 =	sor.u32 s0, s12;
	v8 =	vld [tilespmem:s19+$0x2780];
	v9 =	vadd.f32 v18, v9  }
0x291: {  	[tilespmem:s15+$0x400] =	vst v3;
	v3 =	vmul.f32 $1.428571490e-01, v4;
	v10 =	vld [tilespmem:s14+$0x2380];
	v6 =	vadd.f32 v6, v7  }
0x292: {  	v4 =	vld [tilespmem:s20+$0x2780];
	v9 =	vadd.f32 v11, v9  }
0x293: {  	[tilespmem:s8+$0x430] =	vst v3;
	v3 =	vld [tilespmem:s11+$0x2780];
	v5 =	vadd.f32 v5, v6  }
0x294: {  	v6 =	vadd.f32 v19, v9;
	v9 =	vld [tilespmem:s6+$0x27C0]  }
0x295: {  	v5 =	vadd.f32 v8, v5;
	v8 =	vld [tilespmem:s9+$0x27C0]  }
0x296: {  	v6 =	vadd.f32 v10, v6  }
0x297: {  	s13 =	simm.s32 $0x100;
	v4 =	vadd.f32 v4, v5;
	v5 =	vld [tilespmem:s25+$0x27C0]  }
0x298: {  	s0 =	sand.u32 $0x300, s13;
	v27 =	vld [tilespmem:s1+$0x2790];
	v6 =	vmul.f32 $1.428571490e-01, v6  }
0x299: {  	s2 =	sadd.s32 s0, s2;
	v10 =	vld [tilespmem:s28+$0x27C0];
	v3 =	vadd.f32 v3, v4  }
0x29a: {  	v20 =	vld [tilespmem:s5+$0x27C0];
	s0 =	sld [smem:$0x7F6];
	[tilespmem:s2+$0x0] =	vst v6;
	v6 =	vadd.f32 v8, v9  }
0x29b: {  	v8 =	vld [tilespmem:s3+$0x27C0];
	v3 =	vmul.f32 $1.428571490e-01, v3  }
0x29c: {  	v11 =	vld [tilespmem:s26+$0x2810];
	v5 =	vadd.f32 v5, v6  }
0x29d: {  	v6 =	vld [tilespmem:s4+$0x27C0];
	[tilespmem:s7+$0x400] =	vst v3  }
0x29e: {  	v3 =	vld [tilespmem:s17+$0x2790];
	v5 =	vadd.f32 v10, v5  }
0x29f: {  	v10 =	vld [tilespmem:s18+$0x2790]  }
0x2a0: {  	v9 =	vld [tilespmem:s23+$0x2390];
	v5 =	vadd.f32 v8, v5  }
0x2a1: {  	v8 =	vld [tilespmem:s21+$0x2790]  }
0x2a2: {  	v21 =	vld [tilespmem:s23+$0x2410];
	v5 =	vadd.f32 v6, v5  }
0x2a3: {  	v6 =	vld [tilespmem:s22+$0x2790]  }
0x2a4: {  	v22 =	vld [tilespmem:s24+$0x2390];
	v3 =	vadd.f32 v10, v3;
	v5 =	vadd.f32 v20, v5  }
0x2a5: {  	v10 =	vld [tilespmem:s19+$0x2790]  }
0x2a6: {  	v23 =	vld [tilespmem:s29+$0x2390];
	v3 =	vadd.f32 v8, v3;
	v5 =	vmul.f32 $1.428571490e-01, v5  }
0x2a7: {  	v8 =	vld [tilespmem:s20+$0x2790]  }
0x2a8: {  	v3 =	vadd.f32 v6, v3;
	[tilespmem:s8+$0x440] =	vst v5;
	v5 =	vld [tilespmem:s11+$0x2790]  }
0x2a9: {  	v6 =	vld [tilespmem:s6+$0x27D0]  }
0x2aa: {  	v9 =	vadd.f32 v21, v9;
	v3 =	vadd.f32 v10, v3;
	v10 =	vld [tilespmem:s9+$0x27D0]  }
0x2ab: {  	v24 =	vld [tilespmem:s30+$0x2390]  }
0x2ac: {  	v9 =	vadd.f32 v22, v9;
	v3 =	vadd.f32 v8, v3;
	v8 =	vld [tilespmem:s25+$0x27D0]  }
0x2ad: {  	v25 =	vld [tilespmem:s31+$0x2390]  }
0x2ae: {  	v9 =	vadd.f32 v23, v9;
	v26 =	vld [tilespmem:s28+$0x27D0]  }
0x2af: {  	v3 =	vadd.f32 v5, v3;
	v5 =	vld [tilespmem:s14+$0x2390];
	v6 =	vadd.f32 v10, v6  }
0x2b0: {  	v10 =	vld [tilespmem:s3+$0x27D0]  }
0x2b1: {  	v7 =	vld [tilespmem:s26+$0x2790];
	v9 =	vadd.f32 v24, v9;
	v6 =	vadd.f32 v8, v6  }
0x2b2: {  	v3 =	vmul.f32 $1.428571490e-01, v3;
	v8 =	vld [tilespmem:s4+$0x27D0]  }
0x2b3: {  	v4 =	vld [tilespmem:s0+$0x2790];
	v9 =	vadd.f32 v25, v9;
	v6 =	vadd.f32 v26, v6  }
0x2b4: {  	s10 =	smov.u32 s3;
	v29 =	vld [tilespmem:s5+$0x27D0];
	[tilespmem:s7+$0x410] =	vst v3  }
0x2b5: {  	s3 =	smov.u32 s1;
	s1 =	smov.u32 s7;
	v3 =	vld [tilespmem:s17+$0x27A0];
	v5 =	vadd.f32 v5, v9;
	s7 =	sld [smem:$0x7FA];
	v6 =	vadd.f32 v10, v6  }
0x2b6: {  	v28 =	vld [tilespmem:s18+$0x27A0];
	s13 =	sld [smem:$0x7F7]  }
0x2b7: {  	v9 =	vld [tilespmem:s21+$0x27A0];
	v5 =	vmul.f32 $1.428571490e-01, v5;
	v6 =	vadd.f32 v8, v6  }
0x2b8: {  	v10 =	vld [tilespmem:s7+$0x2790]  }
0x2b9: {  	v30 =	vld [tilespmem:s13+$0x2790];
	[tilespmem:s2+$0x10] =	vst v5;
	v5 =	vadd.f32 v29, v6  }
0x2ba: {  	v8 =	vld [tilespmem:s22+$0x27A0]  }
0x2bb: {  	v3 =	vadd.f32 v28, v3;
	v31 =	vld [tilespmem:s23+$0x23A0];
	v5 =	vmul.f32 $1.428571490e-01, v5  }
0x2bc: {  	v6 =	vld [tilespmem:s19+$0x27A0]  }
0x2bd: {  	v32 =	vld [tilespmem:s23+$0x2420];
	v3 =	vadd.f32 v9, v3;
	[tilespmem:s8+$0x450] =	vst v5  }
0x2be: {  	v9 =	vld [tilespmem:s20+$0x27A0];
	[smem:$0x7FC] =	sst s8  }
0x2bf: {  	v3 =	vadd.f32 v8, v3;
	v5 =	vld [tilespmem:s11+$0x27A0]  }
0x2c0: {  	v8 =	vld [tilespmem:s6+$0x27E0]  }
0x2c1: {  	v3 =	vadd.f32 v6, v3;
	v6 =	vld [tilespmem:s9+$0x27E0]  }
0x2c2: {  	v33 =	vld [tilespmem:s25+$0x27E0]  }
0x2c3: {  	v34 =	vld [tilespmem:s24+$0x23A0];
	v3 =	vadd.f32 v9, v3  }
0x2c4: {  	v35 =	vld [tilespmem:s29+$0x23A0]  }
0x2c5: {  	v19 =	vld [tilespmem:s4+$0x27E0];
	v3 =	vadd.f32 v5, v3  }
0x2c6: {  	v9 =	vld [tilespmem:s28+$0x27E0]  }
0x2c7: {  	v7 =	vadd.f32 v11, v7;
	v11 =	vld [tilespmem:s5+$0x27E0];
	v6 =	vadd.f32 v6, v8;
	v3 =	vmul.f32 $1.428571490e-01, v3  }
0x2c8: {  	v5 =	vld [tilespmem:s10+$0x27E0]  }
0x2c9: {  	v8 =	vld [tilespmem:s30+$0x23A0];
	v6 =	vadd.f32 v33, v6;
	[tilespmem:s1+$0x420] =	vst v3  }
0x2ca: {  	v13 =	vadd.f32 v32, v31;
	v3 =	vld [tilespmem:s17+$0x27B0]  }
0x2cb: {  	v6 =	vadd.f32 v9, v6;
	v36 =	vld [tilespmem:s18+$0x27B0]  }
0x2cc: {  	v4 =	vadd.f32 v4, v7;
	v7 =	vld [tilespmem:s31+$0x23A0];
	v9 =	vadd.f32 v34, v13  }
0x2cd: {  	v37 =	vld [tilespmem:s21+$0x27B0];
	v5 =	vadd.f32 v5, v6  }
0x2ce: {  	v38 =	vld [tilespmem:s14+$0x23A0];
	s12 =	sld [smem:$0x7FB];
	v6 =	vadd.f32 v35, v9  }
0x2cf: {  	v4 =	vadd.f32 v27, v4;
	v9 =	vld [tilespmem:s22+$0x27B0];
	v5 =	vadd.f32 v19, v5  }
0x2d0: {  	v6 =	vadd.f32 v8, v6;
	v8 =	vld [tilespmem:s19+$0x27B0];
	v3 =	vadd.f32 v36, v3  }
0x2d1: {  	v4 =	vadd.f32 v10, v4;
	v39 =	vld [tilespmem:s12+$0x2790];
	v5 =	vadd.f32 v11, v5  }
0x2d2: {  	v6 =	vadd.f32 v7, v6;
	v3 =	vadd.f32 v37, v3  }
0x2d3: {  	v4 =	vadd.f32 v30, v4;
	v7 =	vld [tilespmem:s20+$0x27B0]  }
0x2d4: {  	v5 =	vmul.f32 $1.428571490e-01, v5;
	v6 =	vadd.f32 v38, v6;
	v3 =	vadd.f32 v9, v3  }
0x2d5: {  	v9 =	vld [tilespmem:s11+$0x27B0]  }
0x2d6: {  	v10 =	vadd.f32 v39, v4;
	[tilespmem:s8+$0x460] =	vst v5;
	v5 =	vmul.f32 $1.428571490e-01, v6;
	v8 =	vadd.f32 v8, v3  }
0x2d7: {  	v4 =	vld [tilespmem:s9+$0x27F0]  }
0x2d8: {  	v3 =	vld [tilespmem:s6+$0x27F0];
	[tilespmem:s2+$0x20] =	vst v5;
	v6 =	vadd.f32 v7, v8;
	v7 =	vmul.f32 $1.428571490e-01, v10  }
0x2d9: {  	v5 =	vld [tilespmem:s23+$0x23B0]  }
0x2da: {  	v6 =	vadd.f32 v9, v6;
	[tilespmem:s15+$0x410] =	vst v7;
	v7 =	vld [tilespmem:s23+$0x2430]  }
0x2db: {  	v11 =	vld [tilespmem:s30+$0x23B0]  }
0x2dc: {  	v9 =	vld [tilespmem:s24+$0x23B0];
	v6 =	vmul.f32 $1.428571490e-01, v6  }
0x2dd: {  	v40 =	vld [tilespmem:s31+$0x23B0]  }
0x2de: {  	v10 =	vld [tilespmem:s29+$0x23B0];
	[tilespmem:s1+$0x430] =	vst v6  }
0x2df: {  	v6 =	vld [tilespmem:s17+$0x27C0];
	v5 =	vadd.f32 v7, v5  }
0x2e0: {  	v7 =	vld [tilespmem:s18+$0x27C0]  }
0x2e1: {  	v41 =	vld [tilespmem:s14+$0x23B0];
	v5 =	vadd.f32 v9, v5  }
0x2e2: {  	v9 =	vld [tilespmem:s21+$0x27C0]  }
0x2e3: {  	v8 =	vld [tilespmem:s26+$0x27A0];
	v5 =	vadd.f32 v10, v5  }
0x2e4: {  	v10 =	vld [tilespmem:s22+$0x27C0]  }
0x2e5: {  	v42 =	vld [tilespmem:s0+$0x27A0];
	v6 =	vadd.f32 v7, v6;
	v5 =	vadd.f32 v11, v5  }
0x2e6: {  	v7 =	vld [tilespmem:s19+$0x27C0]  }
0x2e7: {  	v11 =	vld [tilespmem:s26+$0x2820];
	v6 =	vadd.f32 v9, v6;
	v5 =	vadd.f32 v40, v5  }
0x2e8: {  	v9 =	vld [tilespmem:s20+$0x27C0]  }
0x2e9: {  	v43 =	vld [tilespmem:s11+$0x27C0];
	v6 =	vadd.f32 v10, v6;
	v10 =	vadd.f32 v41, v5  }
0x2ea: {  	v5 =	vld [tilespmem:s25+$0x27F0]  }
0x2eb: {  	v6 =	vadd.f32 v7, v6;
	v7 =	vld [tilespmem:s3+$0x27A0];
	v10 =	vmul.f32 $1.428571490e-01, v10  }
0x2ec: {  	v8 =	vadd.f32 v11, v8;
	v11 =	vld [tilespmem:s7+$0x27A0]  }
0x2ed: {  	v6 =	vadd.f32 v9, v6;
	v9 =	vld [tilespmem:s13+$0x27A0];
	[tilespmem:s2+$0x30] =	vst v10  }
0x2ee: {  	v8 =	vadd.f32 v42, v8;
	v10 =	vld [tilespmem:s23+$0x23C0]  }
0x2ef: {  	v6 =	vadd.f32 v43, v6;
	v44 =	vld [tilespmem:s23+$0x2440]  }
0x2f0: {  	v45 =	vld [tilespmem:s24+$0x23C0];
	v7 =	vadd.f32 v7, v8  }
0x2f1: {  	v8 =	vld [tilespmem:s12+$0x27A0];
	v6 =	vmul.f32 $1.428571490e-01, v6  }
0x2f2: {  	v46 =	vld [tilespmem:s30+$0x23C0];
	v7 =	vadd.f32 v11, v7  }
0x2f3: {  	v11 =	vld [tilespmem:s29+$0x23C0];
	[tilespmem:s1+$0x440] =	vst v6  }
0x2f4: {  	v6 =	vld [tilespmem:s17+$0x27D0];
	v7 =	vadd.f32 v9, v7;
	v9 =	vadd.f32 v44, v10  }
0x2f5: {  	v10 =	vld [tilespmem:s18+$0x27D0]  }
0x2f6: {  	v47 =	vld [tilespmem:s31+$0x23C0];
	v7 =	vadd.f32 v8, v7;
	v8 =	vadd.f32 v45, v9  }
0x2f7: {  	v9 =	vld [tilespmem:s21+$0x27D0]  }
0x2f8: {  	v48 =	vld [tilespmem:s14+$0x23C0];
	v7 =	vmul.f32 $1.428571490e-01, v7;
	v8 =	vadd.f32 v11, v8  }
0x2f9: {  	v11 =	vld [tilespmem:s22+$0x27D0]  }
0x2fa: {  	v6 =	vadd.f32 v10, v6;
	[tilespmem:s15+$0x420] =	vst v7;
	v7 =	vadd.f32 v46, v8;
	v8 =	vld [tilespmem:s19+$0x27D0]  }
0x2fb: {  	v10 =	vld [tilespmem:s26+$0x27B0]  }
0x2fc: {  	v6 =	vadd.f32 v9, v6;
	v9 =	vld [tilespmem:s20+$0x27D0];
	v7 =	vadd.f32 v47, v7  }
0x2fd: {  	v49 =	vld [tilespmem:s26+$0x2830]  }
0x2fe: {  	v50 =	vld [tilespmem:s0+$0x27B0];
	v6 =	vadd.f32 v11, v6;
	v7 =	vadd.f32 v48, v7  }
0x2ff: {  	v11 =	vld [tilespmem:s11+$0x27D0]  }
0x300: {  	v51 =	vld [tilespmem:s7+$0x27B0];
	v6 =	vadd.f32 v8, v6;
	v7 =	vmul.f32 $1.428571490e-01, v7  }
0x301: {  	v8 =	vld [tilespmem:s3+$0x27B0]  }
0x302: {  	v6 =	vadd.f32 v9, v6;
	[tilespmem:s2+$0x40] =	vst v7;
	v7 =	vld [tilespmem:s13+$0x27B0]  }
0x303: {  	v9 =	vld [tilespmem:s23+$0x23D0]  }
0x304: {  	v10 =	vadd.f32 v49, v10;
	v6 =	vadd.f32 v11, v6;
	v11 =	vld [tilespmem:s23+$0x2450]  }
0x305: {  	v52 =	vld [tilespmem:s24+$0x23D0]  }
0x306: {  	v10 =	vadd.f32 v50, v10;
	v53 =	vld [tilespmem:s29+$0x23D0];
	v6 =	vmul.f32 $1.428571490e-01, v6  }
0x307: {  	v54 =	vld [tilespmem:s30+$0x23D0];
	[smem:$0x7FD] =	sst s1  }
0x308: {  	v8 =	vadd.f32 v8, v10;
	v56 =	vld [tilespmem:s12+$0x27B0];
	[tilespmem:s1+$0x450] =	vst v6  }
0x309: {  	v6 =	vld [tilespmem:s17+$0x27E0];
	v9 =	vadd.f32 v11, v9  }
0x30a: {  	v8 =	vadd.f32 v51, v8;
	v11 =	vld [tilespmem:s18+$0x27E0]  }
0x30b: {  	v55 =	vld [tilespmem:s31+$0x23D0];
	v9 =	vadd.f32 v52, v9  }
0x30c: {  	v10 =	vld [tilespmem:s21+$0x27E0];
	v7 =	vadd.f32 v7, v8  }
0x30d: {  	v58 =	vld [tilespmem:s14+$0x23D0];
	v9 =	vadd.f32 v53, v9  }
0x30e: {  	v57 =	vld [tilespmem:s22+$0x27E0];
	v7 =	vadd.f32 v56, v7  }
0x30f: {  	v59 =	vld [tilespmem:s20+$0x27E0];
	v6 =	vadd.f32 v11, v6;
	v8 =	vadd.f32 v54, v9  }
0x310: {  	v11 =	vld [tilespmem:s19+$0x27E0]  }
0x311: {  	v61 =	vld [tilespmem:s11+$0x27E0];
	v60 =	vmul.f32 $1.428571490e-01, v7;
	v6 =	vadd.f32 v10, v6;
	v10 =	vadd.f32 v55, v8  }
0x312: {  	v7 =	vld [tilespmem:s4+$0x27F0]  }
0x313: {  	v9 =	vld [tilespmem:s28+$0x27F0];
	[tilespmem:s15+$0x430] =	vst v60;
	v6 =	vadd.f32 v57, v6;
	v10 =	vadd.f32 v58, v10  }
0x314: {  	v62 =	vld [tilespmem:s26+$0x27C0]  }
0x315: {  	v63 =	vld [tilespmem:s26+$0x2840];
	v11 =	vadd.f32 v11, v6;
	v10 =	vmul.f32 $1.428571490e-01, v10  }
0x316: {  	v8 =	vld [tilespmem:s10+$0x27F0]  }
0x317: {  	v6 =	vld [tilespmem:s5+$0x27F0];
	v11 =	vadd.f32 v59, v11;
	[tilespmem:s2+$0x50] =	vst v10  }
0x318: {  	v25 =	vld [tilespmem:s23+$0x23E0]  }
0x319: {  	v10 =	vadd.f32 v61, v11;
	v26 =	vld [tilespmem:s23+$0x2460]  }
0x31a: {  	v27 =	vld [tilespmem:s24+$0x23E0]  }
0x31b: {  	v28 =	vld [tilespmem:s29+$0x23E0];
	v10 =	vmul.f32 $1.428571490e-01, v10  }
0x31c: {  	v20 =	vld [tilespmem:s30+$0x23E0]  }
0x31d: {  	s9 =	simm.s32 $0x1180;
	s6 =	smov.u32 s0;
	v21 =	vld [tilespmem:s31+$0x23E0];
	[tilespmem:s1+$0x460] =	vst v10  }
0x31e: {  	s25 =	smov.u32 s3;
	s4 =	rddreg [dreg:$0x4];
	s5 =	simm.s32 $0x1180;
	v11 =	vld [tilespmem:s17+$0x27F0]  }
0x31f: {  	s0 =	sadd.s32 $0x1180, s4;
	s10 =	sand.u32 $0x380, s5;
	s1 =	sadd.s32 $0xE00, s16;
	v15 =	vld [tilespmem:s18+$0x27F0]  }
0x320: {  	v10 =	vld [tilespmem:s21+$0x27F0];
	s21 =	smov.u32 s2;
	s8 =	sadd.s32 $0x700, s1;
	[dreg:$0x5] =	wrdreg s9  }
0x321: {  	s16 =	sadd.s32 $0x800, s1;
	s18 =	sadd.s32 $0x80, s0;
	v14 =	vadd.f32 v26, v25;
	s2 =	sand.u32 $0x3F800, s8;
	v12 =	vld [tilespmem:s22+$0x27F0]  }
0x322: {  	s3 =	sand.u32 $0x300, s18;
	v13 =	vld [tilespmem:s19+$0x27F0];
	s17 =	sor.u32 s10, s2;
	s2 =	sand.u32 $0x7FFFF800, s16  }
0x323: {  	s19 =	sadd.s32 $0x900, s1;
	s22 =	sadd.s32 $0x100, s0;
	v18 =	vadd.f32 v27, v14;
	v22 =	vld [tilespmem:s17+$0x2380];
	s18 =	sor.u32 s3, s2  }
0x324: {  	s2 =	sand.u32 $0x7FFFF800, s19;
	s3 =	sand.u32 $0x380, s22;
	v23 =	vld [tilespmem:s18+$0x2380]  }
0x325: {  	s5 =	sadd.s32 $0x180, s0;
	s4 =	sadd.s32 $0xA00, s1;
	v25 =	vld [tilespmem:s14+$0x23E0];
	s22 =	sor.u32 s3, s2;
	v18 =	vadd.f32 v28, v18  }
0x326: {  	s28 =	smov.u32 s15;
	s2 =	sand.u32 $0x7FFFF800, s4;
	s3 =	sand.u32 $0x300, s5;
	v24 =	vld [tilespmem:s22+$0x2380]  }
0x327: {  	s9 =	sadd.s32 $0x200, s0;
	s8 =	sadd.s32 $0xB00, s1;
	v26 =	vld [tilespmem:s6+$0x27C0];
	s19 =	sor.u32 s3, s2;
	v18 =	vadd.f32 v20, v18  }
0x328: {  	s16 =	smov.u32 s6;
	s2 =	sand.u32 $0x7FFFF800, s8;
	s3 =	sand.u32 $0x380, s9;
	v29 =	vld [tilespmem:s19+$0x2380]  }
0x329: {  	v14 =	vld [tilespmem:s20+$0x27F0];
	s10 =	sadd.s32 $0xC00, s1;
	s20 =	sadd.s32 $0x280, s0;
	s15 =	sor.u32 s3, s2;
	v18 =	vadd.f32 v21, v18;
	v30 =	vadd.f32 v23, v22  }
0x32a: {  	s2 =	sand.u32 $0x7FFFF800, s10;
	s3 =	sand.u32 $0x300, s20;
	v31 =	vld [tilespmem:s15+$0x2380];
	[smem:$0x7F9] =	sst s25  }
0x32b: {  	s6 =	sadd.s32 $0x300, s0;
	s4 =	sadd.s32 $0xD00, s1;
	s5 =	sor.u32 s3, s2;
	v32 =	vld [tilespmem:s25+$0x27C0];
	v18 =	vadd.f32 v25, v18;
	v20 =	vadd.f32 v24, v30  }
0x32c: {  	s2 =	sand.u32 $0x7FFFF800, s4;
	s3 =	sand.u32 $0x380, s6;
	v33 =	vld [tilespmem:s5+$0x2380]  }
0x32d: {  	v17 =	vadd.f32 v63, v62;
	s6 =	sor.u32 s3, s2;
	v34 =	vld [tilespmem:s7+$0x27C0];
	v18 =	vmul.f32 $1.428571490e-01, v18;
	v19 =	vadd.f32 v29, v20  }
0x32e: {  	v35 =	vld [tilespmem:s6+$0x2380]  }
0x32f: {  	v17 =	vadd.f32 v26, v17;
	v16 =	vld [tilespmem:s11+$0x27F0];
	[tilespmem:s21+$0x60] =	vst v18;
	v19 =	vadd.f32 v31, v19  }
0x330: {  	v36 =	vld [tilespmem:s13+$0x27C0];
	s8 =	sld [smem:$0x7F8]  }
0x331: {  	v37 =	vld [tilespmem:s12+$0x27C0];
	v17 =	vadd.f32 v32, v17;
	v38 =	vadd.f32 v33, v19  }
0x332: {  	v39 =	vld [tilespmem:s23+$0x23F0]  }
0x333: {  	s9 =	simm.s32 $0x280;
	v17 =	vadd.f32 v34, v17;
	v40 =	vld [tilespmem:s23+$0x2470];
	s2 =	sadd.s32 $0x200, s8;
	v18 =	vadd.f32 v35, v38  }
0x334: {  	s10 =	simm.s32 $0x280;
	v41 =	vld [tilespmem:s24+$0x23F0];
	[dreg:$0x6] =	wrdreg s2;
	s2 =	sand.u32 $0x1800, s2  }
0x335: {  	s11 =	sand.u32 $0x380, s9;
	v17 =	vadd.f32 v36, v17;
	v42 =	vld [tilespmem:s29+$0x23F0];
	s2 =	sadd.s32 $0x17380, s2;
	[dreg:$0x7] =	wrdreg s10;
	v18 =	vmul.f32 $1.428571490e-01, v18  }
0x336: {  	v43 =	vld [tilespmem:s30+$0x23F0];
	s9 =	sadd.s32 s11, s2  }
0x337: {  	v17 =	vadd.f32 v37, v17;
	v44 =	vld [tilespmem:s31+$0x23F0];
	[tilespmem:s9+$0x0] =	vst v18  }
0x338: {  	v18 =	vld [tilespmem:s17+$0x2390]  }
0x339: {  	v17 =	vmul.f32 $1.428571490e-01, v17;
	v45 =	vld [tilespmem:s18+$0x2390]  }
0x33a: {  	v46 =	vld [tilespmem:s14+$0x23F0]  }
0x33b: {  	[tilespmem:s28+$0x440] =	vst v17;
	v47 =	vld [tilespmem:s22+$0x2390]  }
0x33c: {  	v48 =	vld [tilespmem:s26+$0x27D0]  }
0x33d: {  	v19 =	vadd.f32 v40, v39;
	v49 =	vld [tilespmem:s19+$0x2390]  }
0x33e: {  	v50 =	vld [tilespmem:s26+$0x2850];
	v18 =	vadd.f32 v45, v18  }
0x33f: {  	v19 =	vadd.f32 v41, v19;
	v51 =	vld [tilespmem:s15+$0x2390]  }
0x340: {  	v53 =	vld [tilespmem:s5+$0x2390];
	v17 =	vadd.f32 v47, v18  }
0x341: {  	v54 =	vld [tilespmem:s25+$0x27D0];
	v19 =	vadd.f32 v42, v19  }
0x342: {  	v55 =	vld [tilespmem:s6+$0x2390];
	v17 =	vadd.f32 v49, v17  }
0x343: {  	s20 =	simm.s32 $0xE00;
	v56 =	vld [tilespmem:s7+$0x27D0];
	v19 =	vadd.f32 v43, v19  }
0x344: {  	s4 =	sadd.s32 $0xFFFFFD80, s0;
	s3 =	sand.u32 $0x300, s20;
	s25 =	sand.u32 $0x3F800, s1;
	v57 =	vld [tilespmem:s13+$0x27D0];
	v17 =	vadd.f32 v51, v17  }
0x345: {  	s8 =	sadd.s32 $0xFFFFFE00, s0;
	s7 =	sadd.s32 $0x200, s1;
	v28 =	vld [tilespmem:s12+$0x27D0];
	s20 =	sor.u32 s3, s25;
	v19 =	vadd.f32 v44, v19  }
0x346: {  	s12 =	sand.u32 $0x380, s8;
	s8 =	sadd.s32 $0x400, s1;
	s25 =	smov.u32 s13;
	v27 =	vld [tilespmem:s20+$0x2380];
	v17 =	vadd.f32 v53, v17  }
0x347: {  	s3 =	sand.u32 $0x300, s4;
	s10 =	sand.u32 $0x7F800, s7;
	s13 =	sadd.s32 $0x300, s1;
	v58 =	vld [tilespmem:s20+$0x2400];
	v19 =	vadd.f32 v46, v19  }
0x348: {  	v52 =	vld [tilespmem:s16+$0x27D0];
	s7 =	sadd.s32 $0xFFFFFE80, s0;
	s4 =	sor.u32 s3, s10;
	s11 =	sand.u32 $0x7F800, s13;
	v17 =	vadd.f32 v55, v17  }
0x349: {  	s13 =	sand.u32 $0x7F800, s8;
	v59 =	vld [tilespmem:s4+$0x2380];
	s10 =	sor.u32 s12, s11;
	s12 =	sand.u32 $0x300, s7;
	v19 =	vmul.f32 $1.428571490e-01, v19  }
0x34a: {  	s12 =	sor.u32 s12, s13;
	v29 =	vld [tilespmem:s10+$0x2380];
	v17 =	vmul.f32 $1.428571490e-01, v17  }
0x34b: {  	v61 =	vld [tilespmem:s12+$0x2380];
	[tilespmem:s21+$0x70] =	vst v19  }
0x34c: {  	s8 =	sadd.s32 $0xFFFFFF00, s0;
	s7 =	sadd.s32 $0x500, s1;
	v18 =	vadd.f32 v58, v27;
	v60 =	vld [tilespmem:s23+$0x2780];
	[tilespmem:s9+$0x10] =	vst v17  }
0x34d: {  	s0 =	sadd.s32 $0xFFFFFF80, s0;
	s11 =	sand.u32 $0x380, s8;
	s3 =	sand.u32 $0x7F800, s7;
	v17 =	vld [tilespmem:s17+$0x23A0]  }
0x34e: {  	s13 =	sor.u32 s11, s3;
	s11 =	sadd.s32 $0x600, s1;
	v18 =	vadd.f32 v59, v18;
	v62 =	vld [tilespmem:s18+$0x23A0];
	[dreg:$0x10] =	wrdreg s1  }
0x34f: {  	s0 =	sand.u32 $0x300, s0;
	s3 =	sand.u32 $0x7F800, s11;
	v30 =	vld [tilespmem:s13+$0x2380]  }
0x350: {  	v20 =	vadd.f32 v50, v48;
	s3 =	sor.u32 s0, s3;
	v18 =	vadd.f32 v29, v18;
	v63 =	vld [tilespmem:s22+$0x23A0]  }
0x351: {  	v32 =	vld [tilespmem:s3+$0x2380]  }
0x352: {  	v20 =	vadd.f32 v52, v20;
	v18 =	vadd.f32 v61, v18;
	v33 =	vld [tilespmem:s19+$0x23A0]  }
0x353: {  	v34 =	vld [tilespmem:s23+$0x2800];
	v17 =	vadd.f32 v62, v17  }
0x354: {  	v35 =	vadd.f32 v54, v20;
	v36 =	vld [tilespmem:s15+$0x23A0];
	v18 =	vadd.f32 v30, v18  }
0x355: {  	v37 =	vld [tilespmem:s24+$0x2780];
	v17 =	vadd.f32 v63, v17  }
0x356: {  	v19 =	vadd.f32 v56, v35;
	v38 =	vld [tilespmem:s5+$0x23A0];
	v18 =	vadd.f32 v32, v18  }
0x357: {  	s1 =	simm.s32 $0x200;
	v39 =	vld [tilespmem:s29+$0x2780];
	v17 =	vadd.f32 v33, v17  }
0x358: {  	v19 =	vadd.f32 v57, v19;
	s0 =	sand.u32 $0x300, s1;
	v40 =	vld [tilespmem:s6+$0x23A0];
	v18 =	vmul.f32 $1.428571490e-01, v18  }
0x359: {  	v41 =	vld [tilespmem:s30+$0x2780];
	s7 =	sadd.s32 s0, s2;
	v17 =	vadd.f32 v36, v17  }
0x35a: {  	v19 =	vadd.f32 v28, v19;
	v42 =	vld [tilespmem:s31+$0x2780];
	[tilespmem:s7+$0x0] =	vst v18  }
0x35b: {  	v44 =	vld [tilespmem:s20+$0x2390];
	v17 =	vadd.f32 v38, v17  }
0x35c: {  	v19 =	vmul.f32 $1.428571490e-01, v19;
	v45 =	vld [tilespmem:s20+$0x2410]  }
0x35d: {  	v46 =	vld [tilespmem:s14+$0x2780];
	v43 =	vadd.f32 v34, v60;
	v47 =	vadd.f32 v40, v17  }
0x35e: {  	[tilespmem:s28+$0x450] =	vst v19;
	v48 =	vld [tilespmem:s4+$0x2390]  }
0x35f: {  	v25 =	vld [tilespmem:s16+$0x27E0];
	v18 =	vadd.f32 v37, v43;
	v49 =	vmul.f32 $1.428571490e-01, v47  }
0x360: {  	v50 =	vld [tilespmem:s10+$0x2390]  }
0x361: {  	v51 =	vld [tilespmem:s12+$0x2390];
	v18 =	vadd.f32 v39, v18;
	v21 =	vadd.f32 v45, v44;
	[tilespmem:s9+$0x20] =	vst v49  }
0x362: {  	v22 =	vld [tilespmem:s17+$0x23B0]  }
0x363: {  	v18 =	vadd.f32 v41, v18;
	v19 =	vadd.f32 v48, v21;
	v52 =	vld [tilespmem:s18+$0x23B0]  }
0x364: {  	v53 =	vld [tilespmem:s13+$0x2390]  }
0x365: {  	v18 =	vadd.f32 v42, v18;
	v54 =	vld [tilespmem:s22+$0x23B0];
	v19 =	vadd.f32 v50, v19  }
0x366: {  	v55 =	vld [tilespmem:s3+$0x2390]  }
0x367: {  	v18 =	vadd.f32 v46, v18;
	v57 =	vld [tilespmem:s19+$0x23B0];
	v19 =	vadd.f32 v51, v19  }
0x368: {  	v24 =	vld [tilespmem:s25+$0x27E0];
	v20 =	vadd.f32 v52, v22  }
0x369: {  	v58 =	vld [tilespmem:s15+$0x23B0];
	v56 =	vmul.f32 $1.428571490e-01, v18;
	v19 =	vadd.f32 v53, v19  }
0x36a: {  	v60 =	vld [tilespmem:s5+$0x23B0];
	v20 =	vadd.f32 v54, v20  }
0x36b: {  	v62 =	vld [tilespmem:s6+$0x23B0];
	[tilespmem:s21+$0x400] =	vst v56;
	v19 =	vadd.f32 v55, v19  }
0x36c: {  	v59 =	vld [tilespmem:s23+$0x2790];
	v20 =	vadd.f32 v57, v20  }
0x36d: {  	v61 =	vld [tilespmem:s23+$0x2810];
	v19 =	vmul.f32 $1.428571490e-01, v19  }
0x36e: {  	v26 =	vld [tilespmem:s24+$0x2790];
	v20 =	vadd.f32 v58, v20  }
0x36f: {  	v63 =	vld [tilespmem:s29+$0x2790];
	[tilespmem:s7+$0x10] =	vst v19  }
0x370: {  	v19 =	vld [tilespmem:s20+$0x23A0];
	v20 =	vadd.f32 v60, v20  }
0x371: {  	v32 =	vld [tilespmem:s20+$0x2420]  }
0x372: {  	v33 =	vld [tilespmem:s30+$0x2790];
	v20 =	vadd.f32 v62, v20  }
0x373: {  	v34 =	vld [tilespmem:s4+$0x23A0]  }
0x374: {  	v35 =	vld [tilespmem:s31+$0x2790];
	v20 =	vmul.f32 $1.428571490e-01, v20  }
0x375: {  	v36 =	vld [tilespmem:s10+$0x23A0]  }
0x376: {  	v37 =	vld [tilespmem:s12+$0x23A0];
	v19 =	vadd.f32 v32, v19;
	[tilespmem:s9+$0x30] =	vst v20  }
0x377: {  	v20 =	vld [tilespmem:s17+$0x23C0]  }
0x378: {  	v22 =	vadd.f32 v61, v59;
	v19 =	vadd.f32 v34, v19;
	v38 =	vld [tilespmem:s18+$0x23C0]  }
0x379: {  	v39 =	vld [tilespmem:s13+$0x23A0]  }
0x37a: {  	v22 =	vadd.f32 v26, v22;
	v40 =	vld [tilespmem:s22+$0x23C0];
	v19 =	vadd.f32 v36, v19  }
0x37b: {  	v41 =	vld [tilespmem:s3+$0x23A0]  }
0x37c: {  	v21 =	vadd.f32 v63, v22;
	v42 =	vld [tilespmem:s19+$0x23C0];
	v19 =	vadd.f32 v37, v19  }
0x37d: {  	v43 =	vld [tilespmem:s14+$0x2790];
	v20 =	vadd.f32 v38, v20  }
0x37e: {  	v21 =	vadd.f32 v33, v21;
	v44 =	vld [tilespmem:s15+$0x23C0];
	v19 =	vadd.f32 v39, v19  }
0x37f: {  	v17 =	vld [tilespmem:s26+$0x27E0];
	v20 =	vadd.f32 v40, v20  }
0x380: {  	v21 =	vadd.f32 v35, v21;
	v45 =	vld [tilespmem:s5+$0x23C0];
	s1 =	sld [smem:$0x7F9];
	v19 =	vadd.f32 v41, v19  }
0x381: {  	v18 =	vld [tilespmem:s26+$0x2860];
	s0 =	sld [smem:$0x7FA];
	v20 =	vadd.f32 v42, v20  }
0x382: {  	v21 =	vadd.f32 v43, v21;
	v46 =	vld [tilespmem:s6+$0x23C0];
	v19 =	vmul.f32 $1.428571490e-01, v19  }
0x383: {  	v27 =	vld [tilespmem:s1+$0x27E0];
	v20 =	vadd.f32 v44, v20  }
0x384: {  	v21 =	vmul.f32 $1.428571490e-01, v21;
	v23 =	vld [tilespmem:s0+$0x27E0];
	[tilespmem:s7+$0x20] =	vst v19  }
0x385: {  	v19 =	vld [tilespmem:s20+$0x23B0];
	v20 =	vadd.f32 v45, v20  }
0x386: {  	[tilespmem:s21+$0x410] =	vst v21;
	v47 =	vld [tilespmem:s20+$0x2430]  }
0x387: {  	v48 =	vld [tilespmem:s23+$0x27A0];
	v20 =	vadd.f32 v46, v20  }
0x388: {  	v49 =	vld [tilespmem:s4+$0x23B0]  }
0x389: {  	v50 =	vld [tilespmem:s23+$0x2820];
	v20 =	vmul.f32 $1.428571490e-01, v20  }
0x38a: {  	v51 =	vld [tilespmem:s10+$0x23B0]  }
0x38b: {  	v52 =	vld [tilespmem:s12+$0x23B0];
	v19 =	vadd.f32 v47, v19;
	[tilespmem:s9+$0x40] =	vst v20  }
0x38c: {  	v20 =	vld [tilespmem:s17+$0x23D0]  }
0x38d: {  	v19 =	vadd.f32 v49, v19;
	v53 =	vld [tilespmem:s18+$0x23D0]  }
0x38e: {  	v54 =	vld [tilespmem:s13+$0x23B0]  }
0x38f: {  	v55 =	vld [tilespmem:s22+$0x23D0];
	v19 =	vadd.f32 v51, v19  }
0x390: {  	v31 =	vld [tilespmem:s3+$0x23B0]  }
0x391: {  	v56 =	vld [tilespmem:s19+$0x23D0];
	v19 =	vadd.f32 v52, v19  }
0x392: {  	v57 =	vld [tilespmem:s24+$0x27A0];
	v20 =	vadd.f32 v53, v20  }
0x393: {  	v58 =	vld [tilespmem:s15+$0x23D0];
	v19 =	vadd.f32 v54, v19  }
0x394: {  	v59 =	vld [tilespmem:s29+$0x27A0];
	v20 =	vadd.f32 v55, v20  }
0x395: {  	v60 =	vld [tilespmem:s5+$0x23D0];
	v19 =	vadd.f32 v31, v19  }
0x396: {  	v61 =	vld [tilespmem:s30+$0x27A0];
	v20 =	vadd.f32 v56, v20  }
0x397: {  	v62 =	vld [tilespmem:s6+$0x23D0];
	v19 =	vmul.f32 $1.428571490e-01, v19  }
0x398: {  	v63 =	vld [tilespmem:s31+$0x27A0];
	v20 =	vadd.f32 v58, v20  }
0x399: {  	v33 =	vld [tilespmem:s14+$0x27A0];
	v26 =	vadd.f32 v50, v48;
	[tilespmem:s7+$0x30] =	vst v19  }
0x39a: {  	v34 =	vld [tilespmem:s20+$0x23C0];
	v20 =	vadd.f32 v60, v20  }
0x39b: {  	v22 =	vadd.f32 v57, v26;
	v35 =	vld [tilespmem:s20+$0x2440]  }
0x39c: {  	v36 =	vld [tilespmem:s4+$0x23C0];
	v20 =	vadd.f32 v62, v20  }
0x39d: {  	v22 =	vadd.f32 v59, v22;
	v37 =	vld [tilespmem:s10+$0x23C0]  }
0x39e: {  	v38 =	vld [tilespmem:s12+$0x23C0];
	v20 =	vmul.f32 $1.428571490e-01, v20  }
0x39f: {  	v21 =	vadd.f32 v61, v22;
	v39 =	vld [tilespmem:s13+$0x23C0]  }
0x3a0: {  	v41 =	vld [tilespmem:s3+$0x23C0];
	[tilespmem:s9+$0x50] =	vst v20  }
0x3a1: {  	v21 =	vadd.f32 v63, v21;
	v40 =	vadd.f32 v35, v34;
	v20 =	vld [tilespmem:s17+$0x23E0]  }
0x3a2: {  	v42 =	vld [tilespmem:s18+$0x23E0]  }
0x3a3: {  	v19 =	vadd.f32 v33, v21;
	v21 =	vadd.f32 v36, v40;
	v45 =	vld [tilespmem:s22+$0x23E0]  }
0x3a4: {  	v47 =	vld [tilespmem:s19+$0x23E0]  }
0x3a5: {  	v19 =	vmul.f32 $1.428571490e-01, v19;
	v49 =	vld [tilespmem:s15+$0x23E0];
	v44 =	vadd.f32 v37, v21  }
0x3a6: {  	v51 =	vld [tilespmem:s5+$0x23E0]  }
0x3a7: {  	s11 =	sld [smem:$0x7FB];
	[tilespmem:s21+$0x420] =	vst v19;
	v54 =	vld [tilespmem:s6+$0x23E0];
	v19 =	vadd.f32 v38, v44  }
0x3a8: {  	v46 =	vld [tilespmem:s23+$0x27B0];
	v20 =	vadd.f32 v42, v20  }
0x3a9: {  	v48 =	vld [tilespmem:s23+$0x2830];
	v19 =	vadd.f32 v39, v19  }
0x3aa: {  	v17 =	vadd.f32 v18, v17;
	v50 =	vld [tilespmem:s24+$0x27B0];
	v20 =	vadd.f32 v45, v20  }
0x3ab: {  	v53 =	vld [tilespmem:s29+$0x27B0];
	v19 =	vadd.f32 v41, v19  }
0x3ac: {  	v17 =	vadd.f32 v25, v17;
	v55 =	vld [tilespmem:s30+$0x27B0];
	v52 =	vadd.f32 v47, v20  }
0x3ad: {  	v56 =	vld [tilespmem:s31+$0x27B0];
	v19 =	vmul.f32 $1.428571490e-01, v19  }
0x3ae: {  	v17 =	vadd.f32 v27, v17;
	v36 =	vld [tilespmem:s14+$0x27B0];
	v18 =	vadd.f32 v49, v52  }
0x3af: {  	v43 =	vld [tilespmem:s11+$0x27E0];
	[tilespmem:s7+$0x40] =	vst v19  }
0x3b0: {  	v17 =	vadd.f32 v23, v17;
	v57 =	vld [tilespmem:s20+$0x23D0];
	v18 =	vadd.f32 v51, v18  }
0x3b1: {  	v58 =	vld [tilespmem:s20+$0x2450]  }
0x3b2: {  	v17 =	vadd.f32 v24, v17;
	v59 =	vld [tilespmem:s4+$0x23D0];
	v18 =	vadd.f32 v54, v18  }
0x3b3: {  	v60 =	vld [tilespmem:s10+$0x23D0]  }
0x3b4: {  	v17 =	vadd.f32 v43, v17;
	v61 =	vld [tilespmem:s12+$0x23D0];
	v18 =	vmul.f32 $1.428571490e-01, v18  }
0x3b5: {  	v22 =	vadd.f32 v48, v46;
	v62 =	vld [tilespmem:s13+$0x23D0]  }
0x3b6: {  	v17 =	vmul.f32 $1.428571490e-01, v17;
	v63 =	vld [tilespmem:s3+$0x23D0];
	v27 =	vadd.f32 v58, v57;
	[tilespmem:s9+$0x60] =	vst v18  }
0x3b7: {  	v32 =	vadd.f32 v50, v22;
	v33 =	vld [tilespmem:s17+$0x23F0]  }
0x3b8: {  	[tilespmem:s28+$0x460] =	vst v17;
	v34 =	vadd.f32 v59, v27;
	v35 =	vld [tilespmem:s18+$0x23F0]  }
0x3b9: {  	v25 =	vld [tilespmem:s26+$0x27F0];
	v18 =	vadd.f32 v53, v32  }
0x3ba: {  	v38 =	vld [tilespmem:s22+$0x23F0];
	v37 =	vadd.f32 v60, v34  }
0x3bb: {  	v26 =	vld [tilespmem:s26+$0x2870];
	v18 =	vadd.f32 v55, v18  }
0x3bc: {  	s2 =	smov.u32 s16;
	v39 =	vld [tilespmem:s19+$0x23F0];
	v17 =	vadd.f32 v61, v37  }
0x3bd: {  	v23 =	vld [tilespmem:s2+$0x27F0];
	v18 =	vadd.f32 v56, v18;
	v40 =	vadd.f32 v35, v33  }
0x3be: {  	v41 =	vld [tilespmem:s15+$0x23F0];
	v17 =	vadd.f32 v62, v17  }
0x3bf: {  	v22 =	vld [tilespmem:s1+$0x27F0];
	v18 =	vadd.f32 v36, v18;
	v19 =	vadd.f32 v38, v40  }
0x3c0: {  	v42 =	vld [tilespmem:s5+$0x23F0];
	v17 =	vadd.f32 v63, v17  }
0x3c1: {  	v43 =	vld [tilespmem:s6+$0x23F0];
	v18 =	vmul.f32 $1.428571490e-01, v18;
	v19 =	vadd.f32 v39, v19  }
0x3c2: {  	v27 =	vld [tilespmem:s0+$0x27F0];
	v17 =	vmul.f32 $1.428571490e-01, v17  }
0x3c3: {  	v63 =	vld [tilespmem:s25+$0x27F0];
	[tilespmem:s21+$0x430] =	vst v18;
	v44 =	vadd.f32 v41, v19  }
0x3c4: {  	v45 =	vld [tilespmem:s23+$0x27C0];
	[tilespmem:s7+$0x50] =	vst v17  }
0x3c5: {  	v17 =	vld [tilespmem:s20+$0x23E0];
	v18 =	vadd.f32 v42, v44  }
0x3c6: {  	v46 =	vld [tilespmem:s20+$0x2460]  }
0x3c7: {  	v47 =	vld [tilespmem:s23+$0x2840];
	v18 =	vadd.f32 v43, v18  }
0x3c8: {  	v48 =	vld [tilespmem:s4+$0x23E0]  }
0x3c9: {  	v55 =	vld [tilespmem:s24+$0x27C0];
	v18 =	vmul.f32 $1.428571490e-01, v18  }
0x3ca: {  	v49 =	vld [tilespmem:s10+$0x23E0]  }
0x3cb: {  	v50 =	vld [tilespmem:s12+$0x23E0];
	v17 =	vadd.f32 v46, v17;
	[tilespmem:s9+$0x70] =	vst v18  }
0x3cc: {  	v18 =	vld [tilespmem:s17+$0x2780]  }
0x3cd: {  	v17 =	vadd.f32 v48, v17;
	v52 =	vld [tilespmem:s18+$0x2780]  }
0x3ce: {  	v51 =	vld [tilespmem:s13+$0x23E0]  }
0x3cf: {  	v54 =	vld [tilespmem:s22+$0x2780];
	v17 =	vadd.f32 v49, v17  }
0x3d0: {  	v53 =	vld [tilespmem:s3+$0x23E0]  }
0x3d1: {  	v56 =	vld [tilespmem:s19+$0x2780];
	v17 =	vadd.f32 v50, v17  }
0x3d2: {  	v57 =	vld [tilespmem:s29+$0x27C0];
	v18 =	vadd.f32 v52, v18  }
0x3d3: {  	v58 =	vld [tilespmem:s15+$0x2780];
	v17 =	vadd.f32 v51, v17  }
0x3d4: {  	v59 =	vld [tilespmem:s30+$0x27C0];
	v19 =	vadd.f32 v47, v45;
	v18 =	vadd.f32 v54, v18  }
0x3d5: {  	v60 =	vld [tilespmem:s5+$0x2780];
	v17 =	vadd.f32 v53, v17  }
0x3d6: {  	v61 =	vld [tilespmem:s31+$0x27C0];
	v19 =	vadd.f32 v55, v19;
	v18 =	vadd.f32 v56, v18  }
0x3d7: {  	v62 =	vld [tilespmem:s6+$0x2780];
	v17 =	vmul.f32 $1.428571490e-01, v17  }
0x3d8: {  	v33 =	vld [tilespmem:s14+$0x27C0];
	v19 =	vadd.f32 v57, v19;
	v18 =	vadd.f32 v58, v18  }
0x3d9: {  	v57 =	vld [tilespmem:s11+$0x27F0];
	[tilespmem:s7+$0x60] =	vst v17  }
0x3da: {  	v34 =	vadd.f32 v59, v19;
	v35 =	vld [tilespmem:s20+$0x23F0];
	v18 =	vadd.f32 v60, v18  }
0x3db: {  	v36 =	vld [tilespmem:s20+$0x2470]  }
0x3dc: {  	v17 =	vadd.f32 v61, v34;
	v37 =	vld [tilespmem:s4+$0x23F0];
	v18 =	vadd.f32 v62, v18  }
0x3dd: {  	v38 =	vld [tilespmem:s10+$0x23F0]  }
0x3de: {  	v39 =	vld [tilespmem:s12+$0x23F0];
	v17 =	vadd.f32 v33, v17;
	v18 =	vmul.f32 $1.428571490e-01, v18  }
0x3df: {  	v40 =	vld [tilespmem:s13+$0x23F0]  }
0x3e0: {  	v41 =	vld [tilespmem:s3+$0x23F0];
	v17 =	vmul.f32 $1.428571490e-01, v17;
	v19 =	vadd.f32 v36, v35;
	[tilespmem:s9+$0x400] =	vst v18  }
0x3e1: {  	v18 =	vld [tilespmem:s17+$0x2790]  }
0x3e2: {  	[tilespmem:s21+$0x440] =	vst v17;
	v42 =	vadd.f32 v37, v19;
	v43 =	vld [tilespmem:s18+$0x2790]  }
0x3e3: {  	v44 =	vld [tilespmem:s23+$0x27D0]  }
0x3e4: {  	v45 =	vld [tilespmem:s22+$0x2790];
	v17 =	vadd.f32 v38, v42  }
0x3e5: {  	v46 =	vld [tilespmem:s23+$0x2850]  }
0x3e6: {  	v47 =	vld [tilespmem:s19+$0x2790];
	v17 =	vadd.f32 v39, v17  }
0x3e7: {  	v48 =	vld [tilespmem:s24+$0x27D0];
	v18 =	vadd.f32 v43, v18  }
0x3e8: {  	v49 =	vld [tilespmem:s15+$0x2790];
	v17 =	vadd.f32 v40, v17  }
0x3e9: {  	v50 =	vld [tilespmem:s29+$0x27D0];
	v18 =	vadd.f32 v45, v18  }
0x3ea: {  	v51 =	vld [tilespmem:s5+$0x2790];
	v24 =	vadd.f32 v46, v44;
	v17 =	vadd.f32 v41, v17  }
0x3eb: {  	v3 =	vadd.f32 v4, v3;
	v52 =	vld [tilespmem:s30+$0x27D0];
	v18 =	vadd.f32 v47, v18  }
0x3ec: {  	v53 =	vld [tilespmem:s6+$0x2790];
	v19 =	vadd.f32 v48, v24;
	v4 =	vmul.f32 $1.428571490e-01, v17  }
0x3ed: {  	v3 =	vadd.f32 v5, v3;
	v54 =	vld [tilespmem:s31+$0x27D0];
	v18 =	vadd.f32 v49, v18  }
0x3ee: {  	v5 =	vadd.f32 v15, v11;
	v11 =	vadd.f32 v50, v19;
	[tilespmem:s7+$0x70] =	vst v4;
	v4 =	vld [tilespmem:s14+$0x27D0]  }
0x3ef: {  	v3 =	vadd.f32 v9, v3;
	v55 =	vadd.f32 v51, v18;
	v56 =	vld [tilespmem:s20+$0x2780]  }
0x3f0: {  	v5 =	vadd.f32 v10, v5;
	v10 =	vadd.f32 v52, v11;
	v9 =	vld [tilespmem:s20+$0x2800]  }
0x3f1: {  	v59 =	vld [tilespmem:s4+$0x2780];
	v11 =	vadd.f32 v53, v55  }
0x3f2: {  	v3 =	vadd.f32 v8, v3;
	v8 =	vadd.f32 v54, v10;
	v10 =	vld [tilespmem:s10+$0x2780]  }
0x3f3: {  	v60 =	vld [tilespmem:s12+$0x2780];
	v11 =	vmul.f32 $1.428571490e-01, v11  }
0x3f4: {  	v3 =	vadd.f32 v7, v3;
	v7 =	vld [tilespmem:s3+$0x2780];
	v4 =	vadd.f32 v4, v8  }
0x3f5: {  	v5 =	vadd.f32 v12, v5;
	[tilespmem:s9+$0x410] =	vst v11;
	v11 =	vld [tilespmem:s13+$0x2780]  }
0x3f6: {  	v58 =	vadd.f32 v26, v25;
	v4 =	vmul.f32 $1.428571490e-01, v4;
	v61 =	vld [tilespmem:s17+$0x27A0]  }
0x3f7: {  	v3 =	vadd.f32 v6, v3;
	v5 =	vadd.f32 v13, v5;
	v62 =	vld [tilespmem:s18+$0x27A0];
	[dreg:$0x8] =	wrdreg s21  }
0x3f8: {  	v12 =	vadd.f32 v23, v58;
	v8 =	vadd.f32 v9, v56;
	[tilespmem:s21+$0x450] =	vst v4  }
0x3f9: {  	v5 =	vadd.f32 v14, v5;
	s26 =	sld [smem:$0x7FC]  }
0x3fa: {  	v3 =	vmul.f32 $1.428571490e-01, v3;
	v9 =	vadd.f32 v22, v12;
	v8 =	vadd.f32 v59, v8  }
0x3fb: {  	v5 =	vadd.f32 v16, v5  }
0x3fc: {  	v6 =	vadd.f32 v27, v9;
	v9 =	vadd.f32 v10, v8;
	v8 =	vld [tilespmem:s22+$0x27A0];
	[tilespmem:s26+$0x470] =	vst v3  }
0x3fd: {  	v4 =	vld [tilespmem:s23+$0x27E0];
	s0 =	sld [smem:$0x7FD]  }
0x3fe: {  	v63 =	vadd.f32 v63, v6;
	v6 =	vmul.f32 $1.428571490e-01, v5;
	v5 =	vld [tilespmem:s23+$0x2860];
	v13 =	vadd.f32 v60, v9  }
0x3ff: {  	s16 =	smov.u32 s28;
	s28 =	smov.u32 s18;
	s1 =	smov.u32 s3;
	v9 =	vld [tilespmem:s19+$0x27A0];
	v10 =	vadd.f32 v62, v61  }
0x400: {  	s11 =	smov.u32 s19;
	s3 =	smov.u32 s22;
	s21 =	simm.s32 $0x4;
	v3 =	vadd.f32 v57, v63;
	v11 =	vadd.f32 v11, v13;
	[tilespmem:s0+$0x470] =	vst v6;
	v6 =	vld [tilespmem:s15+$0x27A0]  }
.LBB2_7:
0x401: {  	[dreg:$0x14] =	wrdreg s10  }
0x402: {  	[dreg:$0x12] =	wrdreg s12  }
0x403: {  	[dreg:$0x11] =	wrdreg s13  }
0x404: {  	[dreg:$0xf] =	wrdreg s14  }
0x405: {  	[dreg:$0xe] =	wrdreg s29  }
0x406: {  	[dreg:$0xd] =	wrdreg s24  }
0x407: {  	[dreg:$0xc] =	wrdreg s23  }
0x408: {  	[dreg:$0xb] =	wrdreg s30  }
0x409: {  	[dreg:$0xa] =	wrdreg s31  }
0x40a: {  	s0 =	rddreg [dreg:$0x4]  }
0x40b: {  	s22 =	rddreg [dreg:$0x5]  }
0x40c: {  	s19 =	rddreg [dreg:$0x10]  }
0x40d: {  	s21 =	sadd.s32 $0x2, s21;
	s22 =	sadd.s32 $0x700, s22;
	s19 =	sadd.s32 $0xE00, s19  }
0x40e: {  	[dreg:$0x9] =	wrdreg s21;
	p1 =	slt.u32 s21, $0xE;
	s23 =	sadd.s32 s22, s0  }
0x40f: {  	v7 =	vadd.f32 v7, v11;
	v11 =	vld [tilespmem:s5+$0x27A0];
	s2 =	sand.u32 $0x380, s22;
	s25 =	sadd.s32 $0x800, s19;
	s12 =	sadd.s32 $0x900, s19;
	v8 =	vadd.f32 v8, v10  }
0x410: {  	v3 =	vmul.f32 $1.428571490e-01, v3;
	s18 =	sadd.s32 $0xA00, s19;
	[dreg:$0x5] =	wrdreg s22;
	s26 =	sadd.s32 $0x80, s23;
	v10 =	vld [tilespmem:s24+$0x27E0]  }
0x411: {  	v12 =	vld [tilespmem:s6+$0x27A0];
	v7 =	vmul.f32 $1.428571490e-01, v7;
	s8 =	sand.u32 $0x7FFFF800, s25;
	s14 =	sadd.s32 $0x100, s23;
	s24 =	sadd.s32 $0x700, s19;
	v8 =	vadd.f32 v9, v8  }
0x412: {  	s25 =	sadd.s32 $0x200, s23;
	s10 =	sand.u32 $0x300, s26;
	s0 =	sand.u32 $0x3F800, s24;
	v9 =	vld [tilespmem:s29+$0x27E0];
	[tilespmem:s16+$0x470] =	vst v3  }
0x413: {  	v4 =	vadd.f32 v5, v4;
	s24 =	sadd.s32 $0x180, s23;
	s13 =	sor.u32 s2, s0;
	s2 =	sor.u32 s10, s8;
	v5 =	vld [tilespmem:s30+$0x27E0];
	v3 =	vadd.f32 v6, v8  }
0x414: {  	s0 =	sand.u32 $0x7FFFF800, s12;
	s12 =	sand.u32 $0x380, s14;
	s8 =	smov.u32 s7;
	[tilespmem:s7+$0x400] =	vst v7;
	v7 =	vld [tilespmem:s13+$0x2380]  }
0x415: {  	s0 =	sor.u32 s12, s0;
	s7 =	smov.u32 s6;
	s6 =	smov.u32 s5;
	v6 =	vld [tilespmem:s31+$0x27E0];
	v4 =	vadd.f32 v10, v4;
	v3 =	vadd.f32 v11, v3  }
0x416: {  	s5 =	smov.u32 s15;
	s12 =	sand.u32 $0x7FFFF800, s18;
	s15 =	sand.u32 $0x300, s24;
	v8 =	vld [tilespmem:s2+$0x2380]  }
0x417: {  	s21 =	sadd.s32 $0xFFFFFE00, s23;
	s16 =	sadd.s32 $0xB00, s19;
	s15 =	sor.u32 s15, s12;
	v10 =	vld [tilespmem:s0+$0x2380];
	v4 =	vadd.f32 v9, v4;
	v3 =	vadd.f32 v12, v3  }
0x418: {  	s10 =	sand.u32 $0x380, s25;
	s25 =	sadd.s32 $0xFFFFFC80, s22;
	s22 =	sadd.s32 $0x280, s23;
	v38 =	vld [tilespmem:s15+$0x2380]  }
0x419: {  	[dreg:$0x10] =	wrdreg s19;
	s26 =	sand.u32 $0x7FFFF800, s16;
	s24 =	sand.u32 $0x3F800, s19;
	v9 =	vld [tilespmem:s20+$0x2790];
	v4 =	vadd.f32 v5, v4;
	v11 =	vmul.f32 $1.428571490e-01, v3  }
0x41a: {  	s16 =	sand.u32 $0x300, s25;
	s18 =	sadd.s32 $0xC00, s19;
	s29 =	sor.u32 s10, s26;
	v5 =	vld [tilespmem:s20+$0x2810]  }
0x41b: {  	s25 =	sand.u32 $0x300, s22;
	s22 =	sadd.s32 $0x300, s19;
	s14 =	sand.u32 $0x7FFFF800, s18;
	v3 =	vadd.f32 v6, v4;
	v4 =	vadd.f32 v8, v7;
	v6 =	vld [tilespmem:s29+$0x2380];
	[tilespmem:s9+$0x420] =	vst v11  }
0x41c: {  	s10 =	sadd.s32 $0x300, s23;
	s31 =	sor.u32 s25, s14;
	s25 =	sadd.s32 $0xD00, s19;
	v7 =	vld [tilespmem:s17+$0x27B0]  }
0x41d: {  	s26 =	sadd.s32 $0xFFFFFD80, s23;
	s14 =	sand.u32 $0x7FFFF800, s25;
	s25 =	sand.u32 $0x380, s10;
	v8 =	vadd.f32 v10, v4;
	v10 =	vld [tilespmem:s28+$0x27B0]  }
0x41e: {  	s30 =	sor.u32 s16, s24;
	s16 =	sand.u32 $0x300, s26;
	s24 =	sor.u32 s25, s14;
	v11 =	vld [tilespmem:s31+$0x2380]  }
0x41f: {  	s10 =	sand.u32 $0x7F800, s22;
	s22 =	sadd.s32 $0xFFFFFF00, s23;
	s14 =	sadd.s32 $0x200, s19;
	v4 =	vadd.f32 v5, v9;
	v9 =	vld [tilespmem:s24+$0x2380];
	v5 =	vadd.f32 v38, v8  }
0x420: {  	s25 =	sand.u32 $0x380, s21;
	s21 =	sadd.s32 $0x400, s19;
	s12 =	sand.u32 $0x7F800, s14;
	v8 =	vld [tilespmem:s3+$0x27B0]  }
0x421: {  	v39 =	vld [tilespmem:s30+$0x2380];
	s14 =	sor.u32 s25, s10;
	s12 =	sor.u32 s16, s12;
	s16 =	sadd.s32 $0xFFFFFE80, s23;
	v5 =	vadd.f32 v6, v5  }
0x422: {  	s10 =	rddreg [dreg:$0x6];
	s26 =	sand.u32 $0x300, s16;
	s16 =	smov.u32 s4;
	v6 =	vld [tilespmem:s11+$0x27B0]  }
0x423: {  	s4 =	sand.u32 $0x380, s22;
	s22 =	smov.u32 s20;
	s20 =	sadd.s32 $0x200, s10;
	v7 =	vadd.f32 v10, v7;
	v10 =	vld [tilespmem:s5+$0x27B0];
	v5 =	vadd.f32 v11, v5  }
0x424: {  	s18 =	smov.u32 s28;
	s25 =	sand.u32 $0x7F800, s21;
	[dreg:$0x6] =	wrdreg s20;
	v11 =	vld [tilespmem:s30+$0x2400]  }
0x425: {  	s10 =	sand.u32 $0x1800, s20;
	s20 =	rddreg [dreg:$0x7];
	s28 =	sadd.s32 $0x500, s19;
	v7 =	vadd.f32 v8, v7;
	v8 =	vld [tilespmem:s6+$0x27B0];
	v5 =	vadd.f32 v9, v5  }
0x426: {  	s26 =	sor.u32 s26, s25;
	s21 =	sadd.s32 $0x100, s20;
	s25 =	sand.u32 $0x7F800, s28;
	v9 =	vld [tilespmem:s12+$0x2380]  }
0x427: {  	v13 =	vld [tilespmem:s14+$0x2380];
	s28 =	sor.u32 s4, s25;
	s4 =	sadd.s32 $0x17380, s10;
	s25 =	sand.u32 $0x380, s21;
	v6 =	vadd.f32 v6, v7;
	v5 =	vmul.f32 $1.428571490e-01, v5  }
0x428: {  	s20 =	sadd.s32 $0x600, s19;
	s19 =	sadd.s32 $0xFFFFFF80, s23;
	s23 =	sadd.s32 s25, s4;
	v7 =	vld [tilespmem:s7+$0x27B0]  }
0x429: {  	v6 =	vadd.f32 v10, v6;
	v10 =	vadd.f32 v11, v39;
	v11 =	vld [tilespmem:s26+$0x2380];
	[tilespmem:s23+$0x0] =	vst v5  }
0x42a: {  	v5 =	vld [tilespmem:s13+$0x2390]  }
0x42b: {  	s25 =	sand.u32 $0x7F800, s20;
	s20 =	sand.u32 $0x300, s19;
	v6 =	vadd.f32 v8, v6;
	v8 =	vadd.f32 v9, v10;
	v9 =	vld [tilespmem:s2+$0x2390]  }
0x42c: {  	s25 =	sor.u32 s20, s25;
	v10 =	vld [tilespmem:s28+$0x2380]  }
0x42d: {  	v40 =	vld [tilespmem:s25+$0x2380];
	v6 =	vadd.f32 v7, v6;
	v7 =	vadd.f32 v13, v8  }
0x42e: {  	v8 =	vld [tilespmem:s0+$0x2390]  }
0x42f: {  	v6 =	vmul.f32 $1.428571490e-01, v6;
	v7 =	vadd.f32 v11, v7  }
0x430: {  	v11 =	vld [tilespmem:s15+$0x2390]  }
0x431: {  	v5 =	vadd.f32 v9, v5;
	v9 =	vld [tilespmem:s29+$0x2390];
	[tilespmem:s9+$0x430] =	vst v6;
	v6 =	vadd.f32 v10, v7  }
0x432: {  	v7 =	vld [tilespmem:s17+$0x27C0]  }
0x433: {  	v5 =	vadd.f32 v8, v5;
	v8 =	vld [tilespmem:s18+$0x27C0];
	v6 =	vadd.f32 v40, v6  }
0x434: {  	[dreg:$0x7] =	wrdreg s21;
	s21 =	sadd.s32 $0xFFFFFF80, s21;
	v10 =	vld [tilespmem:s31+$0x2390]  }
0x435: {  	s10 =	sand.u32 $0x300, s21;
	v5 =	vadd.f32 v11, v5;
	v11 =	vld [tilespmem:s3+$0x27C0];
	v6 =	vmul.f32 $1.428571490e-01, v6  }
0x436: {  	s19 =	smov.u32 s11;
	s4 =	sadd.s32 s10, s4;
	v41 =	vld [tilespmem:s24+$0x2390]  }
0x437: {  	v5 =	vadd.f32 v9, v5;
	v9 =	vld [tilespmem:s19+$0x27C0];
	[tilespmem:s4+$0x0] =	vst v6  }
0x438: {  	v7 =	vadd.f32 v8, v7;
	v6 =	vld [tilespmem:s16+$0x2790]  }
0x439: {  	v8 =	vld [tilespmem:s5+$0x27C0];
	v5 =	vadd.f32 v10, v5  }
0x43a: {  	v10 =	vld [tilespmem:s30+$0x2390];
	v7 =	vadd.f32 v11, v7  }
0x43b: {  	v11 =	vld [tilespmem:s6+$0x27C0];
	v5 =	vadd.f32 v41, v5  }
0x43c: {  	v42 =	vld [tilespmem:s30+$0x2410];
	v7 =	vadd.f32 v9, v7  }
0x43d: {  	v5 =	vmul.f32 $1.428571490e-01, v5;
	v4 =	vadd.f32 v6, v4;
	v6 =	vld [tilespmem:s7+$0x27C0]  }
0x43e: {  	v9 =	vld [tilespmem:s12+$0x2390];
	v7 =	vadd.f32 v8, v7  }
0x43f: {  	v8 =	vld [tilespmem:s14+$0x2390];
	[tilespmem:s23+$0x10] =	vst v5  }
0x440: {  	v5 =	vld [tilespmem:s13+$0x23A0];
	v7 =	vadd.f32 v11, v7  }
0x441: {  	v10 =	vadd.f32 v42, v10;
	v11 =	vld [tilespmem:s2+$0x23A0]  }
0x442: {  	v43 =	vld [tilespmem:s26+$0x2390];
	v6 =	vadd.f32 v6, v7  }
0x443: {  	v7 =	vadd.f32 v9, v10;
	v9 =	vld [tilespmem:s0+$0x23A0]  }
0x444: {  	v10 =	vld [tilespmem:s28+$0x2390];
	v6 =	vmul.f32 $1.428571490e-01, v6  }
0x445: {  	v7 =	vadd.f32 v8, v7;
	v8 =	vld [tilespmem:s15+$0x23A0]  }
0x446: {  	v5 =	vadd.f32 v11, v5;
	v11 =	vld [tilespmem:s29+$0x23A0];
	[tilespmem:s9+$0x440] =	vst v6  }
0x447: {  	v6 =	vadd.f32 v43, v7;
	v7 =	vld [tilespmem:s17+$0x27D0]  }
0x448: {  	v5 =	vadd.f32 v9, v5;
	v9 =	vld [tilespmem:s18+$0x27D0]  }
0x449: {  	v6 =	vadd.f32 v10, v6;
	v10 =	vld [tilespmem:s31+$0x23A0]  }
0x44a: {  	v5 =	vadd.f32 v8, v5;
	v8 =	vld [tilespmem:s3+$0x27D0]  }
0x44b: {  	v44 =	vld [tilespmem:s24+$0x23A0]  }
0x44c: {  	v5 =	vadd.f32 v11, v5;
	v11 =	vld [tilespmem:s19+$0x27D0]  }
0x44d: {  	[dreg:$0x13] =	wrdreg s16;
	v45 =	vld [tilespmem:s25+$0x2390];
	v7 =	vadd.f32 v9, v7  }
0x44e: {  	s16 =	rddreg [dreg:$0x14];
	v9 =	vld [tilespmem:s5+$0x27D0];
	v5 =	vadd.f32 v10, v5  }
0x44f: {  	v10 =	vld [tilespmem:s16+$0x2790];
	v7 =	vadd.f32 v8, v7  }
0x450: {  	s10 =	rddreg [dreg:$0x12];
	v8 =	vld [tilespmem:s6+$0x27D0];
	v5 =	vadd.f32 v44, v5  }
0x451: {  	v46 =	vld [tilespmem:s10+$0x2790];
	v7 =	vadd.f32 v11, v7  }
0x452: {  	s11 =	rddreg [dreg:$0x11];
	v6 =	vadd.f32 v45, v6;
	v11 =	vld [tilespmem:s7+$0x27D0];
	v5 =	vmul.f32 $1.428571490e-01, v5  }
0x453: {  	v47 =	vld [tilespmem:s11+$0x2790];
	v7 =	vadd.f32 v9, v7  }
0x454: {  	v6 =	vmul.f32 $1.428571490e-01, v6;
	[tilespmem:s23+$0x20] =	vst v5;
	v5 =	vld [tilespmem:s1+$0x2790]  }
0x455: {  	v4 =	vadd.f32 v10, v4;
	v9 =	vld [tilespmem:s13+$0x23B0];
	v7 =	vadd.f32 v8, v7  }
0x456: {  	[tilespmem:s4+$0x10] =	vst v6;
	v6 =	vld [tilespmem:s2+$0x23B0]  }
0x457: {  	v4 =	vadd.f32 v46, v4;
	v8 =	vld [tilespmem:s30+$0x23A0];
	v7 =	vadd.f32 v11, v7  }
0x458: {  	v10 =	vld [tilespmem:s0+$0x23B0]  }
0x459: {  	v48 =	vld [tilespmem:s15+$0x23B0];
	v4 =	vadd.f32 v47, v4;
	v7 =	vmul.f32 $1.428571490e-01, v7  }
0x45a: {  	v11 =	vld [tilespmem:s30+$0x2420]  }
0x45b: {  	v4 =	vadd.f32 v5, v4;
	v5 =	vadd.f32 v6, v9;
	v6 =	vld [tilespmem:s29+$0x23B0];
	[tilespmem:s9+$0x450] =	vst v7  }
0x45c: {  	v7 =	vld [tilespmem:s17+$0x27E0]  }
0x45d: {  	s21 =	rddreg [dreg:$0x8];
	v4 =	vmul.f32 $1.428571490e-01, v4;
	v5 =	vadd.f32 v10, v5;
	v9 =	vld [tilespmem:s18+$0x27E0]  }
0x45e: {  	s20 =	smov.u32 s21;
	s21 =	smov.u32 s8;
	v10 =	vld [tilespmem:s31+$0x23B0]  }
0x45f: {  	[tilespmem:s21+$0x410] =	vst v4;
	v4 =	vadd.f32 v48, v5;
	v5 =	vld [tilespmem:s3+$0x27E0]  }
0x460: {  	v8 =	vadd.f32 v11, v8;
	v11 =	vld [tilespmem:s24+$0x23B0]  }
0x461: {  	v4 =	vadd.f32 v6, v4;
	v6 =	vld [tilespmem:s19+$0x27E0]  }
0x462: {  	v49 =	vld [tilespmem:s12+$0x23A0];
	v7 =	vadd.f32 v9, v7  }
0x463: {  	v9 =	vld [tilespmem:s5+$0x27E0];
	v4 =	vadd.f32 v10, v4  }
0x464: {  	v10 =	vld [tilespmem:s14+$0x23A0];
	v5 =	vadd.f32 v5, v7  }
0x465: {  	v7 =	vld [tilespmem:s6+$0x27E0];
	v4 =	vadd.f32 v11, v4  }
0x466: {  	v11 =	vld [tilespmem:s26+$0x23A0];
	v5 =	vadd.f32 v6, v5  }
0x467: {  	v6 =	vadd.f32 v49, v8;
	v8 =	vld [tilespmem:s7+$0x27E0];
	v4 =	vmul.f32 $1.428571490e-01, v4  }
0x468: {  	v50 =	vld [tilespmem:s28+$0x23A0];
	v5 =	vadd.f32 v9, v5  }
0x469: {  	v6 =	vadd.f32 v10, v6;
	v9 =	vld [tilespmem:s25+$0x23A0];
	[tilespmem:s23+$0x30] =	vst v4  }
0x46a: {  	v4 =	vld [tilespmem:s13+$0x23C0];
	v5 =	vadd.f32 v7, v5  }
0x46b: {  	v6 =	vadd.f32 v11, v6;
	v7 =	vld [tilespmem:s2+$0x23C0]  }
0x46c: {  	v10 =	vld [tilespmem:s22+$0x27A0];
	v5 =	vadd.f32 v8, v5  }
0x46d: {  	v6 =	vadd.f32 v50, v6;
	v8 =	vld [tilespmem:s0+$0x23C0]  }
0x46e: {  	v11 =	vld [tilespmem:s22+$0x2820];
	v5 =	vmul.f32 $1.428571490e-01, v5  }
0x46f: {  	v6 =	vadd.f32 v9, v6;
	v9 =	vld [tilespmem:s15+$0x23C0]  }
0x470: {  	v4 =	vadd.f32 v7, v4;
	v7 =	vld [tilespmem:s29+$0x23C0];
	[tilespmem:s9+$0x460] =	vst v5  }
0x471: {  	v5 =	vmul.f32 $1.428571490e-01, v6;
	v6 =	vld [tilespmem:s17+$0x27F0]  }
0x472: {  	v4 =	vadd.f32 v8, v4;
	v8 =	vld [tilespmem:s18+$0x27F0]  }
0x473: {  	[tilespmem:s4+$0x20] =	vst v5;
	v5 =	vld [tilespmem:s31+$0x23C0]  }
0x474: {  	v10 =	vadd.f32 v11, v10;
	v11 =	vld [tilespmem:s24+$0x23C0];
	v4 =	vadd.f32 v9, v4  }
0x475: {  	v9 =	vld [tilespmem:s3+$0x27F0]  }
0x476: {  	v51 =	vld [tilespmem:s30+$0x23B0];
	v4 =	vadd.f32 v7, v4  }
0x477: {  	v7 =	vld [tilespmem:s19+$0x27F0]  }
0x478: {  	v6 =	vadd.f32 v8, v6;
	v8 =	vld [tilespmem:s30+$0x2430];
	v4 =	vadd.f32 v5, v4  }
0x479: {  	v5 =	vld [tilespmem:s5+$0x27F0]  }
0x47a: {  	v6 =	vadd.f32 v9, v6;
	v9 =	vld [tilespmem:s6+$0x27F0];
	v4 =	vadd.f32 v11, v4  }
0x47b: {  	v11 =	vld [tilespmem:s12+$0x23B0]  }
0x47c: {  	v52 =	vld [tilespmem:s14+$0x23B0];
	v6 =	vadd.f32 v7, v6;
	v4 =	vmul.f32 $1.428571490e-01, v4  }
0x47d: {  	v7 =	vld [tilespmem:s7+$0x27F0]  }
0x47e: {  	s17 =	smov.u32 s13;
	v5 =	vadd.f32 v5, v6;
	v6 =	vadd.f32 v8, v51;
	v8 =	vld [tilespmem:s26+$0x23B0];
	[tilespmem:s23+$0x40] =	vst v4  }
0x47f: {  	s8 =	smov.u32 s2;
	v4 =	vld [tilespmem:s17+$0x23D0]  }
0x480: {  	v5 =	vadd.f32 v9, v5;
	v6 =	vadd.f32 v11, v6;
	v9 =	vld [tilespmem:s8+$0x23D0]  }
0x481: {  	v11 =	vld [tilespmem:s28+$0x23B0]  }
0x482: {  	s2 =	smov.u32 s0;
	v53 =	vld [tilespmem:s25+$0x23B0];
	v5 =	vadd.f32 v7, v5;
	v6 =	vadd.f32 v52, v6  }
0x483: {  	v7 =	vld [tilespmem:s2+$0x23D0]  }
0x484: {  	s0 =	smov.u32 s15;
	v5 =	vmul.f32 $1.428571490e-01, v5;
	v6 =	vadd.f32 v8, v6  }
0x485: {  	s6 =	smov.u32 s24;
	s24 =	rddreg [dreg:$0x13];
	v8 =	vld [tilespmem:s0+$0x23D0]  }
0x486: {  	s15 =	smov.u32 s29;
	v4 =	vadd.f32 v9, v4;
	v9 =	vld [tilespmem:s24+$0x27A0];
	[tilespmem:s9+$0x470] =	vst v5;
	v5 =	vadd.f32 v11, v6  }
0x487: {  	v6 =	vld [tilespmem:s15+$0x23D0]  }
0x488: {  	s5 =	smov.u32 s31;
	v4 =	vadd.f32 v7, v4;
	v7 =	vld [tilespmem:s16+$0x27A0];
	v5 =	vadd.f32 v53, v5  }
0x489: {  	v11 =	vld [tilespmem:s5+$0x23D0]  }
0x48a: {  	v4 =	vadd.f32 v8, v4;
	v8 =	vld [tilespmem:s10+$0x27A0];
	v5 =	vmul.f32 $1.428571490e-01, v5  }
0x48b: {  	s7 =	smov.u32 s4;
	v54 =	vld [tilespmem:s6+$0x23D0];
	v9 =	vadd.f32 v9, v10  }
0x48c: {  	v4 =	vadd.f32 v6, v4;
	v6 =	vld [tilespmem:s11+$0x27A0];
	[tilespmem:s7+$0x30] =	vst v5  }
0x48d: {  	v5 =	vadd.f32 v7, v9;
	v7 =	vld [tilespmem:s1+$0x27A0]  }
0x48e: {  	v9 =	vld [tilespmem:s30+$0x23C0]  }
0x48f: {  	v10 =	vld [tilespmem:s30+$0x2440];
	v4 =	vadd.f32 v11, v4;
	v5 =	vadd.f32 v8, v5;
	_ =	sdelay $0x1  }
0x490: {  	v8 =	vld [tilespmem:s12+$0x23C0];
	v4 =	vadd.f32 v54, v4;
	v5 =	vadd.f32 v6, v5  }
0x491: {  	v55 =	vld [tilespmem:s28+$0x23C0]  }
0x492: {  	v11 =	vld [tilespmem:s14+$0x23C0];
	v4 =	vmul.f32 $1.428571490e-01, v4;
	v5 =	vadd.f32 v7, v5  }
0x493: {  	s9 =	smov.u32 s23;
	v6 =	vld [tilespmem:s26+$0x23C0];
	v7 =	vadd.f32 v10, v9  }
0x494: {  	v9 =	vld [tilespmem:s25+$0x23C0];
	[tilespmem:s9+$0x50] =	vst v4;
	v5 =	vmul.f32 $1.428571490e-01, v5  }
0x495: {  	v4 =	vld [tilespmem:s17+$0x23E0];
	v7 =	vadd.f32 v8, v7  }
0x496: {  	s3 =	rddreg [dreg:$0xf];
	v8 =	vld [tilespmem:s8+$0x23E0];
	[tilespmem:s21+$0x420] =	vst v5  }
0x497: {  	v7 =	vadd.f32 v11, v7;
	v5 =	vld [tilespmem:s3+$0x27E0]  }
0x498: {  	v10 =	vld [tilespmem:s2+$0x23E0]  }
0x499: {  	v56 =	vld [tilespmem:s15+$0x23E0];
	v6 =	vadd.f32 v6, v7  }
0x49a: {  	v7 =	vld [tilespmem:s0+$0x23E0]  }
0x49b: {  	v11 =	vld [tilespmem:s22+$0x27B0];
	v4 =	vadd.f32 v8, v4;
	v6 =	vadd.f32 v55, v6  }
0x49c: {  	v8 =	vld [tilespmem:s22+$0x2830];
	v3 =	vadd.f32 v5, v3  }
0x49d: {  	v4 =	vadd.f32 v10, v4;
	v10 =	vld [tilespmem:s6+$0x23E0];
	v6 =	vadd.f32 v9, v6  }
0x49e: {  	v5 =	vld [tilespmem:s24+$0x27B0];
	v3 =	vmul.f32 $1.428571490e-01, v3  }
0x49f: {  	v9 =	vld [tilespmem:s5+$0x23E0];
	v4 =	vadd.f32 v7, v4;
	v6 =	vmul.f32 $1.428571490e-01, v6  }
0x4a0: {  	s13 =	smov.u32 s10;
	v7 =	vld [tilespmem:s16+$0x27B0];
	[tilespmem:s20+$0x460] =	vst v3  }
0x4a1: {  	v8 =	vadd.f32 v8, v11;
	v3 =	vadd.f32 v56, v4;
	v4 =	vld [tilespmem:s13+$0x27B0];
	[tilespmem:s7+$0x40] =	vst v6  }
0x4a2: {  	v6 =	vld [tilespmem:s11+$0x27B0]  }
0x4a3: {  	v5 =	vadd.f32 v5, v8;
	v8 =	vld [tilespmem:s30+$0x23D0]  }
0x4a4: {  	v3 =	vadd.f32 v9, v3;
	v9 =	vld [tilespmem:s30+$0x2450]  }
0x4a5: {  	v5 =	vadd.f32 v7, v5  }
0x4a6: {  	v7 =	vld [tilespmem:s12+$0x23D0];
	v3 =	vadd.f32 v10, v3  }
0x4a7: {  	v11 =	vld [tilespmem:s28+$0x23D0];
	v4 =	vadd.f32 v4, v5  }
0x4a8: {  	v10 =	vld [tilespmem:s14+$0x23D0];
	v3 =	vmul.f32 $1.428571490e-01, v3  }
0x4a9: {  	v5 =	vld [tilespmem:s26+$0x23D0];
	v4 =	vadd.f32 v6, v4;
	v6 =	vadd.f32 v9, v8  }
0x4aa: {  	v8 =	vld [tilespmem:s25+$0x23D0];
	[tilespmem:s9+$0x60] =	vst v3  }
0x4ab: {  	v3 =	vld [tilespmem:s17+$0x23F0];
	v6 =	vadd.f32 v7, v6  }
0x4ac: {  	v7 =	vld [tilespmem:s8+$0x23F0]  }
0x4ad: {  	v9 =	vld [tilespmem:s1+$0x27B0];
	v6 =	vadd.f32 v10, v6  }
0x4ae: {  	s23 =	rddreg [dreg:$0xc];
	v10 =	vld [tilespmem:s2+$0x23F0]  }
0x4af: {  	v57 =	vld [tilespmem:s23+$0x27F0];
	v5 =	vadd.f32 v5, v6  }
0x4b0: {  	v6 =	vld [tilespmem:s0+$0x23F0]  }
0x4b1: {  	v3 =	vadd.f32 v7, v3;
	v7 =	vld [tilespmem:s23+$0x2870];
	v5 =	vadd.f32 v11, v5  }
0x4b2: {  	s18 =	smov.u32 s24;
	s24 =	rddreg [dreg:$0xd];
	v4 =	vadd.f32 v9, v4;
	v11 =	vld [tilespmem:s15+$0x23F0]  }
0x4b3: {  	v9 =	vld [tilespmem:s24+$0x27F0];
	v3 =	vadd.f32 v10, v3;
	v5 =	vadd.f32 v8, v5  }
0x4b4: {  	v4 =	vmul.f32 $1.428571490e-01, v4;
	v8 =	vld [tilespmem:s5+$0x23F0]  }
0x4b5: {  	s4 =	smov.u32 s12;
	s12 =	rddreg [dreg:$0xe];
	v10 =	vld [tilespmem:s6+$0x23F0];
	v3 =	vadd.f32 v6, v3;
	v5 =	vmul.f32 $1.428571490e-01, v5  }
0x4b6: {  	s23 =	smov.u32 s22;
	v6 =	vld [tilespmem:s12+$0x27F0];
	[tilespmem:s21+$0x430] =	vst v4;
	v4 =	vadd.f32 v7, v57  }
0x4b7: {  	s19 =	smov.u32 s16;
	s16 =	smov.u32 s20;
	s20 =	smov.u32 s30;
	v7 =	vld [tilespmem:s23+$0x27C0];
	v3 =	vadd.f32 v11, v3;
	[tilespmem:s7+$0x50] =	vst v5  }
0x4b8: {  	v4 =	vadd.f32 v9, v4;
	v9 =	vld [tilespmem:s20+$0x23E0]  }
0x4b9: {  	v3 =	vadd.f32 v8, v3;
	v8 =	vld [tilespmem:s20+$0x2460]  }
0x4ba: {  	v5 =	vld [tilespmem:s23+$0x2840]  }
0x4bb: {  	v4 =	vadd.f32 v6, v4;
	v6 =	vld [tilespmem:s4+$0x23E0];
	v3 =	vadd.f32 v10, v3  }
0x4bc: {  	s10 =	smov.u32 s14;
	v11 =	vld [tilespmem:s26+$0x23E0]  }
0x4bd: {  	s24 =	smov.u32 s18;
	v10 =	vld [tilespmem:s10+$0x23E0];
	v3 =	vmul.f32 $1.428571490e-01, v3  }
0x4be: {  	v58 =	vld [tilespmem:s24+$0x27C0];
	v8 =	vadd.f32 v8, v9  }
0x4bf: {  	v5 =	vadd.f32 v5, v7;
	v7 =	vld [tilespmem:s28+$0x23E0];
	[tilespmem:s9+$0x70] =	vst v3  }
0x4c0: {  	v3 =	vld [tilespmem:s17+$0x2780];
	v6 =	vadd.f32 v6, v8  }
0x4c1: {  	v8 =	vld [tilespmem:s8+$0x2780]  }
0x4c2: {  	v9 =	vld [tilespmem:s25+$0x23E0];
	v6 =	vadd.f32 v10, v6  }
0x4c3: {  	s29 =	smov.u32 s19;
	v10 =	vld [tilespmem:s2+$0x2780]  }
0x4c4: {  	v59 =	vld [tilespmem:s29+$0x27C0];
	v6 =	vadd.f32 v11, v6  }
0x4c5: {  	v11 =	vld [tilespmem:s0+$0x2780]  }
0x4c6: {  	v3 =	vadd.f32 v8, v3;
	v8 =	vld [tilespmem:s13+$0x27C0];
	v6 =	vadd.f32 v7, v6  }
0x4c7: {  	v5 =	vadd.f32 v58, v5;
	v7 =	vld [tilespmem:s15+$0x2780]  }
0x4c8: {  	v3 =	vadd.f32 v10, v3;
	v10 =	vld [tilespmem:s11+$0x27C0];
	v6 =	vadd.f32 v9, v6  }
0x4c9: {  	v5 =	vadd.f32 v59, v5;
	v9 =	vld [tilespmem:s5+$0x2780]  }
0x4ca: {  	v3 =	vadd.f32 v11, v3;
	v11 =	vld [tilespmem:s1+$0x27C0];
	v6 =	vmul.f32 $1.428571490e-01, v6  }
0x4cb: {  	s22 =	rddreg [dreg:$0xb];
	v60 =	vld [tilespmem:s6+$0x2780];
	v5 =	vadd.f32 v8, v5  }
0x4cc: {  	s12 =	smov.u32 s26;
	s26 =	rddreg [dreg:$0xa];
	v3 =	vadd.f32 v7, v3;
	v7 =	vld [tilespmem:s22+$0x27F0];
	[tilespmem:s7+$0x60] =	vst v6  }
0x4cd: {  	v5 =	vadd.f32 v10, v5;
	v6 =	vld [tilespmem:s26+$0x27F0]  }
0x4ce: {  	v8 =	vld [tilespmem:s20+$0x23F0];
	v3 =	vadd.f32 v9, v3  }
0x4cf: {  	v9 =	vld [tilespmem:s20+$0x2470];
	v5 =	vadd.f32 v11, v5  }
0x4d0: {  	s19 =	smov.u32 s13;
	s13 =	smov.u32 s28;
	v10 =	vld [tilespmem:s4+$0x23F0];
	v3 =	vadd.f32 v60, v3  }
0x4d1: {  	v61 =	vld [tilespmem:s13+$0x23F0];
	v5 =	vmul.f32 $1.428571490e-01, v5  }
0x4d2: {  	v11 =	vld [tilespmem:s10+$0x23F0];
	v4 =	vadd.f32 v7, v4;
	v3 =	vmul.f32 $1.428571490e-01, v3  }
0x4d3: {  	v7 =	vld [tilespmem:s12+$0x23F0];
	[tilespmem:s21+$0x440] =	vst v5  }
0x4d4: {  	v62 =	vadd.f32 v6, v4;
	v4 =	vadd.f32 v9, v8;
	v5 =	vld [tilespmem:s25+$0x23F0];
	[tilespmem:s9+$0x400] =	vst v3  }
0x4d5: {  	v3 =	vld [tilespmem:s17+$0x2790]  }
0x4d6: {  	v4 =	vadd.f32 v10, v4;
	v6 =	vld [tilespmem:s8+$0x2790]  }
0x4d7: {  	v8 =	vld [tilespmem:s23+$0x27D0]  }
0x4d8: {  	v9 =	vld [tilespmem:s2+$0x2790];
	v4 =	vadd.f32 v11, v4  }
0x4d9: {  	v10 =	vld [tilespmem:s23+$0x2850]  }
0x4da: {  	v4 =	vadd.f32 v7, v4;
	v7 =	vld [tilespmem:s0+$0x2790]  }
0x4db: {  	v3 =	vadd.f32 v6, v3;
	v6 =	vld [tilespmem:s24+$0x27D0]  }
0x4dc: {  	v11 =	vld [tilespmem:s15+$0x2790];
	v4 =	vadd.f32 v61, v4  }
0x4dd: {  	v3 =	vadd.f32 v9, v3;
	v9 =	vld [tilespmem:s29+$0x27D0]  }
0x4de: {  	s30 =	smov.u32 s19;
	v8 =	vadd.f32 v10, v8;
	v4 =	vadd.f32 v5, v4;
	v5 =	vld [tilespmem:s5+$0x2790]  }
0x4df: {  	v3 =	vadd.f32 v7, v3;
	v7 =	vld [tilespmem:s30+$0x27D0]  }
0x4e0: {  	s31 =	smov.u32 s11;
	v10 =	vld [tilespmem:s6+$0x2790];
	v4 =	vmul.f32 $1.428571490e-01, v4;
	v6 =	vadd.f32 v6, v8  }
0x4e1: {  	v8 =	vld [tilespmem:s31+$0x27D0]  }
0x4e2: {  	v3 =	vadd.f32 v11, v3;
	[tilespmem:s7+$0x70] =	vst v4;
	v4 =	vadd.f32 v9, v6  }
0x4e3: {  	v6 =	vld [tilespmem:s1+$0x27D0]  }
0x4e4: {  	v9 =	vld [tilespmem:s20+$0x2780];
	v3 =	vadd.f32 v5, v3;
	v4 =	vadd.f32 v7, v4  }
0x4e5: {  	v5 =	vld [tilespmem:s20+$0x2800]  }
0x4e6: {  	v11 =	vld [tilespmem:s4+$0x2780];
	v3 =	vadd.f32 v10, v3;
	v4 =	vadd.f32 v8, v4  }
0x4e7: {  	v63 =	vld [tilespmem:s12+$0x2780]  }
0x4e8: {  	v14 =	vld [tilespmem:s13+$0x2780];
	v3 =	vmul.f32 $1.428571490e-01, v3;
	v4 =	vadd.f32 v6, v4  }
0x4e9: {  	v10 =	vld [tilespmem:s10+$0x2780]  }
0x4ea: {  	v7 =	vld [tilespmem:s25+$0x2780];
	v5 =	vadd.f32 v5, v9;
	[tilespmem:s9+$0x410] =	vst v3;
	v4 =	vmul.f32 $1.428571490e-01, v4  }
0x4eb: {  	v3 =	vld [tilespmem:s17+$0x27A0]  }
0x4ec: {  	v5 =	vadd.f32 v11, v5;
	v6 =	vld [tilespmem:s8+$0x27A0];
	[tilespmem:s21+$0x450] =	vst v4  }
0x4ed: {  	v15 =	vld [tilespmem:s3+$0x27F0]  }
.Ltmp5:
0x4ee: {  	v8 =	vld [tilespmem:s2+$0x27A0];
	v5 =	vadd.f32 v10, v5;
	(pc) =	sbr.rel @p1 .LBB2_7-.Ltmp5, $4  }
0x4ef: {  	v9 =	vld [tilespmem:s0+$0x27A0]  }
0x4f0: {  	[dreg:$0x8] =	wrdreg s21;
	v4 =	vld [tilespmem:s23+$0x27E0];
	v11 =	vadd.f32 v63, v5  }
0x4f1: {  	s14 =	smov.u32 s1;
	s28 =	smov.u32 s8;
	s11 =	smov.u32 s0;
	v5 =	vld [tilespmem:s23+$0x2860];
	v10 =	vadd.f32 v6, v3  }
0x4f2: {  	s1 =	smov.u32 s25;
	s21 =	rddreg [dreg:$0x9];
	s3 =	smov.u32 s2;
	v6 =	vld [tilespmem:s15+$0x27A0];
	v11 =	vadd.f32 v14, v11;
	v3 =	vadd.f32 v15, v62  }
0x4f3: {  	_ = 	snop  }
0x4f4: {  	v7 =	vadd.f32 v7, v11;
	_ =	sdelay $0x1  }
0x4f5: {  	v7 =	vmul.f32 $1.428571490e-01, v7;
	_ =	sdelay $0x1  }
0x4f6: {  	[tilespmem:s7+$0x400] =	vst v7  }
0x4f7: {  	v7 =	vld [tilespmem:s20+$0x2790]  }
0x4f8: {  	v30 =	vld [tilespmem:s20+$0x2810];
	_ =	sdelay $0x1  }
0x4f9: {  	v12 =	vld [tilespmem:s4+$0x2790];
	_ =	sdelay $0x1  }
0x4fa: {  	v13 =	vld [tilespmem:s10+$0x2790]  }
0x4fb: {  	v7 =	vadd.f32 v30, v7  }
0x4fc: {  	v31 =	vld [tilespmem:s12+$0x2790]  }
0x4fd: {  	v7 =	vadd.f32 v12, v7  }
0x4fe: {  	v32 =	vld [tilespmem:s13+$0x2790]  }
0x4ff: {  	v7 =	vadd.f32 v13, v7  }
0x500: {  	v33 =	vld [tilespmem:s1+$0x2790]  }
0x501: {  	v7 =	vadd.f32 v31, v7;
	_ =	sdelay $0x1  }
0x502: {  	v7 =	vadd.f32 v32, v7;
	_ =	sdelay $0x1  }
0x503: {  	v7 =	vadd.f32 v33, v7;
	_ =	sdelay $0x1  }
0x504: {  	v7 =	vmul.f32 $1.428571490e-01, v7;
	_ =	sdelay $0x1  }
0x505: {  	v8 =	vadd.f32 v8, v10;
	v34 =	vld [tilespmem:s5+$0x27A0];
	[tilespmem:s7+$0x410] =	vst v7  }
0x506: {  	v7 =	vld [tilespmem:s20+$0x27A0]  }
0x507: {  	v8 =	vadd.f32 v9, v8;
	v35 =	vld [tilespmem:s20+$0x2820]  }
0x508: {  	v36 =	vld [tilespmem:s6+$0x27A0]  }
0x509: {  	v6 =	vadd.f32 v6, v8;
	v37 =	vld [tilespmem:s4+$0x27A0];
	_ =	sdelay $0x1  }
0x50a: {  	v6 =	vadd.f32 v34, v6;
	v38 =	vld [tilespmem:s10+$0x27A0]  }
0x50b: {  	v7 =	vadd.f32 v35, v7  }
0x50c: {  	v6 =	vadd.f32 v36, v6;
	v39 =	vld [tilespmem:s12+$0x27A0]  }
0x50d: {  	v7 =	vadd.f32 v37, v7  }
0x50e: {  	v6 =	vmul.f32 $1.428571490e-01, v6;
	v40 =	vld [tilespmem:s13+$0x27A0]  }
0x50f: {  	v7 =	vadd.f32 v38, v7  }
0x510: {  	[tilespmem:s9+$0x420] =	vst v6;
	v41 =	vld [tilespmem:s1+$0x27A0]  }
0x511: {  	v42 =	vld [tilespmem:s17+$0x27B0];
	v7 =	vadd.f32 v39, v7  }
0x512: {  	v43 =	vld [tilespmem:s28+$0x27B0]  }
0x513: {  	v7 =	vadd.f32 v40, v7  }
0x514: {  	v44 =	vld [tilespmem:s3+$0x27B0]  }
0x515: {  	v6 =	vadd.f32 v41, v7  }
0x516: {  	v45 =	vld [tilespmem:s11+$0x27B0]  }
0x517: {  	v9 =	vadd.f32 v43, v42;
	v6 =	vmul.f32 $1.428571490e-01, v6  }
0x518: {  	v46 =	vld [tilespmem:s15+$0x27B0]  }
0x519: {  	v47 =	vld [tilespmem:s5+$0x27B0];
	v8 =	vadd.f32 v44, v9;
	[tilespmem:s7+$0x420] =	vst v6  }
0x51a: {  	v6 =	vld [tilespmem:s20+$0x27B0]  }
0x51b: {  	v7 =	vadd.f32 v45, v8;
	v48 =	vld [tilespmem:s20+$0x2830]  }
0x51c: {  	v49 =	vld [tilespmem:s6+$0x27B0]  }
0x51d: {  	v7 =	vadd.f32 v46, v7;
	v50 =	vld [tilespmem:s4+$0x27B0];
	_ =	sdelay $0x1  }
0x51e: {  	v7 =	vadd.f32 v47, v7;
	v51 =	vld [tilespmem:s10+$0x27B0]  }
0x51f: {  	v6 =	vadd.f32 v48, v6  }
0x520: {  	v52 =	vld [tilespmem:s12+$0x27B0];
	v7 =	vadd.f32 v49, v7  }
0x521: {  	v6 =	vadd.f32 v50, v6  }
0x522: {  	v53 =	vld [tilespmem:s13+$0x27B0];
	v7 =	vmul.f32 $1.428571490e-01, v7  }
0x523: {  	v6 =	vadd.f32 v51, v6  }
0x524: {  	v54 =	vld [tilespmem:s1+$0x27B0];
	[tilespmem:s9+$0x430] =	vst v7  }
0x525: {  	v55 =	vld [tilespmem:s17+$0x27C0];
	v6 =	vadd.f32 v52, v6  }
0x526: {  	v56 =	vld [tilespmem:s28+$0x27C0]  }
0x527: {  	v6 =	vadd.f32 v53, v6  }
0x528: {  	v57 =	vld [tilespmem:s3+$0x27C0]  }
0x529: {  	v6 =	vadd.f32 v54, v6  }
0x52a: {  	v58 =	vld [tilespmem:s11+$0x27C0]  }
0x52b: {  	v8 =	vadd.f32 v56, v55;
	v6 =	vmul.f32 $1.428571490e-01, v6  }
0x52c: {  	v59 =	vld [tilespmem:s15+$0x27C0]  }
0x52d: {  	v60 =	vld [tilespmem:s5+$0x27C0];
	v8 =	vadd.f32 v57, v8;
	[tilespmem:s7+$0x430] =	vst v6  }
0x52e: {  	v6 =	vld [tilespmem:s20+$0x27C0]  }
0x52f: {  	v7 =	vadd.f32 v58, v8;
	v61 =	vld [tilespmem:s20+$0x2840]  }
0x530: {  	v62 =	vld [tilespmem:s6+$0x27C0]  }
0x531: {  	v7 =	vadd.f32 v59, v7;
	v63 =	vld [tilespmem:s4+$0x27C0];
	_ =	sdelay $0x1  }
0x532: {  	v7 =	vadd.f32 v60, v7;
	v12 =	vld [tilespmem:s10+$0x27C0]  }
0x533: {  	v6 =	vadd.f32 v61, v6  }
0x534: {  	v13 =	vld [tilespmem:s12+$0x27C0];
	v7 =	vadd.f32 v62, v7  }
0x535: {  	v6 =	vadd.f32 v63, v6  }
0x536: {  	v14 =	vld [tilespmem:s13+$0x27C0];
	v7 =	vmul.f32 $1.428571490e-01, v7  }
0x537: {  	v6 =	vadd.f32 v12, v6  }
0x538: {  	v15 =	vld [tilespmem:s1+$0x27C0];
	[tilespmem:s9+$0x440] =	vst v7  }
0x539: {  	v16 =	vld [tilespmem:s17+$0x27D0];
	v6 =	vadd.f32 v13, v6  }
0x53a: {  	v17 =	vld [tilespmem:s28+$0x27D0]  }
0x53b: {  	v6 =	vadd.f32 v14, v6  }
0x53c: {  	v18 =	vld [tilespmem:s3+$0x27D0]  }
0x53d: {  	v6 =	vadd.f32 v15, v6  }
0x53e: {  	v19 =	vld [tilespmem:s11+$0x27D0]  }
0x53f: {  	v8 =	vadd.f32 v17, v16;
	v6 =	vmul.f32 $1.428571490e-01, v6  }
0x540: {  	v20 =	vld [tilespmem:s15+$0x27D0]  }
0x541: {  	v21 =	vld [tilespmem:s5+$0x27D0];
	v8 =	vadd.f32 v18, v8;
	[tilespmem:s7+$0x440] =	vst v6  }
0x542: {  	v6 =	vld [tilespmem:s20+$0x27D0]  }
0x543: {  	v7 =	vadd.f32 v19, v8;
	v22 =	vld [tilespmem:s20+$0x2850]  }
0x544: {  	v23 =	vld [tilespmem:s6+$0x27D0]  }
0x545: {  	v7 =	vadd.f32 v20, v7;
	v24 =	vld [tilespmem:s4+$0x27D0];
	_ =	sdelay $0x1  }
0x546: {  	v7 =	vadd.f32 v21, v7;
	v25 =	vld [tilespmem:s10+$0x27D0]  }
0x547: {  	v6 =	vadd.f32 v22, v6  }
0x548: {  	v26 =	vld [tilespmem:s12+$0x27D0];
	v7 =	vadd.f32 v23, v7  }
0x549: {  	v6 =	vadd.f32 v24, v6  }
0x54a: {  	v27 =	vld [tilespmem:s13+$0x27D0];
	v7 =	vmul.f32 $1.428571490e-01, v7  }
0x54b: {  	v6 =	vadd.f32 v25, v6  }
0x54c: {  	v28 =	vld [tilespmem:s1+$0x27D0];
	[tilespmem:s9+$0x450] =	vst v7  }
0x54d: {  	v29 =	vld [tilespmem:s17+$0x27E0];
	v6 =	vadd.f32 v26, v6  }
0x54e: {  	v30 =	vld [tilespmem:s28+$0x27E0]  }
0x54f: {  	v6 =	vadd.f32 v27, v6  }
0x550: {  	v31 =	vld [tilespmem:s3+$0x27E0]  }
0x551: {  	v34 =	vld [tilespmem:s29+$0x27E0];
	v6 =	vadd.f32 v28, v6  }
0x552: {  	v33 =	vld [tilespmem:s11+$0x27E0]  }
0x553: {  	v32 =	vld [tilespmem:s24+$0x27E0];
	v8 =	vadd.f32 v30, v29;
	v6 =	vmul.f32 $1.428571490e-01, v6  }
0x554: {  	v35 =	vld [tilespmem:s15+$0x27E0]  }
0x555: {  	v36 =	vld [tilespmem:s5+$0x27E0];
	v8 =	vadd.f32 v31, v8;
	[tilespmem:s7+$0x450] =	vst v6  }
0x556: {  	v6 =	vld [tilespmem:s20+$0x27E0]  }
0x557: {  	v7 =	vadd.f32 v33, v8;
	v37 =	vld [tilespmem:s20+$0x2860]  }
0x558: {  	v38 =	vld [tilespmem:s6+$0x27E0]  }
0x559: {  	v7 =	vadd.f32 v35, v7;
	v39 =	vld [tilespmem:s4+$0x27E0]  }
0x55a: {  	v4 =	vadd.f32 v5, v4;
	v40 =	vld [tilespmem:s30+$0x27E0]  }
0x55b: {  	v7 =	vadd.f32 v36, v7;
	v41 =	vld [tilespmem:s10+$0x27E0]  }
0x55c: {  	v42 =	vld [tilespmem:s31+$0x27E0];
	v4 =	vadd.f32 v32, v4;
	v6 =	vadd.f32 v37, v6  }
0x55d: {  	v43 =	vld [tilespmem:s12+$0x27E0];
	v7 =	vadd.f32 v38, v7  }
0x55e: {  	v44 =	vld [tilespmem:s14+$0x27E0];
	v4 =	vadd.f32 v34, v4;
	v6 =	vadd.f32 v39, v6  }
0x55f: {  	v45 =	vld [tilespmem:s13+$0x27E0];
	v7 =	vmul.f32 $1.428571490e-01, v7  }
0x560: {  	v4 =	vadd.f32 v40, v4;
	v46 =	vadd.f32 v41, v6  }
0x561: {  	v47 =	vld [tilespmem:s1+$0x27E0];
	[tilespmem:s9+$0x460] =	vst v7  }
0x562: {  	v4 =	vadd.f32 v42, v4;
	v7 =	vld [tilespmem:s17+$0x27F0];
	v5 =	vadd.f32 v43, v46  }
0x563: {  	v48 =	vld [tilespmem:s28+$0x27F0]  }
0x564: {  	v4 =	vadd.f32 v44, v4;
	v49 =	vld [tilespmem:s3+$0x27F0];
	v5 =	vadd.f32 v45, v5  }
0x565: {  	v50 =	vld [tilespmem:s11+$0x27F0]  }
0x566: {  	v4 =	vmul.f32 $1.428571490e-01, v4;
	v51 =	vld [tilespmem:s15+$0x27F0];
	v5 =	vadd.f32 v47, v5  }
0x567: {  	v52 =	vld [tilespmem:s5+$0x27F0];
	s2 =	rddreg [dreg:$0x8]  }
0x568: {  	v53 =	vld [tilespmem:s6+$0x27F0];
	[tilespmem:s2+$0x460] =	vst v4;
	v54 =	vmul.f32 $1.428571490e-01, v5  }
0x569: {  	v55 =	vld [tilespmem:s23+$0x27F0]  }
0x56a: {  	v56 =	vld [tilespmem:s23+$0x2870];
	[tilespmem:s7+$0x460] =	vst v54  }
0x56b: {  	v4 =	vld [tilespmem:s20+$0x27F0]  }
0x56c: {  	v14 =	vld [tilespmem:s20+$0x2870]  }
0x56d: {  	v15 =	vld [tilespmem:s24+$0x27F0]  }
0x56e: {  	v16 =	vld [tilespmem:s4+$0x27F0]  }
0x56f: {  	v17 =	vld [tilespmem:s29+$0x27F0];
	v7 =	vadd.f32 v48, v7  }
0x570: {  	v5 =	vadd.f32 v56, v55;
	v57 =	vld [tilespmem:s10+$0x27F0]  }
0x571: {  	v58 =	vld [tilespmem:s30+$0x27F0];
	v7 =	vadd.f32 v49, v7;
	v4 =	vadd.f32 v14, v4  }
0x572: {  	v5 =	vadd.f32 v15, v5;
	v59 =	vld [tilespmem:s12+$0x27F0]  }
0x573: {  	v60 =	vld [tilespmem:s31+$0x27F0];
	v7 =	vadd.f32 v50, v7;
	v4 =	vadd.f32 v16, v4  }
0x574: {  	v61 =	vld [tilespmem:s13+$0x27F0];
	v5 =	vadd.f32 v17, v5  }
0x575: {  	v62 =	vld [tilespmem:s14+$0x27F0];
	v7 =	vadd.f32 v51, v7;
	v4 =	vadd.f32 v57, v4  }
0x576: {  	v63 =	vld [tilespmem:s1+$0x27F0];
	v5 =	vadd.f32 v58, v5  }
0x577: {  	v6 =	vadd.f32 v52, v7;
	v4 =	vadd.f32 v59, v4  }
0x578: {  	v5 =	vadd.f32 v60, v5  }
0x579: {  	v6 =	vadd.f32 v53, v6;
	v4 =	vadd.f32 v61, v4  }
0x57a: {  	v3 =	vmul.f32 $1.428571490e-01, v3;
	v5 =	vadd.f32 v62, v5  }
0x57b: {  	v6 =	vmul.f32 $1.428571490e-01, v6;
	v4 =	vadd.f32 v63, v4  }
0x57c: {  	[tilespmem:s16+$0x470] =	vst v3;
	v3 =	vmul.f32 $1.428571490e-01, v5  }
0x57d: {  	s8 =	rddreg [dreg:$0x1e];
	[tilespmem:s9+$0x470] =	vst v6;
	v4 =	vmul.f32 $1.428571490e-01, v4  }
0x57e: {  	s26 =	rddreg [dreg:$0x18];
	[tilespmem:s2+$0x470] =	vst v3  }
0x57f: {  	s29 =	rddreg [dreg:$0x2];
	s0 =	sshll.u32 s8, $0xC;
	s8 =	sadd.s32 $0x1, s8;
	[tilespmem:s7+$0x470] =	vst v4  }
0x580: {  	p1 =	sne.s32 s8, $0x50;
	s28 =	sld [smem:$0x7F5]  }
.Ltmp6:
0x581: {  	s0 =	sadd.s32 s26, s0;
	s2 =	rddreg [dreg:$0x1f];
	(pc) =	sbr.rel @p1 .LBB2_2-.Ltmp6, $4  }
0x582: {  	s30 =	simm.s32 $0x0;
	s0 =	sshrl.u32 s0, $0x3;
	s7 =	rddreg [dreg:$0x1d]  }
0x583: {  	s0 =	sadd.s32 s29, s0;
	s31 =	rddreg [dreg:$0x1c];
	s2 =	sor.u32 $0x4, s2  }
0x584: {  	s7 =	sadd.s32 $0x7000, s7;
	s6 =	sadd.s32 $0x3800, s31;
	s1 =	sadd.s32 $0x17380, s28  }
0x585: {  	[hbm4b:s0+s30] =	stream.linear.scatter [tilespmem:s1], [sflag:s2], $0x1000, $0x38;
	[tilespmem:$0x1A380] =	vst v63  }
0x586: {  	s0 =	simm.s32 $0x4  }
0x587: {  	_ =	swait.ge [sflag:s0], $0x1000  }
.Ltmp7:
0x588: {  	[sflag:s0] =	ssyncset.done $0x0;
	(pc) =	sbr.rel @p0 .LBB2_11-.Ltmp7, $4  }
0x589: {  	s31 =	simm.s32 $0x5;
	[sflag:s0] =	ssyncadd.s32 $0xFFFFF000  }
0x58a: {  	_ =	swait.ge [sflag:s31], $0x1000  }
0x58b: {  	[sflag:s31] =	ssyncset.done $0x0  }
0x58c: {  	s3 =	rddreg [dreg:$0x1b];
	[sflag:s31] =	ssyncadd.s32 $0xFFFFF000  }
0x58d: {  	s0 =	simm.s32 $0x6  }
0x58e: {  	_ =	swait.ge [sflag:s0], $0x1000  }
0x58f: {  	[sflag:s0] =	ssyncset.done $0x0  }
0x590: {  	[sflag:s0] =	ssyncadd.s32 $0xFFFFF000  }
0x591: {  	v57 =	vld [tilespmem:$0x19900];
	_ =	sdelay $0x4  }
0x592: {  	[tilespmem:$0x1FB80] =	vst v57;
	v57 =	vld [tilespmem:$0x19AA0];
	_ =	sdelay $0x4  }
0x593: {  	[tilespmem:$0x1FC50] =	vst v57;
	v57 =	vld [tilespmem:$0x198C0];
	_ =	sdelay $0x4  }
0x594: {  	[tilespmem:$0x1FCB0] =	vst v57;
	v57 =	vld [tilespmem:$0x197D0];
	_ =	sdelay $0x4  }
0x595: {  	[tilespmem:$0x1FC90] =	vst v57;
	v57 =	vld [tilespmem:$0x19A50];
	_ =	sdelay $0x4  }
0x596: {  	[tilespmem:$0x1FD60] =	vst v57;
	v57 =	vld [tilespmem:$0x199E0];
	_ =	sdelay $0x4  }
0x597: {  	[tilespmem:$0x1FD50] =	vst v57;
	v57 =	vld [tilespmem:$0x19970];
	_ =	sdelay $0x4  }
0x598: {  	[tilespmem:$0x1FD30] =	vst v57;
	v57 =	vld [tilespmem:$0x199F0];
	_ =	sdelay $0x4  }
0x599: {  	[tilespmem:$0x1FD70] =	vst v57;
	v57 =	vld [tilespmem:$0x19A70];
	_ =	sdelay $0x4  }
0x59a: {  	[tilespmem:$0x1FDB0] =	vst v57;
	v57 =	vld [tilespmem:$0x19AF0];
	_ =	sdelay $0x4  }
0x59b: {  	[tilespmem:$0x1FDF0] =	vst v57;
	v57 =	vld [tilespmem:$0x19700];
	_ =	sdelay $0x3  }
0x59c: {  	v37 =	vld [tilespmem:$0x19380]  }
0x59d: {  	[tilespmem:$0x1FDD0] =	vst v57;
	v57 =	vld [tilespmem:$0x19B80]  }
0x59e: {  	v18 =	vld [tilespmem:$0x19400]  }
0x59f: {  	v23 =	vld [tilespmem:$0x19480]  }
0x5a0: {  	v32 =	vld [tilespmem:$0x19500]  }
0x5a1: {  	v58 =	vld [tilespmem:$0x19580]  }
0x5a2: {  	[tilespmem:$0x1FDE0] =	vst v57;
	v57 =	vld [tilespmem:$0x19C00]  }
0x5a3: {  	v3 =	vld [tilespmem:$0x19600]  }
0x5a4: {  	v10 =	vld [tilespmem:$0x19390]  }
0x5a5: {  	v8 =	vld [tilespmem:$0x19410]  }
0x5a6: {  	v15 =	vld [tilespmem:$0x19490]  }
0x5a7: {  	[tilespmem:$0x1FE20] =	vst v57;
	v57 =	vld [tilespmem:$0x19C80]  }
0x5a8: {  	v41 =	vld [tilespmem:$0x19510]  }
0x5a9: {  	v59 =	vld [tilespmem:$0x19590]  }
0x5aa: {  	v50 =	vld [tilespmem:$0x19610]  }
0x5ab: {  	v6 =	vld [tilespmem:$0x193A0]  }
0x5ac: {  	[tilespmem:$0x1FE60] =	vst v57;
	v57 =	vld [tilespmem:$0x19D00]  }
0x5ad: {  	v5 =	vld [tilespmem:$0x19420]  }
0x5ae: {  	v12 =	vld [tilespmem:$0x194A0]  }
0x5af: {  	v19 =	vld [tilespmem:$0x19520]  }
0x5b0: {  	v27 =	vld [tilespmem:$0x195A0]  }
0x5b1: {  	[tilespmem:$0x1FE90] =	vst v57;
	v57 =	vld [tilespmem:$0x19D80]  }
0x5b2: {  	v63 =	vld [tilespmem:$0x19620]  }
0x5b3: {  	v55 =	vld [tilespmem:$0x196A0]  }
0x5b4: {  	v4 =	vld [tilespmem:$0x193B0]  }
0x5b5: {  	v7 =	vld [tilespmem:$0x194B0]  }
0x5b6: {  	[tilespmem:$0x1FEC0] =	vst v57;
	v57 =	vld [tilespmem:$0x19E00]  }
0x5b7: {  	v13 =	vld [tilespmem:$0x19530]  }
0x5b8: {  	v20 =	vld [tilespmem:$0x195B0]  }
0x5b9: {  	v30 =	vld [tilespmem:$0x19630]  }
0x5ba: {  	v42 =	vld [tilespmem:$0x196B0]  }
0x5bb: {  	[tilespmem:$0x1FEF0] =	vst v57;
	v57 =	vld [tilespmem:$0x19710]  }
0x5bc: {  	v33 =	vld [tilespmem:$0x193C0]  }
0x5bd: {  	v29 =	vld [tilespmem:$0x19440]  }
0x5be: {  	v39 =	vld [tilespmem:$0x194C0]  }
0x5bf: {  	v61 =	vld [tilespmem:$0x19540]  }
0x5c0: {  	[tilespmem:$0x1FE00] =	vst v57;
	v57 =	vld [tilespmem:$0x19B90]  }
0x5c1: {  	v9 =	vld [tilespmem:$0x195C0]  }
0x5c2: {  	v46 =	vld [tilespmem:$0x19640]  }
0x5c3: {  	v47 =	vld [tilespmem:$0x196C0]  }
0x5c4: {  	v25 =	vld [tilespmem:$0x193D0]  }
0x5c5: {  	[tilespmem:$0x1FE10] =	vst v57;
	v57 =	vld [tilespmem:$0x19C10]  }
0x5c6: {  	v43 =	vld [tilespmem:$0x19450]  }
0x5c7: {  	v40 =	vld [tilespmem:$0x194D0]  }
0x5c8: {  	v45 =	vld [tilespmem:$0x19550]  }
0x5c9: {  	v48 =	vld [tilespmem:$0x195D0]  }
0x5ca: {  	[tilespmem:$0x1FE50] =	vst v57;
	v57 =	vld [tilespmem:$0x19C90]  }
0x5cb: {  	v49 =	vld [tilespmem:$0x19650]  }
0x5cc: {  	v51 =	vld [tilespmem:$0x196D0]  }
0x5cd: {  	v16 =	vld [tilespmem:$0x193E0]  }
0x5ce: {  	v14 =	vld [tilespmem:$0x19460]  }
0x5cf: {  	[tilespmem:$0x1FE80] =	vst v57;
	v57 =	vld [tilespmem:$0x19D10]  }
0x5d0: {  	v24 =	vld [tilespmem:$0x194E0]  }
0x5d1: {  	v35 =	vld [tilespmem:$0x19560]  }
0x5d2: {  	v52 =	vld [tilespmem:$0x19660]  }
0x5d3: {  	v53 =	vld [tilespmem:$0x196E0]  }
0x5d4: {  	[tilespmem:$0x1FEB0] =	vst v57;
	v57 =	vld [tilespmem:$0x19D90]  }
0x5d5: {  	v11 =	vld [tilespmem:$0x193F0]  }
0x5d6: {  	v17 =	vld [tilespmem:$0x194F0]  }
0x5d7: {  	v26 =	vld [tilespmem:$0x19570]  }
0x5d8: {  	v36 =	vld [tilespmem:$0x195F0]  }
0x5d9: {  	[tilespmem:$0x1FEE0] =	vst v57;
	v57 =	vld [tilespmem:$0x19E10]  }
0x5da: {  	v21 =	vld [tilespmem:$0x196F0]  }
0x5db: {  	v54 =	vld [tilespmem:$0x19780]  }
0x5dc: {  	v56 =	vld [tilespmem:$0x19880]  }
0x5dd: {  	[tilespmem:$0x1FAA0] =	vst v3;
	v3 =	vld [tilespmem:$0x19680]  }
0x5de: {  	[tilespmem:$0x1FF10] =	vst v57;
	v57 =	vld [tilespmem:$0x19720]  }
0x5df: {  	v60 =	vld [tilespmem:$0x19980]  }
0x5e0: {  	v62 =	vld [tilespmem:$0x19A00]  }
0x5e1: {  	v28 =	vld [tilespmem:$0x19A80]  }
0x5e2: {  	[tilespmem:$0x1FAB0] =	vst v3;
	v3 =	vld [tilespmem:$0x19690]  }
0x5e3: {  	[tilespmem:$0x1FE30] =	vst v57;
	v57 =	vld [tilespmem:$0x19BA0]  }
0x5e4: {  	v44 =	vld [tilespmem:$0x19810]  }
0x5e5: {  	v31 =	vld [tilespmem:$0x19910]  }
0x5e6: {  	v34 =	vld [tilespmem:$0x19990]  }
0x5e7: {  	[tilespmem:$0x1FAC0] =	vst v3;
	v3 =	vld [tilespmem:$0x19430]  }
0x5e8: {  	[tilespmem:$0x1FE40] =	vst v57;
	v57 =	vld [tilespmem:$0x19C20]  }
0x5e9: {  	v38 =	vld [tilespmem:$0x19A10];
	[tilespmem:$0x1FAD0] =	vst v9  }
0x5ea: {  	v22 =	vld [tilespmem:$0x197B0];
	[tilespmem:$0x1FAF0] =	vst v46  }
0x5eb: {  	[tilespmem:$0x1FB30] =	vst v51;
	v51 =	vld [tilespmem:$0x195E0]  }
0x5ec: {  	[tilespmem:$0x1FB10] =	vst v47;
	v9 =	vld [tilespmem:$0x19470]  }
0x5ed: {  	v3 =	vadd.f32 v3, v4;
	[tilespmem:$0x1FE70] =	vst v57;
	v57 =	vld [tilespmem:$0x19CA0]  }
0x5ee: {  	[tilespmem:$0x1FB40] =	vst v53;
	v53 =	vld [tilespmem:$0x19670]  }
0x5ef: {  	[tilespmem:$0x1FB50] =	vst v54;
	v54 =	vld [tilespmem:$0x19800];
	v3 =	vadd.f32 v7, v3  }
0x5f0: {  	[tilespmem:$0x1FAE0] =	vst v48;
	v48 =	vld [tilespmem:$0x19790]  }
0x5f1: {  	[tilespmem:$0x1FB70] =	vst v56;
	v56 =	vld [tilespmem:$0x19890];
	v3 =	vadd.f32 v13, v3  }
0x5f2: {  	[tilespmem:$0x1FEA0] =	vst v57;
	v57 =	vld [tilespmem:$0x19D20]  }
0x5f3: {  	[tilespmem:$0x1FB00] =	vst v49;
	v46 =	vld [tilespmem:$0x19A90];
	v3 =	vadd.f32 v20, v3  }
0x5f4: {  	[tilespmem:$0x1FBC0] =	vst v34;
	v34 =	vld [tilespmem:$0x197A0]  }
0x5f5: {  	[tilespmem:$0x1FC10] =	vst v28;
	v28 =	vld [tilespmem:$0x19820];
	v3 =	vadd.f32 v30, v3  }
0x5f6: {  	[tilespmem:$0x1FB20] =	vst v52;
	v47 =	vld [tilespmem:$0x19920]  }
0x5f7: {  	v3 =	vadd.f32 v42, v3;
	[tilespmem:$0x1FED0] =	vst v57;
	v57 =	vld [tilespmem:$0x19DA0]  }
0x5f8: {  	[tilespmem:$0x1FB60] =	vst v21;
	v49 =	vld [tilespmem:$0x199A0]  }
0x5f9: {  	v52 =	vld [tilespmem:$0x19A20];
	v5 =	vadd.f32 v5, v6;
	[tilespmem:$0x1FFB0] =	vst v3;
	v3 =	vadd.f32 v43, v25  }
0x5fa: {  	[tilespmem:$0x1FB90] =	vst v31;
	v21 =	vld [tilespmem:$0x19830];
	v18 =	vadd.f32 v18, v37;
	v8 =	vadd.f32 v8, v10  }
0x5fb: {  	[tilespmem:$0x1FBF0] =	vst v38;
	v31 =	vld [tilespmem:$0x198B0];
	v5 =	vadd.f32 v12, v5;
	v3 =	vadd.f32 v40, v3  }
0x5fc: {  	v38 =	vld [tilespmem:$0x199B0];
	[tilespmem:$0x1FF00] =	vst v57;
	v57 =	vadd.f32 v23, v18;
	v18 =	vadd.f32 v15, v8  }
0x5fd: {  	v5 =	vadd.f32 v19, v5;
	v3 =	vadd.f32 v45, v3;
	v45 =	vld [tilespmem:$0x1FAE0]  }
0x5fe: {  	v12 =	vld [tilespmem:$0x1FAA0];
	v6 =	vadd.f32 v41, v18  }
0x5ff: {  	v5 =	vadd.f32 v27, v5;
	v19 =	vld [tilespmem:$0x1FAC0];
	v57 =	vadd.f32 v32, v57  }
0x600: {  	v20 =	vadd.f32 v29, v33;
	v15 =	vld [tilespmem:$0x1FAB0];
	v6 =	vadd.f32 v59, v6  }
0x601: {  	v33 =	vadd.f32 v9, v11;
	v4 =	vadd.f32 v58, v57;
	v57 =	vld [tilespmem:$0x1FB00]  }
0x602: {  	[tilespmem:$0x1FBA0] =	vst v60;
	v60 =	vld [tilespmem:$0x19A30];
	v3 =	vadd.f32 v45, v3;
	v6 =	vadd.f32 v50, v6  }
0x603: {  	v9 =	vld [tilespmem:$0x1FB30];
	v18 =	vadd.f32 v63, v5;
	v4 =	vadd.f32 v12, v4  }
0x604: {  	[tilespmem:$0x1FBD0] =	vst v62;
	v62 =	vld [tilespmem:$0x19AB0];
	v5 =	vadd.f32 v19, v6;
	v6 =	vadd.f32 v17, v33  }
0x605: {  	v10 =	vld [tilespmem:$0x19DB0];
	v4 =	vadd.f32 v15, v4  }
0x606: {  	[tilespmem:$0x1FC30] =	vst v46;
	v46 =	vld [tilespmem:$0x198A0];
	v3 =	vadd.f32 v57, v3;
	v6 =	vadd.f32 v26, v6  }
0x607: {  	v12 =	vld [tilespmem:$0x1FB60];
	[tilespmem:$0x1FF70] =	vst v4;
	v4 =	vadd.f32 v55, v18  }
0x608: {  	[tilespmem:$0x1FC40] =	vst v60;
	v43 =	vld [tilespmem:$0x1FAD0];
	v3 =	vadd.f32 v9, v3;
	v6 =	vadd.f32 v36, v6  }
0x609: {  	v60 =	vld [tilespmem:$0x19940];
	[tilespmem:$0x1FFA0] =	vst v4;
	v4 =	vadd.f32 v39, v20  }
0x60a: {  	v50 =	vld [tilespmem:$0x1FAF0];
	[tilespmem:$0x1FFD0] =	vst v3;
	v3 =	vadd.f32 v53, v6  }
0x60b: {  	v29 =	vadd.f32 v14, v16;
	v42 =	vld [tilespmem:$0x19E40];
	v4 =	vadd.f32 v61, v4  }
0x60c: {  	v61 =	vld [tilespmem:$0x1FB10];
	v3 =	vadd.f32 v12, v3  }
0x60d: {  	[tilespmem:$0x1FF80] =	vst v5;
	v5 =	vadd.f32 v24, v29;
	v26 =	vld [tilespmem:$0x1FB90];
	v4 =	vadd.f32 v43, v4  }
0x60e: {  	v8 =	vld [tilespmem:$0x1FB20];
	[tilespmem:$0x1FFF0] =	vst v3;
	v3 =	vadd.f32 v44, v48  }
0x60f: {  	v5 =	vadd.f32 v35, v5;
	v35 =	vld [tilespmem:$0x1FBC0];
	v4 =	vadd.f32 v50, v4  }
0x610: {  	[tilespmem:$0x1FBE0] =	vst v49;
	v49 =	vld [tilespmem:$0x19930];
	v17 =	vadd.f32 v28, v34;
	v3 =	vadd.f32 v56, v3  }
0x611: {  	[tilespmem:$0x1FF90] =	vst v42;
	v42 =	vld [tilespmem:$0x1FBF0];
	v5 =	vadd.f32 v51, v5;
	v4 =	vadd.f32 v61, v4  }
0x612: {  	[tilespmem:$0x1FF20] =	vst v10;
	v10 =	vld [tilespmem:$0x1FB40];
	v3 =	vadd.f32 v26, v3  }
0x613: {  	[tilespmem:$0x1FFC0] =	vst v4;
	v4 =	vadd.f32 v8, v5;
	v5 =	vadd.f32 v46, v17;
	v46 =	vld [tilespmem:$0x1FC30]  }
0x614: {  	[tilespmem:$0x1FCD0] =	vst v60;
	v60 =	vld [tilespmem:$0x19850];
	v3 =	vadd.f32 v35, v3  }
0x615: {  	[tilespmem:$0x1FC00] =	vst v38;
	v11 =	vld [tilespmem:$0x1FB50];
	v18 =	vadd.f32 v21, v22  }
0x616: {  	v43 =	vld [tilespmem:$0x1FC00];
	v3 =	vadd.f32 v42, v3  }
0x617: {  	v15 =	vld [tilespmem:$0x1FB70];
	v6 =	vadd.f32 v31, v18  }
0x618: {  	v17 =	vadd.f32 v46, v3;
	v3 =	vld [tilespmem:$0x1FC40]  }
0x619: {  	[tilespmem:$0x1FC80] =	vst v62;
	v24 =	vld [tilespmem:$0x1FB80];
	v6 =	vadd.f32 v49, v6;
	v4 =	vadd.f32 v10, v4  }
0x61a: {  	[tilespmem:$0x1FBB0] =	vst v47;
	v53 =	vld [tilespmem:$0x1FC80]  }
0x61b: {  	v47 =	vld [tilespmem:$0x197C0];
	v6 =	vadd.f32 v43, v6;
	[tilespmem:$0x1FFE0] =	vst v4;
	v4 =	vadd.f32 v54, v11  }
0x61c: {  	[tilespmem:$0x1FC20] =	vst v52;
	v52 =	vld [tilespmem:$0x19840]  }
0x61d: {  	v62 =	vld [tilespmem:$0x199C0];
	[tilespmem:$0x1FCA0] =	vst v60;
	v4 =	vadd.f32 v15, v4;
	v3 =	vadd.f32 v3, v6  }
0x61e: {  	v54 =	vld [tilespmem:$0x1FCA0]  }
0x61f: {  	v4 =	vadd.f32 v24, v4;
	v24 =	vadd.f32 v53, v3;
	v3 =	vld [tilespmem:$0x1FC90]  }
0x620: {  	[tilespmem:$0x1FC60] =	vst v47  }
0x621: {  	[tilespmem:$0x1FC70] =	vst v52;
	v49 =	vld [tilespmem:$0x1FC60]  }
0x622: {  	v50 =	vld [tilespmem:$0x1FC70]  }
0x623: {  	[tilespmem:$0x1FD00] =	vst v62;
	v62 =	vld [tilespmem:$0x198D0]  }
0x624: {  	v56 =	vadd.f32 v54, v3;
	v3 =	vld [tilespmem:$0x1FCB0];
	_ =	sdelay $0x1  }
0x625: {  	v52 =	vld [tilespmem:$0x19AC0]  }
0x626: {  	v47 =	vld [tilespmem:$0x19A40];
	v51 =	vadd.f32 v50, v49  }
0x627: {  	[tilespmem:$0x1FCC0] =	vst v62  }
0x628: {  	v6 =	vadd.f32 v3, v51;
	v3 =	vld [tilespmem:$0x1FCC0]  }
0x629: {  	v60 =	vld [tilespmem:$0x19AD0]  }
0x62a: {  	[tilespmem:$0x1FD80] =	vst v52;
	v52 =	vld [tilespmem:$0x199D0]  }
0x62b: {  	[tilespmem:$0x1FD40] =	vst v47;
	v47 =	vld [tilespmem:$0x19950]  }
0x62c: {  	v62 =	vld [tilespmem:$0x198E0]  }
0x62d: {  	v8 =	vadd.f32 v3, v56;
	v3 =	vld [tilespmem:$0x1FCD0]  }
0x62e: {  	[tilespmem:$0x1FDA0] =	vst v60;
	v60 =	vld [tilespmem:$0x197E0]  }
0x62f: {  	[tilespmem:$0x1FD20] =	vst v52;
	v52 =	vld [tilespmem:$0x19860]  }
0x630: {  	[tilespmem:$0x1FCF0] =	vst v47;
	v47 =	vld [tilespmem:$0x19960]  }
0x631: {  	[tilespmem:$0x1FCE0] =	vst v62  }
0x632: {  	v6 =	vadd.f32 v3, v6;
	v3 =	vld [tilespmem:$0x1FCE0];
	_ =	sdelay $0x2  }
0x633: {  	[tilespmem:$0x1FD10] =	vst v47;
	v47 =	vld [tilespmem:$0x19AE0];
	v57 =	vadd.f32 v52, v60  }
0x634: {  	v62 =	vld [tilespmem:$0x19A60]  }
0x635: {  	v11 =	vadd.f32 v3, v57;
	v3 =	vld [tilespmem:$0x1FCF0];
	_ =	sdelay $0x1  }
0x636: {  	v38 =	vld [tilespmem:$0x19870]  }
0x637: {  	[tilespmem:$0x1FDC0] =	vst v47;
	v47 =	vld [tilespmem:$0x197F0]  }
0x638: {  	[tilespmem:$0x1FD90] =	vst v62;
	v62 =	vld [tilespmem:$0x198F0]  }
0x639: {  	v61 =	vadd.f32 v3, v8;
	v3 =	vld [tilespmem:$0x1FD00];
	_ =	sdelay $0x2  }
0x63a: {  	v60 =	vadd.f32 v38, v47;
	_ =	sdelay $0x1  }
0x63b: {  	v15 =	vadd.f32 v62, v60;
	v62 =	vadd.f32 v3, v6;
	v3 =	vld [tilespmem:$0x1FD10];
	_ =	sdelay $0x4  }
0x63c: {  	v11 =	vadd.f32 v3, v11;
	v3 =	vld [tilespmem:$0x1FD20];
	_ =	sdelay $0x1  }
0x63d: {  	v34 =	vld [tilespmem:$0x1FBB0]  }
0x63e: {  	v36 =	vld [tilespmem:$0x1FBD0]  }
0x63f: {  	v31 =	vld [tilespmem:$0x1FBA0]  }
0x640: {  	v46 =	vadd.f32 v3, v61;
	v3 =	vld [tilespmem:$0x1FD30]  }
0x641: {  	v39 =	vld [tilespmem:$0x1FBE0]  }
0x642: {  	v45 =	vld [tilespmem:$0x1FC20]  }
0x643: {  	v44 =	vld [tilespmem:$0x1FC10]  }
0x644: {  	v48 =	vld [tilespmem:$0x1FC50];
	v5 =	vadd.f32 v34, v5;
	v4 =	vadd.f32 v31, v4  }
0x645: {  	v15 =	vadd.f32 v3, v15;
	v3 =	vld [tilespmem:$0x1FD40]  }
0x646: {  	v5 =	vadd.f32 v39, v5;
	v4 =	vadd.f32 v36, v4;
	_ =	sdelay $0x1  }
0x647: {  	v9 =	vadd.f32 v44, v4;
	v4 =	vadd.f32 v45, v5;
	_ =	sdelay $0x1  }
0x648: {  	v18 =	vadd.f32 v48, v4;
	v48 =	vadd.f32 v3, v62;
	v3 =	vld [tilespmem:$0x1FD50];
	_ =	sdelay $0x4  }
0x649: {  	v11 =	vadd.f32 v3, v11;
	v3 =	vld [tilespmem:$0x1FD60];
	_ =	sdelay $0x4  }
0x64a: {  	v46 =	vadd.f32 v3, v46;
	v3 =	vld [tilespmem:$0x1FD70];
	_ =	sdelay $0x4  }
0x64b: {  	v15 =	vadd.f32 v3, v15;
	v3 =	vld [tilespmem:$0x1FD80];
	_ =	sdelay $0x4  }
0x64c: {  	v48 =	vadd.f32 v3, v48;
	v3 =	vld [tilespmem:$0x1FD90];
	_ =	sdelay $0x4  }
0x64d: {  	v11 =	vadd.f32 v3, v11;
	v3 =	vld [tilespmem:$0x1FDA0];
	_ =	sdelay $0x4  }
0x64e: {  	v46 =	vadd.f32 v3, v46;
	v3 =	vld [tilespmem:$0x1FDB0]  }
0x64f: {  	v37 =	vld [tilespmem:$0x19E20];
	_ =	sdelay $0x3  }
0x650: {  	v26 =	vadd.f32 v3, v15;
	v3 =	vld [tilespmem:$0x1FDC0]  }
0x651: {  	[tilespmem:$0x1FF30] =	vst v37;
	v37 =	vld [tilespmem:$0x19730]  }
0x652: {  	v27 =	vld [tilespmem:$0x19C40]  }
0x653: {  	v7 =	vld [tilespmem:$0x1A200]  }
0x654: {  	v57 =	vld [tilespmem:$0x1FDE0]  }
0x655: {  	v15 =	vadd.f32 v3, v11;
	v3 =	vld [tilespmem:$0x1FDD0]  }
0x656: {  	v13 =	vld [tilespmem:$0x19E30]  }
0x657: {  	v14 =	vld [tilespmem:$0x19C50]  }
0x658: {  	v30 =	vld [tilespmem:$0x19DC0]  }
0x659: {  	v16 =	vld [tilespmem:$0x19DD0]  }
0x65a: {  	v60 =	vadd.f32 v57, v3;
	v3 =	vld [tilespmem:$0x1FDF0]  }
0x65b: {  	[tilespmem:$0x1FF40] =	vst v13;
	v13 =	vld [tilespmem:$0x19D50]  }
0x65c: {  	v25 =	vld [tilespmem:$0x19D40]  }
0x65d: {  	[tilespmem:$0x1FF60] =	vst v30;
	v30 =	vld [tilespmem:$0x19C60]  }
0x65e: {  	v61 =	vld [tilespmem:$0x1FE10]  }
0x65f: {  	v11 =	vadd.f32 v3, v26;
	v3 =	vld [tilespmem:$0x1FE00]  }
0x660: {  	v40 =	vld [tilespmem:$0x19750]  }
0x661: {  	[tilespmem:$0x1FF50] =	vst v25;
	v25 =	vld [tilespmem:$0x19E50]  }
0x662: {  	v23 =	vld [tilespmem:$0x19BB0]  }
0x663: {  	v32 =	vld [tilespmem:$0x19C30]  }
0x664: {  	v52 =	vadd.f32 v61, v3;
	v3 =	vld [tilespmem:$0x1FE20]  }
0x665: {  	v41 =	vld [tilespmem:$0x19CB0]  }
0x666: {  	v63 =	vld [tilespmem:$0x19BC0]  }
0x667: {  	v58 =	vld [tilespmem:$0x19D30]  }
0x668: {  	v62 =	vld [tilespmem:$0x1FE40]  }
0x669: {  	v54 =	vadd.f32 v3, v60;
	v3 =	vld [tilespmem:$0x1FE30]  }
0x66a: {  	v59 =	vld [tilespmem:$0x19740];
	v23 =	vadd.f32 v23, v37  }
0x66b: {  	v37 =	vld [tilespmem:$0x19B20]  }
0x66c: {  	v23 =	vadd.f32 v32, v23;
	v32 =	vld [tilespmem:$0x1A020]  }
0x66d: {  	v19 =	vld [tilespmem:$0x19BD0]  }
0x66e: {  	v26 =	vadd.f32 v62, v3;
	v3 =	vld [tilespmem:$0x1FE50]  }
0x66f: {  	v33 =	vld [tilespmem:$0x19CD0]  }
0x670: {  	v28 =	vld [tilespmem:$0x19CE0]  }
0x671: {  	v38 =	vld [tilespmem:$0x1A000]  }
0x672: {  	v47 =	vld [tilespmem:$0x1A100]  }
0x673: {  	v52 =	vadd.f32 v3, v52;
	v3 =	vld [tilespmem:$0x1FE60]  }
0x674: {  	v23 =	vadd.f32 v41, v23;
	v41 =	vld [tilespmem:$0x1A120]  }
0x675: {  	v59 =	vadd.f32 v63, v59;
	v63 =	vld [tilespmem:$0x1A030]  }
0x676: {  	v55 =	vld [tilespmem:$0x19CC0]  }
0x677: {  	v29 =	vld [tilespmem:$0x19BE0]  }
0x678: {  	v54 =	vadd.f32 v3, v54;
	v3 =	vld [tilespmem:$0x1FE70]  }
0x679: {  	v21 =	vld [tilespmem:$0x19D60]  }
0x67a: {  	v22 =	vld [tilespmem:$0x19770]  }
0x67b: {  	v23 =	vadd.f32 v58, v23;
	v58 =	vld [tilespmem:$0x1A220]  }
0x67c: {  	v20 =	vld [tilespmem:$0x19760]  }
0x67d: {  	v27 =	vadd.f32 v27, v59;
	v60 =	vadd.f32 v3, v26;
	v3 =	vld [tilespmem:$0x1FE80]  }
0x67e: {  	v19 =	vadd.f32 v19, v40;
	v40 =	vld [tilespmem:$0x1A0B0]  }
0x67f: {  	v27 =	vadd.f32 v55, v27;
	v55 =	vld [tilespmem:$0x1FF50]  }
0x680: {  	v12 =	vld [tilespmem:$0x19E60]  }
0x681: {  	v20 =	vadd.f32 v29, v20;
	v29 =	vld [tilespmem:$0x1A130]  }
0x682: {  	v52 =	vadd.f32 v3, v52;
	v3 =	vld [tilespmem:$0x1FE90]  }
0x683: {  	v14 =	vadd.f32 v14, v19;
	v20 =	vadd.f32 v30, v20;
	v30 =	vld [tilespmem:$0x1A230]  }
0x684: {  	v27 =	vadd.f32 v55, v27;
	v55 =	vld [tilespmem:$0x1FF80]  }
0x685: {  	v14 =	vadd.f32 v33, v14;
	v43 =	vld [tilespmem:$0x19B00]  }
0x686: {  	v20 =	vadd.f32 v28, v20;
	v28 =	vld [tilespmem:$0x19FC0]  }
0x687: {  	v13 =	vadd.f32 v13, v14;
	v54 =	vadd.f32 v3, v54;
	v3 =	vld [tilespmem:$0x1FEA0]  }
0x688: {  	v49 =	vld [tilespmem:$0x19B10]  }
0x689: {  	v13 =	vadd.f32 v16, v13;
	v50 =	vld [tilespmem:$0x19F90]  }
0x68a: {  	v20 =	vadd.f32 v21, v20;
	v21 =	vld [tilespmem:$0x1A0C0]  }
0x68b: {  	v13 =	vadd.f32 v25, v13;
	v25 =	vld [tilespmem:$0x1A240]  }
0x68c: {  	v60 =	vadd.f32 v3, v60;
	v3 =	vld [tilespmem:$0x1FEB0]  }
0x68d: {  	v10 =	vld [tilespmem:$0x19DE0]  }
0x68e: {  	v34 =	vld [tilespmem:$0x19C70]  }
0x68f: {  	v35 =	vld [tilespmem:$0x19CF0]  }
0x690: {  	v39 =	vld [tilespmem:$0x19DF0]  }
0x691: {  	v52 =	vadd.f32 v3, v52;
	v3 =	vld [tilespmem:$0x1FEC0]  }
0x692: {  	v42 =	vld [tilespmem:$0x19E70]  }
0x693: {  	v10 =	vadd.f32 v10, v20;
	v20 =	vld [tilespmem:$0x1A1C0]  }
0x694: {  	v31 =	vld [tilespmem:$0x19BF0]  }
0x695: {  	v36 =	vld [tilespmem:$0x19D70]  }
0x696: {  	v54 =	vadd.f32 v3, v54;
	v3 =	vld [tilespmem:$0x1FED0]  }
0x697: {  	v53 =	vld [tilespmem:$0x1A090]  }
0x698: {  	v44 =	vld [tilespmem:$0x19F80]  }
0x699: {  	v45 =	vld [tilespmem:$0x1A080]  }
0x69a: {  	v5 =	vld [tilespmem:$0x1A0A0]  }
0x69b: {  	v60 =	vadd.f32 v3, v60;
	v3 =	vld [tilespmem:$0x1FEE0]  }
0x69c: {  	v59 =	vadd.f32 v31, v22;
	v22 =	vld [tilespmem:$0x1A1B0]  }
0x69d: {  	v31 =	vld [tilespmem:$0x19B40]  }
0x69e: {  	v4 =	vld [tilespmem:$0x19B30]  }
0x69f: {  	v19 =	vadd.f32 v34, v59;
	v59 =	vld [tilespmem:$0x1FF60]  }
0x6a0: {  	v52 =	vadd.f32 v3, v52;
	v3 =	vld [tilespmem:$0x1FEF0]  }
0x6a1: {  	v34 =	vld [tilespmem:$0x1A140]  }
0x6a2: {  	v14 =	vadd.f32 v35, v19;
	v19 =	vld [tilespmem:$0x1A040]  }
0x6a3: {  	v43 =	vadd.f32 v44, v43;
	v44 =	vld [tilespmem:$0x1FFD0]  }
0x6a4: {  	v14 =	vadd.f32 v36, v14;
	v36 =	vld [tilespmem:$0x1FFB0]  }
0x6a5: {  	v54 =	vadd.f32 v3, v54;
	v3 =	vld [tilespmem:$0x1FF00]  }
0x6a6: {  	v27 =	vadd.f32 v59, v27;
	v59 =	vld [tilespmem:$0x1FF90]  }
0x6a7: {  	v51 =	vld [tilespmem:$0x1A010];
	v14 =	vadd.f32 v39, v14  }
0x6a8: {  	v39 =	vld [tilespmem:$0x1FFC0]  }
0x6a9: {  	v16 =	vmul.f32 $1.428571490e-01, v55;
	v14 =	vadd.f32 v42, v14;
	v42 =	vld [tilespmem:$0x1FFE0]  }
0x6aa: {  	v60 =	vadd.f32 v3, v60;
	v3 =	vld [tilespmem:$0x1FF10]  }
0x6ab: {  	[tilespmem:$0x17390] =	vst v16;
	v16 =	vmul.f32 $1.428571490e-01, v36;
	v36 =	vld [tilespmem:$0x19FD0]  }
0x6ac: {  	v26 =	vld [tilespmem:$0x1FF30]  }
0x6ad: {  	v27 =	vadd.f32 v59, v27;
	v59 =	vadd.f32 v38, v43;
	v38 =	vld [tilespmem:$0x1A050]  }
0x6ae: {  	v56 =	vld [tilespmem:$0x1A110]  }
0x6af: {  	v52 =	vadd.f32 v3, v52;
	v3 =	vld [tilespmem:$0x1FF20]  }
0x6b0: {  	v55 =	vadd.f32 v50, v49;
	v62 =	vld [tilespmem:$0x19FA0]  }
0x6b1: {  	v60 =	vadd.f32 v26, v60;
	v26 =	vld [tilespmem:$0x1FF40]  }
0x6b2: {  	[tilespmem:$0x173B0] =	vst v16;
	v16 =	vmul.f32 $1.428571490e-01, v44;
	v43 =	vadd.f32 v51, v55;
	v44 =	vld [tilespmem:$0x1FFF0]  }
0x6b3: {  	v10 =	vadd.f32 v12, v10;
	v12 =	vmul.f32 $1.428571490e-01, v39;
	v39 =	vld [tilespmem:$0x1A060]  }
0x6b4: {  	[tilespmem:$0x173D0] =	vst v16;
	v16 =	vadd.f32 v53, v43;
	v53 =	vld [tilespmem:$0x19B60];
	v23 =	vadd.f32 v3, v23  }
0x6b5: {  	v8 =	vld [tilespmem:$0x1A180];
	v37 =	vadd.f32 v62, v37  }
0x6b6: {  	[tilespmem:$0x173C0] =	vst v12;
	v12 =	vadd.f32 v45, v59;
	v23 =	vadd.f32 v26, v23;
	v26 =	vld [tilespmem:$0x1FF70]  }
0x6b7: {  	v59 =	vld [tilespmem:$0x19B70];
	v45 =	vadd.f32 v32, v37  }
0x6b8: {  	v17 =	vmul.f32 $1.428571490e-01, v17;
	v49 =	vadd.f32 v47, v12;
	v57 =	vld [tilespmem:$0x1A190]  }
0x6b9: {  	v10 =	vmul.f32 $1.428571490e-01, v10;
	v16 =	vadd.f32 v56, v16;
	v56 =	vld [tilespmem:$0x19FE0];
	v5 =	vadd.f32 v5, v45  }
0x6ba: {  	[tilespmem:$0x17790] =	vst v17;
	v51 =	vmul.f32 $1.428571490e-01, v24;
	v35 =	vmul.f32 $1.428571490e-01, v44;
	v8 =	vadd.f32 v8, v49;
	v3 =	vld [tilespmem:$0x19FB0]  }
0x6bb: {  	[tilespmem:$0x17460] =	vst v10;
	v5 =	vadd.f32 v41, v5;
	v41 =	vadd.f32 v28, v31;
	v33 =	vmul.f32 $1.428571490e-01, v26;
	v26 =	vld [tilespmem:$0x1FFA0]  }
0x6bc: {  	v9 =	vmul.f32 $1.428571490e-01, v9;
	v50 =	vmul.f32 $1.428571490e-01, v18;
	[tilespmem:$0x177B0] =	vst v51;
	v51 =	vld [tilespmem:$0x1A160];
	v7 =	vadd.f32 v7, v8  }
0x6bd: {  	[tilespmem:$0x173F0] =	vst v35;
	v35 =	vld [tilespmem:$0x1A1D0];
	v16 =	vadd.f32 v57, v16;
	v57 =	vmul.f32 $1.428571490e-01, v46;
	v46 =	vadd.f32 v19, v41  }
0x6be: {  	[tilespmem:$0x17780] =	vst v9;
	v6 =	vld [tilespmem:$0x1A1A0]  }
0x6bf: {  	[tilespmem:$0x177A0] =	vst v50;
	v7 =	vmul.f32 $1.428571490e-01, v7;
	v61 =	vld [tilespmem:$0x1A210];
	v8 =	vadd.f32 v21, v46;
	v3 =	vadd.f32 v3, v4  }
0x6c0: {  	v12 =	vadd.f32 v56, v53;
	v53 =	vld [tilespmem:$0x1A170];
	[tilespmem:$0x17380] =	vst v33;
	v33 =	vmul.f32 $1.428571490e-01, v26  }
0x6c1: {  	[tilespmem:$0x17800] =	vst v7;
	v55 =	vmul.f32 $1.428571490e-01, v48;
	v8 =	vadd.f32 v34, v8;
	v3 =	vadd.f32 v63, v3;
	v63 =	vld [tilespmem:$0x19FF0]  }
0x6c2: {  	v11 =	vmul.f32 $1.428571490e-01, v11;
	[tilespmem:$0x173A0] =	vst v33;
	v33 =	vld [tilespmem:$0x19B50]  }
0x6c3: {  	[tilespmem:$0x177C0] =	vst v55;
	v5 =	vadd.f32 v6, v5;
	v8 =	vadd.f32 v20, v8;
	v26 =	vmul.f32 $1.428571490e-01, v42;
	v42 =	vld [tilespmem:$0x1A070]  }
0x6c4: {  	[tilespmem:$0x177D0] =	vst v57;
	v57 =	vmul.f32 $1.428571490e-01, v14;
	v37 =	vadd.f32 v61, v16;
	v45 =	vld [tilespmem:$0x1A0E0]  }
0x6c5: {  	v48 =	vld [tilespmem:$0x1A0F0];
	[tilespmem:$0x177F0] =	vst v11;
	v62 =	vmul.f32 $1.428571490e-01, v15;
	v5 =	vadd.f32 v58, v5;
	v61 =	vadd.f32 v25, v8  }
0x6c6: {  	[tilespmem:$0x17470] =	vst v57;
	v9 =	vmul.f32 $1.428571490e-01, v37;
	v4 =	vld [tilespmem:$0x1A0D0];
	v3 =	vadd.f32 v40, v3;
	v6 =	vadd.f32 v63, v59  }
0x6c7: {  	v12 =	vadd.f32 v39, v12;
	v55 =	vld [tilespmem:$0x1A1E0];
	[tilespmem:$0x177E0] =	vst v62;
	v5 =	vmul.f32 $1.428571490e-01, v5;
	v44 =	vadd.f32 v36, v33  }
0x6c8: {  	v32 =	vld [tilespmem:$0x1A150];
	[tilespmem:$0x17810] =	vst v9;
	v7 =	vmul.f32 $1.428571490e-01, v61;
	v3 =	vadd.f32 v29, v3;
	v6 =	vadd.f32 v42, v6  }
0x6c9: {  	v56 =	vld [tilespmem:$0x1A1F0];
	v12 =	vadd.f32 v45, v12;
	[tilespmem:$0x17820] =	vst v5;
	v47 =	vmul.f32 $1.428571490e-01, v60;
	v49 =	vadd.f32 v38, v44  }
0x6ca: {  	v58 =	vld [tilespmem:$0x1A260];
	[tilespmem:$0x17840] =	vst v7;
	v43 =	vmul.f32 $1.428571490e-01, v52;
	v3 =	vadd.f32 v22, v3;
	v6 =	vadd.f32 v48, v6  }
0x6cb: {  	v60 =	vld [tilespmem:$0x1A270];
	[tilespmem:$0x17420] =	vst v47;
	v52 =	vmul.f32 $1.428571490e-01, v27;
	v59 =	vadd.f32 v51, v12;
	v4 =	vadd.f32 v4, v49  }
0x6cc: {  	v18 =	vld [tilespmem:$0x1A250];
	[tilespmem:$0x17410] =	vst v43;
	v50 =	vmul.f32 $1.428571490e-01, v23;
	v3 =	vadd.f32 v30, v3;
	v6 =	vadd.f32 v53, v6  }
0x6cd: {  	[tilespmem:$0x17440] =	vst v52;
	v40 =	vmul.f32 $1.428571490e-01, v54;
	v62 =	vadd.f32 v55, v59;
	v4 =	vadd.f32 v32, v4  }
0x6ce: {  	[tilespmem:$0x17430] =	vst v50;
	v3 =	vmul.f32 $1.428571490e-01, v3;
	v6 =	vadd.f32 v56, v6  }
0x6cf: {  	v54 =	vmul.f32 $1.428571490e-01, v13;
	[tilespmem:$0x17400] =	vst v40;
	v63 =	vadd.f32 v58, v62;
	v4 =	vadd.f32 v35, v4  }
0x6d0: {  	[tilespmem:$0x17830] =	vst v3;
	v3 =	vadd.f32 v60, v6  }
0x6d1: {  	[tilespmem:$0x17450] =	vst v54;
	v5 =	vmul.f32 $1.428571490e-01, v63;
	v4 =	vadd.f32 v18, v4  }
0x6d2: {  	[tilespmem:$0x173E0] =	vst v26;
	v3 =	vmul.f32 $1.428571490e-01, v3  }
0x6d3: {  	[tilespmem:$0x17860] =	vst v5;
	v4 =	vmul.f32 $1.428571490e-01, v4  }
0x6d4: {  	s1 =	simm.s32 $0x0;
	[tilespmem:$0x17870] =	vst v3  }
0x6d5: {  	s2 =	simm.s32 $0x17380;
	s30 =	simm.s32 $0x17780;
	s29 =	rddreg [dreg:$0x19];
	[tilespmem:$0x17850] =	vst v4  }
0x6d6: {  	[hbm4b:s29+s1] =	stream.linear.scatter [tilespmem:s2], [sflag:$0x7], $0x100, $0x38;
	[tilespmem:$0x1A380] =	vst v63  }
.Ltmp8:
0x6d7: {  	s31 =	simm.s32 $0x7;
	s0 =	sadd.s32 $0x80, s29;
	(pc) =	sbr.rel .LBB2_11-.Ltmp8, $4  }
0x6d8: {  	[hbm4b:s0+s1] =	stream.linear.scatter [tilespmem:s30], [sflag:$0x7], $0x100, $0x38;
	[tilespmem:$0x1A380] =	vst v63  }
0x6d9: {  	_ =	swait.ge [sflag:s31], $0x200  }
0x6da: {  	[sflag:s31] =	ssyncset.done $0x0  }
0x6db: {  	[sflag:s31] =	ssyncadd.s32 $0xFFFFFE00  }
.LBB2_12:
0x6dc: {  	_ =	sfence.sel $0x180000  }
0x6dd: {  	[bflag:$0x0] =	sbarrier.arrive $0xFFFF  }
0x6de: {  	_ =	strace $0x90000047  }
0x6df: {  	s0 =	stileid.u32;
	[bflag:$0x2] =	sbarrier.arrive $0xFFFF  }
0x6e0: {  	p0 =	sne.s32 s0, $0x0;
	s0 =	rddreg [dreg:$0x3]  }
0x6e1: {  	s0 =	sadd.s32 @!p0 $0x100000, s0  }
0x6e2: {  	[sflag:s0] =	ssyncadd.tile.s32 @!p0 $0x1;
	_ =	shalt  }
.Lfunc_end2:
_tile_overlayer_lowered:
.L_overlay_start_2:
0x6e3: {  	(tag) =	ssettag $0x2  }
0x6e4: {  	s0 =	rddreg [dreg:$0x0];
	s2 =	stileid.u32  }
0x6e5: {  	s1 =	rddreg [dreg:$0x1];
	p0 =	sne.s32 s2, $0x0  }
0x6e6: {  	s3 =	rddreg [dreg:$0x2];
	[bflag:$0x3] =	sbarrier.arrive $0xFFFF;
	s2 =	simm.s32 @!p0 $0x1C07  }
0x6e7: {  	[timem:s3], [sflag:s2] =	dma.local @!p0 [hbm:s0], s1  }
0x6e8: {  	s0 =	simm.s32 @!p0 $0x7  }
0x6e9: {  	_ =	swait.ge @!p0 [sflag:s0], s1  }
0x6ea: {  	s1 =	ssub.s32 @!p0 $0x0, s1;
	[sflag:s0] =	ssyncset.done @!p0 $0x0  }
0x6eb: {  	[sflag:s0] =	ssyncadd.s32 @!p0 s1  }
0x6ec: {  	[bflag:$0x3] =	sbarrier.arrive $0xFFFF  }
0x6ed: {  	_ =	shalt  }

</sc_bundles>
